<compile_context>
chip_gen: v7x
topology: tpu7x:2x2x1
jax: 0.10.2.dev20260603
libtpu: 0.0.44.dev20260713+nightly
codegen_flags: <defaults>
</compile_context>

<pallas_src>
import functools

import jax
import jax.numpy as jnp
from jax import lax
from jax.experimental import pallas as pl
from jax.experimental.pallas import tpu as pltpu
from jax.experimental.pallas import tpu_sc as plsc

_NUM_CLASSES = 1000000
_HIDDEN = 64
_BATCH = 16384
_DROPOUT_PROB = 0.1

_NC = 2
_NS = 16
_NW = _NC * _NS
_LPW = _BATCH // _NW
_CHUNK = 128


def _make_lookup():
    mesh = plsc.VectorSubcoreMesh(
        core_axis_name="c", subcore_axis_name="s",
        num_cores=_NC, num_subcores=_NS)

    @functools.partial(
        pl.kernel,
        out_type=jax.ShapeDtypeStruct((_BATCH, _HIDDEN), jnp.float32),
        mesh=mesh,
        compiler_params=pltpu.CompilerParams(needs_layout_passes=False),
        scratch_types=[
            pltpu.VMEM((_LPW,), jnp.int32),
            pltpu.VMEM((_CHUNK, _HIDDEN), jnp.float32),
            pltpu.SemaphoreType.DMA,
            pltpu.SemaphoreType.DMA,
        ],
    )
    def lookup_kernel(lab_hbm, tab_hbm, out_hbm, lab_v, slot_v, fsem, osem):
        wid = lax.axis_index("s") * _NC + lax.axis_index("c")
        base = wid * _LPW
        pltpu.sync_copy(lab_hbm.at[pl.ds(base, _LPW)], lab_v)

        @pl.loop(0, _LPW // _CHUNK)
        def _(c):
            t = c * _CHUNK
            for j2 in range(_CHUNK // 16):
                lvv = lab_v[pl.ds(t + j2 * 16, 16)]
                for j in range(16):
                    pltpu.async_copy(
                        tab_hbm.at[pl.ds(lvv[j], 1), :],
                        slot_v.at[pl.ds(j2 * 16 + j, 1), :],
                        fsem)
            for _k in range(_CHUNK):
                pltpu.make_async_copy(
                    tab_hbm.at[pl.ds(0, 1), :],
                    slot_v.at[pl.ds(0, 1), :],
                    fsem).wait()
            pltpu.async_copy(
                slot_v,
                out_hbm.at[pl.ds(base + t, _CHUNK), :],
                osem)
            pltpu.make_async_copy(
                out_hbm.at[pl.ds(0, _CHUNK), :],
                slot_v, osem).wait()

    return lookup_kernel


_lookup = _make_lookup()


def kernel(labels, train, embedding_table):
    drop_key = jax.random.key(1)
    drop_ids = jax.random.uniform(drop_key, (labels.shape[0],)) < _DROPOUT_PROB
    do_drop = jnp.asarray(train) != 0
    lab = jnp.where(do_drop & drop_ids, _NUM_CLASSES, labels)
    return _lookup(lab, embedding_table)

# --- scband reference (transcript-rebuilt; emitter-appended) ---
"""Pipeline reference for scband-label-embedder-74646531605118 (READ-ONLY COPY).

The authoritative reference and input builder live on the scoring server;
editing this copy changes nothing except your own understanding.
"""

import jax, jax.numpy as jnp
import numpy as np

NUM_CLASSES = 1000000
HIDDEN = 64
BATCH = 16384
DROPOUT_PROB = 0.1

def setup_inputs(seed: int = 0) -> dict:
    key = jax.random.key(seed)
    k1, k2 = jax.random.split(key)
    labels = jax.random.randint(k1, (BATCH,), 0, NUM_CLASSES, dtype=jnp.int32)
    # use_cfg_embedding = dropout_prob > 0 -> table has num_classes + 1 rows
    embedding_table = jax.random.normal(k2, (NUM_CLASSES + 1, HIDDEN), dtype=jnp.float32) * 0.02
    train = 0  # eval mode: no token drop -> deterministic
    return {"labels": labels, "train": train, "embedding_table": embedding_table}

def reference(labels, train, embedding_table):
    use_dropout = DROPOUT_PROB > 0
    lab = labels
    # token_drop: classifier-free guidance label dropping
    drop_key = jax.random.key(1)
    drop_ids = jax.random.uniform(drop_key, (lab.shape[0],)) < DROPOUT_PROB
    do_drop = (jnp.asarray(train) != 0) & use_dropout
    lab = jnp.where(do_drop & drop_ids, NUM_CLASSES, lab)
    embeddings = jnp.take(embedding_table, lab, axis=0)
    return embeddings

if __name__ == "__main__":
    import jax
    _d = setup_inputs()
    print(jax.jit(kernel)(*tuple(_d.values())))

</pallas_src>

<mosaic_0001>
#map = affine_map<(d0, d1) -> (0)>
#map1 = affine_map<(d0, d1) -> (0, 0)>
module attributes {stable_mosaic.version = 14 : i64} {
  func.func @lookup_kernel(%arg0: i32, %arg1: i32, %arg2: memref<16384xi32, #tpu.memory_space<hbm>>, %arg3: memref<1000001x64xf32, #tpu.memory_space<hbm>>, %arg4: memref<16384x64xf32, #tpu.memory_space<hbm>>, %arg5: memref<512xi32, #tpu.memory_space<vmem>>, %arg6: memref<128x64xf32, #tpu.memory_space<vmem>>, %arg7: memref<!tpu.dma_semaphore, #tpu.memory_space<semaphore_mem>>, %arg8: memref<!tpu.dma_semaphore, #tpu.memory_space<semaphore_mem>>) attributes {dimension_semantics = [#tpu.dimension_semantics<core_parallel>, #tpu.dimension_semantics<subcore_parallel>], iteration_bounds = array<i64: 2, 16>, scalar_prefetch = 0 : i64, scratch_operands = 4 : i64, tpu.core_type = #tpu.core_type<sc_vector_subcore>, window_params = [{transform_indices = #map}, {transform_indices = #map1}, {transform_indices = #map1}]} {
    %mul3A = arith.constant 2 : i32
    %mul3A_0 = arith.muli %arg1, %mul3A : i32
    %add3A = arith.addi %mul3A_0, %arg0 : i32
    %mul3A_1 = arith.constant 512 : i32
    %mul3A_2 = arith.muli %add3A, %mul3A_1 : i32
    "tpu.region"() ({
      %run_scoped3A = tpu.sem_alloc : memref<!tpu.dma_semaphore, #tpu.memory_space<semaphore_mem>>
      %dma_start3A = tpu.memref_slice %arg2[%mul3A_2] : memref<16384xi32, #tpu.memory_space<hbm>> -> memref<512xi32, #tpu.memory_space<hbm>>
      %dma_start3A_7 = tpu.memref_slice %arg2[%mul3A_2] : memref<16384xi32, #tpu.memory_space<hbm>> -> memref<512xi32, #tpu.memory_space<hbm>>
      tpu.enqueue_dma source(%dma_start3A_7 : memref<512xi32, #tpu.memory_space<hbm>>) target(%arg5 : memref<512xi32, #tpu.memory_space<vmem>>) target_semaphore(%run_scoped3A : memref<!tpu.dma_semaphore, #tpu.memory_space<semaphore_mem>>)
      %dma_wait3A = tpu.memref_slice %arg2[%mul3A_2] : memref<16384xi32, #tpu.memory_space<hbm>> -> memref<512xi32, #tpu.memory_space<hbm>>
      %dma_wait3A_8 = tpu.memref_slice %arg2[%mul3A_2] : memref<16384xi32, #tpu.memory_space<hbm>> -> memref<512xi32, #tpu.memory_space<hbm>>
      tpu.wait_dma2 semaphore(%run_scoped3A : memref<!tpu.dma_semaphore, #tpu.memory_space<semaphore_mem>>) src(%dma_wait3A_8 : memref<512xi32, #tpu.memory_space<hbm>>) dst(%arg5 : memref<512xi32, #tpu.memory_space<vmem>>)
      tpu.yield
    }) : () -> ()
    %scan3A = arith.constant 0 : i32
    %scan3A_3 = arith.constant 4 : i32
    %scan3A_4 = arith.addi %scan3A, %scan3A_3 : i32
    %scan3A_5 = arith.constant 1 : i32
    scf.for %scan3A_7 = %scan3A to %scan3A_4 step %scan3A_5  : i32 {
      %mul3A_8 = arith.constant 1 : i32
      %mul3A_9 = arith.muli %scan3A_7, %mul3A_8 : i32
      %add3A_10 = arith.constant 0 : i32
      %add3A_11 = arith.addi %add3A_10, %mul3A_9 : i32
      %mul3A_12 = arith.constant 128 : i32
      %mul3A_13 = arith.muli %add3A_11, %mul3A_12 : i32
      %add3A_14 = arith.constant 0 : i32
      %add3A_15 = arith.addi %mul3A_13, %add3A_14 : i32
      %get3A = arith.index_cast %add3A_15 : i32 to index
      %get3A_16 = tpu.vector_load %arg5[%get3A] {strides = array<i32>} : memref<512xi32, #tpu.memory_space<vmem>>, vector<16xi32>,
      %slice3A = vector.extract_strided_slice %get3A_16 {offsets = [0], sizes = [1], strides = [1]} : vector<16xi32> to vector<1xi32>
      %squeeze3A = vector.extract %slice3A[0] : i32 from vector<1xi32>
      %dma_start3A = arith.constant 0 : i32
      %dma_start3A_17 = arith.constant 0 : i32
      %dma_start3A_18 = tpu.memref_slice %arg6[%dma_start3A, %dma_start3A_17] : memref<128x64xf32, #tpu.memory_space<vmem>> -> memref<1x64xf32, #tpu.memory_space<vmem>>
      %dma_start3A_19 = arith.constant 0 : i32
      %dma_start3A_20 = tpu.memref_slice %arg3[%squeeze3A, %dma_start3A_19] : memref<1000001x64xf32, #tpu.memory_space<hbm>> -> memref<1x64xf32, #tpu.memory_space<hbm>>
      %dma_start3A_21 = arith.constant 0 : i32
      %dma_start3A_22 = arith.constant 0 : i32
      %dma_start3A_23 = tpu.memref_slice %arg6[%dma_start3A_21, %dma_start3A_22] : memref<128x64xf32, #tpu.memory_space<vmem>> -> memref<1x64xf32, #tpu.memory_space<vmem>>
      %dma_start3A_24 = arith.constant 0 : i32
      %dma_start3A_25 = tpu.memref_slice %arg3[%squeeze3A, %dma_start3A_24] : memref<1000001x64xf32, #tpu.memory_space<hbm>> -> memref<1x64xf32, #tpu.memory_space<hbm>>
      tpu.enqueue_dma source(%dma_start3A_25 : memref<1x64xf32, #tpu.memory_space<hbm>>) target(%dma_start3A_23 : memref<1x64xf32, #tpu.memory_space<vmem>>) target_semaphore(%arg7 : memref<!tpu.dma_semaphore, #tpu.memory_space<semaphore_mem>>)
      %slice3A_26 = vector.extract_strided_slice %get3A_16 {offsets = [1], sizes = [1], strides = [1]} : vector<16xi32> to vector<1xi32>
      %squeeze3A_27 = vector.extract %slice3A_26[0] : i32 from vector<1xi32>
      %dma_start3A_28 = arith.constant 1 : i32
      %dma_start3A_29 = arith.constant 0 : i32
      %dma_start3A_30 = tpu.memref_slice %arg6[%dma_start3A_28, %dma_start3A_29] : memref<128x64xf32, #tpu.memory_space<vmem>> -> memref<1x64xf32, #tpu.memory_space<vmem>>
      %dma_start3A_31 = arith.constant 0 : i32
      %dma_start3A_32 = tpu.memref_slice %arg3[%squeeze3A_27, %dma_start3A_31] : memref<1000001x64xf32, #tpu.memory_space<hbm>> -> memref<1x64xf32, #tpu.memory_space<hbm>>
      %dma_start3A_33 = arith.constant 1 : i32
      %dma_start3A_34 = arith.constant 0 : i32
      %dma_start3A_35 = tpu.memref_slice %arg6[%dma_start3A_33, %dma_start3A_34] : memref<128x64xf32, #tpu.memory_space<vmem>> -> memref<1x64xf32, #tpu.memory_space<vmem>>
      %dma_start3A_36 = arith.constant 0 : i32
      %dma_start3A_37 = tpu.memref_slice %arg3[%squeeze3A_27, %dma_start3A_36] : memref<1000001x64xf32, #tpu.memory_space<hbm>> -> memref<1x64xf32, #tpu.memory_space<hbm>>
      tpu.enqueue_dma source(%dma_start3A_37 : memref<1x64xf32, #tpu.memory_space<hbm>>) target(%dma_start3A_35 : memref<1x64xf32, #tpu.memory_space<vmem>>) target_semaphore(%arg7 : memref<!tpu.dma_semaphore, #tpu.memory_space<semaphore_mem>>)
      %slice3A_38 = vector.extract_strided_slice %get3A_16 {offsets = [2], sizes = [1], strides = [1]} : vector<16xi32> to vector<1xi32>
      %squeeze3A_39 = vector.extract %slice3A_38[0] : i32 from vector<1xi32>
      %dma_start3A_40 = arith.constant 2 : i32
      %dma_start3A_41 = arith.constant 0 : i32
      %dma_start3A_42 = tpu.memref_slice %arg6[%dma_start3A_40, %dma_start3A_41] : memref<128x64xf32, #tpu.memory_space<vmem>> -> memref<1x64xf32, #tpu.memory_space<vmem>>
      %dma_start3A_43 = arith.constant 0 : i32
      %dma_start3A_44 = tpu.memref_slice %arg3[%squeeze3A_39, %dma_start3A_43] : memref<1000001x64xf32, #tpu.memory_space<hbm>> -> memref<1x64xf32, #tpu.memory_space<hbm>>
      %dma_start3A_45 = arith.constant 2 : i32
      %dma_start3A_46 = arith.constant 0 : i32
      %dma_start3A_47 = tpu.memref_slice %arg6[%dma_start3A_45, %dma_start3A_46] : memref<128x64xf32, #tpu.memory_space<vmem>> -> memref<1x64xf32, #tpu.memory_space<vmem>>
      %dma_start3A_48 = arith.constant 0 : i32
      %dma_start3A_49 = tpu.memref_slice %arg3[%squeeze3A_39, %dma_start3A_48] : memref<1000001x64xf32, #tpu.memory_space<hbm>> -> memref<1x64xf32, #tpu.memory_space<hbm>>
      tpu.enqueue_dma source(%dma_start3A_49 : memref<1x64xf32, #tpu.memory_space<hbm>>) target(%dma_start3A_47 : memref<1x64xf32, #tpu.memory_space<vmem>>) target_semaphore(%arg7 : memref<!tpu.dma_semaphore, #tpu.memory_space<semaphore_mem>>)
      %slice3A_50 = vector.extract_strided_slice %get3A_16 {offsets = [3], sizes = [1], strides = [1]} : vector<16xi32> to vector<1xi32>
      %squeeze3A_51 = vector.extract %slice3A_50[0] : i32 from vector<1xi32>
      %dma_start3A_52 = arith.constant 3 : i32
      %dma_start3A_53 = arith.constant 0 : i32
      %dma_start3A_54 = tpu.memref_slice %arg6[%dma_start3A_52, %dma_start3A_53] : memref<128x64xf32, #tpu.memory_space<vmem>> -> memref<1x64xf32, #tpu.memory_space<vmem>>
      %dma_start3A_55 = arith.constant 0 : i32
      %dma_start3A_56 = tpu.memref_slice %arg3[%squeeze3A_51, %dma_start3A_55] : memref<1000001x64xf32, #tpu.memory_space<hbm>> -> memref<1x64xf32, #tpu.memory_space<hbm>>
      %dma_start3A_57 = arith.constant 3 : i32
      %dma_start3A_58 = arith.constant 0 : i32
      %dma_start3A_59 = tpu.memref_slice %arg6[%dma_start3A_57, %dma_start3A_58] : memref<128x64xf32, #tpu.memory_space<vmem>> -> memref<1x64xf32, #tpu.memory_space<vmem>>
      %dma_start3A_60 = arith.constant 0 : i32
      %dma_start3A_61 = tpu.memref_slice %arg3[%squeeze3A_51, %dma_start3A_60] : memref<1000001x64xf32, #tpu.memory_space<hbm>> -> memref<1x64xf32, #tpu.memory_space<hbm>>
      tpu.enqueue_dma source(%dma_start3A_61 : memref<1x64xf32, #tpu.memory_space<hbm>>) target(%dma_start3A_59 : memref<1x64xf32, #tpu.memory_space<vmem>>) target_semaphore(%arg7 : memref<!tpu.dma_semaphore, #tpu.memory_space<semaphore_mem>>)
      %slice3A_62 = vector.extract_strided_slice %get3A_16 {offsets = [4], sizes = [1], strides = [1]} : vector<16xi32> to vector<1xi32>
      %squeeze3A_63 = vector.extract %slice3A_62[0] : i32 from vector<1xi32>
      %dma_start3A_64 = arith.constant 4 : i32
      %dma_start3A_65 = arith.constant 0 : i32
      %dma_start3A_66 = tpu.memref_slice %arg6[%dma_start3A_64, %dma_start3A_65] : memref<128x64xf32, #tpu.memory_space<vmem>> -> memref<1x64xf32, #tpu.memory_space<vmem>>
      %dma_start3A_67 = arith.constant 0 : i32
      %dma_start3A_68 = tpu.memref_slice %arg3[%squeeze3A_63, %dma_start3A_67] : memref<1000001x64xf32, #tpu.memory_space<hbm>> -> memref<1x64xf32, #tpu.memory_space<hbm>>
      %dma_start3A_69 = arith.constant 4 : i32
      %dma_start3A_70 = arith.constant 0 : i32
      %dma_start3A_71 = tpu.memref_slice %arg6[%dma_start3A_69, %dma_start3A_70] : memref<128x64xf32, #tpu.memory_space<vmem>> -> memref<1x64xf32, #tpu.memory_space<vmem>>
      %dma_start3A_72 = arith.constant 0 : i32
      %dma_start3A_73 = tpu.memref_slice %arg3[%squeeze3A_63, %dma_start3A_72] : memref<1000001x64xf32, #tpu.memory_space<hbm>> -> memref<1x64xf32, #tpu.memory_space<hbm>>
      tpu.enqueue_dma source(%dma_start3A_73 : memref<1x64xf32, #tpu.memory_space<hbm>>) target(%dma_start3A_71 : memref<1x64xf32, #tpu.memory_space<vmem>>) target_semaphore(%arg7 : memref<!tpu.dma_semaphore, #tpu.memory_space<semaphore_mem>>)
      %slice3A_74 = vector.extract_strided_slice %get3A_16 {offsets = [5], sizes = [1], strides = [1]} : vector<16xi32> to vector<1xi32>
      %squeeze3A_75 = vector.extract %slice3A_74[0] : i32 from vector<1xi32>
      %dma_start3A_76 = arith.constant 5 : i32
      %dma_start3A_77 = arith.constant 0 : i32
      %dma_start3A_78 = tpu.memref_slice %arg6[%dma_start3A_76, %dma_start3A_77] : memref<128x64xf32, #tpu.memory_space<vmem>> -> memref<1x64xf32, #tpu.memory_space<vmem>>
      %dma_start3A_79 = arith.constant 0 : i32
      %dma_start3A_80 = tpu.memref_slice %arg3[%squeeze3A_75, %dma_start3A_79] : memref<1000001x64xf32, #tpu.memory_space<hbm>> -> memref<1x64xf32, #tpu.memory_space<hbm>>
      %dma_start3A_81 = arith.constant 5 : i32
      %dma_start3A_82 = arith.constant 0 : i32
      %dma_start3A_83 = tpu.memref_slice %arg6[%dma_start3A_81, %dma_start3A_82] : memref<128x64xf32, #tpu.memory_space<vmem>> -> memref<1x64xf32, #tpu.memory_space<vmem>>
      %dma_start3A_84 = arith.constant 0 : i32
      %dma_start3A_85 = tpu.memref_slice %arg3[%squeeze3A_75, %dma_start3A_84] : memref<1000001x64xf32, #tpu.memory_space<hbm>> -> memref<1x64xf32, #tpu.memory_space<hbm>>
      tpu.enqueue_dma source(%dma_start3A_85 : memref<1x64xf32, #tpu.memory_space<hbm>>) target(%dma_start3A_83 : memref<1x64xf32, #tpu.memory_space<vmem>>) target_semaphore(%arg7 : memref<!tpu.dma_semaphore, #tpu.memory_space<semaphore_mem>>)
      %slice3A_86 = vector.extract_strided_slice %get3A_16 {offsets = [6], sizes = [1], strides = [1]} : vector<16xi32> to vector<1xi32>
      %squeeze3A_87 = vector.extract %slice3A_86[0] : i32 from vector<1xi32>
      %dma_start3A_88 = arith.constant 6 : i32
      %dma_start3A_89 = arith.constant 0 : i32
      %dma_start3A_90 = tpu.memref_slice %arg6[%dma_start3A_88, %dma_start3A_89] : memref<128x64xf32, #tpu.memory_space<vmem>> -> memref<1x64xf32, #tpu.memory_space<vmem>>
      %dma_start3A_91 = arith.constant 0 : i32
      %dma_start3A_92 = tpu.memref_slice %arg3[%squeeze3A_87, %dma_start3A_91] : memref<1000001x64xf32, #tpu.memory_space<hbm>> -> memref<1x64xf32, #tpu.memory_space<hbm>>
      %dma_start3A_93 = arith.constant 6 : i32
      %dma_start3A_94 = arith.constant 0 : i32
      %dma_start3A_95 = tpu.memref_slice %arg6[%dma_start3A_93, %dma_start3A_94] : memref<128x64xf32, #tpu.memory_space<vmem>> -> memref<1x64xf32, #tpu.memory_space<vmem>>
      %dma_start3A_96 = arith.constant 0 : i32
      %dma_start3A_97 = tpu.memref_slice %arg3[%squeeze3A_87, %dma_start3A_96] : memref<1000001x64xf32, #tpu.memory_space<hbm>> -> memref<1x64xf32, #tpu.memory_space<hbm>>
      tpu.enqueue_dma source(%dma_start3A_97 : memref<1x64xf32, #tpu.memory_space<hbm>>) target(%dma_start3A_95 : memref<1x64xf32, #tpu.memory_space<vmem>>) target_semaphore(%arg7 : memref<!tpu.dma_semaphore, #tpu.memory_space<semaphore_mem>>)
      %slice3A_98 = vector.extract_strided_slice %get3A_16 {offsets = [7], sizes = [1], strides = [1]} : vector<16xi32> to vector<1xi32>
      %squeeze3A_99 = vector.extract %slice3A_98[0] : i32 from vector<1xi32>
      %dma_start3A_100 = arith.constant 7 : i32
      %dma_start3A_101 = arith.constant 0 : i32
      %dma_start3A_102 = tpu.memref_slice %arg6[%dma_start3A_100, %dma_start3A_101] : memref<128x64xf32, #tpu.memory_space<vmem>> -> memref<1x64xf32, #tpu.memory_space<vmem>>
      %dma_start3A_103 = arith.constant 0 : i32
      %dma_start3A_104 = tpu.memref_slice %arg3[%squeeze3A_99, %dma_start3A_103] : memref<1000001x64xf32, #tpu.memory_space<hbm>> -> memref<1x64xf32, #tpu.memory_space<hbm>>
      %dma_start3A_105 = arith.constant 7 : i32
      %dma_start3A_106 = arith.constant 0 : i32
      %dma_start3A_107 = tpu.memref_slice %arg6[%dma_start3A_105, %dma_start3A_106] : memref<128x64xf32, #tpu.memory_space<vmem>> -> memref<1x64xf32, #tpu.memory_space<vmem>>
      %dma_start3A_108 = arith.constant 0 : i32
      %dma_start3A_109 = tpu.memref_slice %arg3[%squeeze3A_99, %dma_start3A_108] : memref<1000001x64xf32, #tpu.memory_space<hbm>> -> memref<1x64xf32, #tpu.memory_space<hbm>>
      tpu.enqueue_dma source(%dma_start3A_109 : memref<1x64xf32, #tpu.memory_space<hbm>>) target(%dma_start3A_107 : memref<1x64xf32, #tpu.memory_space<vmem>>) target_semaphore(%arg7 : memref<!tpu.dma_semaphore, #tpu.memory_space<semaphore_mem>>)
      %slice3A_110 = vector.extract_strided_slice %get3A_16 {offsets = [8], sizes = [1], strides = [1]} : vector<16xi32> to vector<1xi32>
      %squeeze3A_111 = vector.extract %slice3A_110[0] : i32 from vector<1xi32>
      %dma_start3A_112 = arith.constant 8 : i32
      %dma_start3A_113 = arith.constant 0 : i32
      %dma_start3A_114 = tpu.memref_slice %arg6[%dma_start3A_112, %dma_start3A_113] : memref<128x64xf32, #tpu.memory_space<vmem>> -> memref<1x64xf32, #tpu.memory_space<vmem>>
      %dma_start3A_115 = arith.constant 0 : i32
      %dma_start3A_116 = tpu.memref_slice %arg3[%squeeze3A_111, %dma_start3A_115] : memref<1000001x64xf32, #tpu.memory_space<hbm>> -> memref<1x64xf32, #tpu.memory_space<hbm>>
      %dma_start3A_117 = arith.constant 8 : i32
      %dma_start3A_118 = arith.constant 0 : i32
      %dma_start3A_119 = tpu.memref_slice %arg6[%dma_start3A_117, %dma_start3A_118] : memref<128x64xf32, #tpu.memory_space<vmem>> -> memref<1x64xf32, #tpu.memory_space<vmem>>
      %dma_start3A_120 = arith.constant 0 : i32
      %dma_start3A_121 = tpu.memref_slice %arg3[%squeeze3A_111, %dma_start3A_120] : memref<1000001x64xf32, #tpu.memory_space<hbm>> -> memref<1x64xf32, #tpu.memory_space<hbm>>
      tpu.enqueue_dma source(%dma_start3A_121 : memref<1x64xf32, #tpu.memory_space<hbm>>) target(%dma_start3A_119 : memref<1x64xf32, #tpu.memory_space<vmem>>) target_semaphore(%arg7 : memref<!tpu.dma_semaphore, #tpu.memory_space<semaphore_mem>>)
      %slice3A_122 = vector.extract_strided_slice %get3A_16 {offsets = [9], sizes = [1], strides = [1]} : vector<16xi32> to vector<1xi32>
      %squeeze3A_123 = vector.extract %slice3A_122[0] : i32 from vector<1xi32>
      %dma_start3A_124 = arith.constant 9 : i32
      %dma_start3A_125 = arith.constant 0 : i32
      %dma_start3A_126 = tpu.memref_slice %arg6[%dma_start3A_124, %dma_start3A_125] : memref<128x64xf32, #tpu.memory_space<vmem>> -> memref<1x64xf32, #tpu.memory_space<vmem>>
      %dma_start3A_127 = arith.constant 0 : i32
      %dma_start3A_128 = tpu.memref_slice %arg3[%squeeze3A_123, %dma_start3A_127] : memref<1000001x64xf32, #tpu.memory_space<hbm>> -> memref<1x64xf32, #tpu.memory_space<hbm>>
      %dma_start3A_129 = arith.constant 9 : i32
      %dma_start3A_130 = arith.constant 0 : i32
      %dma_start3A_131 = tpu.memref_slice %arg6[%dma_start3A_129, %dma_start3A_130] : memref<128x64xf32, #tpu.memory_space<vmem>> -> memref<1x64xf32, #tpu.memory_space<vmem>>
      %dma_start3A_132 = arith.constant 0 : i32
      %dma_start3A_133 = tpu.memref_slice %arg3[%squeeze3A_123, %dma_start3A_132] : memref<1000001x64xf32, #tpu.memory_space<hbm>> -> memref<1x64xf32, #tpu.memory_space<hbm>>
      tpu.enqueue_dma source(%dma_start3A_133 : memref<1x64xf32, #tpu.memory_space<hbm>>) target(%dma_start3A_131 : memref<1x64xf32, #tpu.memory_space<vmem>>) target_semaphore(%arg7 : memref<!tpu.dma_semaphore, #tpu.memory_space<semaphore_mem>>)
      %slice3A_134 = vector.extract_strided_slice %get3A_16 {offsets = [10], sizes = [1], strides = [1]} : vector<16xi32> to vector<1xi32>
      %squeeze3A_135 = vector.extract %slice3A_134[0] : i32 from vector<1xi32>
      %dma_start3A_136 = arith.constant 10 : i32
      %dma_start3A_137 = arith.constant 0 : i32
      %dma_start3A_138 = tpu.memref_slice %arg6[%dma_start3A_136, %dma_start3A_137] : memref<128x64xf32, #tpu.memory_space<vmem>> -> memref<1x64xf32, #tpu.memory_space<vmem>>
      %dma_start3A_139 = arith.constant 0 : i32
      %dma_start3A_140 = tpu.memref_slice %arg3[%squeeze3A_135, %dma_start3A_139] : memref<1000001x64xf32, #tpu.memory_space<hbm>> -> memref<1x64xf32, #tpu.memory_space<hbm>>
      %dma_start3A_141 = arith.constant 10 : i32
      %dma_start3A_142 = arith.constant 0 : i32
      %dma_start3A_143 = tpu.memref_slice %arg6[%dma_start3A_141, %dma_start3A_142] : memref<128x64xf32, #tpu.memory_space<vmem>> -> memref<1x64xf32, #tpu.memory_space<vmem>>
      %dma_start3A_144 = arith.constant 0 : i32
      %dma_start3A_145 = tpu.memref_slice %arg3[%squeeze3A_135, %dma_start3A_144] : memref<1000001x64xf32, #tpu.memory_space<hbm>> -> memref<1x64xf32, #tpu.memory_space<hbm>>
      tpu.enqueue_dma source(%dma_start3A_145 : memref<1x64xf32, #tpu.memory_space<hbm>>) target(%dma_start3A_143 : memref<1x64xf32, #tpu.memory_space<vmem>>) target_semaphore(%arg7 : memref<!tpu.dma_semaphore, #tpu.memory_space<semaphore_mem>>)
      %slice3A_146 = vector.extract_strided_slice %get3A_16 {offsets = [11], sizes = [1], strides = [1]} : vector<16xi32> to vector<1xi32>
      %squeeze3A_147 = vector.extract %slice3A_146[0] : i32 from vector<1xi32>
      %dma_start3A_148 = arith.constant 11 : i32
      %dma_start3A_149 = arith.constant 0 : i32
      %dma_start3A_150 = tpu.memref_slice %arg6[%dma_start3A_148, %dma_start3A_149] : memref<128x64xf32, #tpu.memory_space<vmem>> -> memref<1x64xf32, #tpu.memory_space<vmem>>
      %dma_start3A_151 = arith.constant 0 : i32
      %dma_start3A_152 = tpu.memref_slice %arg3[%squeeze3A_147, %dma_start3A_151] : memref<1000001x64xf32, #tpu.memory_space<hbm>> -> memref<1x64xf32, #tpu.memory_space<hbm>>
      %dma_start3A_153 = arith.constant 11 : i32
      %dma_start3A_154 = arith.constant 0 : i32
      %dma_start3A_155 = tpu.memref_slice %arg6[%dma_start3A_153, %dma_start3A_154] : memref<128x64xf32, #tpu.memory_space<vmem>> -> memref<1x64xf32, #tpu.memory_space<vmem>>
      %dma_start3A_156 = arith.constant 0 : i32
      %dma_start3A_157 = tpu.memref_slice %arg3[%squeeze3A_147, %dma_start3A_156] : memref<1000001x64xf32, #tpu.memory_space<hbm>> -> memref<1x64xf32, #tpu.memory_space<hbm>>
      tpu.enqueue_dma source(%dma_start3A_157 : memref<1x64xf32, #tpu.memory_space<hbm>>) target(%dma_start3A_155 : memref<1x64xf32, #tpu.memory_space<vmem>>) target_semaphore(%arg7 : memref<!tpu.dma_semaphore, #tpu.memory_space<semaphore_mem>>)
      %slice3A_158 = vector.extract_strided_slice %get3A_16 {offsets = [12], sizes = [1], strides = [1]} : vector<16xi32> to vector<1xi32>
      %squeeze3A_159 = vector.extract %slice3A_158[0] : i32 from vector<1xi32>
      %dma_start3A_160 = arith.constant 12 : i32
      %dma_start3A_161 = arith.constant 0 : i32
      %dma_start3A_162 = tpu.memref_slice %arg6[%dma_start3A_160, %dma_start3A_161] : memref<128x64xf32, #tpu.memory_space<vmem>> -> memref<1x64xf32, #tpu.memory_space<vmem>>
      %dma_start3A_163 = arith.constant 0 : i32
      %dma_start3A_164 = tpu.memref_slice %arg3[%squeeze3A_159, %dma_start3A_163] : memref<1000001x64xf32, #tpu.memory_space<hbm>> -> memref<1x64xf32, #tpu.memory_space<hbm>>
      %dma_start3A_165 = arith.constant 12 : i32
      %dma_start3A_166 = arith.constant 0 : i32
      %dma_start3A_167 = tpu.memref_slice %arg6[%dma_start3A_165, %dma_start3A_166] : memref<128x64xf32, #tpu.memory_space<vmem>> -> memref<1x64xf32, #tpu.memory_space<vmem>>
      %dma_start3A_168 = arith.constant 0 : i32
      %dma_start3A_169 = tpu.memref_slice %arg3[%squeeze3A_159, %dma_start3A_168] : memref<1000001x64xf32, #tpu.memory_space<hbm>> -> memref<1x64xf32, #tpu.memory_space<hbm>>
      tpu.enqueue_dma source(%dma_start3A_169 : memref<1x64xf32, #tpu.memory_space<hbm>>) target(%dma_start3A_167 : memref<1x64xf32, #tpu.memory_space<vmem>>) target_semaphore(%arg7 : memref<!tpu.dma_semaphore, #tpu.memory_space<semaphore_mem>>)
      %slice3A_170 = vector.extract_strided_slice %get3A_16 {offsets = [13], sizes = [1], strides = [1]} : vector<16xi32> to vector<1xi32>
      %squeeze3A_171 = vector.extract %slice3A_170[0] : i32 from vector<1xi32>
      %dma_start3A_172 = arith.constant 13 : i32
      %dma_start3A_173 = arith.constant 0 : i32
      %dma_start3A_174 = tpu.memref_slice %arg6[%dma_start3A_172, %dma_start3A_173] : memref<128x64xf32, #tpu.memory_space<vmem>> -> memref<1x64xf32, #tpu.memory_space<vmem>>
      %dma_start3A_175 = arith.constant 0 : i32
      %dma_start3A_176 = tpu.memref_slice %arg3[%squeeze3A_171, %dma_start3A_175] : memref<1000001x64xf32, #tpu.memory_space<hbm>> -> memref<1x64xf32, #tpu.memory_space<hbm>>
      %dma_start3A_177 = arith.constant 13 : i32
      %dma_start3A_178 = arith.constant 0 : i32
      %dma_start3A_179 = tpu.memref_slice %arg6[%dma_start3A_177, %dma_start3A_178] : memref<128x64xf32, #tpu.memory_space<vmem>> -> memref<1x64xf32, #tpu.memory_space<vmem>>
      %dma_start3A_180 = arith.constant 0 : i32
      %dma_start3A_181 = tpu.memref_slice %arg3[%squeeze3A_171, %dma_start3A_180] : memref<1000001x64xf32, #tpu.memory_space<hbm>> -> memref<1x64xf32, #tpu.memory_space<hbm>>
      tpu.enqueue_dma source(%dma_start3A_181 : memref<1x64xf32, #tpu.memory_space<hbm>>) target(%dma_start3A_179 : memref<1x64xf32, #tpu.memory_space<vmem>>) target_semaphore(%arg7 : memref<!tpu.dma_semaphore, #tpu.memory_space<semaphore_mem>>)
      %slice3A_182 = vector.extract_strided_slice %get3A_16 {offsets = [14], sizes = [1], strides = [1]} : vector<16xi32> to vector<1xi32>
      %squeeze3A_183 = vector.extract %slice3A_182[0] : i32 from vector<1xi32>
      %dma_start3A_184 = arith.constant 14 : i32
      %dma_start3A_185 = arith.constant 0 : i32
      %dma_start3A_186 = tpu.memref_slice %arg6[%dma_start3A_184, %dma_start3A_185] : memref<128x64xf32, #tpu.memory_space<vmem>> -> memref<1x64xf32, #tpu.memory_space<vmem>>
      %dma_start3A_187 = arith.constant 0 : i32
      %dma_start3A_188 = tpu.memref_slice %arg3[%squeeze3A_183, %dma_start3A_187] : memref<1000001x64xf32, #tpu.memory_space<hbm>> -> memref<1x64xf32, #tpu.memory_space<hbm>>
      %dma_start3A_189 = arith.constant 14 : i32
      %dma_start3A_190 = arith.constant 0 : i32
      %dma_start3A_191 = tpu.memref_slice %arg6[%dma_start3A_189, %dma_start3A_190] : memref<128x64xf32, #tpu.memory_space<vmem>> -> memref<1x64xf32, #tpu.memory_space<vmem>>
      %dma_start3A_192 = arith.constant 0 : i32
      %dma_start3A_193 = tpu.memref_slice %arg3[%squeeze3A_183, %dma_start3A_192] : memref<1000001x64xf32, #tpu.memory_space<hbm>> -> memref<1x64xf32, #tpu.memory_space<hbm>>
      tpu.enqueue_dma source(%dma_start3A_193 : memref<1x64xf32, #tpu.memory_space<hbm>>) target(%dma_start3A_191 : memref<1x64xf32, #tpu.memory_space<vmem>>) target_semaphore(%arg7 : memref<!tpu.dma_semaphore, #tpu.memory_space<semaphore_mem>>)
      %slice3A_194 = vector.extract_strided_slice %get3A_16 {offsets = [15], sizes = [1], strides = [1]} : vector<16xi32> to vector<1xi32>
      %squeeze3A_195 = vector.extract %slice3A_194[0] : i32 from vector<1xi32>
      %dma_start3A_196 = arith.constant 15 : i32
      %dma_start3A_197 = arith.constant 0 : i32
      %dma_start3A_198 = tpu.memref_slice %arg6[%dma_start3A_196, %dma_start3A_197] : memref<128x64xf32, #tpu.memory_space<vmem>> -> memref<1x64xf32, #tpu.memory_space<vmem>>
      %dma_start3A_199 = arith.constant 0 : i32
      %dma_start3A_200 = tpu.memref_slice %arg3[%squeeze3A_195, %dma_start3A_199] : memref<1000001x64xf32, #tpu.memory_space<hbm>> -> memref<1x64xf32, #tpu.memory_space<hbm>>
      %dma_start3A_201 = arith.constant 15 : i32
      %dma_start3A_202 = arith.constant 0 : i32
      %dma_start3A_203 = tpu.memref_slice %arg6[%dma_start3A_201, %dma_start3A_202] : memref<128x64xf32, #tpu.memory_space<vmem>> -> memref<1x64xf32, #tpu.memory_space<vmem>>
      %dma_start3A_204 = arith.constant 0 : i32
      %dma_start3A_205 = tpu.memref_slice %arg3[%squeeze3A_195, %dma_start3A_204] : memref<1000001x64xf32, #tpu.memory_space<hbm>> -> memref<1x64xf32, #tpu.memory_space<hbm>>
      tpu.enqueue_dma source(%dma_start3A_205 : memref<1x64xf32, #tpu.memory_space<hbm>>) target(%dma_start3A_203 : memref<1x64xf32, #tpu.memory_space<vmem>>) target_semaphore(%arg7 : memref<!tpu.dma_semaphore, #tpu.memory_space<semaphore_mem>>)
      %add3A_206 = arith.constant 16 : i32
      %add3A_207 = arith.addi %mul3A_13, %add3A_206 : i32
      %get3A_208 = arith.index_cast %add3A_207 : i32 to index
      %get3A_209 = tpu.vector_load %arg5[%get3A_208] {strides = array<i32>} : memref<512xi32, #tpu.memory_space<vmem>>, vector<16xi32>,
      %slice3A_210 = vector.extract_strided_slice %get3A_209 {offsets = [0], sizes = [1], strides = [1]} : vector<16xi32> to vector<1xi32>
      %squeeze3A_211 = vector.extract %slice3A_210[0] : i32 from vector<1xi32>
      %dma_start3A_212 = arith.constant 16 : i32
      %dma_start3A_213 = arith.constant 0 : i32
      %dma_start3A_214 = tpu.memref_slice %arg6[%dma_start3A_212, %dma_start3A_213] : memref<128x64xf32, #tpu.memory_space<vmem>> -> memref<1x64xf32, #tpu.memory_space<vmem>>
      %dma_start3A_215 = arith.constant 0 : i32
      %dma_start3A_216 = tpu.memref_slice %arg3[%squeeze3A_211, %dma_start3A_215] : memref<1000001x64xf32, #tpu.memory_space<hbm>> -> memref<1x64xf32, #tpu.memory_space<hbm>>
      %dma_start3A_217 = arith.constant 16 : i32
      %dma_start3A_218 = arith.constant 0 : i32
      %dma_start3A_219 = tpu.memref_slice %arg6[%dma_start3A_217, %dma_start3A_218] : memref<128x64xf32, #tpu.memory_space<vmem>> -> memref<1x64xf32, #tpu.memory_space<vmem>>
      %dma_start3A_220 = arith.constant 0 : i32
      %dma_start3A_221 = tpu.memref_slice %arg3[%squeeze3A_211, %dma_start3A_220] : memref<1000001x64xf32, #tpu.memory_space<hbm>> -> memref<1x64xf32, #tpu.memory_space<hbm>>
      tpu.enqueue_dma source(%dma_start3A_221 : memref<1x64xf32, #tpu.memory_space<hbm>>) target(%dma_start3A_219 : memref<1x64xf32, #tpu.memory_space<vmem>>) target_semaphore(%arg7 : memref<!tpu.dma_semaphore, #tpu.memory_space<semaphore_mem>>)
      %slice3A_222 = vector.extract_strided_slice %get3A_209 {offsets = [1], sizes = [1], strides = [1]} : vector<16xi32> to vector<1xi32>
      %squeeze3A_223 = vector.extract %slice3A_222[0] : i32 from vector<1xi32>
      %dma_start3A_224 = arith.constant 17 : i32
      %dma_start3A_225 = arith.constant 0 : i32
      %dma_start3A_226 = tpu.memref_slice %arg6[%dma_start3A_224, %dma_start3A_225] : memref<128x64xf32, #tpu.memory_space<vmem>> -> memref<1x64xf32, #tpu.memory_space<vmem>>
      %dma_start3A_227 = arith.constant 0 : i32
      %dma_start3A_228 = tpu.memref_slice %arg3[%squeeze3A_223, %dma_start3A_227] : memref<1000001x64xf32, #tpu.memory_space<hbm>> -> memref<1x64xf32, #tpu.memory_space<hbm>>
      %dma_start3A_229 = arith.constant 17 : i32
      %dma_start3A_230 = arith.constant 0 : i32
      %dma_start3A_231 = tpu.memref_slice %arg6[%dma_start3A_229, %dma_start3A_230] : memref<128x64xf32, #tpu.memory_space<vmem>> -> memref<1x64xf32, #tpu.memory_space<vmem>>
      %dma_start3A_232 = arith.constant 0 : i32
      %dma_start3A_233 = tpu.memref_slice %arg3[%squeeze3A_223, %dma_start3A_232] : memref<1000001x64xf32, #tpu.memory_space<hbm>> -> memref<1x64xf32, #tpu.memory_space<hbm>>
      tpu.enqueue_dma source(%dma_start3A_233 : memref<1x64xf32, #tpu.memory_space<hbm>>) target(%dma_start3A_231 : memref<1x64xf32, #tpu.memory_space<vmem>>) target_semaphore(%arg7 : memref<!tpu.dma_semaphore, #tpu.memory_space<semaphore_mem>>)
      %slice3A_234 = vector.extract_strided_slice %get3A_209 {offsets = [2], sizes = [1], strides = [1]} : vector<16xi32> to vector<1xi32>
      %squeeze3A_235 = vector.extract %slice3A_234[0] : i32 from vector<1xi32>
      %dma_start3A_236 = arith.constant 18 : i32
      %dma_start3A_237 = arith.constant 0 : i32
      %dma_start3A_238 = tpu.memref_slice %arg6[%dma_start3A_236, %dma_start3A_237] : memref<128x64xf32, #tpu.memory_space<vmem>> -> memref<1x64xf32, #tpu.memory_space<vmem>>
      %dma_start3A_239 = arith.constant 0 : i32
      %dma_start3A_240 = tpu.memref_slice %arg3[%squeeze3A_235, %dma_start3A_239] : memref<1000001x64xf32, #tpu.memory_space<hbm>> -> memref<1x64xf32, #tpu.memory_space<hbm>>
      %dma_start3A_241 = arith.constant 18 : i32
      %dma_start3A_242 = arith.constant 0 : i32
      %dma_start3A_243 = tpu.memref_slice %arg6[%dma_start3A_241, %dma_start3A_242] : memref<128x64xf32, #tpu.memory_space<vmem>> -> memref<1x64xf32, #tpu.memory_space<vmem>>
      %dma_start3A_244 = arith.constant 0 : i32
      %dma_start3A_245 = tpu.memref_slice %arg3[%squeeze3A_235, %dma_start3A_244] : memref<1000001x64xf32, #tpu.memory_space<hbm>> -> memref<1x64xf32, #tpu.memory_space<hbm>>
      tpu.enqueue_dma source(%dma_start3A_245 : memref<1x64xf32, #tpu.memory_space<hbm>>) target(%dma_start3A_243 : memref<1x64xf32, #tpu.memory_space<vmem>>) target_semaphore(%arg7 : memref<!tpu.dma_semaphore, #tpu.memory_space<semaphore_mem>>)
      %slice3A_246 = vector.extract_strided_slice %get3A_209 {offsets = [3], sizes = [1], strides = [1]} : vector<16xi32> to vector<1xi32>
      %squeeze3A_247 = vector.extract %slice3A_246[0] : i32 from vector<1xi32>
      %dma_start3A_248 = arith.constant 19 : i32
      %dma_start3A_249 = arith.constant 0 : i32
      %dma_start3A_250 = tpu.memref_slice %arg6[%dma_start3A_248, %dma_start3A_249] : memref<128x64xf32, #tpu.memory_space<vmem>> -> memref<1x64xf32, #tpu.memory_space<vmem>>
      %dma_start3A_251 = arith.constant 0 : i32
      %dma_start3A_252 = tpu.memref_slice %arg3[%squeeze3A_247, %dma_start3A_251] : memref<1000001x64xf32, #tpu.memory_space<hbm>> -> memref<1x64xf32, #tpu.memory_space<hbm>>
      %dma_start3A_253 = arith.constant 19 : i32
      %dma_start3A_254 = arith.constant 0 : i32
      %dma_start3A_255 = tpu.memref_slice %arg6[%dma_start3A_253, %dma_start3A_254] : memref<128x64xf32, #tpu.memory_space<vmem>> -> memref<1x64xf32, #tpu.memory_space<vmem>>
      %dma_start3A_256 = arith.constant 0 : i32
      %dma_start3A_257 = tpu.memref_slice %arg3[%squeeze3A_247, %dma_start3A_256] : memref<1000001x64xf32, #tpu.memory_space<hbm>> -> memref<1x64xf32, #tpu.memory_space<hbm>>
      tpu.enqueue_dma source(%dma_start3A_257 : memref<1x64xf32, #tpu.memory_space<hbm>>) target(%dma_start3A_255 : memref<1x64xf32, #tpu.memory_space<vmem>>) target_semaphore(%arg7 : memref<!tpu.dma_semaphore, #tpu.memory_space<semaphore_mem>>)
      %slice3A_258 = vector.extract_strided_slice %get3A_209 {offsets = [4], sizes = [1], strides = [1]} : vector<16xi32> to vector<1xi32>
      %squeeze3A_259 = vector.extract %slice3A_258[0] : i32 from vector<1xi32>
      %dma_start3A_260 = arith.constant 20 : i32
      %dma_start3A_261 = arith.constant 0 : i32
      %dma_start3A_262 = tpu.memref_slice %arg6[%dma_start3A_260, %dma_start3A_261] : memref<128x64xf32, #tpu.memory_space<vmem>> -> memref<1x64xf32, #tpu.memory_space<vmem>>
      %dma_start3A_263 = arith.constant 0 : i32
      %dma_start3A_264 = tpu.memref_slice %arg3[%squeeze3A_259, %dma_start3A_263] : memref<1000001x64xf32, #tpu.memory_space<hbm>> -> memref<1x64xf32, #tpu.memory_space<hbm>>
      %dma_start3A_265 = arith.constant 20 : i32
      %dma_start3A_266 = arith.constant 0 : i32
      %dma_start3A_267 = tpu.memref_slice %arg6[%dma_start3A_265, %dma_start3A_266] : memref<128x64xf32, #tpu.memory_space<vmem>> -> memref<1x64xf32, #tpu.memory_space<vmem>>
      %dma_start3A_268 = arith.constant 0 : i32
      %dma_start3A_269 = tpu.memref_slice %arg3[%squeeze3A_259, %dma_start3A_268] : memref<1000001x64xf32, #tpu.memory_space<hbm>> -> memref<1x64xf32, #tpu.memory_space<hbm>>
      tpu.enqueue_dma source(%dma_start3A_269 : memref<1x64xf32, #tpu.memory_space<hbm>>) target(%dma_start3A_267 : memref<1x64xf32, #tpu.memory_space<vmem>>) target_semaphore(%arg7 : memref<!tpu.dma_semaphore, #tpu.memory_space<semaphore_mem>>)
      %slice3A_270 = vector.extract_strided_slice %get3A_209 {offsets = [5], sizes = [1], strides = [1]} : vector<16xi32> to vector<1xi32>
      %squeeze3A_271 = vector.extract %slice3A_270[0] : i32 from vector<1xi32>
      %dma_start3A_272 = arith.constant 21 : i32
      %dma_start3A_273 = arith.constant 0 : i32
      %dma_start3A_274 = tpu.memref_slice %arg6[%dma_start3A_272, %dma_start3A_273] : memref<128x64xf32, #tpu.memory_space<vmem>> -> memref<1x64xf32, #tpu.memory_space<vmem>>
      %dma_start3A_275 = arith.constant 0 : i32
      %dma_start3A_276 = tpu.memref_slice %arg3[%squeeze3A_271, %dma_start3A_275] : memref<1000001x64xf32, #tpu.memory_space<hbm>> -> memref<1x64xf32, #tpu.memory_space<hbm>>
      %dma_start3A_277 = arith.constant 21 : i32
      %dma_start3A_278 = arith.constant 0 : i32
      %dma_start3A_279 = tpu.memref_slice %arg6[%dma_start3A_277, %dma_start3A_278] : memref<128x64xf32, #tpu.memory_space<vmem>> -> memref<1x64xf32, #tpu.memory_space<vmem>>
      %dma_start3A_280 = arith.constant 0 : i32
      %dma_start3A_281 = tpu.memref_slice %arg3[%squeeze3A_271, %dma_start3A_280] : memref<1000001x64xf32, #tpu.memory_space<hbm>> -> memref<1x64xf32, #tpu.memory_space<hbm>>
      tpu.enqueue_dma source(%dma_start3A_281 : memref<1x64xf32, #tpu.memory_space<hbm>>) target(%dma_start3A_279 : memref<1x64xf32, #tpu.memory_space<vmem>>) target_semaphore(%arg7 : memref<!tpu.dma_semaphore, #tpu.memory_space<semaphore_mem>>)
      %slice3A_282 = vector.extract_strided_slice %get3A_209 {offsets = [6], sizes = [1], strides = [1]} : vector<16xi32> to vector<1xi32>
      %squeeze3A_283 = vector.extract %slice3A_282[0] : i32 from vector<1xi32>
      %dma_start3A_284 = arith.constant 22 : i32
      %dma_start3A_285 = arith.constant 0 : i32
      %dma_start3A_286 = tpu.memref_slice %arg6[%dma_start3A_284, %dma_start3A_285] : memref<128x64xf32, #tpu.memory_space<vmem>> -> memref<1x64xf32, #tpu.memory_space<vmem>>
      %dma_start3A_287 = arith.constant 0 : i32
      %dma_start3A_288 = tpu.memref_slice %arg3[%squeeze3A_283, %dma_start3A_287] : memref<1000001x64xf32, #tpu.memory_space<hbm>> -> memref<1x64xf32, #tpu.memory_space<hbm>>
      %dma_start3A_289 = arith.constant 22 : i32
      %dma_start3A_290 = arith.constant 0 : i32
      %dma_start3A_291 = tpu.memref_slice %arg6[%dma_start3A_289, %dma_start3A_290] : memref<128x64xf32, #tpu.memory_space<vmem>> -> memref<1x64xf32, #tpu.memory_space<vmem>>
      %dma_start3A_292 = arith.constant 0 : i32
      %dma_start3A_293 = tpu.memref_slice %arg3[%squeeze3A_283, %dma_start3A_292] : memref<1000001x64xf32, #tpu.memory_space<hbm>> -> memref<1x64xf32, #tpu.memory_space<hbm>>
      tpu.enqueue_dma source(%dma_start3A_293 : memref<1x64xf32, #tpu.memory_space<hbm>>) target(%dma_start3A_291 : memref<1x64xf32, #tpu.memory_space<vmem>>) target_semaphore(%arg7 : memref<!tpu.dma_semaphore, #tpu.memory_space<semaphore_mem>>)
      %slice3A_294 = vector.extract_strided_slice %get3A_209 {offsets = [7], sizes = [1], strides = [1]} : vector<16xi32> to vector<1xi32>
      %squeeze3A_295 = vector.extract %slice3A_294[0] : i32 from vector<1xi32>
      %dma_start3A_296 = arith.constant 23 : i32
      %dma_start3A_297 = arith.constant 0 : i32
      %dma_start3A_298 = tpu.memref_slice %arg6[%dma_start3A_296, %dma_start3A_297] : memref<128x64xf32, #tpu.memory_space<vmem>> -> memref<1x64xf32, #tpu.memory_space<vmem>>
      %dma_start3A_299 = arith.constant 0 : i32
      %dma_start3A_300 = tpu.memref_slice %arg3[%squeeze3A_295, %dma_start3A_299] : memref<1000001x64xf32, #tpu.memory_space<hbm>> -> memref<1x64xf32, #tpu.memory_space<hbm>>
      %dma_start3A_301 = arith.constant 23 : i32
      %dma_start3A_302 = arith.constant 0 : i32
      %dma_start3A_303 = tpu.memref_slice %arg6[%dma_start3A_301, %dma_start3A_302] : memref<128x64xf32, #tpu.memory_space<vmem>> -> memref<1x64xf32, #tpu.memory_space<vmem>>
      %dma_start3A_304 = arith.constant 0 : i32
      %dma_start3A_305 = tpu.memref_slice %arg3[%squeeze3A_295, %dma_start3A_304] : memref<1000001x64xf32, #tpu.memory_space<hbm>> -> memref<1x64xf32, #tpu.memory_space<hbm>>
      tpu.enqueue_dma source(%dma_start3A_305 : memref<1x64xf32, #tpu.memory_space<hbm>>) target(%dma_start3A_303 : memref<1x64xf32, #tpu.memory_space<vmem>>) target_semaphore(%arg7 : memref<!tpu.dma_semaphore, #tpu.memory_space<semaphore_mem>>)
      %slice3A_306 = vector.extract_strided_slice %get3A_209 {offsets = [8], sizes = [1], strides = [1]} : vector<16xi32> to vector<1xi32>
      %squeeze3A_307 = vector.extract %slice3A_306[0] : i32 from vector<1xi32>
      %dma_start3A_308 = arith.constant 24 : i32
      %dma_start3A_309 = arith.constant 0 : i32
      %dma_start3A_310 = tpu.memref_slice %arg6[%dma_start3A_308, %dma_start3A_309] : memref<128x64xf32, #tpu.memory_space<vmem>> -> memref<1x64xf32, #tpu.memory_space<vmem>>
      %dma_start3A_311 = arith.constant 0 : i32
      %dma_start3A_312 = tpu.memref_slice %arg3[%squeeze3A_307, %dma_start3A_311] : memref<1000001x64xf32, #tpu.memory_space<hbm>> -> memref<1x64xf32, #tpu.memory_space<hbm>>
      %dma_start3A_313 = arith.constant 24 : i32
      %dma_start3A_314 = arith.constant 0 : i32
      %dma_start3A_315 = tpu.memref_slice %arg6[%dma_start3A_313, %dma_start3A_314] : memref<128x64xf32, #tpu.memory_space<vmem>> -> memref<1x64xf32, #tpu.memory_space<vmem>>
      %dma_start3A_316 = arith.constant 0 : i32
      %dma_start3A_317 = tpu.memref_slice %arg3[%squeeze3A_307, %dma_start3A_316] : memref<1000001x64xf32, #tpu.memory_space<hbm>> -> memref<1x64xf32, #tpu.memory_space<hbm>>
      tpu.enqueue_dma source(%dma_start3A_317 : memref<1x64xf32, #tpu.memory_space<hbm>>) target(%dma_start3A_315 : memref<1x64xf32, #tpu.memory_space<vmem>>) target_semaphore(%arg7 : memref<!tpu.dma_semaphore, #tpu.memory_space<semaphore_mem>>)
      %slice3A_318 = vector.extract_strided_slice %get3A_209 {offsets = [9], sizes = [1], strides = [1]} : vector<16xi32> to vector<1xi32>
      %squeeze3A_319 = vector.extract %slice3A_318[0] : i32 from vector<1xi32>
      %dma_start3A_320 = arith.constant 25 : i32
      %dma_start3A_321 = arith.constant 0 : i32
      %dma_start3A_322 = tpu.memref_slice %arg6[%dma_start3A_320, %dma_start3A_321] : memref<128x64xf32, #tpu.memory_space<vmem>> -> memref<1x64xf32, #tpu.memory_space<vmem>>
      %dma_start3A_323 = arith.constant 0 : i32
      %dma_start3A_324 = tpu.memref_slice %arg3[%squeeze3A_319, %dma_start3A_323] : memref<1000001x64xf32, #tpu.memory_space<hbm>> -> memref<1x64xf32, #tpu.memory_space<hbm>>
      %dma_start3A_325 = arith.constant 25 : i32
      %dma_start3A_326 = arith.constant 0 : i32
      %dma_start3A_327 = tpu.memref_slice %arg6[%dma_start3A_325, %dma_start3A_326] : memref<128x64xf32, #tpu.memory_space<vmem>> -> memref<1x64xf32, #tpu.memory_space<vmem>>
      %dma_start3A_328 = arith.constant 0 : i32
      %dma_start3A_329 = tpu.memref_slice %arg3[%squeeze3A_319, %dma_start3A_328] : memref<1000001x64xf32, #tpu.memory_space<hbm>> -> memref<1x64xf32, #tpu.memory_space<hbm>>
      tpu.enqueue_dma source(%dma_start3A_329 : memref<1x64xf32, #tpu.memory_space<hbm>>) target(%dma_start3A_327 : memref<1x64xf32, #tpu.memory_space<vmem>>) target_semaphore(%arg7 : memref<!tpu.dma_semaphore, #tpu.memory_space<semaphore_mem>>)
      %slice3A_330 = vector.extract_strided_slice %get3A_209 {offsets = [10], sizes = [1], strides = [1]} : vector<16xi32> to vector<1xi32>
      %squeeze3A_331 = vector.extract %slice3A_330[0] : i32 from vector<1xi32>
      %dma_start3A_332 = arith.constant 26 : i32
      %dma_start3A_333 = arith.constant 0 : i32
      %dma_start3A_334 = tpu.memref_slice %arg6[%dma_start3A_332, %dma_start3A_333] : memref<128x64xf32, #tpu.memory_space<vmem>> -> memref<1x64xf32, #tpu.memory_space<vmem>>
      %dma_start3A_335 = arith.constant 0 : i32
      %dma_start3A_336 = tpu.memref_slice %arg3[%squeeze3A_331, %dma_start3A_335] : memref<1000001x64xf32, #tpu.memory_space<hbm>> -> memref<1x64xf32, #tpu.memory_space<hbm>>
      %dma_start3A_337 = arith.constant 26 : i32
      %dma_start3A_338 = arith.constant 0 : i32
      %dma_start3A_339 = tpu.memref_slice %arg6[%dma_start3A_337, %dma_start3A_338] : memref<128x64xf32, #tpu.memory_space<vmem>> -> memref<1x64xf32, #tpu.memory_space<vmem>>
      %dma_start3A_340 = arith.constant 0 : i32
      %dma_start3A_341 = tpu.memref_slice %arg3[%squeeze3A_331, %dma_start3A_340] : memref<1000001x64xf32, #tpu.memory_space<hbm>> -> memref<1x64xf32, #tpu.memory_space<hbm>>
      tpu.enqueue_dma source(%dma_start3A_341 : memref<1x64xf32, #tpu.memory_space<hbm>>) target(%dma_start3A_339 : memref<1x64xf32, #tpu.memory_space<vmem>>) target_semaphore(%arg7 : memref<!tpu.dma_semaphore, #tpu.memory_space<semaphore_mem>>)
      %slice3A_342 = vector.extract_strided_slice %get3A_209 {offsets = [11], sizes = [1], strides = [1]} : vector<16xi32> to vector<1xi32>
      %squeeze3A_343 = vector.extract %slice3A_342[0] : i32 from vector<1xi32>
      %dma_start3A_344 = arith.constant 27 : i32
      %dma_start3A_345 = arith.constant 0 : i32
      %dma_start3A_346 = tpu.memref_slice %arg6[%dma_start3A_344, %dma_start3A_345] : memref<128x64xf32, #tpu.memory_space<vmem>> -> memref<1x64xf32, #tpu.memory_space<vmem>>
      %dma_start3A_347 = arith.constant 0 : i32
      %dma_start3A_348 = tpu.memref_slice %arg3[%squeeze3A_343, %dma_start3A_347] : memref<1000001x64xf32, #tpu.memory_space<hbm>> -> memref<1x64xf32, #tpu.memory_space<hbm>>
      %dma_start3A_349 = arith.constant 27 : i32
      %dma_start3A_350 = arith.constant 0 : i32
      %dma_start3A_351 = tpu.memref_slice %arg6[%dma_start3A_349, %dma_start3A_350] : memref<128x64xf32, #tpu.memory_space<vmem>> -> memref<1x64xf32, #tpu.memory_space<vmem>>
      %dma_start3A_352 = arith.constant 0 : i32
      %dma_start3A_353 = tpu.memref_slice %arg3[%squeeze3A_343, %dma_start3A_352] : memref<1000001x64xf32, #tpu.memory_space<hbm>> -> memref<1x64xf32, #tpu.memory_space<hbm>>
      tpu.enqueue_dma source(%dma_start3A_353 : memref<1x64xf32, #tpu.memory_space<hbm>>) target(%dma_start3A_351 : memref<1x64xf32, #tpu.memory_space<vmem>>) target_semaphore(%arg7 : memref<!tpu.dma_semaphore, #tpu.memory_space<semaphore_mem>>)
      %slice3A_354 = vector.extract_strided_slice %get3A_209 {offsets = [12], sizes = [1], strides = [1]} : vector<16xi32> to vector<1xi32>
      %squeeze3A_355 = vector.extract %slice3A_354[0] : i32 from vector<1xi32>
      %dma_start3A_356 = arith.constant 28 : i32
      %dma_start3A_357 = arith.constant 0 : i32
      %dma_start3A_358 = tpu.memref_slice %arg6[%dma_start3A_356, %dma_start3A_357] : memref<128x64xf32, #tpu.memory_space<vmem>> -> memref<1x64xf32, #tpu.memory_space<vmem>>
      %dma_start3A_359 = arith.constant 0 : i32
      %dma_start3A_360 = tpu.memref_slice %arg3[%squeeze3A_355, %dma_start3A_359] : memref<1000001x64xf32, #tpu.memory_space<hbm>> -> memref<1x64xf32, #tpu.memory_space<hbm>>
      %dma_start3A_361 = arith.constant 28 : i32
      %dma_start3A_362 = arith.constant 0 : i32
      %dma_start3A_363 = tpu.memref_slice %arg6[%dma_start3A_361, %dma_start3A_362] : memref<128x64xf32, #tpu.memory_space<vmem>> -> memref<1x64xf32, #tpu.memory_space<vmem>>
      %dma_start3A_364 = arith.constant 0 : i32
      %dma_start3A_365 = tpu.memref_slice %arg3[%squeeze3A_355, %dma_start3A_364] : memref<1000001x64xf32, #tpu.memory_space<hbm>> -> memref<1x64xf32, #tpu.memory_space<hbm>>
      tpu.enqueue_dma source(%dma_start3A_365 : memref<1x64xf32, #tpu.memory_space<hbm>>) target(%dma_start3A_363 : memref<1x64xf32, #tpu.memory_space<vmem>>) target_semaphore(%arg7 : memref<!tpu.dma_semaphore, #tpu.memory_space<semaphore_mem>>)
      %slice3A_366 = vector.extract_strided_slice %get3A_209 {offsets = [13], sizes = [1], strides = [1]} : vector<16xi32> to vector<1xi32>
      %squeeze3A_367 = vector.extract %slice3A_366[0] : i32 from vector<1xi32>
      %dma_start3A_368 = arith.constant 29 : i32
      %dma_start3A_369 = arith.constant 0 : i32
      %dma_start3A_370 = tpu.memref_slice %arg6[%dma_start3A_368, %dma_start3A_369] : memref<128x64xf32, #tpu.memory_space<vmem>> -> memref<1x64xf32, #tpu.memory_space<vmem>>
      %dma_start3A_371 = arith.constant 0 : i32
      %dma_start3A_372 = tpu.memref_slice %arg3[%squeeze3A_367, %dma_start3A_371] : memref<1000001x64xf32, #tpu.memory_space<hbm>> -> memref<1x64xf32, #tpu.memory_space<hbm>>
      %dma_start3A_373 = arith.constant 29 : i32
      %dma_start3A_374 = arith.constant 0 : i32
      %dma_start3A_375 = tpu.memref_slice %arg6[%dma_start3A_373, %dma_start3A_374] : memref<128x64xf32, #tpu.memory_space<vmem>> -> memref<1x64xf32, #tpu.memory_space<vmem>>
      %dma_start3A_376 = arith.constant 0 : i32
      %dma_start3A_377 = tpu.memref_slice %arg3[%squeeze3A_367, %dma_start3A_376] : memref<1000001x64xf32, #tpu.memory_space<hbm>> -> memref<1x64xf32, #tpu.memory_space<hbm>>
      tpu.enqueue_dma source(%dma_start3A_377 : memref<1x64xf32, #tpu.memory_space<hbm>>) target(%dma_start3A_375 : memref<1x64xf32, #tpu.memory_space<vmem>>) target_semaphore(%arg7 : memref<!tpu.dma_semaphore, #tpu.memory_space<semaphore_mem>>)
      %slice3A_378 = vector.extract_strided_slice %get3A_209 {offsets = [14], sizes = [1], strides = [1]} : vector<16xi32> to vector<1xi32>
      %squeeze3A_379 = vector.extract %slice3A_378[0] : i32 from vector<1xi32>
      %dma_start3A_380 = arith.constant 30 : i32
      %dma_start3A_381 = arith.constant 0 : i32
      %dma_start3A_382 = tpu.memref_slice %arg6[%dma_start3A_380, %dma_start3A_381] : memref<128x64xf32, #tpu.memory_space<vmem>> -> memref<1x64xf32, #tpu.memory_space<vmem>>
      %dma_start3A_383 = arith.constant 0 : i32
      %dma_start3A_384 = tpu.memref_slice %arg3[%squeeze3A_379, %dma_start3A_383] : memref<1000001x64xf32, #tpu.memory_space<hbm>> -> memref<1x64xf32, #tpu.memory_space<hbm>>
      %dma_start3A_385 = arith.constant 30 : i32
      %dma_start3A_386 = arith.constant 0 : i32
      %dma_start3A_387 = tpu.memref_slice %arg6[%dma_start3A_385, %dma_start3A_386] : memref<128x64xf32, #tpu.memory_space<vmem>> -> memref<1x64xf32, #tpu.memory_space<vmem>>
      %dma_start3A_388 = arith.constant 0 : i32
      %dma_start3A_389 = tpu.memref_slice %arg3[%squeeze3A_379, %dma_start3A_388] : memref<1000001x64xf32, #tpu.memory_space<hbm>> -> memref<1x64xf32, #tpu.memory_space<hbm>>
      tpu.enqueue_dma source(%dma_start3A_389 : memref<1x64xf32, #tpu.memory_space<hbm>>) target(%dma_start3A_387 : memref<1x64xf32, #tpu.memory_space<vmem>>) target_semaphore(%arg7 : memref<!tpu.dma_semaphore, #tpu.memory_space<semaphore_mem>>)
      %slice3A_390 = vector.extract_strided_slice %get3A_209 {offsets = [15], sizes = [1], strides = [1]} : vector<16xi32> to vector<1xi32>
      %squeeze3A_391 = vector.extract %slice3A_390[0] : i32 from vector<1xi32>
      %dma_start3A_392 = arith.constant 31 : i32
      %dma_start3A_393 = arith.constant 0 : i32
      %dma_start3A_394 = tpu.memref_slice %arg6[%dma_start3A_392, %dma_start3A_393] : memref<128x64xf32, #tpu.memory_space<vmem>> -> memref<1x64xf32, #tpu.memory_space<vmem>>
      %dma_start3A_395 = arith.constant 0 : i32
      %dma_start3A_396 = tpu.memref_slice %arg3[%squeeze3A_391, %dma_start3A_395] : memref<1000001x64xf32, #tpu.memory_space<hbm>> -> memref<1x64xf32, #tpu.memory_space<hbm>>
      %dma_start3A_397 = arith.constant 31 : i32
      %dma_start3A_398 = arith.constant 0 : i32
      %dma_start3A_399 = tpu.memref_slice %arg6[%dma_start3A_397, %dma_start3A_398] : memref<128x64xf32, #tpu.memory_space<vmem>> -> memref<1x64xf32, #tpu.memory_space<vmem>>
      %dma_start3A_400 = arith.constant 0 : i32
      %dma_start3A_401 = tpu.memref_slice %arg3[%squeeze3A_391, %dma_start3A_400] : memref<1000001x64xf32, #tpu.memory_space<hbm>> -> memref<1x64xf32, #tpu.memory_space<hbm>>
      tpu.enqueue_dma source(%dma_start3A_401 : memref<1x64xf32, #tpu.memory_space<hbm>>) target(%dma_start3A_399 : memref<1x64xf32, #tpu.memory_space<vmem>>) target_semaphore(%arg7 : memref<!tpu.dma_semaphore, #tpu.memory_space<semaphore_mem>>)
      %add3A_402 = arith.constant 32 : i32
      %add3A_403 = arith.addi %mul3A_13, %add3A_402 : i32
      %get3A_404 = arith.index_cast %add3A_403 : i32 to index
      %get3A_405 = tpu.vector_load %arg5[%get3A_404] {strides = array<i32>} : memref<512xi32, #tpu.memory_space<vmem>>, vector<16xi32>,
      %slice3A_406 = vector.extract_strided_slice %get3A_405 {offsets = [0], sizes = [1], strides = [1]} : vector<16xi32> to vector<1xi32>
      %squeeze3A_407 = vector.extract %slice3A_406[0] : i32 from vector<1xi32>
      %dma_start3A_408 = arith.constant 32 : i32
      %dma_start3A_409 = arith.constant 0 : i32
      %dma_start3A_410 = tpu.memref_slice %arg6[%dma_start3A_408, %dma_start3A_409] : memref<128x64xf32, #tpu.memory_space<vmem>> -> memref<1x64xf32, #tpu.memory_space<vmem>>
      %dma_start3A_411 = arith.constant 0 : i32
      %dma_start3A_412 = tpu.memref_slice %arg3[%squeeze3A_407, %dma_start3A_411] : memref<1000001x64xf32, #tpu.memory_space<hbm>> -> memref<1x64xf32, #tpu.memory_space<hbm>>
      %dma_start3A_413 = arith.constant 32 : i32
      %dma_start3A_414 = arith.constant 0 : i32
      %dma_start3A_415 = tpu.memref_slice %arg6[%dma_start3A_413, %dma_start3A_414] : memref<128x64xf32, #tpu.memory_space<vmem>> -> memref<1x64xf32, #tpu.memory_space<vmem>>
      %dma_start3A_416 = arith.constant 0 : i32
      %dma_start3A_417 = tpu.memref_slice %arg3[%squeeze3A_407, %dma_start3A_416] : memref<1000001x64xf32, #tpu.memory_space<hbm>> -> memref<1x64xf32, #tpu.memory_space<hbm>>
      tpu.enqueue_dma source(%dma_start3A_417 : memref<1x64xf32, #tpu.memory_space<hbm>>) target(%dma_start3A_415 : memref<1x64xf32, #tpu.memory_space<vmem>>) target_semaphore(%arg7 : memref<!tpu.dma_semaphore, #tpu.memory_space<semaphore_mem>>)
      %slice3A_418 = vector.extract_strided_slice %get3A_405 {offsets = [1], sizes = [1], strides = [1]} : vector<16xi32> to vector<1xi32>
      %squeeze3A_419 = vector.extract %slice3A_418[0] : i32 from vector<1xi32>
      %dma_start3A_420 = arith.constant 33 : i32
      %dma_start3A_421 = arith.constant 0 : i32
      %dma_start3A_422 = tpu.memref_slice %arg6[%dma_start3A_420, %dma_start3A_421] : memref<128x64xf32, #tpu.memory_space<vmem>> -> memref<1x64xf32, #tpu.memory_space<vmem>>
      %dma_start3A_423 = arith.constant 0 : i32
      %dma_start3A_424 = tpu.memref_slice %arg3[%squeeze3A_419, %dma_start3A_423] : memref<1000001x64xf32, #tpu.memory_space<hbm>> -> memref<1x64xf32, #tpu.memory_space<hbm>>
      %dma_start3A_425 = arith.constant 33 : i32
      %dma_start3A_426 = arith.constant 0 : i32
      %dma_start3A_427 = tpu.memref_slice %arg6[%dma_start3A_425, %dma_start3A_426] : memref<128x64xf32, #tpu.memory_space<vmem>> -> memref<1x64xf32, #tpu.memory_space<vmem>>
      %dma_start3A_428 = arith.constant 0 : i32
      %dma_start3A_429 = tpu.memref_slice %arg3[%squeeze3A_419, %dma_start3A_428] : memref<1000001x64xf32, #tpu.memory_space<hbm>> -> memref<1x64xf32, #tpu.memory_space<hbm>>
      tpu.enqueue_dma source(%dma_start3A_429 : memref<1x64xf32, #tpu.memory_space<hbm>>) target(%dma_start3A_427 : memref<1x64xf32, #tpu.memory_space<vmem>>) target_semaphore(%arg7 : memref<!tpu.dma_semaphore, #tpu.memory_space<semaphore_mem>>)
      %slice3A_430 = vector.extract_strided_slice %get3A_405 {offsets = [2], sizes = [1], strides = [1]} : vector<16xi32> to vector<1xi32>
      %squeeze3A_431 = vector.extract %slice3A_430[0] : i32 from vector<1xi32>
      %dma_start3A_432 = arith.constant 34 : i32
      %dma_start3A_433 = arith.constant 0 : i32
      %dma_start3A_434 = tpu.memref_slice %arg6[%dma_start3A_432, %dma_start3A_433] : memref<128x64xf32, #tpu.memory_space<vmem>> -> memref<1x64xf32, #tpu.memory_space<vmem>>
      %dma_start3A_435 = arith.constant 0 : i32
      %dma_start3A_436 = tpu.memref_slice %arg3[%squeeze3A_431, %dma_start3A_435] : memref<1000001x64xf32, #tpu.memory_space<hbm>> -> memref<1x64xf32, #tpu.memory_space<hbm>>
      %dma_start3A_437 = arith.constant 34 : i32
      %dma_start3A_438 = arith.constant 0 : i32
      %dma_start3A_439 = tpu.memref_slice %arg6[%dma_start3A_437, %dma_start3A_438] : memref<128x64xf32, #tpu.memory_space<vmem>> -> memref<1x64xf32, #tpu.memory_space<vmem>>
      %dma_start3A_440 = arith.constant 0 : i32
      %dma_start3A_441 = tpu.memref_slice %arg3[%squeeze3A_431, %dma_start3A_440] : memref<1000001x64xf32, #tpu.memory_space<hbm>> -> memref<1x64xf32, #tpu.memory_space<hbm>>
      tpu.enqueue_dma source(%dma_start3A_441 : memref<1x64xf32, #tpu.memory_space<hbm>>) target(%dma_start3A_439 : memref<1x64xf32, #tpu.memory_space<vmem>>) target_semaphore(%arg7 : memref<!tpu.dma_semaphore, #tpu.memory_space<semaphore_mem>>)
      %slice3A_442 = vector.extract_strided_slice %get3A_405 {offsets = [3], sizes = [1], strides = [1]} : vector<16xi32> to vector<1xi32>
      %squeeze3A_443 = vector.extract %slice3A_442[0] : i32 from vector<1xi32>
      %dma_start3A_444 = arith.constant 35 : i32
      %dma_start3A_445 = arith.constant 0 : i32
      %dma_start3A_446 = tpu.memref_slice %arg6[%dma_start3A_444, %dma_start3A_445] : memref<128x64xf32, #tpu.memory_space<vmem>> -> memref<1x64xf32, #tpu.memory_space<vmem>>
      %dma_start3A_447 = arith.constant 0 : i32
      %dma_start3A_448 = tpu.memref_slice %arg3[%squeeze3A_443, %dma_start3A_447] : memref<1000001x64xf32, #tpu.memory_space<hbm>> -> memref<1x64xf32, #tpu.memory_space<hbm>>
      %dma_start3A_449 = arith.constant 35 : i32
      %dma_start3A_450 = arith.constant 0 : i32
      %dma_start3A_451 = tpu.memref_slice %arg6[%dma_start3A_449, %dma_start3A_450] : memref<128x64xf32, #tpu.memory_space<vmem>> -> memref<1x64xf32, #tpu.memory_space<vmem>>
      %dma_start3A_452 = arith.constant 0 : i32
      %dma_start3A_453 = tpu.memref_slice %arg3[%squeeze3A_443, %dma_start3A_452] : memref<1000001x64xf32, #tpu.memory_space<hbm>> -> memref<1x64xf32, #tpu.memory_space<hbm>>
      tpu.enqueue_dma source(%dma_start3A_453 : memref<1x64xf32, #tpu.memory_space<hbm>>) target(%dma_start3A_451 : memref<1x64xf32, #tpu.memory_space<vmem>>) target_semaphore(%arg7 : memref<!tpu.dma_semaphore, #tpu.memory_space<semaphore_mem>>)
      %slice3A_454 = vector.extract_strided_slice %get3A_405 {offsets = [4], sizes = [1], strides = [1]} : vector<16xi32> to vector<1xi32>
      %squeeze3A_455 = vector.extract %slice3A_454[0] : i32 from vector<1xi32>
      %dma_start3A_456 = arith.constant 36 : i32
      %dma_start3A_457 = arith.constant 0 : i32
      %dma_start3A_458 = tpu.memref_slice %arg6[%dma_start3A_456, %dma_start3A_457] : memref<128x64xf32, #tpu.memory_space<vmem>> -> memref<1x64xf32, #tpu.memory_space<vmem>>
      %dma_start3A_459 = arith.constant 0 : i32
      %dma_start3A_460 = tpu.memref_slice %arg3[%squeeze3A_455, %dma_start3A_459] : memref<1000001x64xf32, #tpu.memory_space<hbm>> -> memref<1x64xf32, #tpu.memory_space<hbm>>
      %dma_start3A_461 = arith.constant 36 : i32
      %dma_start3A_462 = arith.constant 0 : i32
      %dma_start3A_463 = tpu.memref_slice %arg6[%dma_start3A_461, %dma_start3A_462] : memref<128x64xf32, #tpu.memory_space<vmem>> -> memref<1x64xf32, #tpu.memory_space<vmem>>
      %dma_start3A_464 = arith.constant 0 : i32
      %dma_start3A_465 = tpu.memref_slice %arg3[%squeeze3A_455, %dma_start3A_464] : memref<1000001x64xf32, #tpu.memory_space<hbm>> -> memref<1x64xf32, #tpu.memory_space<hbm>>
      tpu.enqueue_dma source(%dma_start3A_465 : memref<1x64xf32, #tpu.memory_space<hbm>>) target(%dma_start3A_463 : memref<1x64xf32, #tpu.memory_space<vmem>>) target_semaphore(%arg7 : memref<!tpu.dma_semaphore, #tpu.memory_space<semaphore_mem>>)
      %slice3A_466 = vector.extract_strided_slice %get3A_405 {offsets = [5], sizes = [1], strides = [1]} : vector<16xi32> to vector<1xi32>
      %squeeze3A_467 = vector.extract %slice3A_466[0] : i32 from vector<1xi32>
      %dma_start3A_468 = arith.constant 37 : i32
      %dma_start3A_469 = arith.constant 0 : i32
      %dma_start3A_470 = tpu.memref_slice %arg6[%dma_start3A_468, %dma_start3A_469] : memref<128x64xf32, #tpu.memory_space<vmem>> -> memref<1x64xf32, #tpu.memory_space<vmem>>
      %dma_start3A_471 = arith.constant 0 : i32
      %dma_start3A_472 = tpu.memref_slice %arg3[%squeeze3A_467, %dma_start3A_471] : memref<1000001x64xf32, #tpu.memory_space<hbm>> -> memref<1x64xf32, #tpu.memory_space<hbm>>
      %dma_start3A_473 = arith.constant 37 : i32
      %dma_start3A_474 = arith.constant 0 : i32
      %dma_start3A_475 = tpu.memref_slice %arg6[%dma_start3A_473, %dma_start3A_474] : memref<128x64xf32, #tpu.memory_space<vmem>> -> memref<1x64xf32, #tpu.memory_space<vmem>>
      %dma_start3A_476 = arith.constant 0 : i32
      %dma_start3A_477 = tpu.memref_slice %arg3[%squeeze3A_467, %dma_start3A_476] : memref<1000001x64xf32, #tpu.memory_space<hbm>> -> memref<1x64xf32, #tpu.memory_space<hbm>>
      tpu.enqueue_dma source(%dma_start3A_477 : memref<1x64xf32, #tpu.memory_space<hbm>>) target(%dma_start3A_475 : memref<1x64xf32, #tpu.memory_space<vmem>>) target_semaphore(%arg7 : memref<!tpu.dma_semaphore, #tpu.memory_space<semaphore_mem>>)
      %slice3A_478 = vector.extract_strided_slice %get3A_405 {offsets = [6], sizes = [1], strides = [1]} : vector<16xi32> to vector<1xi32>
      %squeeze3A_479 = vector.extract %slice3A_478[0] : i32 from vector<1xi32>
      %dma_start3A_480 = arith.constant 38 : i32
      %dma_start3A_481 = arith.constant 0 : i32
      %dma_start3A_482 = tpu.memref_slice %arg6[%dma_start3A_480, %dma_start3A_481] : memref<128x64xf32, #tpu.memory_space<vmem>> -> memref<1x64xf32, #tpu.memory_space<vmem>>
      %dma_start3A_483 = arith.constant 0 : i32
      %dma_start3A_484 = tpu.memref_slice %arg3[%squeeze3A_479, %dma_start3A_483] : memref<1000001x64xf32, #tpu.memory_space<hbm>> -> memref<1x64xf32, #tpu.memory_space<hbm>>
      %dma_start3A_485 = arith.constant 38 : i32
      %dma_start3A_486 = arith.constant 0 : i32
      %dma_start3A_487 = tpu.memref_slice %arg6[%dma_start3A_485, %dma_start3A_486] : memref<128x64xf32, #tpu.memory_space<vmem>> -> memref<1x64xf32, #tpu.memory_space<vmem>>
      %dma_start3A_488 = arith.constant 0 : i32
      %dma_start3A_489 = tpu.memref_slice %arg3[%squeeze3A_479, %dma_start3A_488] : memref<1000001x64xf32, #tpu.memory_space<hbm>> -> memref<1x64xf32, #tpu.memory_space<hbm>>
      tpu.enqueue_dma source(%dma_start3A_489 : memref<1x64xf32, #tpu.memory_space<hbm>>) target(%dma_start3A_487 : memref<1x64xf32, #tpu.memory_space<vmem>>) target_semaphore(%arg7 : memref<!tpu.dma_semaphore, #tpu.memory_space<semaphore_mem>>)
      %slice3A_490 = vector.extract_strided_slice %get3A_405 {offsets = [7], sizes = [1], strides = [1]} : vector<16xi32> to vector<1xi32>
      %squeeze3A_491 = vector.extract %slice3A_490[0] : i32 from vector<1xi32>
      %dma_start3A_492 = arith.constant 39 : i32
      %dma_start3A_493 = arith.constant 0 : i32
      %dma_start3A_494 = tpu.memref_slice %arg6[%dma_start3A_492, %dma_start3A_493] : memref<128x64xf32, #tpu.memory_space<vmem>> -> memref<1x64xf32, #tpu.memory_space<vmem>>
      %dma_start3A_495 = arith.constant 0 : i32
      %dma_start3A_496 = tpu.memref_slice %arg3[%squeeze3A_491, %dma_start3A_495] : memref<1000001x64xf32, #tpu.memory_space<hbm>> -> memref<1x64xf32, #tpu.memory_space<hbm>>
      %dma_start3A_497 = arith.constant 39 : i32
      %dma_start3A_498 = arith.constant 0 : i32
      %dma_start3A_499 = tpu.memref_slice %arg6[%dma_start3A_497, %dma_start3A_498] : memref<128x64xf32, #tpu.memory_space<vmem>> -> memref<1x64xf32, #tpu.memory_space<vmem>>
      %dma_start3A_500 = arith.constant 0 : i32
      %dma_start3A_501 = tpu.memref_slice %arg3[%squeeze3A_491, %dma_start3A_500] : memref<1000001x64xf32, #tpu.memory_space<hbm>> -> memref<1x64xf32, #tpu.memory_space<hbm>>
      tpu.enqueue_dma source(%dma_start3A_501 : memref<1x64xf32, #tpu.memory_space<hbm>>) target(%dma_start3A_499 : memref<1x64xf32, #tpu.memory_space<vmem>>) target_semaphore(%arg7 : memref<!tpu.dma_semaphore, #tpu.memory_space<semaphore_mem>>)
      %slice3A_502 = vector.extract_strided_slice %get3A_405 {offsets = [8], sizes = [1], strides = [1]} : vector<16xi32> to vector<1xi32>
      %squeeze3A_503 = vector.extract %slice3A_502[0] : i32 from vector<1xi32>
      %dma_start3A_504 = arith.constant 40 : i32
      %dma_start3A_505 = arith.constant 0 : i32
      %dma_start3A_506 = tpu.memref_slice %arg6[%dma_start3A_504, %dma_start3A_505] : memref<128x64xf32, #tpu.memory_space<vmem>> -> memref<1x64xf32, #tpu.memory_space<vmem>>
      %dma_start3A_507 = arith.constant 0 : i32
      %dma_start3A_508 = tpu.memref_slice %arg3[%squeeze3A_503, %dma_start3A_507] : memref<1000001x64xf32, #tpu.memory_space<hbm>> -> memref<1x64xf32, #tpu.memory_space<hbm>>
      %dma_start3A_509 = arith.constant 40 : i32
      %dma_start3A_510 = arith.constant 0 : i32
      %dma_start3A_511 = tpu.memref_slice %arg6[%dma_start3A_509, %dma_start3A_510] : memref<128x64xf32, #tpu.memory_space<vmem>> -> memref<1x64xf32, #tpu.memory_space<vmem>>
      %dma_start3A_512 = arith.constant 0 : i32
      %dma_start3A_513 = tpu.memref_slice %arg3[%squeeze3A_503, %dma_start3A_512] : memref<1000001x64xf32, #tpu.memory_space<hbm>> -> memref<1x64xf32, #tpu.memory_space<hbm>>
      tpu.enqueue_dma source(%dma_start3A_513 : memref<1x64xf32, #tpu.memory_space<hbm>>) target(%dma_start3A_511 : memref<1x64xf32, #tpu.memory_space<vmem>>) target_semaphore(%arg7 : memref<!tpu.dma_semaphore, #tpu.memory_space<semaphore_mem>>)
      %slice3A_514 = vector.extract_strided_slice %get3A_405 {offsets = [9], sizes = [1], strides = [1]} : vector<16xi32> to vector<1xi32>
      %squeeze3A_515 = vector.extract %slice3A_514[0] : i32 from vector<1xi32>
      %dma_start3A_516 = arith.constant 41 : i32
      %dma_start3A_517 = arith.constant 0 : i32
      %dma_start3A_518 = tpu.memref_slice %arg6[%dma_start3A_516, %dma_start3A_517] : memref<128x64xf32, #tpu.memory_space<vmem>> -> memref<1x64xf32, #tpu.memory_space<vmem>>
      %dma_start3A_519 = arith.constant 0 : i32
      %dma_start3A_520 = tpu.memref_slice %arg3[%squeeze3A_515, %dma_start3A_519] : memref<1000001x64xf32, #tpu.memory_space<hbm>> -> memref<1x64xf32, #tpu.memory_space<hbm>>
      %dma_start3A_521 = arith.constant 41 : i32
      %dma_start3A_522 = arith.constant 0 : i32
      %dma_start3A_523 = tpu.memref_slice %arg6[%dma_start3A_521, %dma_start3A_522] : memref<128x64xf32, #tpu.memory_space<vmem>> -> memref<1x64xf32, #tpu.memory_space<vmem>>
      %dma_start3A_524 = arith.constant 0 : i32
      %dma_start3A_525 = tpu.memref_slice %arg3[%squeeze3A_515, %dma_start3A_524] : memref<1000001x64xf32, #tpu.memory_space<hbm>> -> memref<1x64xf32, #tpu.memory_space<hbm>>
      tpu.enqueue_dma source(%dma_start3A_525 : memref<1x64xf32, #tpu.memory_space<hbm>>) target(%dma_start3A_523 : memref<1x64xf32, #tpu.memory_space<vmem>>) target_semaphore(%arg7 : memref<!tpu.dma_semaphore, #tpu.memory_space<semaphore_mem>>)
      %slice3A_526 = vector.extract_strided_slice %get3A_405 {offsets = [10], sizes = [1], strides = [1]} : vector<16xi32> to vector<1xi32>
      %squeeze3A_527 = vector.extract %slice3A_526[0] : i32 from vector<1xi32>
      %dma_start3A_528 = arith.constant 42 : i32
      %dma_start3A_529 = arith.constant 0 : i32
      %dma_start3A_530 = tpu.memref_slice %arg6[%dma_start3A_528, %dma_start3A_529] : memref<128x64xf32, #tpu.memory_space<vmem>> -> memref<1x64xf32, #tpu.memory_space<vmem>>
      %dma_start3A_531 = arith.constant 0 : i32
      %dma_start3A_532 = tpu.memref_slice %arg3[%squeeze3A_527, %dma_start3A_531] : memref<1000001x64xf32, #tpu.memory_space<hbm>> -> memref<1x64xf32, #tpu.memory_space<hbm>>
      %dma_start3A_533 = arith.constant 42 : i32
      %dma_start3A_534 = arith.constant 0 : i32
      %dma_start3A_535 = tpu.memref_slice %arg6[%dma_start3A_533, %dma_start3A_534] : memref<128x64xf32, #tpu.memory_space<vmem>> -> memref<1x64xf32, #tpu.memory_space<vmem>>
      %dma_start3A_536 = arith.constant 0 : i32
      %dma_start3A_537 = tpu.memref_slice %arg3[%squeeze3A_527, %dma_start3A_536] : memref<1000001x64xf32, #tpu.memory_space<hbm>> -> memref<1x64xf32, #tpu.memory_space<hbm>>
      tpu.enqueue_dma source(%dma_start3A_537 : memref<1x64xf32, #tpu.memory_space<hbm>>) target(%dma_start3A_535 : memref<1x64xf32, #tpu.memory_space<vmem>>) target_semaphore(%arg7 : memref<!tpu.dma_semaphore, #tpu.memory_space<semaphore_mem>>)
      %slice3A_538 = vector.extract_strided_slice %get3A_405 {offsets = [11], sizes = [1], strides = [1]} : vector<16xi32> to vector<1xi32>
      %squeeze3A_539 = vector.extract %slice3A_538[0] : i32 from vector<1xi32>
      %dma_start3A_540 = arith.constant 43 : i32
      %dma_start3A_541 = arith.constant 0 : i32
      %dma_start3A_542 = tpu.memref_slice %arg6[%dma_start3A_540, %dma_start3A_541] : memref<128x64xf32, #tpu.memory_space<vmem>> -> memref<1x64xf32, #tpu.memory_space<vmem>>
      %dma_start3A_543 = arith.constant 0 : i32
      %dma_start3A_544 = tpu.memref_slice %arg3[%squeeze3A_539, %dma_start3A_543] : memref<1000001x64xf32, #tpu.memory_space<hbm>> -> memref<1x64xf32, #tpu.memory_space<hbm>>
      %dma_start3A_545 = arith.constant 43 : i32
      %dma_start3A_546 = arith.constant 0 : i32
      %dma_start3A_547 = tpu.memref_slice %arg6[%dma_start3A_545, %dma_start3A_546] : memref<128x64xf32, #tpu.memory_space<vmem>> -> memref<1x64xf32, #tpu.memory_space<vmem>>
      %dma_start3A_548 = arith.constant 0 : i32
      %dma_start3A_549 = tpu.memref_slice %arg3[%squeeze3A_539, %dma_start3A_548] : memref<1000001x64xf32, #tpu.memory_space<hbm>> -> memref<1x64xf32, #tpu.memory_space<hbm>>
      tpu.enqueue_dma source(%dma_start3A_549 : memref<1x64xf32, #tpu.memory_space<hbm>>) target(%dma_start3A_547 : memref<1x64xf32, #tpu.memory_space<vmem>>) target_semaphore(%arg7 : memref<!tpu.dma_semaphore, #tpu.memory_space<semaphore_mem>>)
      %slice3A_550 = vector.extract_strided_slice %get3A_405 {offsets = [12], sizes = [1], strides = [1]} : vector<16xi32> to vector<1xi32>
      %squeeze3A_551 = vector.extract %slice3A_550[0] : i32 from vector<1xi32>
      %dma_start3A_552 = arith.constant 44 : i32
      %dma_start3A_553 = arith.constant 0 : i32
      %dma_start3A_554 = tpu.memref_slice %arg6[%dma_start3A_552, %dma_start3A_553] : memref<128x64xf32, #tpu.memory_space<vmem>> -> memref<1x64xf32, #tpu.memory_space<vmem>>
      %dma_start3A_555 = arith.constant 0 : i32
      %dma_start3A_556 = tpu.memref_slice %arg3[%squeeze3A_551, %dma_start3A_555] : memref<1000001x64xf32, #tpu.memory_space<hbm>> -> memref<1x64xf32, #tpu.memory_space<hbm>>
      %dma_start3A_557 = arith.constant 44 : i32
      %dma_start3A_558 = arith.constant 0 : i32
      %dma_start3A_559 = tpu.memref_slice %arg6[%dma_start3A_557, %dma_start3A_558] : memref<128x64xf32, #tpu.memory_space<vmem>> -> memref<1x64xf32, #tpu.memory_space<vmem>>
      %dma_start3A_560 = arith.constant 0 : i32
      %dma_start3A_561 = tpu.memref_slice %arg3[%squeeze3A_551, %dma_start3A_560] : memref<1000001x64xf32, #tpu.memory_space<hbm>> -> memref<1x64xf32, #tpu.memory_space<hbm>>
      tpu.enqueue_dma source(%dma_start3A_561 : memref<1x64xf32, #tpu.memory_space<hbm>>) target(%dma_start3A_559 : memref<1x64xf32, #tpu.memory_space<vmem>>) target_semaphore(%arg7 : memref<!tpu.dma_semaphore, #tpu.memory_space<semaphore_mem>>)
      %slice3A_562 = vector.extract_strided_slice %get3A_405 {offsets = [13], sizes = [1], strides = [1]} : vector<16xi32> to vector<1xi32>
      %squeeze3A_563 = vector.extract %slice3A_562[0] : i32 from vector<1xi32>
      %dma_start3A_564 = arith.constant 45 : i32
      %dma_start3A_565 = arith.constant 0 : i32
      %dma_start3A_566 = tpu.memref_slice %arg6[%dma_start3A_564, %dma_start3A_565] : memref<128x64xf32, #tpu.memory_space<vmem>> -> memref<1x64xf32, #tpu.memory_space<vmem>>
      %dma_start3A_567 = arith.constant 0 : i32
      %dma_start3A_568 = tpu.memref_slice %arg3[%squeeze3A_563, %dma_start3A_567] : memref<1000001x64xf32, #tpu.memory_space<hbm>> -> memref<1x64xf32, #tpu.memory_space<hbm>>
      %dma_start3A_569 = arith.constant 45 : i32
      %dma_start3A_570 = arith.constant 0 : i32
      %dma_start3A_571 = tpu.memref_slice %arg6[%dma_start3A_569, %dma_start3A_570] : memref<128x64xf32, #tpu.memory_space<vmem>> -> memref<1x64xf32, #tpu.memory_space<vmem>>
      %dma_start3A_572 = arith.constant 0 : i32
      %dma_start3A_573 = tpu.memref_slice %arg3[%squeeze3A_563, %dma_start3A_572] : memref<1000001x64xf32, #tpu.memory_space<hbm>> -> memref<1x64xf32, #tpu.memory_space<hbm>>
      tpu.enqueue_dma source(%dma_start3A_573 : memref<1x64xf32, #tpu.memory_space<hbm>>) target(%dma_start3A_571 : memref<1x64xf32, #tpu.memory_space<vmem>>) target_semaphore(%arg7 : memref<!tpu.dma_semaphore, #tpu.memory_space<semaphore_mem>>)
      %slice3A_574 = vector.extract_strided_slice %get3A_405 {offsets = [14], sizes = [1], strides = [1]} : vector<16xi32> to vector<1xi32>
      %squeeze3A_575 = vector.extract %slice3A_574[0] : i32 from vector<1xi32>
      %dma_start3A_576 = arith.constant 46 : i32
      %dma_start3A_577 = arith.constant 0 : i32
      %dma_start3A_578 = tpu.memref_slice %arg6[%dma_start3A_576, %dma_start3A_577] : memref<128x64xf32, #tpu.memory_space<vmem>> -> memref<1x64xf32, #tpu.memory_space<vmem>>
      %dma_start3A_579 = arith.constant 0 : i32
      %dma_start3A_580 = tpu.memref_slice %arg3[%squeeze3A_575, %dma_start3A_579] : memref<1000001x64xf32, #tpu.memory_space<hbm>> -> memref<1x64xf32, #tpu.memory_space<hbm>>
      %dma_start3A_581 = arith.constant 46 : i32
      %dma_start3A_582 = arith.constant 0 : i32
      %dma_start3A_583 = tpu.memref_slice %arg6[%dma_start3A_581, %dma_start3A_582] : memref<128x64xf32, #tpu.memory_space<vmem>> -> memref<1x64xf32, #tpu.memory_space<vmem>>
      %dma_start3A_584 = arith.constant 0 : i32
      %dma_start3A_585 = tpu.memref_slice %arg3[%squeeze3A_575, %dma_start3A_584] : memref<1000001x64xf32, #tpu.memory_space<hbm>> -> memref<1x64xf32, #tpu.memory_space<hbm>>
      tpu.enqueue_dma source(%dma_start3A_585 : memref<1x64xf32, #tpu.memory_space<hbm>>) target(%dma_start3A_583 : memref<1x64xf32, #tpu.memory_space<vmem>>) target_semaphore(%arg7 : memref<!tpu.dma_semaphore, #tpu.memory_space<semaphore_mem>>)
      %slice3A_586 = vector.extract_strided_slice %get3A_405 {offsets = [15], sizes = [1], strides = [1]} : vector<16xi32> to vector<1xi32>
      %squeeze3A_587 = vector.extract %slice3A_586[0] : i32 from vector<1xi32>
      %dma_start3A_588 = arith.constant 47 : i32
      %dma_start3A_589 = arith.constant 0 : i32
      %dma_start3A_590 = tpu.memref_slice %arg6[%dma_start3A_588, %dma_start3A_589] : memref<128x64xf32, #tpu.memory_space<vmem>> -> memref<1x64xf32, #tpu.memory_space<vmem>>
      %dma_start3A_591 = arith.constant 0 : i32
      %dma_start3A_592 = tpu.memref_slice %arg3[%squeeze3A_587, %dma_start3A_591] : memref<1000001x64xf32, #tpu.memory_space<hbm>> -> memref<1x64xf32, #tpu.memory_space<hbm>>
      %dma_start3A_593 = arith.constant 47 : i32
      %dma_start3A_594 = arith.constant 0 : i32
      %dma_start3A_595 = tpu.memref_slice %arg6[%dma_start3A_593, %dma_start3A_594] : memref<128x64xf32, #tpu.memory_space<vmem>> -> memref<1x64xf32, #tpu.memory_space<vmem>>
      %dma_start3A_596 = arith.constant 0 : i32
      %dma_start3A_597 = tpu.memref_slice %arg3[%squeeze3A_587, %dma_start3A_596] : memref<1000001x64xf32, #tpu.memory_space<hbm>> -> memref<1x64xf32, #tpu.memory_space<hbm>>
      tpu.enqueue_dma source(%dma_start3A_597 : memref<1x64xf32, #tpu.memory_space<hbm>>) target(%dma_start3A_595 : memref<1x64xf32, #tpu.memory_space<vmem>>) target_semaphore(%arg7 : memref<!tpu.dma_semaphore, #tpu.memory_space<semaphore_mem>>)
      %add3A_598 = arith.constant 48 : i32
      %add3A_599 = arith.addi %mul3A_13, %add3A_598 : i32
      %get3A_600 = arith.index_cast %add3A_599 : i32 to index
      %get3A_601 = tpu.vector_load %arg5[%get3A_600] {strides = array<i32>} : memref<512xi32, #tpu.memory_space<vmem>>, vector<16xi32>,
      %slice3A_602 = vector.extract_strided_slice %get3A_601 {offsets = [0], sizes = [1], strides = [1]} : vector<16xi32> to vector<1xi32>
      %squeeze3A_603 = vector.extract %slice3A_602[0] : i32 from vector<1xi32>
      %dma_start3A_604 = arith.constant 48 : i32
      %dma_start3A_605 = arith.constant 0 : i32
      %dma_start3A_606 = tpu.memref_slice %arg6[%dma_start3A_604, %dma_start3A_605] : memref<128x64xf32, #tpu.memory_space<vmem>> -> memref<1x64xf32, #tpu.memory_space<vmem>>
      %dma_start3A_607 = arith.constant 0 : i32
      %dma_start3A_608 = tpu.memref_slice %arg3[%squeeze3A_603, %dma_start3A_607] : memref<1000001x64xf32, #tpu.memory_space<hbm>> -> memref<1x64xf32, #tpu.memory_space<hbm>>
      %dma_start3A_609 = arith.constant 48 : i32
      %dma_start3A_610 = arith.constant 0 : i32
      %dma_start3A_611 = tpu.memref_slice %arg6[%dma_start3A_609, %dma_start3A_610] : memref<128x64xf32, #tpu.memory_space<vmem>> -> memref<1x64xf32, #tpu.memory_space<vmem>>
      %dma_start3A_612 = arith.constant 0 : i32
      %dma_start3A_613 = tpu.memref_slice %arg3[%squeeze3A_603, %dma_start3A_612] : memref<1000001x64xf32, #tpu.memory_space<hbm>> -> memref<1x64xf32, #tpu.memory_space<hbm>>
      tpu.enqueue_dma source(%dma_start3A_613 : memref<1x64xf32, #tpu.memory_space<hbm>>) target(%dma_start3A_611 : memref<1x64xf32, #tpu.memory_space<vmem>>) target_semaphore(%arg7 : memref<!tpu.dma_semaphore, #tpu.memory_space<semaphore_mem>>)
      %slice3A_614 = vector.extract_strided_slice %get3A_601 {offsets = [1], sizes = [1], strides = [1]} : vector<16xi32> to vector<1xi32>
      %squeeze3A_615 = vector.extract %slice3A_614[0] : i32 from vector<1xi32>
      %dma_start3A_616 = arith.constant 49 : i32
      %dma_start3A_617 = arith.constant 0 : i32
      %dma_start3A_618 = tpu.memref_slice %arg6[%dma_start3A_616, %dma_start3A_617] : memref<128x64xf32, #tpu.memory_space<vmem>> -> memref<1x64xf32, #tpu.memory_space<vmem>>
      %dma_start3A_619 = arith.constant 0 : i32
      %dma_start3A_620 = tpu.memref_slice %arg3[%squeeze3A_615, %dma_start3A_619] : memref<1000001x64xf32, #tpu.memory_space<hbm>> -> memref<1x64xf32, #tpu.memory_space<hbm>>
      %dma_start3A_621 = arith.constant 49 : i32
      %dma_start3A_622 = arith.constant 0 : i32
      %dma_start3A_623 = tpu.memref_slice %arg6[%dma_start3A_621, %dma_start3A_622] : memref<128x64xf32, #tpu.memory_space<vmem>> -> memref<1x64xf32, #tpu.memory_space<vmem>>
      %dma_start3A_624 = arith.constant 0 : i32
      %dma_start3A_625 = tpu.memref_slice %arg3[%squeeze3A_615, %dma_start3A_624] : memref<1000001x64xf32, #tpu.memory_space<hbm>> -> memref<1x64xf32, #tpu.memory_space<hbm>>
      tpu.enqueue_dma source(%dma_start3A_625 : memref<1x64xf32, #tpu.memory_space<hbm>>) target(%dma_start3A_623 : memref<1x64xf32, #tpu.memory_space<vmem>>) target_semaphore(%arg7 : memref<!tpu.dma_semaphore, #tpu.memory_space<semaphore_mem>>)
      %slice3A_626 = vector.extract_strided_slice %get3A_601 {offsets = [2], sizes = [1], strides = [1]} : vector<16xi32> to vector<1xi32>
      %squeeze3A_627 = vector.extract %slice3A_626[0] : i32 from vector<1xi32>
      %dma_start3A_628 = arith.constant 50 : i32
      %dma_start3A_629 = arith.constant 0 : i32
      %dma_start3A_630 = tpu.memref_slice %arg6[%dma_start3A_628, %dma_start3A_629] : memref<128x64xf32, #tpu.memory_space<vmem>> -> memref<1x64xf32, #tpu.memory_space<vmem>>
      %dma_start3A_631 = arith.constant 0 : i32
      %dma_start3A_632 = tpu.memref_slice %arg3[%squeeze3A_627, %dma_start3A_631] : memref<1000001x64xf32, #tpu.memory_space<hbm>> -> memref<1x64xf32, #tpu.memory_space<hbm>>
      %dma_start3A_633 = arith.constant 50 : i32
      %dma_start3A_634 = arith.constant 0 : i32
      %dma_start3A_635 = tpu.memref_slice %arg6[%dma_start3A_633, %dma_start3A_634] : memref<128x64xf32, #tpu.memory_space<vmem>> -> memref<1x64xf32, #tpu.memory_space<vmem>>
      %dma_start3A_636 = arith.constant 0 : i32
      %dma_start3A_637 = tpu.memref_slice %arg3[%squeeze3A_627, %dma_start3A_636] : memref<1000001x64xf32, #tpu.memory_space<hbm>> -> memref<1x64xf32, #tpu.memory_space<hbm>>
      tpu.enqueue_dma source(%dma_start3A_637 : memref<1x64xf32, #tpu.memory_space<hbm>>) target(%dma_start3A_635 : memref<1x64xf32, #tpu.memory_space<vmem>>) target_semaphore(%arg7 : memref<!tpu.dma_semaphore, #tpu.memory_space<semaphore_mem>>)
      %slice3A_638 = vector.extract_strided_slice %get3A_601 {offsets = [3], sizes = [1], strides = [1]} : vector<16xi32> to vector<1xi32>
      %squeeze3A_639 = vector.extract %slice3A_638[0] : i32 from vector<1xi32>
      %dma_start3A_640 = arith.constant 51 : i32
      %dma_start3A_641 = arith.constant 0 : i32
      %dma_start3A_642 = tpu.memref_slice %arg6[%dma_start3A_640, %dma_start3A_641] : memref<128x64xf32, #tpu.memory_space<vmem>> -> memref<1x64xf32, #tpu.memory_space<vmem>>
      %dma_start3A_643 = arith.constant 0 : i32
      %dma_start3A_644 = tpu.memref_slice %arg3[%squeeze3A_639, %dma_start3A_643] : memref<1000001x64xf32, #tpu.memory_space<hbm>> -> memref<1x64xf32, #tpu.memory_space<hbm>>
      %dma_start3A_645 = arith.constant 51 : i32
      %dma_start3A_646 = arith.constant 0 : i32
      %dma_start3A_647 = tpu.memref_slice %arg6[%dma_start3A_645, %dma_start3A_646] : memref<128x64xf32, #tpu.memory_space<vmem>> -> memref<1x64xf32, #tpu.memory_space<vmem>>
      %dma_start3A_648 = arith.constant 0 : i32
      %dma_start3A_649 = tpu.memref_slice %arg3[%squeeze3A_639, %dma_start3A_648] : memref<1000001x64xf32, #tpu.memory_space<hbm>> -> memref<1x64xf32, #tpu.memory_space<hbm>>
      tpu.enqueue_dma source(%dma_start3A_649 : memref<1x64xf32, #tpu.memory_space<hbm>>) target(%dma_start3A_647 : memref<1x64xf32, #tpu.memory_space<vmem>>) target_semaphore(%arg7 : memref<!tpu.dma_semaphore, #tpu.memory_space<semaphore_mem>>)
      %slice3A_650 = vector.extract_strided_slice %get3A_601 {offsets = [4], sizes = [1], strides = [1]} : vector<16xi32> to vector<1xi32>
      %squeeze3A_651 = vector.extract %slice3A_650[0] : i32 from vector<1xi32>
      %dma_start3A_652 = arith.constant 52 : i32
      %dma_start3A_653 = arith.constant 0 : i32
      %dma_start3A_654 = tpu.memref_slice %arg6[%dma_start3A_652, %dma_start3A_653] : memref<128x64xf32, #tpu.memory_space<vmem>> -> memref<1x64xf32, #tpu.memory_space<vmem>>
      %dma_start3A_655 = arith.constant 0 : i32
      %dma_start3A_656 = tpu.memref_slice %arg3[%squeeze3A_651, %dma_start3A_655] : memref<1000001x64xf32, #tpu.memory_space<hbm>> -> memref<1x64xf32, #tpu.memory_space<hbm>>
      %dma_start3A_657 = arith.constant 52 : i32
      %dma_start3A_658 = arith.constant 0 : i32
      %dma_start3A_659 = tpu.memref_slice %arg6[%dma_start3A_657, %dma_start3A_658] : memref<128x64xf32, #tpu.memory_space<vmem>> -> memref<1x64xf32, #tpu.memory_space<vmem>>
      %dma_start3A_660 = arith.constant 0 : i32
      %dma_start3A_661 = tpu.memref_slice %arg3[%squeeze3A_651, %dma_start3A_660] : memref<1000001x64xf32, #tpu.memory_space<hbm>> -> memref<1x64xf32, #tpu.memory_space<hbm>>
      tpu.enqueue_dma source(%dma_start3A_661 : memref<1x64xf32, #tpu.memory_space<hbm>>) target(%dma_start3A_659 : memref<1x64xf32, #tpu.memory_space<vmem>>) target_semaphore(%arg7 : memref<!tpu.dma_semaphore, #tpu.memory_space<semaphore_mem>>)
      %slice3A_662 = vector.extract_strided_slice %get3A_601 {offsets = [5], sizes = [1], strides = [1]} : vector<16xi32> to vector<1xi32>
      %squeeze3A_663 = vector.extract %slice3A_662[0] : i32 from vector<1xi32>
      %dma_start3A_664 = arith.constant 53 : i32
      %dma_start3A_665 = arith.constant 0 : i32
      %dma_start3A_666 = tpu.memref_slice %arg6[%dma_start3A_664, %dma_start3A_665] : memref<128x64xf32, #tpu.memory_space<vmem>> -> memref<1x64xf32, #tpu.memory_space<vmem>>
      %dma_start3A_667 = arith.constant 0 : i32
      %dma_start3A_668 = tpu.memref_slice %arg3[%squeeze3A_663, %dma_start3A_667] : memref<1000001x64xf32, #tpu.memory_space<hbm>> -> memref<1x64xf32, #tpu.memory_space<hbm>>
      %dma_start3A_669 = arith.constant 53 : i32
      %dma_start3A_670 = arith.constant 0 : i32
      %dma_start3A_671 = tpu.memref_slice %arg6[%dma_start3A_669, %dma_start3A_670] : memref<128x64xf32, #tpu.memory_space<vmem>> -> memref<1x64xf32, #tpu.memory_space<vmem>>
      %dma_start3A_672 = arith.constant 0 : i32
      %dma_start3A_673 = tpu.memref_slice %arg3[%squeeze3A_663, %dma_start3A_672] : memref<1000001x64xf32, #tpu.memory_space<hbm>> -> memref<1x64xf32, #tpu.memory_space<hbm>>
      tpu.enqueue_dma source(%dma_start3A_673 : memref<1x64xf32, #tpu.memory_space<hbm>>) target(%dma_start3A_671 : memref<1x64xf32, #tpu.memory_space<vmem>>) target_semaphore(%arg7 : memref<!tpu.dma_semaphore, #tpu.memory_space<semaphore_mem>>)
      %slice3A_674 = vector.extract_strided_slice %get3A_601 {offsets = [6], sizes = [1], strides = [1]} : vector<16xi32> to vector<1xi32>
      %squeeze3A_675 = vector.extract %slice3A_674[0] : i32 from vector<1xi32>
      %dma_start3A_676 = arith.constant 54 : i32
      %dma_start3A_677 = arith.constant 0 : i32
      %dma_start3A_678 = tpu.memref_slice %arg6[%dma_start3A_676, %dma_start3A_677] : memref<128x64xf32, #tpu.memory_space<vmem>> -> memref<1x64xf32, #tpu.memory_space<vmem>>
      %dma_start3A_679 = arith.constant 0 : i32
      %dma_start3A_680 = tpu.memref_slice %arg3[%squeeze3A_675, %dma_start3A_679] : memref<1000001x64xf32, #tpu.memory_space<hbm>> -> memref<1x64xf32, #tpu.memory_space<hbm>>
      %dma_start3A_681 = arith.constant 54 : i32
      %dma_start3A_682 = arith.constant 0 : i32
      %dma_start3A_683 = tpu.memref_slice %arg6[%dma_start3A_681, %dma_start3A_682] : memref<128x64xf32, #tpu.memory_space<vmem>> -> memref<1x64xf32, #tpu.memory_space<vmem>>
      %dma_start3A_684 = arith.constant 0 : i32
      %dma_start3A_685 = tpu.memref_slice %arg3[%squeeze3A_675, %dma_start3A_684] : memref<1000001x64xf32, #tpu.memory_space<hbm>> -> memref<1x64xf32, #tpu.memory_space<hbm>>
      tpu.enqueue_dma source(%dma_start3A_685 : memref<1x64xf32, #tpu.memory_space<hbm>>) target(%dma_start3A_683 : memref<1x64xf32, #tpu.memory_space<vmem>>) target_semaphore(%arg7 : memref<!tpu.dma_semaphore, #tpu.memory_space<semaphore_mem>>)
      %slice3A_686 = vector.extract_strided_slice %get3A_601 {offsets = [7], sizes = [1], strides = [1]} : vector<16xi32> to vector<1xi32>
      %squeeze3A_687 = vector.extract %slice3A_686[0] : i32 from vector<1xi32>
      %dma_start3A_688 = arith.constant 55 : i32
      %dma_start3A_689 = arith.constant 0 : i32
      %dma_start3A_690 = tpu.memref_slice %arg6[%dma_start3A_688, %dma_start3A_689] : memref<128x64xf32, #tpu.memory_space<vmem>> -> memref<1x64xf32, #tpu.memory_space<vmem>>
      %dma_start3A_691 = arith.constant 0 : i32
      %dma_start3A_692 = tpu.memref_slice %arg3[%squeeze3A_687, %dma_start3A_691] : memref<1000001x64xf32, #tpu.memory_space<hbm>> -> memref<1x64xf32, #tpu.memory_space<hbm>>
      %dma_start3A_693 = arith.constant 55 : i32
      %dma_start3A_694 = arith.constant 0 : i32
      %dma_start3A_695 = tpu.memref_slice %arg6[%dma_start3A_693, %dma_start3A_694] : memref<128x64xf32, #tpu.memory_space<vmem>> -> memref<1x64xf32, #tpu.memory_space<vmem>>
      %dma_start3A_696 = arith.constant 0 : i32
      %dma_start3A_697 = tpu.memref_slice %arg3[%squeeze3A_687, %dma_start3A_696] : memref<1000001x64xf32, #tpu.memory_space<hbm>> -> memref<1x64xf32, #tpu.memory_space<hbm>>
      tpu.enqueue_dma source(%dma_start3A_697 : memref<1x64xf32, #tpu.memory_space<hbm>>) target(%dma_start3A_695 : memref<1x64xf32, #tpu.memory_space<vmem>>) target_semaphore(%arg7 : memref<!tpu.dma_semaphore, #tpu.memory_space<semaphore_mem>>)
      %slice3A_698 = vector.extract_strided_slice %get3A_601 {offsets = [8], sizes = [1], strides = [1]} : vector<16xi32> to vector<1xi32>
      %squeeze3A_699 = vector.extract %slice3A_698[0] : i32 from vector<1xi32>
      %dma_start3A_700 = arith.constant 56 : i32
      %dma_start3A_701 = arith.constant 0 : i32
      %dma_start3A_702 = tpu.memref_slice %arg6[%dma_start3A_700, %dma_start3A_701] : memref<128x64xf32, #tpu.memory_space<vmem>> -> memref<1x64xf32, #tpu.memory_space<vmem>>
      %dma_start3A_703 = arith.constant 0 : i32
      %dma_start3A_704 = tpu.memref_slice %arg3[%squeeze3A_699, %dma_start3A_703] : memref<1000001x64xf32, #tpu.memory_space<hbm>> -> memref<1x64xf32, #tpu.memory_space<hbm>>
      %dma_start3A_705 = arith.constant 56 : i32
      %dma_start3A_706 = arith.constant 0 : i32
      %dma_start3A_707 = tpu.memref_slice %arg6[%dma_start3A_705, %dma_start3A_706] : memref<128x64xf32, #tpu.memory_space<vmem>> -> memref<1x64xf32, #tpu.memory_space<vmem>>
      %dma_start3A_708 = arith.constant 0 : i32
      %dma_start3A_709 = tpu.memref_slice %arg3[%squeeze3A_699, %dma_start3A_708] : memref<1000001x64xf32, #tpu.memory_space<hbm>> -> memref<1x64xf32, #tpu.memory_space<hbm>>
      tpu.enqueue_dma source(%dma_start3A_709 : memref<1x64xf32, #tpu.memory_space<hbm>>) target(%dma_start3A_707 : memref<1x64xf32, #tpu.memory_space<vmem>>) target_semaphore(%arg7 : memref<!tpu.dma_semaphore, #tpu.memory_space<semaphore_mem>>)
      %slice3A_710 = vector.extract_strided_slice %get3A_601 {offsets = [9], sizes = [1], strides = [1]} : vector<16xi32> to vector<1xi32>
      %squeeze3A_711 = vector.extract %slice3A_710[0] : i32 from vector<1xi32>
      %dma_start3A_712 = arith.constant 57 : i32
      %dma_start3A_713 = arith.constant 0 : i32
      %dma_start3A_714 = tpu.memref_slice %arg6[%dma_start3A_712, %dma_start3A_713] : memref<128x64xf32, #tpu.memory_space<vmem>> -> memref<1x64xf32, #tpu.memory_space<vmem>>
      %dma_start3A_715 = arith.constant 0 : i32
      %dma_start3A_716 = tpu.memref_slice %arg3[%squeeze3A_711, %dma_start3A_715] : memref<1000001x64xf32, #tpu.memory_space<hbm>> -> memref<1x64xf32, #tpu.memory_space<hbm>>
      %dma_start3A_717 = arith.constant 57 : i32
      %dma_start3A_718 = arith.constant 0 : i32
      %dma_start3A_719 = tpu.memref_slice %arg6[%dma_start3A_717, %dma_start3A_718] : memref<128x64xf32, #tpu.memory_space<vmem>> -> memref<1x64xf32, #tpu.memory_space<vmem>>
      %dma_start3A_720 = arith.constant 0 : i32
      %dma_start3A_721 = tpu.memref_slice %arg3[%squeeze3A_711, %dma_start3A_720] : memref<1000001x64xf32, #tpu.memory_space<hbm>> -> memref<1x64xf32, #tpu.memory_space<hbm>>
      tpu.enqueue_dma source(%dma_start3A_721 : memref<1x64xf32, #tpu.memory_space<hbm>>) target(%dma_start3A_719 : memref<1x64xf32, #tpu.memory_space<vmem>>) target_semaphore(%arg7 : memref<!tpu.dma_semaphore, #tpu.memory_space<semaphore_mem>>)
      %slice3A_722 = vector.extract_strided_slice %get3A_601 {offsets = [10], sizes = [1], strides = [1]} : vector<16xi32> to vector<1xi32>
      %squeeze3A_723 = vector.extract %slice3A_722[0] : i32 from vector<1xi32>
      %dma_start3A_724 = arith.constant 58 : i32
      %dma_start3A_725 = arith.constant 0 : i32
      %dma_start3A_726 = tpu.memref_slice %arg6[%dma_start3A_724, %dma_start3A_725] : memref<128x64xf32, #tpu.memory_space<vmem>> -> memref<1x64xf32, #tpu.memory_space<vmem>>
      %dma_start3A_727 = arith.constant 0 : i32
      %dma_start3A_728 = tpu.memref_slice %arg3[%squeeze3A_723, %dma_start3A_727] : memref<1000001x64xf32, #tpu.memory_space<hbm>> -> memref<1x64xf32, #tpu.memory_space<hbm>>
      %dma_start3A_729 = arith.constant 58 : i32
      %dma_start3A_730 = arith.constant 0 : i32
      %dma_start3A_731 = tpu.memref_slice %arg6[%dma_start3A_729, %dma_start3A_730] : memref<128x64xf32, #tpu.memory_space<vmem>> -> memref<1x64xf32, #tpu.memory_space<vmem>>
      %dma_start3A_732 = arith.constant 0 : i32
      %dma_start3A_733 = tpu.memref_slice %arg3[%squeeze3A_723, %dma_start3A_732] : memref<1000001x64xf32, #tpu.memory_space<hbm>> -> memref<1x64xf32, #tpu.memory_space<hbm>>
      tpu.enqueue_dma source(%dma_start3A_733 : memref<1x64xf32, #tpu.memory_space<hbm>>) target(%dma_start3A_731 : memref<1x64xf32, #tpu.memory_space<vmem>>) target_semaphore(%arg7 : memref<!tpu.dma_semaphore, #tpu.memory_space<semaphore_mem>>)
      %slice3A_734 = vector.extract_strided_slice %get3A_601 {offsets = [11], sizes = [1], strides = [1]} : vector<16xi32> to vector<1xi32>
      %squeeze3A_735 = vector.extract %slice3A_734[0] : i32 from vector<1xi32>
      %dma_start3A_736 = arith.constant 59 : i32
      %dma_start3A_737 = arith.constant 0 : i32
      %dma_start3A_738 = tpu.memref_slice %arg6[%dma_start3A_736, %dma_start3A_737] : memref<128x64xf32, #tpu.memory_space<vmem>> -> memref<1x64xf32, #tpu.memory_space<vmem>>
      %dma_start3A_739 = arith.constant 0 : i32
      %dma_start3A_740 = tpu.memref_slice %arg3[%squeeze3A_735, %dma_start3A_739] : memref<1000001x64xf32, #tpu.memory_space<hbm>> -> memref<1x64xf32, #tpu.memory_space<hbm>>
      %dma_start3A_741 = arith.constant 59 : i32
      %dma_start3A_742 = arith.constant 0 : i32
      %dma_start3A_743 = tpu.memref_slice %arg6[%dma_start3A_741, %dma_start3A_742] : memref<128x64xf32, #tpu.memory_space<vmem>> -> memref<1x64xf32, #tpu.memory_space<vmem>>
      %dma_start3A_744 = arith.constant 0 : i32
      %dma_start3A_745 = tpu.memref_slice %arg3[%squeeze3A_735, %dma_start3A_744] : memref<1000001x64xf32, #tpu.memory_space<hbm>> -> memref<1x64xf32, #tpu.memory_space<hbm>>
      tpu.enqueue_dma source(%dma_start3A_745 : memref<1x64xf32, #tpu.memory_space<hbm>>) target(%dma_start3A_743 : memref<1x64xf32, #tpu.memory_space<vmem>>) target_semaphore(%arg7 : memref<!tpu.dma_semaphore, #tpu.memory_space<semaphore_mem>>)
      %slice3A_746 = vector.extract_strided_slice %get3A_601 {offsets = [12], sizes = [1], strides = [1]} : vector<16xi32> to vector<1xi32>
      %squeeze3A_747 = vector.extract %slice3A_746[0] : i32 from vector<1xi32>
      %dma_start3A_748 = arith.constant 60 : i32
      %dma_start3A_749 = arith.constant 0 : i32
      %dma_start3A_750 = tpu.memref_slice %arg6[%dma_start3A_748, %dma_start3A_749] : memref<128x64xf32, #tpu.memory_space<vmem>> -> memref<1x64xf32, #tpu.memory_space<vmem>>
      %dma_start3A_751 = arith.constant 0 : i32
      %dma_start3A_752 = tpu.memref_slice %arg3[%squeeze3A_747, %dma_start3A_751] : memref<1000001x64xf32, #tpu.memory_space<hbm>> -> memref<1x64xf32, #tpu.memory_space<hbm>>
      %dma_start3A_753 = arith.constant 60 : i32
      %dma_start3A_754 = arith.constant 0 : i32
      %dma_start3A_755 = tpu.memref_slice %arg6[%dma_start3A_753, %dma_start3A_754] : memref<128x64xf32, #tpu.memory_space<vmem>> -> memref<1x64xf32, #tpu.memory_space<vmem>>
      %dma_start3A_756 = arith.constant 0 : i32
      %dma_start3A_757 = tpu.memref_slice %arg3[%squeeze3A_747, %dma_start3A_756] : memref<1000001x64xf32, #tpu.memory_space<hbm>> -> memref<1x64xf32, #tpu.memory_space<hbm>>
      tpu.enqueue_dma source(%dma_start3A_757 : memref<1x64xf32, #tpu.memory_space<hbm>>) target(%dma_start3A_755 : memref<1x64xf32, #tpu.memory_space<vmem>>) target_semaphore(%arg7 : memref<!tpu.dma_semaphore, #tpu.memory_space<semaphore_mem>>)
      %slice3A_758 = vector.extract_strided_slice %get3A_601 {offsets = [13], sizes = [1], strides = [1]} : vector<16xi32> to vector<1xi32>
      %squeeze3A_759 = vector.extract %slice3A_758[0] : i32 from vector<1xi32>
      %dma_start3A_760 = arith.constant 61 : i32
      %dma_start3A_761 = arith.constant 0 : i32
      %dma_start3A_762 = tpu.memref_slice %arg6[%dma_start3A_760, %dma_start3A_761] : memref<128x64xf32, #tpu.memory_space<vmem>> -> memref<1x64xf32, #tpu.memory_space<vmem>>
      %dma_start3A_763 = arith.constant 0 : i32
      %dma_start3A_764 = tpu.memref_slice %arg3[%squeeze3A_759, %dma_start3A_763] : memref<1000001x64xf32, #tpu.memory_space<hbm>> -> memref<1x64xf32, #tpu.memory_space<hbm>>
      %dma_start3A_765 = arith.constant 61 : i32
      %dma_start3A_766 = arith.constant 0 : i32
      %dma_start3A_767 = tpu.memref_slice %arg6[%dma_start3A_765, %dma_start3A_766] : memref<128x64xf32, #tpu.memory_space<vmem>> -> memref<1x64xf32, #tpu.memory_space<vmem>>
      %dma_start3A_768 = arith.constant 0 : i32
      %dma_start3A_769 = tpu.memref_slice %arg3[%squeeze3A_759, %dma_start3A_768] : memref<1000001x64xf32, #tpu.memory_space<hbm>> -> memref<1x64xf32, #tpu.memory_space<hbm>>
      tpu.enqueue_dma source(%dma_start3A_769 : memref<1x64xf32, #tpu.memory_space<hbm>>) target(%dma_start3A_767 : memref<1x64xf32, #tpu.memory_space<vmem>>) target_semaphore(%arg7 : memref<!tpu.dma_semaphore, #tpu.memory_space<semaphore_mem>>)
      %slice3A_770 = vector.extract_strided_slice %get3A_601 {offsets = [14], sizes = [1], strides = [1]} : vector<16xi32> to vector<1xi32>
      %squeeze3A_771 = vector.extract %slice3A_770[0] : i32 from vector<1xi32>
      %dma_start3A_772 = arith.constant 62 : i32
      %dma_start3A_773 = arith.constant 0 : i32
      %dma_start3A_774 = tpu.memref_slice %arg6[%dma_start3A_772, %dma_start3A_773] : memref<128x64xf32, #tpu.memory_space<vmem>> -> memref<1x64xf32, #tpu.memory_space<vmem>>
      %dma_start3A_775 = arith.constant 0 : i32
      %dma_start3A_776 = tpu.memref_slice %arg3[%squeeze3A_771, %dma_start3A_775] : memref<1000001x64xf32, #tpu.memory_space<hbm>> -> memref<1x64xf32, #tpu.memory_space<hbm>>
      %dma_start3A_777 = arith.constant 62 : i32
      %dma_start3A_778 = arith.constant 0 : i32
      %dma_start3A_779 = tpu.memref_slice %arg6[%dma_start3A_777, %dma_start3A_778] : memref<128x64xf32, #tpu.memory_space<vmem>> -> memref<1x64xf32, #tpu.memory_space<vmem>>
      %dma_start3A_780 = arith.constant 0 : i32
      %dma_start3A_781 = tpu.memref_slice %arg3[%squeeze3A_771, %dma_start3A_780] : memref<1000001x64xf32, #tpu.memory_space<hbm>> -> memref<1x64xf32, #tpu.memory_space<hbm>>
      tpu.enqueue_dma source(%dma_start3A_781 : memref<1x64xf32, #tpu.memory_space<hbm>>) target(%dma_start3A_779 : memref<1x64xf32, #tpu.memory_space<vmem>>) target_semaphore(%arg7 : memref<!tpu.dma_semaphore, #tpu.memory_space<semaphore_mem>>)
      %slice3A_782 = vector.extract_strided_slice %get3A_601 {offsets = [15], sizes = [1], strides = [1]} : vector<16xi32> to vector<1xi32>
      %squeeze3A_783 = vector.extract %slice3A_782[0] : i32 from vector<1xi32>
      %dma_start3A_784 = arith.constant 63 : i32
      %dma_start3A_785 = arith.constant 0 : i32
      %dma_start3A_786 = tpu.memref_slice %arg6[%dma_start3A_784, %dma_start3A_785] : memref<128x64xf32, #tpu.memory_space<vmem>> -> memref<1x64xf32, #tpu.memory_space<vmem>>
      %dma_start3A_787 = arith.constant 0 : i32
      %dma_start3A_788 = tpu.memref_slice %arg3[%squeeze3A_783, %dma_start3A_787] : memref<1000001x64xf32, #tpu.memory_space<hbm>> -> memref<1x64xf32, #tpu.memory_space<hbm>>
      %dma_start3A_789 = arith.constant 63 : i32
      %dma_start3A_790 = arith.constant 0 : i32
      %dma_start3A_791 = tpu.memref_slice %arg6[%dma_start3A_789, %dma_start3A_790] : memref<128x64xf32, #tpu.memory_space<vmem>> -> memref<1x64xf32, #tpu.memory_space<vmem>>
      %dma_start3A_792 = arith.constant 0 : i32
      %dma_start3A_793 = tpu.memref_slice %arg3[%squeeze3A_783, %dma_start3A_792] : memref<1000001x64xf32, #tpu.memory_space<hbm>> -> memref<1x64xf32, #tpu.memory_space<hbm>>
      tpu.enqueue_dma source(%dma_start3A_793 : memref<1x64xf32, #tpu.memory_space<hbm>>) target(%dma_start3A_791 : memref<1x64xf32, #tpu.memory_space<vmem>>) target_semaphore(%arg7 : memref<!tpu.dma_semaphore, #tpu.memory_space<semaphore_mem>>)
      %add3A_794 = arith.constant 64 : i32
      %add3A_795 = arith.addi %mul3A_13, %add3A_794 : i32
      %get3A_796 = arith.index_cast %add3A_795 : i32 to index
      %get3A_797 = tpu.vector_load %arg5[%get3A_796] {strides = array<i32>} : memref<512xi32, #tpu.memory_space<vmem>>, vector<16xi32>,
      %slice3A_798 = vector.extract_strided_slice %get3A_797 {offsets = [0], sizes = [1], strides = [1]} : vector<16xi32> to vector<1xi32>
      %squeeze3A_799 = vector.extract %slice3A_798[0] : i32 from vector<1xi32>
      %dma_start3A_800 = arith.constant 64 : i32
      %dma_start3A_801 = arith.constant 0 : i32
      %dma_start3A_802 = tpu.memref_slice %arg6[%dma_start3A_800, %dma_start3A_801] : memref<128x64xf32, #tpu.memory_space<vmem>> -> memref<1x64xf32, #tpu.memory_space<vmem>>
      %dma_start3A_803 = arith.constant 0 : i32
      %dma_start3A_804 = tpu.memref_slice %arg3[%squeeze3A_799, %dma_start3A_803] : memref<1000001x64xf32, #tpu.memory_space<hbm>> -> memref<1x64xf32, #tpu.memory_space<hbm>>
      %dma_start3A_805 = arith.constant 64 : i32
      %dma_start3A_806 = arith.constant 0 : i32
      %dma_start3A_807 = tpu.memref_slice %arg6[%dma_start3A_805, %dma_start3A_806] : memref<128x64xf32, #tpu.memory_space<vmem>> -> memref<1x64xf32, #tpu.memory_space<vmem>>
      %dma_start3A_808 = arith.constant 0 : i32
      %dma_start3A_809 = tpu.memref_slice %arg3[%squeeze3A_799, %dma_start3A_808] : memref<1000001x64xf32, #tpu.memory_space<hbm>> -> memref<1x64xf32, #tpu.memory_space<hbm>>
      tpu.enqueue_dma source(%dma_start3A_809 : memref<1x64xf32, #tpu.memory_space<hbm>>) target(%dma_start3A_807 : memref<1x64xf32, #tpu.memory_space<vmem>>) target_semaphore(%arg7 : memref<!tpu.dma_semaphore, #tpu.memory_space<semaphore_mem>>)
      %slice3A_810 = vector.extract_strided_slice %get3A_797 {offsets = [1], sizes = [1], strides = [1]} : vector<16xi32> to vector<1xi32>
      %squeeze3A_811 = vector.extract %slice3A_810[0] : i32 from vector<1xi32>
      %dma_start3A_812 = arith.constant 65 : i32
      %dma_start3A_813 = arith.constant 0 : i32
      %dma_start3A_814 = tpu.memref_slice %arg6[%dma_start3A_812, %dma_start3A_813] : memref<128x64xf32, #tpu.memory_space<vmem>> -> memref<1x64xf32, #tpu.memory_space<vmem>>
      %dma_start3A_815 = arith.constant 0 : i32
      %dma_start3A_816 = tpu.memref_slice %arg3[%squeeze3A_811, %dma_start3A_815] : memref<1000001x64xf32, #tpu.memory_space<hbm>> -> memref<1x64xf32, #tpu.memory_space<hbm>>
      %dma_start3A_817 = arith.constant 65 : i32
      %dma_start3A_818 = arith.constant 0 : i32
      %dma_start3A_819 = tpu.memref_slice %arg6[%dma_start3A_817, %dma_start3A_818] : memref<128x64xf32, #tpu.memory_space<vmem>> -> memref<1x64xf32, #tpu.memory_space<vmem>>
      %dma_start3A_820 = arith.constant 0 : i32
      %dma_start3A_821 = tpu.memref_slice %arg3[%squeeze3A_811, %dma_start3A_820] : memref<1000001x64xf32, #tpu.memory_space<hbm>> -> memref<1x64xf32, #tpu.memory_space<hbm>>
      tpu.enqueue_dma source(%dma_start3A_821 : memref<1x64xf32, #tpu.memory_space<hbm>>) target(%dma_start3A_819 : memref<1x64xf32, #tpu.memory_space<vmem>>) target_semaphore(%arg7 : memref<!tpu.dma_semaphore, #tpu.memory_space<semaphore_mem>>)
      %slice3A_822 = vector.extract_strided_slice %get3A_797 {offsets = [2], sizes = [1], strides = [1]} : vector<16xi32> to vector<1xi32>
      %squeeze3A_823 = vector.extract %slice3A_822[0] : i32 from vector<1xi32>
      %dma_start3A_824 = arith.constant 66 : i32
      %dma_start3A_825 = arith.constant 0 : i32
      %dma_start3A_826 = tpu.memref_slice %arg6[%dma_start3A_824, %dma_start3A_825] : memref<128x64xf32, #tpu.memory_space<vmem>> -> memref<1x64xf32, #tpu.memory_space<vmem>>
      %dma_start3A_827 = arith.constant 0 : i32
      %dma_start3A_828 = tpu.memref_slice %arg3[%squeeze3A_823, %dma_start3A_827] : memref<1000001x64xf32, #tpu.memory_space<hbm>> -> memref<1x64xf32, #tpu.memory_space<hbm>>
      %dma_start3A_829 = arith.constant 66 : i32
      %dma_start3A_830 = arith.constant 0 : i32
      %dma_start3A_831 = tpu.memref_slice %arg6[%dma_start3A_829, %dma_start3A_830] : memref<128x64xf32, #tpu.memory_space<vmem>> -> memref<1x64xf32, #tpu.memory_space<vmem>>
      %dma_start3A_832 = arith.constant 0 : i32
      %dma_start3A_833 = tpu.memref_slice %arg3[%squeeze3A_823, %dma_start3A_832] : memref<1000001x64xf32, #tpu.memory_space<hbm>> -> memref<1x64xf32, #tpu.memory_space<hbm>>
      tpu.enqueue_dma source(%dma_start3A_833 : memref<1x64xf32, #tpu.memory_space<hbm>>) target(%dma_start3A_831 : memref<1x64xf32, #tpu.memory_space<vmem>>) target_semaphore(%arg7 : memref<!tpu.dma_semaphore, #tpu.memory_space<semaphore_mem>>)
      %slice3A_834 = vector.extract_strided_slice %get3A_797 {offsets = [3], sizes = [1], strides = [1]} : vector<16xi32> to vector<1xi32>
      %squeeze3A_835 = vector.extract %slice3A_834[0] : i32 from vector<1xi32>
      %dma_start3A_836 = arith.constant 67 : i32
      %dma_start3A_837 = arith.constant 0 : i32
      %dma_start3A_838 = tpu.memref_slice %arg6[%dma_start3A_836, %dma_start3A_837] : memref<128x64xf32, #tpu.memory_space<vmem>> -> memref<1x64xf32, #tpu.memory_space<vmem>>
      %dma_start3A_839 = arith.constant 0 : i32
      %dma_start3A_840 = tpu.memref_slice %arg3[%squeeze3A_835, %dma_start3A_839] : memref<1000001x64xf32, #tpu.memory_space<hbm>> -> memref<1x64xf32, #tpu.memory_space<hbm>>
      %dma_start3A_841 = arith.constant 67 : i32
      %dma_start3A_842 = arith.constant 0 : i32
      %dma_start3A_843 = tpu.memref_slice %arg6[%dma_start3A_841, %dma_start3A_842] : memref<128x64xf32, #tpu.memory_space<vmem>> -> memref<1x64xf32, #tpu.memory_space<vmem>>
      %dma_start3A_844 = arith.constant 0 : i32
      %dma_start3A_845 = tpu.memref_slice %arg3[%squeeze3A_835, %dma_start3A_844] : memref<1000001x64xf32, #tpu.memory_space<hbm>> -> memref<1x64xf32, #tpu.memory_space<hbm>>
      tpu.enqueue_dma source(%dma_start3A_845 : memref<1x64xf32, #tpu.memory_space<hbm>>) target(%dma_start3A_843 : memref<1x64xf32, #tpu.memory_space<vmem>>) target_semaphore(%arg7 : memref<!tpu.dma_semaphore, #tpu.memory_space<semaphore_mem>>)
      %slice3A_846 = vector.extract_strided_slice %get3A_797 {offsets = [4], sizes = [1], strides = [1]} : vector<16xi32> to vector<1xi32>
      %squeeze3A_847 = vector.extract %slice3A_846[0] : i32 from vector<1xi32>
      %dma_start3A_848 = arith.constant 68 : i32
      %dma_start3A_849 = arith.constant 0 : i32
      %dma_start3A_850 = tpu.memref_slice %arg6[%dma_start3A_848, %dma_start3A_849] : memref<128x64xf32, #tpu.memory_space<vmem>> -> memref<1x64xf32, #tpu.memory_space<vmem>>
      %dma_start3A_851 = arith.constant 0 : i32
      %dma_start3A_852 = tpu.memref_slice %arg3[%squeeze3A_847, %dma_start3A_851] : memref<1000001x64xf32, #tpu.memory_space<hbm>> -> memref<1x64xf32, #tpu.memory_space<hbm>>
      %dma_start3A_853 = arith.constant 68 : i32
      %dma_start3A_854 = arith.constant 0 : i32
      %dma_start3A_855 = tpu.memref_slice %arg6[%dma_start3A_853, %dma_start3A_854] : memref<128x64xf32, #tpu.memory_space<vmem>> -> memref<1x64xf32, #tpu.memory_space<vmem>>
      %dma_start3A_856 = arith.constant 0 : i32
      %dma_start3A_857 = tpu.memref_slice %arg3[%squeeze3A_847, %dma_start3A_856] : memref<1000001x64xf32, #tpu.memory_space<hbm>> -> memref<1x64xf32, #tpu.memory_space<hbm>>
      tpu.enqueue_dma source(%dma_start3A_857 : memref<1x64xf32, #tpu.memory_space<hbm>>) target(%dma_start3A_855 : memref<1x64xf32, #tpu.memory_space<vmem>>) target_semaphore(%arg7 : memref<!tpu.dma_semaphore, #tpu.memory_space<semaphore_mem>>)
      %slice3A_858 = vector.extract_strided_slice %get3A_797 {offsets = [5], sizes = [1], strides = [1]} : vector<16xi32> to vector<1xi32>
      %squeeze3A_859 = vector.extract %slice3A_858[0] : i32 from vector<1xi32>
      %dma_start3A_860 = arith.constant 69 : i32
      %dma_start3A_861 = arith.constant 0 : i32
      %dma_start3A_862 = tpu.memref_slice %arg6[%dma_start3A_860, %dma_start3A_861] : memref<128x64xf32, #tpu.memory_space<vmem>> -> memref<1x64xf32, #tpu.memory_space<vmem>>
      %dma_start3A_863 = arith.constant 0 : i32
      %dma_start3A_864 = tpu.memref_slice %arg3[%squeeze3A_859, %dma_start3A_863] : memref<1000001x64xf32, #tpu.memory_space<hbm>> -> memref<1x64xf32, #tpu.memory_space<hbm>>
      %dma_start3A_865 = arith.constant 69 : i32
      %dma_start3A_866 = arith.constant 0 : i32
      %dma_start3A_867 = tpu.memref_slice %arg6[%dma_start3A_865, %dma_start3A_866] : memref<128x64xf32, #tpu.memory_space<vmem>> -> memref<1x64xf32, #tpu.memory_space<vmem>>
      %dma_start3A_868 = arith.constant 0 : i32
      %dma_start3A_869 = tpu.memref_slice %arg3[%squeeze3A_859, %dma_start3A_868] : memref<1000001x64xf32, #tpu.memory_space<hbm>> -> memref<1x64xf32, #tpu.memory_space<hbm>>
      tpu.enqueue_dma source(%dma_start3A_869 : memref<1x64xf32, #tpu.memory_space<hbm>>) target(%dma_start3A_867 : memref<1x64xf32, #tpu.memory_space<vmem>>) target_semaphore(%arg7 : memref<!tpu.dma_semaphore, #tpu.memory_space<semaphore_mem>>)
      %slice3A_870 = vector.extract_strided_slice %get3A_797 {offsets = [6], sizes = [1], strides = [1]} : vector<16xi32> to vector<1xi32>
      %squeeze3A_871 = vector.extract %slice3A_870[0] : i32 from vector<1xi32>
      %dma_start3A_872 = arith.constant 70 : i32
      %dma_start3A_873 = arith.constant 0 : i32
      %dma_start3A_874 = tpu.memref_slice %arg6[%dma_start3A_872, %dma_start3A_873] : memref<128x64xf32, #tpu.memory_space<vmem>> -> memref<1x64xf32, #tpu.memory_space<vmem>>
      %dma_start3A_875 = arith.constant 0 : i32
      %dma_start3A_876 = tpu.memref_slice %arg3[%squeeze3A_871, %dma_start3A_875] : memref<1000001x64xf32, #tpu.memory_space<hbm>> -> memref<1x64xf32, #tpu.memory_space<hbm>>
      %dma_start3A_877 = arith.constant 70 : i32
      %dma_start3A_878 = arith.constant 0 : i32
      %dma_start3A_879 = tpu.memref_slice %arg6[%dma_start3A_877, %dma_start3A_878] : memref<128x64xf32, #tpu.memory_space<vmem>> -> memref<1x64xf32, #tpu.memory_space<vmem>>
      %dma_start3A_880 = arith.constant 0 : i32
      %dma_start3A_881 = tpu.memref_slice %arg3[%squeeze3A_871, %dma_start3A_880] : memref<1000001x64xf32, #tpu.memory_space<hbm>> -> memref<1x64xf32, #tpu.memory_space<hbm>>
      tpu.enqueue_dma source(%dma_start3A_881 : memref<1x64xf32, #tpu.memory_space<hbm>>) target(%dma_start3A_879 : memref<1x64xf32, #tpu.memory_space<vmem>>) target_semaphore(%arg7 : memref<!tpu.dma_semaphore, #tpu.memory_space<semaphore_mem>>)
      %slice3A_882 = vector.extract_strided_slice %get3A_797 {offsets = [7], sizes = [1], strides = [1]} : vector<16xi32> to vector<1xi32>
      %squeeze3A_883 = vector.extract %slice3A_882[0] : i32 from vector<1xi32>
      %dma_start3A_884 = arith.constant 71 : i32
      %dma_start3A_885 = arith.constant 0 : i32
      %dma_start3A_886 = tpu.memref_slice %arg6[%dma_start3A_884, %dma_start3A_885] : memref<128x64xf32, #tpu.memory_space<vmem>> -> memref<1x64xf32, #tpu.memory_space<vmem>>
      %dma_start3A_887 = arith.constant 0 : i32
      %dma_start3A_888 = tpu.memref_slice %arg3[%squeeze3A_883, %dma_start3A_887] : memref<1000001x64xf32, #tpu.memory_space<hbm>> -> memref<1x64xf32, #tpu.memory_space<hbm>>
      %dma_start3A_889 = arith.constant 71 : i32
      %dma_start3A_890 = arith.constant 0 : i32
      %dma_start3A_891 = tpu.memref_slice %arg6[%dma_start3A_889, %dma_start3A_890] : memref<128x64xf32, #tpu.memory_space<vmem>> -> memref<1x64xf32, #tpu.memory_space<vmem>>
      %dma_start3A_892 = arith.constant 0 : i32
      %dma_start3A_893 = tpu.memref_slice %arg3[%squeeze3A_883, %dma_start3A_892] : memref<1000001x64xf32, #tpu.memory_space<hbm>> -> memref<1x64xf32, #tpu.memory_space<hbm>>
      tpu.enqueue_dma source(%dma_start3A_893 : memref<1x64xf32, #tpu.memory_space<hbm>>) target(%dma_start3A_891 : memref<1x64xf32, #tpu.memory_space<vmem>>) target_semaphore(%arg7 : memref<!tpu.dma_semaphore, #tpu.memory_space<semaphore_mem>>)
      %slice3A_894 = vector.extract_strided_slice %get3A_797 {offsets = [8], sizes = [1], strides = [1]} : vector<16xi32> to vector<1xi32>
      %squeeze3A_895 = vector.extract %slice3A_894[0] : i32 from vector<1xi32>
      %dma_start3A_896 = arith.constant 72 : i32
      %dma_start3A_897 = arith.constant 0 : i32
      %dma_start3A_898 = tpu.memref_slice %arg6[%dma_start3A_896, %dma_start3A_897] : memref<128x64xf32, #tpu.memory_space<vmem>> -> memref<1x64xf32, #tpu.memory_space<vmem>>
      %dma_start3A_899 = arith.constant 0 : i32
      %dma_start3A_900 = tpu.memref_slice %arg3[%squeeze3A_895, %dma_start3A_899] : memref<1000001x64xf32, #tpu.memory_space<hbm>> -> memref<1x64xf32, #tpu.memory_space<hbm>>
      %dma_start3A_901 = arith.constant 72 : i32
      %dma_start3A_902 = arith.constant 0 : i32
      %dma_start3A_903 = tpu.memref_slice %arg6[%dma_start3A_901, %dma_start3A_902] : memref<128x64xf32, #tpu.memory_space<vmem>> -> memref<1x64xf32, #tpu.memory_space<vmem>>
      %dma_start3A_904 = arith.constant 0 : i32
      %dma_start3A_905 = tpu.memref_slice %arg3[%squeeze3A_895, %dma_start3A_904] : memref<1000001x64xf32, #tpu.memory_space<hbm>> -> memref<1x64xf32, #tpu.memory_space<hbm>>
      tpu.enqueue_dma source(%dma_start3A_905 : memref<1x64xf32, #tpu.memory_space<hbm>>) target(%dma_start3A_903 : memref<1x64xf32, #tpu.memory_space<vmem>>) target_semaphore(%arg7 : memref<!tpu.dma_semaphore, #tpu.memory_space<semaphore_mem>>)
      %slice3A_906 = vector.extract_strided_slice %get3A_797 {offsets = [9], sizes = [1], strides = [1]} : vector<16xi32> to vector<1xi32>
      %squeeze3A_907 = vector.extract %slice3A_906[0] : i32 from vector<1xi32>
      %dma_start3A_908 = arith.constant 73 : i32
      %dma_start3A_909 = arith.constant 0 : i32
      %dma_start3A_910 = tpu.memref_slice %arg6[%dma_start3A_908, %dma_start3A_909] : memref<128x64xf32, #tpu.memory_space<vmem>> -> memref<1x64xf32, #tpu.memory_space<vmem>>
      %dma_start3A_911 = arith.constant 0 : i32
      %dma_start3A_912 = tpu.memref_slice %arg3[%squeeze3A_907, %dma_start3A_911] : memref<1000001x64xf32, #tpu.memory_space<hbm>> -> memref<1x64xf32, #tpu.memory_space<hbm>>
      %dma_start3A_913 = arith.constant 73 : i32
      %dma_start3A_914 = arith.constant 0 : i32
      %dma_start3A_915 = tpu.memref_slice %arg6[%dma_start3A_913, %dma_start3A_914] : memref<128x64xf32, #tpu.memory_space<vmem>> -> memref<1x64xf32, #tpu.memory_space<vmem>>
      %dma_start3A_916 = arith.constant 0 : i32
      %dma_start3A_917 = tpu.memref_slice %arg3[%squeeze3A_907, %dma_start3A_916] : memref<1000001x64xf32, #tpu.memory_space<hbm>> -> memref<1x64xf32, #tpu.memory_space<hbm>>
      tpu.enqueue_dma source(%dma_start3A_917 : memref<1x64xf32, #tpu.memory_space<hbm>>) target(%dma_start3A_915 : memref<1x64xf32, #tpu.memory_space<vmem>>) target_semaphore(%arg7 : memref<!tpu.dma_semaphore, #tpu.memory_space<semaphore_mem>>)
      %slice3A_918 = vector.extract_strided_slice %get3A_797 {offsets = [10], sizes = [1], strides = [1]} : vector<16xi32> to vector<1xi32>
      %squeeze3A_919 = vector.extract %slice3A_918[0] : i32 from vector<1xi32>
      %dma_start3A_920 = arith.constant 74 : i32
      %dma_start3A_921 = arith.constant 0 : i32
      %dma_start3A_922 = tpu.memref_slice %arg6[%dma_start3A_920, %dma_start3A_921] : memref<128x64xf32, #tpu.memory_space<vmem>> -> memref<1x64xf32, #tpu.memory_space<vmem>>
      %dma_start3A_923 = arith.constant 0 : i32
      %dma_start3A_924 = tpu.memref_slice %arg3[%squeeze3A_919, %dma_start3A_923] : memref<1000001x64xf32, #tpu.memory_space<hbm>> -> memref<1x64xf32, #tpu.memory_space<hbm>>
      %dma_start3A_925 = arith.constant 74 : i32
      %dma_start3A_926 = arith.constant 0 : i32
      %dma_start3A_927 = tpu.memref_slice %arg6[%dma_start3A_925, %dma_start3A_926] : memref<128x64xf32, #tpu.memory_space<vmem>> -> memref<1x64xf32, #tpu.memory_space<vmem>>
      %dma_start3A_928 = arith.constant 0 : i32
      %dma_start3A_929 = tpu.memref_slice %arg3[%squeeze3A_919, %dma_start3A_928] : memref<1000001x64xf32, #tpu.memory_space<hbm>> -> memref<1x64xf32, #tpu.memory_space<hbm>>
      tpu.enqueue_dma source(%dma_start3A_929 : memref<1x64xf32, #tpu.memory_space<hbm>>) target(%dma_start3A_927 : memref<1x64xf32, #tpu.memory_space<vmem>>) target_semaphore(%arg7 : memref<!tpu.dma_semaphore, #tpu.memory_space<semaphore_mem>>)
      %slice3A_930 = vector.extract_strided_slice %get3A_797 {offsets = [11], sizes = [1], strides = [1]} : vector<16xi32> to vector<1xi32>
      %squeeze3A_931 = vector.extract %slice3A_930[0] : i32 from vector<1xi32>
      %dma_start3A_932 = arith.constant 75 : i32
      %dma_start3A_933 = arith.constant 0 : i32
      %dma_start3A_934 = tpu.memref_slice %arg6[%dma_start3A_932, %dma_start3A_933] : memref<128x64xf32, #tpu.memory_space<vmem>> -> memref<1x64xf32, #tpu.memory_space<vmem>>
      %dma_start3A_935 = arith.constant 0 : i32
      %dma_start3A_936 = tpu.memref_slice %arg3[%squeeze3A_931, %dma_start3A_935] : memref<1000001x64xf32, #tpu.memory_space<hbm>> -> memref<1x64xf32, #tpu.memory_space<hbm>>
      %dma_start3A_937 = arith.constant 75 : i32
      %dma_start3A_938 = arith.constant 0 : i32
      %dma_start3A_939 = tpu.memref_slice %arg6[%dma_start3A_937, %dma_start3A_938] : memref<128x64xf32, #tpu.memory_space<vmem>> -> memref<1x64xf32, #tpu.memory_space<vmem>>
      %dma_start3A_940 = arith.constant 0 : i32
      %dma_start3A_941 = tpu.memref_slice %arg3[%squeeze3A_931, %dma_start3A_940] : memref<1000001x64xf32, #tpu.memory_space<hbm>> -> memref<1x64xf32, #tpu.memory_space<hbm>>
      tpu.enqueue_dma source(%dma_start3A_941 : memref<1x64xf32, #tpu.memory_space<hbm>>) target(%dma_start3A_939 : memref<1x64xf32, #tpu.memory_space<vmem>>) target_semaphore(%arg7 : memref<!tpu.dma_semaphore, #tpu.memory_space<semaphore_mem>>)
      %slice3A_942 = vector.extract_strided_slice %get3A_797 {offsets = [12], sizes = [1], strides = [1]} : vector<16xi32> to vector<1xi32>
      %squeeze3A_943 = vector.extract %slice3A_942[0] : i32 from vector<1xi32>
      %dma_start3A_944 = arith.constant 76 : i32
      %dma_start3A_945 = arith.constant 0 : i32
      %dma_start3A_946 = tpu.memref_slice %arg6[%dma_start3A_944, %dma_start3A_945] : memref<128x64xf32, #tpu.memory_space<vmem>> -> memref<1x64xf32, #tpu.memory_space<vmem>>
      %dma_start3A_947 = arith.constant 0 : i32
      %dma_start3A_948 = tpu.memref_slice %arg3[%squeeze3A_943, %dma_start3A_947] : memref<1000001x64xf32, #tpu.memory_space<hbm>> -> memref<1x64xf32, #tpu.memory_space<hbm>>
      %dma_start3A_949 = arith.constant 76 : i32
      %dma_start3A_950 = arith.constant 0 : i32
      %dma_start3A_951 = tpu.memref_slice %arg6[%dma_start3A_949, %dma_start3A_950] : memref<128x64xf32, #tpu.memory_space<vmem>> -> memref<1x64xf32, #tpu.memory_space<vmem>>
      %dma_start3A_952 = arith.constant 0 : i32
      %dma_start3A_953 = tpu.memref_slice %arg3[%squeeze3A_943, %dma_start3A_952] : memref<1000001x64xf32, #tpu.memory_space<hbm>> -> memref<1x64xf32, #tpu.memory_space<hbm>>
      tpu.enqueue_dma source(%dma_start3A_953 : memref<1x64xf32, #tpu.memory_space<hbm>>) target(%dma_start3A_951 : memref<1x64xf32, #tpu.memory_space<vmem>>) target_semaphore(%arg7 : memref<!tpu.dma_semaphore, #tpu.memory_space<semaphore_mem>>)
      %slice3A_954 = vector.extract_strided_slice %get3A_797 {offsets = [13], sizes = [1], strides = [1]} : vector<16xi32> to vector<1xi32>
      %squeeze3A_955 = vector.extract %slice3A_954[0] : i32 from vector<1xi32>
      %dma_start3A_956 = arith.constant 77 : i32
      %dma_start3A_957 = arith.constant 0 : i32
      %dma_start3A_958 = tpu.memref_slice %arg6[%dma_start3A_956, %dma_start3A_957] : memref<128x64xf32, #tpu.memory_space<vmem>> -> memref<1x64xf32, #tpu.memory_space<vmem>>
      %dma_start3A_959 = arith.constant 0 : i32
      %dma_start3A_960 = tpu.memref_slice %arg3[%squeeze3A_955, %dma_start3A_959] : memref<1000001x64xf32, #tpu.memory_space<hbm>> -> memref<1x64xf32, #tpu.memory_space<hbm>>
      %dma_start3A_961 = arith.constant 77 : i32
      %dma_start3A_962 = arith.constant 0 : i32
      %dma_start3A_963 = tpu.memref_slice %arg6[%dma_start3A_961, %dma_start3A_962] : memref<128x64xf32, #tpu.memory_space<vmem>> -> memref<1x64xf32, #tpu.memory_space<vmem>>
      %dma_start3A_964 = arith.constant 0 : i32
      %dma_start3A_965 = tpu.memref_slice %arg3[%squeeze3A_955, %dma_start3A_964] : memref<1000001x64xf32, #tpu.memory_space<hbm>> -> memref<1x64xf32, #tpu.memory_space<hbm>>
      tpu.enqueue_dma source(%dma_start3A_965 : memref<1x64xf32, #tpu.memory_space<hbm>>) target(%dma_start3A_963 : memref<1x64xf32, #tpu.memory_space<vmem>>) target_semaphore(%arg7 : memref<!tpu.dma_semaphore, #tpu.memory_space<semaphore_mem>>)
      %slice3A_966 = vector.extract_strided_slice %get3A_797 {offsets = [14], sizes = [1], strides = [1]} : vector<16xi32> to vector<1xi32>
      %squeeze3A_967 = vector.extract %slice3A_966[0] : i32 from vector<1xi32>
      %dma_start3A_968 = arith.constant 78 : i32
      %dma_start3A_969 = arith.constant 0 : i32
      %dma_start3A_970 = tpu.memref_slice %arg6[%dma_start3A_968, %dma_start3A_969] : memref<128x64xf32, #tpu.memory_space<vmem>> -> memref<1x64xf32, #tpu.memory_space<vmem>>
      %dma_start3A_971 = arith.constant 0 : i32
      %dma_start3A_972 = tpu.memref_slice %arg3[%squeeze3A_967, %dma_start3A_971] : memref<1000001x64xf32, #tpu.memory_space<hbm>> -> memref<1x64xf32, #tpu.memory_space<hbm>>
      %dma_start3A_973 = arith.constant 78 : i32
      %dma_start3A_974 = arith.constant 0 : i32
      %dma_start3A_975 = tpu.memref_slice %arg6[%dma_start3A_973, %dma_start3A_974] : memref<128x64xf32, #tpu.memory_space<vmem>> -> memref<1x64xf32, #tpu.memory_space<vmem>>
      %dma_start3A_976 = arith.constant 0 : i32
      %dma_start3A_977 = tpu.memref_slice %arg3[%squeeze3A_967, %dma_start3A_976] : memref<1000001x64xf32, #tpu.memory_space<hbm>> -> memref<1x64xf32, #tpu.memory_space<hbm>>
      tpu.enqueue_dma source(%dma_start3A_977 : memref<1x64xf32, #tpu.memory_space<hbm>>) target(%dma_start3A_975 : memref<1x64xf32, #tpu.memory_space<vmem>>) target_semaphore(%arg7 : memref<!tpu.dma_semaphore, #tpu.memory_space<semaphore_mem>>)
      %slice3A_978 = vector.extract_strided_slice %get3A_797 {offsets = [15], sizes = [1], strides = [1]} : vector<16xi32> to vector<1xi32>
      %squeeze3A_979 = vector.extract %slice3A_978[0] : i32 from vector<1xi32>
      %dma_start3A_980 = arith.constant 79 : i32
      %dma_start3A_981 = arith.constant 0 : i32
      %dma_start3A_982 = tpu.memref_slice %arg6[%dma_start3A_980, %dma_start3A_981] : memref<128x64xf32, #tpu.memory_space<vmem>> -> memref<1x64xf32, #tpu.memory_space<vmem>>
      %dma_start3A_983 = arith.constant 0 : i32
      %dma_start3A_984 = tpu.memref_slice %arg3[%squeeze3A_979, %dma_start3A_983] : memref<1000001x64xf32, #tpu.memory_space<hbm>> -> memref<1x64xf32, #tpu.memory_space<hbm>>
      %dma_start3A_985 = arith.constant 79 : i32
      %dma_start3A_986 = arith.constant 0 : i32
      %dma_start3A_987 = tpu.memref_slice %arg6[%dma_start3A_985, %dma_start3A_986] : memref<128x64xf32, #tpu.memory_space<vmem>> -> memref<1x64xf32, #tpu.memory_space<vmem>>
      %dma_start3A_988 = arith.constant 0 : i32
      %dma_start3A_989 = tpu.memref_slice %arg3[%squeeze3A_979, %dma_start3A_988] : memref<1000001x64xf32, #tpu.memory_space<hbm>> -> memref<1x64xf32, #tpu.memory_space<hbm>>
      tpu.enqueue_dma source(%dma_start3A_989 : memref<1x64xf32, #tpu.memory_space<hbm>>) target(%dma_start3A_987 : memref<1x64xf32, #tpu.memory_space<vmem>>) target_semaphore(%arg7 : memref<!tpu.dma_semaphore, #tpu.memory_space<semaphore_mem>>)
      %add3A_990 = arith.constant 80 : i32
      %add3A_991 = arith.addi %mul3A_13, %add3A_990 : i32
      %get3A_992 = arith.index_cast %add3A_991 : i32 to index
      %get3A_993 = tpu.vector_load %arg5[%get3A_992] {strides = array<i32>} : memref<512xi32, #tpu.memory_space<vmem>>, vector<16xi32>,
      %slice3A_994 = vector.extract_strided_slice %get3A_993 {offsets = [0], sizes = [1], strides = [1]} : vector<16xi32> to vector<1xi32>
      %squeeze3A_995 = vector.extract %slice3A_994[0] : i32 from vector<1xi32>
      %dma_start3A_996 = arith.constant 80 : i32
      %dma_start3A_997 = arith.constant 0 : i32
      %dma_start3A_998 = tpu.memref_slice %arg6[%dma_start3A_996, %dma_start3A_997] : memref<128x64xf32, #tpu.memory_space<vmem>> -> memref<1x64xf32, #tpu.memory_space<vmem>>
      %dma_start3A_999 = arith.constant 0 : i32
      %dma_start3A_1000 = tpu.memref_slice %arg3[%squeeze3A_995, %dma_start3A_999] : memref<1000001x64xf32, #tpu.memory_space<hbm>> -> memref<1x64xf32, #tpu.memory_space<hbm>>
      %dma_start3A_1001 = arith.constant 80 : i32
      %dma_start3A_1002 = arith.constant 0 : i32
      %dma_start3A_1003 = tpu.memref_slice %arg6[%dma_start3A_1001, %dma_start3A_1002] : memref<128x64xf32, #tpu.memory_space<vmem>> -> memref<1x64xf32, #tpu.memory_space<vmem>>
      %dma_start3A_1004 = arith.constant 0 : i32
      %dma_start3A_1005 = tpu.memref_slice %arg3[%squeeze3A_995, %dma_start3A_1004] : memref<1000001x64xf32, #tpu.memory_space<hbm>> -> memref<1x64xf32, #tpu.memory_space<hbm>>
      tpu.enqueue_dma source(%dma_start3A_1005 : memref<1x64xf32, #tpu.memory_space<hbm>>) target(%dma_start3A_1003 : memref<1x64xf32, #tpu.memory_space<vmem>>) target_semaphore(%arg7 : memref<!tpu.dma_semaphore, #tpu.memory_space<semaphore_mem>>)
      %slice3A_1006 = vector.extract_strided_slice %get3A_993 {offsets = [1], sizes = [1], strides = [1]} : vector<16xi32> to vector<1xi32>
      %squeeze3A_1007 = vector.extract %slice3A_1006[0] : i32 from vector<1xi32>
      %dma_start3A_1008 = arith.constant 81 : i32
      %dma_start3A_1009 = arith.constant 0 : i32
      %dma_start3A_1010 = tpu.memref_slice %arg6[%dma_start3A_1008, %dma_start3A_1009] : memref<128x64xf32, #tpu.memory_space<vmem>> -> memref<1x64xf32, #tpu.memory_space<vmem>>
      %dma_start3A_1011 = arith.constant 0 : i32
      %dma_start3A_1012 = tpu.memref_slice %arg3[%squeeze3A_1007, %dma_start3A_1011] : memref<1000001x64xf32, #tpu.memory_space<hbm>> -> memref<1x64xf32, #tpu.memory_space<hbm>>
      %dma_start3A_1013 = arith.constant 81 : i32
      %dma_start3A_1014 = arith.constant 0 : i32
      %dma_start3A_1015 = tpu.memref_slice %arg6[%dma_start3A_1013, %dma_start3A_1014] : memref<128x64xf32, #tpu.memory_space<vmem>> -> memref<1x64xf32, #tpu.memory_space<vmem>>
      %dma_start3A_1016 = arith.constant 0 : i32
      %dma_start3A_1017 = tpu.memref_slice %arg3[%squeeze3A_1007, %dma_start3A_1016] : memref<1000001x64xf32, #tpu.memory_space<hbm>> -> memref<1x64xf32, #tpu.memory_space<hbm>>
      tpu.enqueue_dma source(%dma_start3A_1017 : memref<1x64xf32, #tpu.memory_space<hbm>>) target(%dma_start3A_1015 : memref<1x64xf32, #tpu.memory_space<vmem>>) target_semaphore(%arg7 : memref<!tpu.dma_semaphore, #tpu.memory_space<semaphore_mem>>)
      %slice3A_1018 = vector.extract_strided_slice %get3A_993 {offsets = [2], sizes = [1], strides = [1]} : vector<16xi32> to vector<1xi32>
      %squeeze3A_1019 = vector.extract %slice3A_1018[0] : i32 from vector<1xi32>
      %dma_start3A_1020 = arith.constant 82 : i32
      %dma_start3A_1021 = arith.constant 0 : i32
      %dma_start3A_1022 = tpu.memref_slice %arg6[%dma_start3A_1020, %dma_start3A_1021] : memref<128x64xf32, #tpu.memory_space<vmem>> -> memref<1x64xf32, #tpu.memory_space<vmem>>
      %dma_start3A_1023 = arith.constant 0 : i32
      %dma_start3A_1024 = tpu.memref_slice %arg3[%squeeze3A_1019, %dma_start3A_1023] : memref<1000001x64xf32, #tpu.memory_space<hbm>> -> memref<1x64xf32, #tpu.memory_space<hbm>>
      %dma_start3A_1025 = arith.constant 82 : i32
      %dma_start3A_1026 = arith.constant 0 : i32
      %dma_start3A_1027 = tpu.memref_slice %arg6[%dma_start3A_1025, %dma_start3A_1026] : memref<128x64xf32, #tpu.memory_space<vmem>> -> memref<1x64xf32, #tpu.memory_space<vmem>>
      %dma_start3A_1028 = arith.constant 0 : i32
      %dma_start3A_1029 = tpu.memref_slice %arg3[%squeeze3A_1019, %dma_start3A_1028] : memref<1000001x64xf32, #tpu.memory_space<hbm>> -> memref<1x64xf32, #tpu.memory_space<hbm>>
      tpu.enqueue_dma source(%dma_start3A_1029 : memref<1x64xf32, #tpu.memory_space<hbm>>) target(%dma_start3A_1027 : memref<1x64xf32, #tpu.memory_space<vmem>>) target_semaphore(%arg7 : memref<!tpu.dma_semaphore, #tpu.memory_space<semaphore_mem>>)
      %slice3A_1030 = vector.extract_strided_slice %get3A_993 {offsets = [3], sizes = [1], strides = [1]} : vector<16xi32> to vector<1xi32>
      %squeeze3A_1031 = vector.extract %slice3A_1030[0] : i32 from vector<1xi32>
      %dma_start3A_1032 = arith.constant 83 : i32
      %dma_start3A_1033 = arith.constant 0 : i32
      %dma_start3A_1034 = tpu.memref_slice %arg6[%dma_start3A_1032, %dma_start3A_1033] : memref<128x64xf32, #tpu.memory_space<vmem>> -> memref<1x64xf32, #tpu.memory_space<vmem>>
      %dma_start3A_1035 = arith.constant 0 : i32
      %dma_start3A_1036 = tpu.memref_slice %arg3[%squeeze3A_1031, %dma_start3A_1035] : memref<1000001x64xf32, #tpu.memory_space<hbm>> -> memref<1x64xf32, #tpu.memory_space<hbm>>
      %dma_start3A_1037 = arith.constant 83 : i32
      %dma_start3A_1038 = arith.constant 0 : i32
      %dma_start3A_1039 = tpu.memref_slice %arg6[%dma_start3A_1037, %dma_start3A_1038] : memref<128x64xf32, #tpu.memory_space<vmem>> -> memref<1x64xf32, #tpu.memory_space<vmem>>
      %dma_start3A_1040 = arith.constant 0 : i32
      %dma_start3A_1041 = tpu.memref_slice %arg3[%squeeze3A_1031, %dma_start3A_1040] : memref<1000001x64xf32, #tpu.memory_space<hbm>> -> memref<1x64xf32, #tpu.memory_space<hbm>>
      tpu.enqueue_dma source(%dma_start3A_1041 : memref<1x64xf32, #tpu.memory_space<hbm>>) target(%dma_start3A_1039 : memref<1x64xf32, #tpu.memory_space<vmem>>) target_semaphore(%arg7 : memref<!tpu.dma_semaphore, #tpu.memory_space<semaphore_mem>>)
      %slice3A_1042 = vector.extract_strided_slice %get3A_993 {offsets = [4], sizes = [1], strides = [1]} : vector<16xi32> to vector<1xi32>
      %squeeze3A_1043 = vector.extract %slice3A_1042[0] : i32 from vector<1xi32>
      %dma_start3A_1044 = arith.constant 84 : i32
      %dma_start3A_1045 = arith.constant 0 : i32
      %dma_start3A_1046 = tpu.memref_slice %arg6[%dma_start3A_1044, %dma_start3A_1045] : memref<128x64xf32, #tpu.memory_space<vmem>> -> memref<1x64xf32, #tpu.memory_space<vmem>>
      %dma_start3A_1047 = arith.constant 0 : i32
      %dma_start3A_1048 = tpu.memref_slice %arg3[%squeeze3A_1043, %dma_start3A_1047] : memref<1000001x64xf32, #tpu.memory_space<hbm>> -> memref<1x64xf32, #tpu.memory_space<hbm>>
      %dma_start3A_1049 = arith.constant 84 : i32
      %dma_start3A_1050 = arith.constant 0 : i32
      %dma_start3A_1051 = tpu.memref_slice %arg6[%dma_start3A_1049, %dma_start3A_1050] : memref<128x64xf32, #tpu.memory_space<vmem>> -> memref<1x64xf32, #tpu.memory_space<vmem>>
      %dma_start3A_1052 = arith.constant 0 : i32
      %dma_start3A_1053 = tpu.memref_slice %arg3[%squeeze3A_1043, %dma_start3A_1052] : memref<1000001x64xf32, #tpu.memory_space<hbm>> -> memref<1x64xf32, #tpu.memory_space<hbm>>
      tpu.enqueue_dma source(%dma_start3A_1053 : memref<1x64xf32, #tpu.memory_space<hbm>>) target(%dma_start3A_1051 : memref<1x64xf32, #tpu.memory_space<vmem>>) target_semaphore(%arg7 : memref<!tpu.dma_semaphore, #tpu.memory_space<semaphore_mem>>)
      %slice3A_1054 = vector.extract_strided_slice %get3A_993 {offsets = [5], sizes = [1], strides = [1]} : vector<16xi32> to vector<1xi32>
      %squeeze3A_1055 = vector.extract %slice3A_1054[0] : i32 from vector<1xi32>
      %dma_start3A_1056 = arith.constant 85 : i32
      %dma_start3A_1057 = arith.constant 0 : i32
      %dma_start3A_1058 = tpu.memref_slice %arg6[%dma_start3A_1056, %dma_start3A_1057] : memref<128x64xf32, #tpu.memory_space<vmem>> -> memref<1x64xf32, #tpu.memory_space<vmem>>
      %dma_start3A_1059 = arith.constant 0 : i32
      %dma_start3A_1060 = tpu.memref_slice %arg3[%squeeze3A_1055, %dma_start3A_1059] : memref<1000001x64xf32, #tpu.memory_space<hbm>> -> memref<1x64xf32, #tpu.memory_space<hbm>>
      %dma_start3A_1061 = arith.constant 85 : i32
      %dma_start3A_1062 = arith.constant 0 : i32
      %dma_start3A_1063 = tpu.memref_slice %arg6[%dma_start3A_1061, %dma_start3A_1062] : memref<128x64xf32, #tpu.memory_space<vmem>> -> memref<1x64xf32, #tpu.memory_space<vmem>>
      %dma_start3A_1064 = arith.constant 0 : i32
      %dma_start3A_1065 = tpu.memref_slice %arg3[%squeeze3A_1055, %dma_start3A_1064] : memref<1000001x64xf32, #tpu.memory_space<hbm>> -> memref<1x64xf32, #tpu.memory_space<hbm>>
      tpu.enqueue_dma source(%dma_start3A_1065 : memref<1x64xf32, #tpu.memory_space<hbm>>) target(%dma_start3A_1063 : memref<1x64xf32, #tpu.memory_space<vmem>>) target_semaphore(%arg7 : memref<!tpu.dma_semaphore, #tpu.memory_space<semaphore_mem>>)
      %slice3A_1066 = vector.extract_strided_slice %get3A_993 {offsets = [6], sizes = [1], strides = [1]} : vector<16xi32> to vector<1xi32>
      %squeeze3A_1067 = vector.extract %slice3A_1066[0] : i32 from vector<1xi32>
      %dma_start3A_1068 = arith.constant 86 : i32
      %dma_start3A_1069 = arith.constant 0 : i32
      %dma_start3A_1070 = tpu.memref_slice %arg6[%dma_start3A_1068, %dma_start3A_1069] : memref<128x64xf32, #tpu.memory_space<vmem>> -> memref<1x64xf32, #tpu.memory_space<vmem>>
      %dma_start3A_1071 = arith.constant 0 : i32
      %dma_start3A_1072 = tpu.memref_slice %arg3[%squeeze3A_1067, %dma_start3A_1071] : memref<1000001x64xf32, #tpu.memory_space<hbm>> -> memref<1x64xf32, #tpu.memory_space<hbm>>
      %dma_start3A_1073 = arith.constant 86 : i32
      %dma_start3A_1074 = arith.constant 0 : i32
      %dma_start3A_1075 = tpu.memref_slice %arg6[%dma_start3A_1073, %dma_start3A_1074] : memref<128x64xf32, #tpu.memory_space<vmem>> -> memref<1x64xf32, #tpu.memory_space<vmem>>
      %dma_start3A_1076 = arith.constant 0 : i32
      %dma_start3A_1077 = tpu.memref_slice %arg3[%squeeze3A_1067, %dma_start3A_1076] : memref<1000001x64xf32, #tpu.memory_space<hbm>> -> memref<1x64xf32, #tpu.memory_space<hbm>>
      tpu.enqueue_dma source(%dma_start3A_1077 : memref<1x64xf32, #tpu.memory_space<hbm>>) target(%dma_start3A_1075 : memref<1x64xf32, #tpu.memory_space<vmem>>) target_semaphore(%arg7 : memref<!tpu.dma_semaphore, #tpu.memory_space<semaphore_mem>>)
      %slice3A_1078 = vector.extract_strided_slice %get3A_993 {offsets = [7], sizes = [1], strides = [1]} : vector<16xi32> to vector<1xi32>
      %squeeze3A_1079 = vector.extract %slice3A_1078[0] : i32 from vector<1xi32>
      %dma_start3A_1080 = arith.constant 87 : i32
      %dma_start3A_1081 = arith.constant 0 : i32
      %dma_start3A_1082 = tpu.memref_slice %arg6[%dma_start3A_1080, %dma_start3A_1081] : memref<128x64xf32, #tpu.memory_space<vmem>> -> memref<1x64xf32, #tpu.memory_space<vmem>>
      %dma_start3A_1083 = arith.constant 0 : i32
      %dma_start3A_1084 = tpu.memref_slice %arg3[%squeeze3A_1079, %dma_start3A_1083] : memref<1000001x64xf32, #tpu.memory_space<hbm>> -> memref<1x64xf32, #tpu.memory_space<hbm>>
      %dma_start3A_1085 = arith.constant 87 : i32
      %dma_start3A_1086 = arith.constant 0 : i32
      %dma_start3A_1087 = tpu.memref_slice %arg6[%dma_start3A_1085, %dma_start3A_1086] : memref<128x64xf32, #tpu.memory_space<vmem>> -> memref<1x64xf32, #tpu.memory_space<vmem>>
      %dma_start3A_1088 = arith.constant 0 : i32
      %dma_start3A_1089 = tpu.memref_slice %arg3[%squeeze3A_1079, %dma_start3A_1088] : memref<1000001x64xf32, #tpu.memory_space<hbm>> -> memref<1x64xf32, #tpu.memory_space<hbm>>
      tpu.enqueue_dma source(%dma_start3A_1089 : memref<1x64xf32, #tpu.memory_space<hbm>>) target(%dma_start3A_1087 : memref<1x64xf32, #tpu.memory_space<vmem>>) target_semaphore(%arg7 : memref<!tpu.dma_semaphore, #tpu.memory_space<semaphore_mem>>)
      %slice3A_1090 = vector.extract_strided_slice %get3A_993 {offsets = [8], sizes = [1], strides = [1]} : vector<16xi32> to vector<1xi32>
      %squeeze3A_1091 = vector.extract %slice3A_1090[0] : i32 from vector<1xi32>
      %dma_start3A_1092 = arith.constant 88 : i32
      %dma_start3A_1093 = arith.constant 0 : i32
      %dma_start3A_1094 = tpu.memref_slice %arg6[%dma_start3A_1092, %dma_start3A_1093] : memref<128x64xf32, #tpu.memory_space<vmem>> -> memref<1x64xf32, #tpu.memory_space<vmem>>
      %dma_start3A_1095 = arith.constant 0 : i32
      %dma_start3A_1096 = tpu.memref_slice %arg3[%squeeze3A_1091, %dma_start3A_1095] : memref<1000001x64xf32, #tpu.memory_space<hbm>> -> memref<1x64xf32, #tpu.memory_space<hbm>>
      %dma_start3A_1097 = arith.constant 88 : i32
      %dma_start3A_1098 = arith.constant 0 : i32
      %dma_start3A_1099 = tpu.memref_slice %arg6[%dma_start3A_1097, %dma_start3A_1098] : memref<128x64xf32, #tpu.memory_space<vmem>> -> memref<1x64xf32, #tpu.memory_space<vmem>>
      %dma_start3A_1100 = arith.constant 0 : i32
      %dma_start3A_1101 = tpu.memref_slice %arg3[%squeeze3A_1091, %dma_start3A_1100] : memref<1000001x64xf32, #tpu.memory_space<hbm>> -> memref<1x64xf32, #tpu.memory_space<hbm>>
      tpu.enqueue_dma source(%dma_start3A_1101 : memref<1x64xf32, #tpu.memory_space<hbm>>) target(%dma_start3A_1099 : memref<1x64xf32, #tpu.memory_space<vmem>>) target_semaphore(%arg7 : memref<!tpu.dma_semaphore, #tpu.memory_space<semaphore_mem>>)
      %slice3A_1102 = vector.extract_strided_slice %get3A_993 {offsets = [9], sizes = [1], strides = [1]} : vector<16xi32> to vector<1xi32>
      %squeeze3A_1103 = vector.extract %slice3A_1102[0] : i32 from vector<1xi32>
      %dma_start3A_1104 = arith.constant 89 : i32
      %dma_start3A_1105 = arith.constant 0 : i32
      %dma_start3A_1106 = tpu.memref_slice %arg6[%dma_start3A_1104, %dma_start3A_1105] : memref<128x64xf32, #tpu.memory_space<vmem>> -> memref<1x64xf32, #tpu.memory_space<vmem>>
      %dma_start3A_1107 = arith.constant 0 : i32
      %dma_start3A_1108 = tpu.memref_slice %arg3[%squeeze3A_1103, %dma_start3A_1107] : memref<1000001x64xf32, #tpu.memory_space<hbm>> -> memref<1x64xf32, #tpu.memory_space<hbm>>
      %dma_start3A_1109 = arith.constant 89 : i32
      %dma_start3A_1110 = arith.constant 0 : i32
      %dma_start3A_1111 = tpu.memref_slice %arg6[%dma_start3A_1109, %dma_start3A_1110] : memref<128x64xf32, #tpu.memory_space<vmem>> -> memref<1x64xf32, #tpu.memory_space<vmem>>
      %dma_start3A_1112 = arith.constant 0 : i32
      %dma_start3A_1113 = tpu.memref_slice %arg3[%squeeze3A_1103, %dma_start3A_1112] : memref<1000001x64xf32, #tpu.memory_space<hbm>> -> memref<1x64xf32, #tpu.memory_space<hbm>>
      tpu.enqueue_dma source(%dma_start3A_1113 : memref<1x64xf32, #tpu.memory_space<hbm>>) target(%dma_start3A_1111 : memref<1x64xf32, #tpu.memory_space<vmem>>) target_semaphore(%arg7 : memref<!tpu.dma_semaphore, #tpu.memory_space<semaphore_mem>>)
      %slice3A_1114 = vector.extract_strided_slice %get3A_993 {offsets = [10], sizes = [1], strides = [1]} : vector<16xi32> to vector<1xi32>
      %squeeze3A_1115 = vector.extract %slice3A_1114[0] : i32 from vector<1xi32>
      %dma_start3A_1116 = arith.constant 90 : i32
      %dma_start3A_1117 = arith.constant 0 : i32
      %dma_start3A_1118 = tpu.memref_slice %arg6[%dma_start3A_1116, %dma_start3A_1117] : memref<128x64xf32, #tpu.memory_space<vmem>> -> memref<1x64xf32, #tpu.memory_space<vmem>>
      %dma_start3A_1119 = arith.constant 0 : i32
      %dma_start3A_1120 = tpu.memref_slice %arg3[%squeeze3A_1115, %dma_start3A_1119] : memref<1000001x64xf32, #tpu.memory_space<hbm>> -> memref<1x64xf32, #tpu.memory_space<hbm>>
      %dma_start3A_1121 = arith.constant 90 : i32
      %dma_start3A_1122 = arith.constant 0 : i32
      %dma_start3A_1123 = tpu.memref_slice %arg6[%dma_start3A_1121, %dma_start3A_1122] : memref<128x64xf32, #tpu.memory_space<vmem>> -> memref<1x64xf32, #tpu.memory_space<vmem>>
      %dma_start3A_1124 = arith.constant 0 : i32
      %dma_start3A_1125 = tpu.memref_slice %arg3[%squeeze3A_1115, %dma_start3A_1124] : memref<1000001x64xf32, #tpu.memory_space<hbm>> -> memref<1x64xf32, #tpu.memory_space<hbm>>
      tpu.enqueue_dma source(%dma_start3A_1125 : memref<1x64xf32, #tpu.memory_space<hbm>>) target(%dma_start3A_1123 : memref<1x64xf32, #tpu.memory_space<vmem>>) target_semaphore(%arg7 : memref<!tpu.dma_semaphore, #tpu.memory_space<semaphore_mem>>)
      %slice3A_1126 = vector.extract_strided_slice %get3A_993 {offsets = [11], sizes = [1], strides = [1]} : vector<16xi32> to vector<1xi32>
      %squeeze3A_1127 = vector.extract %slice3A_1126[0] : i32 from vector<1xi32>
      %dma_start3A_1128 = arith.constant 91 : i32
      %dma_start3A_1129 = arith.constant 0 : i32
      %dma_start3A_1130 = tpu.memref_slice %arg6[%dma_start3A_1128, %dma_start3A_1129] : memref<128x64xf32, #tpu.memory_space<vmem>> -> memref<1x64xf32, #tpu.memory_space<vmem>>
      %dma_start3A_1131 = arith.constant 0 : i32
      %dma_start3A_1132 = tpu.memref_slice %arg3[%squeeze3A_1127, %dma_start3A_1131] : memref<1000001x64xf32, #tpu.memory_space<hbm>> -> memref<1x64xf32, #tpu.memory_space<hbm>>
      %dma_start3A_1133 = arith.constant 91 : i32
      %dma_start3A_1134 = arith.constant 0 : i32
      %dma_start3A_1135 = tpu.memref_slice %arg6[%dma_start3A_1133, %dma_start3A_1134] : memref<128x64xf32, #tpu.memory_space<vmem>> -> memref<1x64xf32, #tpu.memory_space<vmem>>
      %dma_start3A_1136 = arith.constant 0 : i32
      %dma_start3A_1137 = tpu.memref_slice %arg3[%squeeze3A_1127, %dma_start3A_1136] : memref<1000001x64xf32, #tpu.memory_space<hbm>> -> memref<1x64xf32, #tpu.memory_space<hbm>>
      tpu.enqueue_dma source(%dma_start3A_1137 : memref<1x64xf32, #tpu.memory_space<hbm>>) target(%dma_start3A_1135 : memref<1x64xf32, #tpu.memory_space<vmem>>) target_semaphore(%arg7 : memref<!tpu.dma_semaphore, #tpu.memory_space<semaphore_mem>>)
      %slice3A_1138 = vector.extract_strided_slice %get3A_993 {offsets = [12], sizes = [1], strides = [1]} : vector<16xi32> to vector<1xi32>
      %squeeze3A_1139 = vector.extract %slice3A_1138[0] : i32 from vector<1xi32>
      %dma_start3A_1140 = arith.constant 92 : i32
      %dma_start3A_1141 = arith.constant 0 : i32
      %dma_start3A_1142 = tpu.memref_slice %arg6[%dma_start3A_1140, %dma_start3A_1141] : memref<128x64xf32, #tpu.memory_space<vmem>> -> memref<1x64xf32, #tpu.memory_space<vmem>>
      %dma_start3A_1143 = arith.constant 0 : i32
      %dma_start3A_1144 = tpu.memref_slice %arg3[%squeeze3A_1139, %dma_start3A_1143] : memref<1000001x64xf32, #tpu.memory_space<hbm>> -> memref<1x64xf32, #tpu.memory_space<hbm>>
      %dma_start3A_1145 = arith.constant 92 : i32
      %dma_start3A_1146 = arith.constant 0 : i32
      %dma_start3A_1147 = tpu.memref_slice %arg6[%dma_start3A_1145, %dma_start3A_1146] : memref<128x64xf32, #tpu.memory_space<vmem>> -> memref<1x64xf32, #tpu.memory_space<vmem>>
      %dma_start3A_1148 = arith.constant 0 : i32
      %dma_start3A_1149 = tpu.memref_slice %arg3[%squeeze3A_1139, %dma_start3A_1148] : memref<1000001x64xf32, #tpu.memory_space<hbm>> -> memref<1x64xf32, #tpu.memory_space<hbm>>
      tpu.enqueue_dma source(%dma_start3A_1149 : memref<1x64xf32, #tpu.memory_space<hbm>>) target(%dma_start3A_1147 : memref<1x64xf32, #tpu.memory_space<vmem>>) target_semaphore(%arg7 : memref<!tpu.dma_semaphore, #tpu.memory_space<semaphore_mem>>)
      %slice3A_1150 = vector.extract_strided_slice %get3A_993 {offsets = [13], sizes = [1], strides = [1]} : vector<16xi32> to vector<1xi32>
      %squeeze3A_1151 = vector.extract %slice3A_1150[0] : i32 from vector<1xi32>
      %dma_start3A_1152 = arith.constant 93 : i32
      %dma_start3A_1153 = arith.constant 0 : i32
      %dma_start3A_1154 = tpu.memref_slice %arg6[%dma_start3A_1152, %dma_start3A_1153] : memref<128x64xf32, #tpu.memory_space<vmem>> -> memref<1x64xf32, #tpu.memory_space<vmem>>
      %dma_start3A_1155 = arith.constant 0 : i32
      %dma_start3A_1156 = tpu.memref_slice %arg3[%squeeze3A_1151, %dma_start3A_1155] : memref<1000001x64xf32, #tpu.memory_space<hbm>> -> memref<1x64xf32, #tpu.memory_space<hbm>>
      %dma_start3A_1157 = arith.constant 93 : i32
      %dma_start3A_1158 = arith.constant 0 : i32
      %dma_start3A_1159 = tpu.memref_slice %arg6[%dma_start3A_1157, %dma_start3A_1158] : memref<128x64xf32, #tpu.memory_space<vmem>> -> memref<1x64xf32, #tpu.memory_space<vmem>>
      %dma_start3A_1160 = arith.constant 0 : i32
      %dma_start3A_1161 = tpu.memref_slice %arg3[%squeeze3A_1151, %dma_start3A_1160] : memref<1000001x64xf32, #tpu.memory_space<hbm>> -> memref<1x64xf32, #tpu.memory_space<hbm>>
      tpu.enqueue_dma source(%dma_start3A_1161 : memref<1x64xf32, #tpu.memory_space<hbm>>) target(%dma_start3A_1159 : memref<1x64xf32, #tpu.memory_space<vmem>>) target_semaphore(%arg7 : memref<!tpu.dma_semaphore, #tpu.memory_space<semaphore_mem>>)
      %slice3A_1162 = vector.extract_strided_slice %get3A_993 {offsets = [14], sizes = [1], strides = [1]} : vector<16xi32> to vector<1xi32>
      %squeeze3A_1163 = vector.extract %slice3A_1162[0] : i32 from vector<1xi32>
      %dma_start3A_1164 = arith.constant 94 : i32
      %dma_start3A_1165 = arith.constant 0 : i32
      %dma_start3A_1166 = tpu.memref_slice %arg6[%dma_start3A_1164, %dma_start3A_1165] : memref<128x64xf32, #tpu.memory_space<vmem>> -> memref<1x64xf32, #tpu.memory_space<vmem>>
      %dma_start3A_1167 = arith.constant 0 : i32
      %dma_start3A_1168 = tpu.memref_slice %arg3[%squeeze3A_1163, %dma_start3A_1167] : memref<1000001x64xf32, #tpu.memory_space<hbm>> -> memref<1x64xf32, #tpu.memory_space<hbm>>
      %dma_start3A_1169 = arith.constant 94 : i32
      %dma_start3A_1170 = arith.constant 0 : i32
      %dma_start3A_1171 = tpu.memref_slice %arg6[%dma_start3A_1169, %dma_start3A_1170] : memref<128x64xf32, #tpu.memory_space<vmem>> -> memref<1x64xf32, #tpu.memory_space<vmem>>
      %dma_start3A_1172 = arith.constant 0 : i32
      %dma_start3A_1173 = tpu.memref_slice %arg3[%squeeze3A_1163, %dma_start3A_1172] : memref<1000001x64xf32, #tpu.memory_space<hbm>> -> memref<1x64xf32, #tpu.memory_space<hbm>>
      tpu.enqueue_dma source(%dma_start3A_1173 : memref<1x64xf32, #tpu.memory_space<hbm>>) target(%dma_start3A_1171 : memref<1x64xf32, #tpu.memory_space<vmem>>) target_semaphore(%arg7 : memref<!tpu.dma_semaphore, #tpu.memory_space<semaphore_mem>>)
      %slice3A_1174 = vector.extract_strided_slice %get3A_993 {offsets = [15], sizes = [1], strides = [1]} : vector<16xi32> to vector<1xi32>
      %squeeze3A_1175 = vector.extract %slice3A_1174[0] : i32 from vector<1xi32>
      %dma_start3A_1176 = arith.constant 95 : i32
      %dma_start3A_1177 = arith.constant 0 : i32
      %dma_start3A_1178 = tpu.memref_slice %arg6[%dma_start3A_1176, %dma_start3A_1177] : memref<128x64xf32, #tpu.memory_space<vmem>> -> memref<1x64xf32, #tpu.memory_space<vmem>>
      %dma_start3A_1179 = arith.constant 0 : i32
      %dma_start3A_1180 = tpu.memref_slice %arg3[%squeeze3A_1175, %dma_start3A_1179] : memref<1000001x64xf32, #tpu.memory_space<hbm>> -> memref<1x64xf32, #tpu.memory_space<hbm>>
      %dma_start3A_1181 = arith.constant 95 : i32
      %dma_start3A_1182 = arith.constant 0 : i32
      %dma_start3A_1183 = tpu.memref_slice %arg6[%dma_start3A_1181, %dma_start3A_1182] : memref<128x64xf32, #tpu.memory_space<vmem>> -> memref<1x64xf32, #tpu.memory_space<vmem>>
      %dma_start3A_1184 = arith.constant 0 : i32
      %dma_start3A_1185 = tpu.memref_slice %arg3[%squeeze3A_1175, %dma_start3A_1184] : memref<1000001x64xf32, #tpu.memory_space<hbm>> -> memref<1x64xf32, #tpu.memory_space<hbm>>
      tpu.enqueue_dma source(%dma_start3A_1185 : memref<1x64xf32, #tpu.memory_space<hbm>>) target(%dma_start3A_1183 : memref<1x64xf32, #tpu.memory_space<vmem>>) target_semaphore(%arg7 : memref<!tpu.dma_semaphore, #tpu.memory_space<semaphore_mem>>)
      %add3A_1186 = arith.constant 96 : i32
      %add3A_1187 = arith.addi %mul3A_13, %add3A_1186 : i32
      %get3A_1188 = arith.index_cast %add3A_1187 : i32 to index
      %get3A_1189 = tpu.vector_load %arg5[%get3A_1188] {strides = array<i32>} : memref<512xi32, #tpu.memory_space<vmem>>, vector<16xi32>,
      %slice3A_1190 = vector.extract_strided_slice %get3A_1189 {offsets = [0], sizes = [1], strides = [1]} : vector<16xi32> to vector<1xi32>
      %squeeze3A_1191 = vector.extract %slice3A_1190[0] : i32 from vector<1xi32>
      %dma_start3A_1192 = arith.constant 96 : i32
      %dma_start3A_1193 = arith.constant 0 : i32
      %dma_start3A_1194 = tpu.memref_slice %arg6[%dma_start3A_1192, %dma_start3A_1193] : memref<128x64xf32, #tpu.memory_space<vmem>> -> memref<1x64xf32, #tpu.memory_space<vmem>>
      %dma_start3A_1195 = arith.constant 0 : i32
      %dma_start3A_1196 = tpu.memref_slice %arg3[%squeeze3A_1191, %dma_start3A_1195] : memref<1000001x64xf32, #tpu.memory_space<hbm>> -> memref<1x64xf32, #tpu.memory_space<hbm>>
      %dma_start3A_1197 = arith.constant 96 : i32
      %dma_start3A_1198 = arith.constant 0 : i32
      %dma_start3A_1199 = tpu.memref_slice %arg6[%dma_start3A_1197, %dma_start3A_1198] : memref<128x64xf32, #tpu.memory_space<vmem>> -> memref<1x64xf32, #tpu.memory_space<vmem>>
      %dma_start3A_1200 = arith.constant 0 : i32
      %dma_start3A_1201 = tpu.memref_slice %arg3[%squeeze3A_1191, %dma_start3A_1200] : memref<1000001x64xf32, #tpu.memory_space<hbm>> -> memref<1x64xf32, #tpu.memory_space<hbm>>
      tpu.enqueue_dma source(%dma_start3A_1201 : memref<1x64xf32, #tpu.memory_space<hbm>>) target(%dma_start3A_1199 : memref<1x64xf32, #tpu.memory_space<vmem>>) target_semaphore(%arg7 : memref<!tpu.dma_semaphore, #tpu.memory_space<semaphore_mem>>)
      %slice3A_1202 = vector.extract_strided_slice %get3A_1189 {offsets = [1], sizes = [1], strides = [1]} : vector<16xi32> to vector<1xi32>
      %squeeze3A_1203 = vector.extract %slice3A_1202[0] : i32 from vector<1xi32>
      %dma_start3A_1204 = arith.constant 97 : i32
      %dma_start3A_1205 = arith.constant 0 : i32
      %dma_start3A_1206 = tpu.memref_slice %arg6[%dma_start3A_1204, %dma_start3A_1205] : memref<128x64xf32, #tpu.memory_space<vmem>> -> memref<1x64xf32, #tpu.memory_space<vmem>>
      %dma_start3A_1207 = arith.constant 0 : i32
      %dma_start3A_1208 = tpu.memref_slice %arg3[%squeeze3A_1203, %dma_start3A_1207] : memref<1000001x64xf32, #tpu.memory_space<hbm>> -> memref<1x64xf32, #tpu.memory_space<hbm>>
      %dma_start3A_1209 = arith.constant 97 : i32
      %dma_start3A_1210 = arith.constant 0 : i32
      %dma_start3A_1211 = tpu.memref_slice %arg6[%dma_start3A_1209, %dma_start3A_1210] : memref<128x64xf32, #tpu.memory_space<vmem>> -> memref<1x64xf32, #tpu.memory_space<vmem>>
      %dma_start3A_1212 = arith.constant 0 : i32
      %dma_start3A_1213 = tpu.memref_slice %arg3[%squeeze3A_1203, %dma_start3A_1212] : memref<1000001x64xf32, #tpu.memory_space<hbm>> -> memref<1x64xf32, #tpu.memory_space<hbm>>
      tpu.enqueue_dma source(%dma_start3A_1213 : memref<1x64xf32, #tpu.memory_space<hbm>>) target(%dma_start3A_1211 : memref<1x64xf32, #tpu.memory_space<vmem>>) target_semaphore(%arg7 : memref<!tpu.dma_semaphore, #tpu.memory_space<semaphore_mem>>)
      %slice3A_1214 = vector.extract_strided_slice %get3A_1189 {offsets = [2], sizes = [1], strides = [1]} : vector<16xi32> to vector<1xi32>
      %squeeze3A_1215 = vector.extract %slice3A_1214[0] : i32 from vector<1xi32>
      %dma_start3A_1216 = arith.constant 98 : i32
      %dma_start3A_1217 = arith.constant 0 : i32
      %dma_start3A_1218 = tpu.memref_slice %arg6[%dma_start3A_1216, %dma_start3A_1217] : memref<128x64xf32, #tpu.memory_space<vmem>> -> memref<1x64xf32, #tpu.memory_space<vmem>>
      %dma_start3A_1219 = arith.constant 0 : i32
      %dma_start3A_1220 = tpu.memref_slice %arg3[%squeeze3A_1215, %dma_start3A_1219] : memref<1000001x64xf32, #tpu.memory_space<hbm>> -> memref<1x64xf32, #tpu.memory_space<hbm>>
      %dma_start3A_1221 = arith.constant 98 : i32
      %dma_start3A_1222 = arith.constant 0 : i32
      %dma_start3A_1223 = tpu.memref_slice %arg6[%dma_start3A_1221, %dma_start3A_1222] : memref<128x64xf32, #tpu.memory_space<vmem>> -> memref<1x64xf32, #tpu.memory_space<vmem>>
      %dma_start3A_1224 = arith.constant 0 : i32
      %dma_start3A_1225 = tpu.memref_slice %arg3[%squeeze3A_1215, %dma_start3A_1224] : memref<1000001x64xf32, #tpu.memory_space<hbm>> -> memref<1x64xf32, #tpu.memory_space<hbm>>
      tpu.enqueue_dma source(%dma_start3A_1225 : memref<1x64xf32, #tpu.memory_space<hbm>>) target(%dma_start3A_1223 : memref<1x64xf32, #tpu.memory_space<vmem>>) target_semaphore(%arg7 : memref<!tpu.dma_semaphore, #tpu.memory_space<semaphore_mem>>)
      %slice3A_1226 = vector.extract_strided_slice %get3A_1189 {offsets = [3], sizes = [1], strides = [1]} : vector<16xi32> to vector<1xi32>
      %squeeze3A_1227 = vector.extract %slice3A_1226[0] : i32 from vector<1xi32>
      %dma_start3A_1228 = arith.constant 99 : i32
      %dma_start3A_1229 = arith.constant 0 : i32
      %dma_start3A_1230 = tpu.memref_slice %arg6[%dma_start3A_1228, %dma_start3A_1229] : memref<128x64xf32, #tpu.memory_space<vmem>> -> memref<1x64xf32, #tpu.memory_space<vmem>>
      %dma_start3A_1231 = arith.constant 0 : i32
      %dma_start3A_1232 = tpu.memref_slice %arg3[%squeeze3A_1227, %dma_start3A_1231] : memref<1000001x64xf32, #tpu.memory_space<hbm>> -> memref<1x64xf32, #tpu.memory_space<hbm>>
      %dma_start3A_1233 = arith.constant 99 : i32
      %dma_start3A_1234 = arith.constant 0 : i32
      %dma_start3A_1235 = tpu.memref_slice %arg6[%dma_start3A_1233, %dma_start3A_1234] : memref<128x64xf32, #tpu.memory_space<vmem>> -> memref<1x64xf32, #tpu.memory_space<vmem>>
      %dma_start3A_1236 = arith.constant 0 : i32
      %dma_start3A_1237 = tpu.memref_slice %arg3[%squeeze3A_1227, %dma_start3A_1236] : memref<1000001x64xf32, #tpu.memory_space<hbm>> -> memref<1x64xf32, #tpu.memory_space<hbm>>
      tpu.enqueue_dma source(%dma_start3A_1237 : memref<1x64xf32, #tpu.memory_space<hbm>>) target(%dma_start3A_1235 : memref<1x64xf32, #tpu.memory_space<vmem>>) target_semaphore(%arg7 : memref<!tpu.dma_semaphore, #tpu.memory_space<semaphore_mem>>)
      %slice3A_1238 = vector.extract_strided_slice %get3A_1189 {offsets = [4], sizes = [1], strides = [1]} : vector<16xi32> to vector<1xi32>
      %squeeze3A_1239 = vector.extract %slice3A_1238[0] : i32 from vector<1xi32>
      %dma_start3A_1240 = arith.constant 100 : i32
      %dma_start3A_1241 = arith.constant 0 : i32
      %dma_start3A_1242 = tpu.memref_slice %arg6[%dma_start3A_1240, %dma_start3A_1241] : memref<128x64xf32, #tpu.memory_space<vmem>> -> memref<1x64xf32, #tpu.memory_space<vmem>>
      %dma_start3A_1243 = arith.constant 0 : i32
      %dma_start3A_1244 = tpu.memref_slice %arg3[%squeeze3A_1239, %dma_start3A_1243] : memref<1000001x64xf32, #tpu.memory_space<hbm>> -> memref<1x64xf32, #tpu.memory_space<hbm>>
      %dma_start3A_1245 = arith.constant 100 : i32
      %dma_start3A_1246 = arith.constant 0 : i32
      %dma_start3A_1247 = tpu.memref_slice %arg6[%dma_start3A_1245, %dma_start3A_1246] : memref<128x64xf32, #tpu.memory_space<vmem>> -> memref<1x64xf32, #tpu.memory_space<vmem>>
      %dma_start3A_1248 = arith.constant 0 : i32
      %dma_start3A_1249 = tpu.memref_slice %arg3[%squeeze3A_1239, %dma_start3A_1248] : memref<1000001x64xf32, #tpu.memory_space<hbm>> -> memref<1x64xf32, #tpu.memory_space<hbm>>
      tpu.enqueue_dma source(%dma_start3A_1249 : memref<1x64xf32, #tpu.memory_space<hbm>>) target(%dma_start3A_1247 : memref<1x64xf32, #tpu.memory_space<vmem>>) target_semaphore(%arg7 : memref<!tpu.dma_semaphore, #tpu.memory_space<semaphore_mem>>)
      %slice3A_1250 = vector.extract_strided_slice %get3A_1189 {offsets = [5], sizes = [1], strides = [1]} : vector<16xi32> to vector<1xi32>
      %squeeze3A_1251 = vector.extract %slice3A_1250[0] : i32 from vector<1xi32>
      %dma_start3A_1252 = arith.constant 101 : i32
      %dma_start3A_1253 = arith.constant 0 : i32
      %dma_start3A_1254 = tpu.memref_slice %arg6[%dma_start3A_1252, %dma_start3A_1253] : memref<128x64xf32, #tpu.memory_space<vmem>> -> memref<1x64xf32, #tpu.memory_space<vmem>>
      %dma_start3A_1255 = arith.constant 0 : i32
      %dma_start3A_1256 = tpu.memref_slice %arg3[%squeeze3A_1251, %dma_start3A_1255] : memref<1000001x64xf32, #tpu.memory_space<hbm>> -> memref<1x64xf32, #tpu.memory_space<hbm>>
      %dma_start3A_1257 = arith.constant 101 : i32
      %dma_start3A_1258 = arith.constant 0 : i32
      %dma_start3A_1259 = tpu.memref_slice %arg6[%dma_start3A_1257, %dma_start3A_1258] : memref<128x64xf32, #tpu.memory_space<vmem>> -> memref<1x64xf32, #tpu.memory_space<vmem>>
      %dma_start3A_1260 = arith.constant 0 : i32
      %dma_start3A_1261 = tpu.memref_slice %arg3[%squeeze3A_1251, %dma_start3A_1260] : memref<1000001x64xf32, #tpu.memory_space<hbm>> -> memref<1x64xf32, #tpu.memory_space<hbm>>
      tpu.enqueue_dma source(%dma_start3A_1261 : memref<1x64xf32, #tpu.memory_space<hbm>>) target(%dma_start3A_1259 : memref<1x64xf32, #tpu.memory_space<vmem>>) target_semaphore(%arg7 : memref<!tpu.dma_semaphore, #tpu.memory_space<semaphore_mem>>)
      %slice3A_1262 = vector.extract_strided_slice %get3A_1189 {offsets = [6], sizes = [1], strides = [1]} : vector<16xi32> to vector<1xi32>
      %squeeze3A_1263 = vector.extract %slice3A_1262[0] : i32 from vector<1xi32>
      %dma_start3A_1264 = arith.constant 102 : i32
      %dma_start3A_1265 = arith.constant 0 : i32
      %dma_start3A_1266 = tpu.memref_slice %arg6[%dma_start3A_1264, %dma_start3A_1265] : memref<128x64xf32, #tpu.memory_space<vmem>> -> memref<1x64xf32, #tpu.memory_space<vmem>>
      %dma_start3A_1267 = arith.constant 0 : i32
      %dma_start3A_1268 = tpu.memref_slice %arg3[%squeeze3A_1263, %dma_start3A_1267] : memref<1000001x64xf32, #tpu.memory_space<hbm>> -> memref<1x64xf32, #tpu.memory_space<hbm>>
      %dma_start3A_1269 = arith.constant 102 : i32
      %dma_start3A_1270 = arith.constant 0 : i32
      %dma_start3A_1271 = tpu.memref_slice %arg6[%dma_start3A_1269, %dma_start3A_1270] : memref<128x64xf32, #tpu.memory_space<vmem>> -> memref<1x64xf32, #tpu.memory_space<vmem>>
      %dma_start3A_1272 = arith.constant 0 : i32
      %dma_start3A_1273 = tpu.memref_slice %arg3[%squeeze3A_1263, %dma_start3A_1272] : memref<1000001x64xf32, #tpu.memory_space<hbm>> -> memref<1x64xf32, #tpu.memory_space<hbm>>
      tpu.enqueue_dma source(%dma_start3A_1273 : memref<1x64xf32, #tpu.memory_space<hbm>>) target(%dma_start3A_1271 : memref<1x64xf32, #tpu.memory_space<vmem>>) target_semaphore(%arg7 : memref<!tpu.dma_semaphore, #tpu.memory_space<semaphore_mem>>)
      %slice3A_1274 = vector.extract_strided_slice %get3A_1189 {offsets = [7], sizes = [1], strides = [1]} : vector<16xi32> to vector<1xi32>
      %squeeze3A_1275 = vector.extract %slice3A_1274[0] : i32 from vector<1xi32>
      %dma_start3A_1276 = arith.constant 103 : i32
      %dma_start3A_1277 = arith.constant 0 : i32
      %dma_start3A_1278 = tpu.memref_slice %arg6[%dma_start3A_1276, %dma_start3A_1277] : memref<128x64xf32, #tpu.memory_space<vmem>> -> memref<1x64xf32, #tpu.memory_space<vmem>>
      %dma_start3A_1279 = arith.constant 0 : i32
      %dma_start3A_1280 = tpu.memref_slice %arg3[%squeeze3A_1275, %dma_start3A_1279] : memref<1000001x64xf32, #tpu.memory_space<hbm>> -> memref<1x64xf32, #tpu.memory_space<hbm>>
      %dma_start3A_1281 = arith.constant 103 : i32
      %dma_start3A_1282 = arith.constant 0 : i32
      %dma_start3A_1283 = tpu.memref_slice %arg6[%dma_start3A_1281, %dma_start3A_1282] : memref<128x64xf32, #tpu.memory_space<vmem>> -> memref<1x64xf32, #tpu.memory_space<vmem>>
      %dma_start3A_1284 = arith.constant 0 : i32
      %dma_start3A_1285 = tpu.memref_slice %arg3[%squeeze3A_1275, %dma_start3A_1284] : memref<1000001x64xf32, #tpu.memory_space<hbm>> -> memref<1x64xf32, #tpu.memory_space<hbm>>
      tpu.enqueue_dma source(%dma_start3A_1285 : memref<1x64xf32, #tpu.memory_space<hbm>>) target(%dma_start3A_1283 : memref<1x64xf32, #tpu.memory_space<vmem>>) target_semaphore(%arg7 : memref<!tpu.dma_semaphore, #tpu.memory_space<semaphore_mem>>)
      %slice3A_1286 = vector.extract_strided_slice %get3A_1189 {offsets = [8], sizes = [1], strides = [1]} : vector<16xi32> to vector<1xi32>
      %squeeze3A_1287 = vector.extract %slice3A_1286[0] : i32 from vector<1xi32>
      %dma_start3A_1288 = arith.constant 104 : i32
      %dma_start3A_1289 = arith.constant 0 : i32
      %dma_start3A_1290 = tpu.memref_slice %arg6[%dma_start3A_1288, %dma_start3A_1289] : memref<128x64xf32, #tpu.memory_space<vmem>> -> memref<1x64xf32, #tpu.memory_space<vmem>>
      %dma_start3A_1291 = arith.constant 0 : i32
      %dma_start3A_1292 = tpu.memref_slice %arg3[%squeeze3A_1287, %dma_start3A_1291] : memref<1000001x64xf32, #tpu.memory_space<hbm>> -> memref<1x64xf32, #tpu.memory_space<hbm>>
      %dma_start3A_1293 = arith.constant 104 : i32
      %dma_start3A_1294 = arith.constant 0 : i32
      %dma_start3A_1295 = tpu.memref_slice %arg6[%dma_start3A_1293, %dma_start3A_1294] : memref<128x64xf32, #tpu.memory_space<vmem>> -> memref<1x64xf32, #tpu.memory_space<vmem>>
      %dma_start3A_1296 = arith.constant 0 : i32
      %dma_start3A_1297 = tpu.memref_slice %arg3[%squeeze3A_1287, %dma_start3A_1296] : memref<1000001x64xf32, #tpu.memory_space<hbm>> -> memref<1x64xf32, #tpu.memory_space<hbm>>
      tpu.enqueue_dma source(%dma_start3A_1297 : memref<1x64xf32, #tpu.memory_space<hbm>>) target(%dma_start3A_1295 : memref<1x64xf32, #tpu.memory_space<vmem>>) target_semaphore(%arg7 : memref<!tpu.dma_semaphore, #tpu.memory_space<semaphore_mem>>)
      %slice3A_1298 = vector.extract_strided_slice %get3A_1189 {offsets = [9], sizes = [1], strides = [1]} : vector<16xi32> to vector<1xi32>
      %squeeze3A_1299 = vector.extract %slice3A_1298[0] : i32 from vector<1xi32>
      %dma_start3A_1300 = arith.constant 105 : i32
      %dma_start3A_1301 = arith.constant 0 : i32
      %dma_start3A_1302 = tpu.memref_slice %arg6[%dma_start3A_1300, %dma_start3A_1301] : memref<128x64xf32, #tpu.memory_space<vmem>> -> memref<1x64xf32, #tpu.memory_space<vmem>>
      %dma_start3A_1303 = arith.constant 0 : i32
      %dma_start3A_1304 = tpu.memref_slice %arg3[%squeeze3A_1299, %dma_start3A_1303] : memref<1000001x64xf32, #tpu.memory_space<hbm>> -> memref<1x64xf32, #tpu.memory_space<hbm>>
      %dma_start3A_1305 = arith.constant 105 : i32
      %dma_start3A_1306 = arith.constant 0 : i32
      %dma_start3A_1307 = tpu.memref_slice %arg6[%dma_start3A_1305, %dma_start3A_1306] : memref<128x64xf32, #tpu.memory_space<vmem>> -> memref<1x64xf32, #tpu.memory_space<vmem>>
      %dma_start3A_1308 = arith.constant 0 : i32
      %dma_start3A_1309 = tpu.memref_slice %arg3[%squeeze3A_1299, %dma_start3A_1308] : memref<1000001x64xf32, #tpu.memory_space<hbm>> -> memref<1x64xf32, #tpu.memory_space<hbm>>
      tpu.enqueue_dma source(%dma_start3A_1309 : memref<1x64xf32, #tpu.memory_space<hbm>>) target(%dma_start3A_1307 : memref<1x64xf32, #tpu.memory_space<vmem>>) target_semaphore(%arg7 : memref<!tpu.dma_semaphore, #tpu.memory_space<semaphore_mem>>)
      %slice3A_1310 = vector.extract_strided_slice %get3A_1189 {offsets = [10], sizes = [1], strides = [1]} : vector<16xi32> to vector<1xi32>
      %squeeze3A_1311 = vector.extract %slice3A_1310[0] : i32 from vector<1xi32>
      %dma_start3A_1312 = arith.constant 106 : i32
      %dma_start3A_1313 = arith.constant 0 : i32
      %dma_start3A_1314 = tpu.memref_slice %arg6[%dma_start3A_1312, %dma_start3A_1313] : memref<128x64xf32, #tpu.memory_space<vmem>> -> memref<1x64xf32, #tpu.memory_space<vmem>>
      %dma_start3A_1315 = arith.constant 0 : i32
      %dma_start3A_1316 = tpu.memref_slice %arg3[%squeeze3A_1311, %dma_start3A_1315] : memref<1000001x64xf32, #tpu.memory_space<hbm>> -> memref<1x64xf32, #tpu.memory_space<hbm>>
      %dma_start3A_1317 = arith.constant 106 : i32
      %dma_start3A_1318 = arith.constant 0 : i32
      %dma_start3A_1319 = tpu.memref_slice %arg6[%dma_start3A_1317, %dma_start3A_1318] : memref<128x64xf32, #tpu.memory_space<vmem>> -> memref<1x64xf32, #tpu.memory_space<vmem>>
      %dma_start3A_1320 = arith.constant 0 : i32
      %dma_start3A_1321 = tpu.memref_slice %arg3[%squeeze3A_1311, %dma_start3A_1320] : memref<1000001x64xf32, #tpu.memory_space<hbm>> -> memref<1x64xf32, #tpu.memory_space<hbm>>
      tpu.enqueue_dma source(%dma_start3A_1321 : memref<1x64xf32, #tpu.memory_space<hbm>>) target(%dma_start3A_1319 : memref<1x64xf32, #tpu.memory_space<vmem>>) target_semaphore(%arg7 : memref<!tpu.dma_semaphore, #tpu.memory_space<semaphore_mem>>)
      %slice3A_1322 = vector.extract_strided_slice %get3A_1189 {offsets = [11], sizes = [1], strides = [1]} : vector<16xi32> to vector<1xi32>
      %squeeze3A_1323 = vector.extract %slice3A_1322[0] : i32 from vector<1xi32>
      %dma_start3A_1324 = arith.constant 107 : i32
      %dma_start3A_1325 = arith.constant 0 : i32
      %dma_start3A_1326 = tpu.memref_slice %arg6[%dma_start3A_1324, %dma_start3A_1325] : memref<128x64xf32, #tpu.memory_space<vmem>> -> memref<1x64xf32, #tpu.memory_space<vmem>>
      %dma_start3A_1327 = arith.constant 0 : i32
      %dma_start3A_1328 = tpu.memref_slice %arg3[%squeeze3A_1323, %dma_start3A_1327] : memref<1000001x64xf32, #tpu.memory_space<hbm>> -> memref<1x64xf32, #tpu.memory_space<hbm>>
      %dma_start3A_1329 = arith.constant 107 : i32
      %dma_start3A_1330 = arith.constant 0 : i32
      %dma_start3A_1331 = tpu.memref_slice %arg6[%dma_start3A_1329, %dma_start3A_1330] : memref<128x64xf32, #tpu.memory_space<vmem>> -> memref<1x64xf32, #tpu.memory_space<vmem>>
      %dma_start3A_1332 = arith.constant 0 : i32
      %dma_start3A_1333 = tpu.memref_slice %arg3[%squeeze3A_1323, %dma_start3A_1332] : memref<1000001x64xf32, #tpu.memory_space<hbm>> -> memref<1x64xf32, #tpu.memory_space<hbm>>
      tpu.enqueue_dma source(%dma_start3A_1333 : memref<1x64xf32, #tpu.memory_space<hbm>>) target(%dma_start3A_1331 : memref<1x64xf32, #tpu.memory_space<vmem>>) target_semaphore(%arg7 : memref<!tpu.dma_semaphore, #tpu.memory_space<semaphore_mem>>)
      %slice3A_1334 = vector.extract_strided_slice %get3A_1189 {offsets = [12], sizes = [1], strides = [1]} : vector<16xi32> to vector<1xi32>
      %squeeze3A_1335 = vector.extract %slice3A_1334[0] : i32 from vector<1xi32>
      %dma_start3A_1336 = arith.constant 108 : i32
      %dma_start3A_1337 = arith.constant 0 : i32
      %dma_start3A_1338 = tpu.memref_slice %arg6[%dma_start3A_1336, %dma_start3A_1337] : memref<128x64xf32, #tpu.memory_space<vmem>> -> memref<1x64xf32, #tpu.memory_space<vmem>>
      %dma_start3A_1339 = arith.constant 0 : i32
      %dma_start3A_1340 = tpu.memref_slice %arg3[%squeeze3A_1335, %dma_start3A_1339] : memref<1000001x64xf32, #tpu.memory_space<hbm>> -> memref<1x64xf32, #tpu.memory_space<hbm>>
      %dma_start3A_1341 = arith.constant 108 : i32
      %dma_start3A_1342 = arith.constant 0 : i32
      %dma_start3A_1343 = tpu.memref_slice %arg6[%dma_start3A_1341, %dma_start3A_1342] : memref<128x64xf32, #tpu.memory_space<vmem>> -> memref<1x64xf32, #tpu.memory_space<vmem>>
      %dma_start3A_1344 = arith.constant 0 : i32
      %dma_start3A_1345 = tpu.memref_slice %arg3[%squeeze3A_1335, %dma_start3A_1344] : memref<1000001x64xf32, #tpu.memory_space<hbm>> -> memref<1x64xf32, #tpu.memory_space<hbm>>
      tpu.enqueue_dma source(%dma_start3A_1345 : memref<1x64xf32, #tpu.memory_space<hbm>>) target(%dma_start3A_1343 : memref<1x64xf32, #tpu.memory_space<vmem>>) target_semaphore(%arg7 : memref<!tpu.dma_semaphore, #tpu.memory_space<semaphore_mem>>)
      %slice3A_1346 = vector.extract_strided_slice %get3A_1189 {offsets = [13], sizes = [1], strides = [1]} : vector<16xi32> to vector<1xi32>
      %squeeze3A_1347 = vector.extract %slice3A_1346[0] : i32 from vector<1xi32>
      %dma_start3A_1348 = arith.constant 109 : i32
      %dma_start3A_1349 = arith.constant 0 : i32
      %dma_start3A_1350 = tpu.memref_slice %arg6[%dma_start3A_1348, %dma_start3A_1349] : memref<128x64xf32, #tpu.memory_space<vmem>> -> memref<1x64xf32, #tpu.memory_space<vmem>>
      %dma_start3A_1351 = arith.constant 0 : i32
      %dma_start3A_1352 = tpu.memref_slice %arg3[%squeeze3A_1347, %dma_start3A_1351] : memref<1000001x64xf32, #tpu.memory_space<hbm>> -> memref<1x64xf32, #tpu.memory_space<hbm>>
      %dma_start3A_1353 = arith.constant 109 : i32
      %dma_start3A_1354 = arith.constant 0 : i32
      %dma_start3A_1355 = tpu.memref_slice %arg6[%dma_start3A_1353, %dma_start3A_1354] : memref<128x64xf32, #tpu.memory_space<vmem>> -> memref<1x64xf32, #tpu.memory_space<vmem>>
      %dma_start3A_1356 = arith.constant 0 : i32
      %dma_start3A_1357 = tpu.memref_slice %arg3[%squeeze3A_1347, %dma_start3A_1356] : memref<1000001x64xf32, #tpu.memory_space<hbm>> -> memref<1x64xf32, #tpu.memory_space<hbm>>
      tpu.enqueue_dma source(%dma_start3A_1357 : memref<1x64xf32, #tpu.memory_space<hbm>>) target(%dma_start3A_1355 : memref<1x64xf32, #tpu.memory_space<vmem>>) target_semaphore(%arg7 : memref<!tpu.dma_semaphore, #tpu.memory_space<semaphore_mem>>)
      %slice3A_1358 = vector.extract_strided_slice %get3A_1189 {offsets = [14], sizes = [1], strides = [1]} : vector<16xi32> to vector<1xi32>
      %squeeze3A_1359 = vector.extract %slice3A_1358[0] : i32 from vector<1xi32>
      %dma_start3A_1360 = arith.constant 110 : i32
      %dma_start3A_1361 = arith.constant 0 : i32
      %dma_start3A_1362 = tpu.memref_slice %arg6[%dma_start3A_1360, %dma_start3A_1361] : memref<128x64xf32, #tpu.memory_space<vmem>> -> memref<1x64xf32, #tpu.memory_space<vmem>>
      %dma_start3A_1363 = arith.constant 0 : i32
      %dma_start3A_1364 = tpu.memref_slice %arg3[%squeeze3A_1359, %dma_start3A_1363] : memref<1000001x64xf32, #tpu.memory_space<hbm>> -> memref<1x64xf32, #tpu.memory_space<hbm>>
      %dma_start3A_1365 = arith.constant 110 : i32
      %dma_start3A_1366 = arith.constant 0 : i32
      %dma_start3A_1367 = tpu.memref_slice %arg6[%dma_start3A_1365, %dma_start3A_1366] : memref<128x64xf32, #tpu.memory_space<vmem>> -> memref<1x64xf32, #tpu.memory_space<vmem>>
      %dma_start3A_1368 = arith.constant 0 : i32
      %dma_start3A_1369 = tpu.memref_slice %arg3[%squeeze3A_1359, %dma_start3A_1368] : memref<1000001x64xf32, #tpu.memory_space<hbm>> -> memref<1x64xf32, #tpu.memory_space<hbm>>
      tpu.enqueue_dma source(%dma_start3A_1369 : memref<1x64xf32, #tpu.memory_space<hbm>>) target(%dma_start3A_1367 : memref<1x64xf32, #tpu.memory_space<vmem>>) target_semaphore(%arg7 : memref<!tpu.dma_semaphore, #tpu.memory_space<semaphore_mem>>)
      %slice3A_1370 = vector.extract_strided_slice %get3A_1189 {offsets = [15], sizes = [1], strides = [1]} : vector<16xi32> to vector<1xi32>
      %squeeze3A_1371 = vector.extract %slice3A_1370[0] : i32 from vector<1xi32>
      %dma_start3A_1372 = arith.constant 111 : i32
      %dma_start3A_1373 = arith.constant 0 : i32
      %dma_start3A_1374 = tpu.memref_slice %arg6[%dma_start3A_1372, %dma_start3A_1373] : memref<128x64xf32, #tpu.memory_space<vmem>> -> memref<1x64xf32, #tpu.memory_space<vmem>>
      %dma_start3A_1375 = arith.constant 0 : i32
      %dma_start3A_1376 = tpu.memref_slice %arg3[%squeeze3A_1371, %dma_start3A_1375] : memref<1000001x64xf32, #tpu.memory_space<hbm>> -> memref<1x64xf32, #tpu.memory_space<hbm>>
      %dma_start3A_1377 = arith.constant 111 : i32
      %dma_start3A_1378 = arith.constant 0 : i32
      %dma_start3A_1379 = tpu.memref_slice %arg6[%dma_start3A_1377, %dma_start3A_1378] : memref<128x64xf32, #tpu.memory_space<vmem>> -> memref<1x64xf32, #tpu.memory_space<vmem>>
      %dma_start3A_1380 = arith.constant 0 : i32
      %dma_start3A_1381 = tpu.memref_slice %arg3[%squeeze3A_1371, %dma_start3A_1380] : memref<1000001x64xf32, #tpu.memory_space<hbm>> -> memref<1x64xf32, #tpu.memory_space<hbm>>
      tpu.enqueue_dma source(%dma_start3A_1381 : memref<1x64xf32, #tpu.memory_space<hbm>>) target(%dma_start3A_1379 : memref<1x64xf32, #tpu.memory_space<vmem>>) target_semaphore(%arg7 : memref<!tpu.dma_semaphore, #tpu.memory_space<semaphore_mem>>)
      %add3A_1382 = arith.constant 112 : i32
      %add3A_1383 = arith.addi %mul3A_13, %add3A_1382 : i32
      %get3A_1384 = arith.index_cast %add3A_1383 : i32 to index
      %get3A_1385 = tpu.vector_load %arg5[%get3A_1384] {strides = array<i32>} : memref<512xi32, #tpu.memory_space<vmem>>, vector<16xi32>,
      %slice3A_1386 = vector.extract_strided_slice %get3A_1385 {offsets = [0], sizes = [1], strides = [1]} : vector<16xi32> to vector<1xi32>
      %squeeze3A_1387 = vector.extract %slice3A_1386[0] : i32 from vector<1xi32>
      %dma_start3A_1388 = arith.constant 112 : i32
      %dma_start3A_1389 = arith.constant 0 : i32
      %dma_start3A_1390 = tpu.memref_slice %arg6[%dma_start3A_1388, %dma_start3A_1389] : memref<128x64xf32, #tpu.memory_space<vmem>> -> memref<1x64xf32, #tpu.memory_space<vmem>>
      %dma_start3A_1391 = arith.constant 0 : i32
      %dma_start3A_1392 = tpu.memref_slice %arg3[%squeeze3A_1387, %dma_start3A_1391] : memref<1000001x64xf32, #tpu.memory_space<hbm>> -> memref<1x64xf32, #tpu.memory_space<hbm>>
      %dma_start3A_1393 = arith.constant 112 : i32
      %dma_start3A_1394 = arith.constant 0 : i32
      %dma_start3A_1395 = tpu.memref_slice %arg6[%dma_start3A_1393, %dma_start3A_1394] : memref<128x64xf32, #tpu.memory_space<vmem>> -> memref<1x64xf32, #tpu.memory_space<vmem>>
      %dma_start3A_1396 = arith.constant 0 : i32
      %dma_start3A_1397 = tpu.memref_slice %arg3[%squeeze3A_1387, %dma_start3A_1396] : memref<1000001x64xf32, #tpu.memory_space<hbm>> -> memref<1x64xf32, #tpu.memory_space<hbm>>
      tpu.enqueue_dma source(%dma_start3A_1397 : memref<1x64xf32, #tpu.memory_space<hbm>>) target(%dma_start3A_1395 : memref<1x64xf32, #tpu.memory_space<vmem>>) target_semaphore(%arg7 : memref<!tpu.dma_semaphore, #tpu.memory_space<semaphore_mem>>)
      %slice3A_1398 = vector.extract_strided_slice %get3A_1385 {offsets = [1], sizes = [1], strides = [1]} : vector<16xi32> to vector<1xi32>
      %squeeze3A_1399 = vector.extract %slice3A_1398[0] : i32 from vector<1xi32>
      %dma_start3A_1400 = arith.constant 113 : i32
      %dma_start3A_1401 = arith.constant 0 : i32
      %dma_start3A_1402 = tpu.memref_slice %arg6[%dma_start3A_1400, %dma_start3A_1401] : memref<128x64xf32, #tpu.memory_space<vmem>> -> memref<1x64xf32, #tpu.memory_space<vmem>>
      %dma_start3A_1403 = arith.constant 0 : i32
      %dma_start3A_1404 = tpu.memref_slice %arg3[%squeeze3A_1399, %dma_start3A_1403] : memref<1000001x64xf32, #tpu.memory_space<hbm>> -> memref<1x64xf32, #tpu.memory_space<hbm>>
      %dma_start3A_1405 = arith.constant 113 : i32
      %dma_start3A_1406 = arith.constant 0 : i32
      %dma_start3A_1407 = tpu.memref_slice %arg6[%dma_start3A_1405, %dma_start3A_1406] : memref<128x64xf32, #tpu.memory_space<vmem>> -> memref<1x64xf32, #tpu.memory_space<vmem>>
      %dma_start3A_1408 = arith.constant 0 : i32
      %dma_start3A_1409 = tpu.memref_slice %arg3[%squeeze3A_1399, %dma_start3A_1408] : memref<1000001x64xf32, #tpu.memory_space<hbm>> -> memref<1x64xf32, #tpu.memory_space<hbm>>
      tpu.enqueue_dma source(%dma_start3A_1409 : memref<1x64xf32, #tpu.memory_space<hbm>>) target(%dma_start3A_1407 : memref<1x64xf32, #tpu.memory_space<vmem>>) target_semaphore(%arg7 : memref<!tpu.dma_semaphore, #tpu.memory_space<semaphore_mem>>)
      %slice3A_1410 = vector.extract_strided_slice %get3A_1385 {offsets = [2], sizes = [1], strides = [1]} : vector<16xi32> to vector<1xi32>
      %squeeze3A_1411 = vector.extract %slice3A_1410[0] : i32 from vector<1xi32>
      %dma_start3A_1412 = arith.constant 114 : i32
      %dma_start3A_1413 = arith.constant 0 : i32
      %dma_start3A_1414 = tpu.memref_slice %arg6[%dma_start3A_1412, %dma_start3A_1413] : memref<128x64xf32, #tpu.memory_space<vmem>> -> memref<1x64xf32, #tpu.memory_space<vmem>>
      %dma_start3A_1415 = arith.constant 0 : i32
      %dma_start3A_1416 = tpu.memref_slice %arg3[%squeeze3A_1411, %dma_start3A_1415] : memref<1000001x64xf32, #tpu.memory_space<hbm>> -> memref<1x64xf32, #tpu.memory_space<hbm>>
      %dma_start3A_1417 = arith.constant 114 : i32
      %dma_start3A_1418 = arith.constant 0 : i32
      %dma_start3A_1419 = tpu.memref_slice %arg6[%dma_start3A_1417, %dma_start3A_1418] : memref<128x64xf32, #tpu.memory_space<vmem>> -> memref<1x64xf32, #tpu.memory_space<vmem>>
      %dma_start3A_1420 = arith.constant 0 : i32
      %dma_start3A_1421 = tpu.memref_slice %arg3[%squeeze3A_1411, %dma_start3A_1420] : memref<1000001x64xf32, #tpu.memory_space<hbm>> -> memref<1x64xf32, #tpu.memory_space<hbm>>
      tpu.enqueue_dma source(%dma_start3A_1421 : memref<1x64xf32, #tpu.memory_space<hbm>>) target(%dma_start3A_1419 : memref<1x64xf32, #tpu.memory_space<vmem>>) target_semaphore(%arg7 : memref<!tpu.dma_semaphore, #tpu.memory_space<semaphore_mem>>)
      %slice3A_1422 = vector.extract_strided_slice %get3A_1385 {offsets = [3], sizes = [1], strides = [1]} : vector<16xi32> to vector<1xi32>
      %squeeze3A_1423 = vector.extract %slice3A_1422[0] : i32 from vector<1xi32>
      %dma_start3A_1424 = arith.constant 115 : i32
      %dma_start3A_1425 = arith.constant 0 : i32
      %dma_start3A_1426 = tpu.memref_slice %arg6[%dma_start3A_1424, %dma_start3A_1425] : memref<128x64xf32, #tpu.memory_space<vmem>> -> memref<1x64xf32, #tpu.memory_space<vmem>>
      %dma_start3A_1427 = arith.constant 0 : i32
      %dma_start3A_1428 = tpu.memref_slice %arg3[%squeeze3A_1423, %dma_start3A_1427] : memref<1000001x64xf32, #tpu.memory_space<hbm>> -> memref<1x64xf32, #tpu.memory_space<hbm>>
      %dma_start3A_1429 = arith.constant 115 : i32
      %dma_start3A_1430 = arith.constant 0 : i32
      %dma_start3A_1431 = tpu.memref_slice %arg6[%dma_start3A_1429, %dma_start3A_1430] : memref<128x64xf32, #tpu.memory_space<vmem>> -> memref<1x64xf32, #tpu.memory_space<vmem>>
      %dma_start3A_1432 = arith.constant 0 : i32
      %dma_start3A_1433 = tpu.memref_slice %arg3[%squeeze3A_1423, %dma_start3A_1432] : memref<1000001x64xf32, #tpu.memory_space<hbm>> -> memref<1x64xf32, #tpu.memory_space<hbm>>
      tpu.enqueue_dma source(%dma_start3A_1433 : memref<1x64xf32, #tpu.memory_space<hbm>>) target(%dma_start3A_1431 : memref<1x64xf32, #tpu.memory_space<vmem>>) target_semaphore(%arg7 : memref<!tpu.dma_semaphore, #tpu.memory_space<semaphore_mem>>)
      %slice3A_1434 = vector.extract_strided_slice %get3A_1385 {offsets = [4], sizes = [1], strides = [1]} : vector<16xi32> to vector<1xi32>
      %squeeze3A_1435 = vector.extract %slice3A_1434[0] : i32 from vector<1xi32>
      %dma_start3A_1436 = arith.constant 116 : i32
      %dma_start3A_1437 = arith.constant 0 : i32
      %dma_start3A_1438 = tpu.memref_slice %arg6[%dma_start3A_1436, %dma_start3A_1437] : memref<128x64xf32, #tpu.memory_space<vmem>> -> memref<1x64xf32, #tpu.memory_space<vmem>>
      %dma_start3A_1439 = arith.constant 0 : i32
      %dma_start3A_1440 = tpu.memref_slice %arg3[%squeeze3A_1435, %dma_start3A_1439] : memref<1000001x64xf32, #tpu.memory_space<hbm>> -> memref<1x64xf32, #tpu.memory_space<hbm>>
      %dma_start3A_1441 = arith.constant 116 : i32
      %dma_start3A_1442 = arith.constant 0 : i32
      %dma_start3A_1443 = tpu.memref_slice %arg6[%dma_start3A_1441, %dma_start3A_1442] : memref<128x64xf32, #tpu.memory_space<vmem>> -> memref<1x64xf32, #tpu.memory_space<vmem>>
      %dma_start3A_1444 = arith.constant 0 : i32
      %dma_start3A_1445 = tpu.memref_slice %arg3[%squeeze3A_1435, %dma_start3A_1444] : memref<1000001x64xf32, #tpu.memory_space<hbm>> -> memref<1x64xf32, #tpu.memory_space<hbm>>
      tpu.enqueue_dma source(%dma_start3A_1445 : memref<1x64xf32, #tpu.memory_space<hbm>>) target(%dma_start3A_1443 : memref<1x64xf32, #tpu.memory_space<vmem>>) target_semaphore(%arg7 : memref<!tpu.dma_semaphore, #tpu.memory_space<semaphore_mem>>)
      %slice3A_1446 = vector.extract_strided_slice %get3A_1385 {offsets = [5], sizes = [1], strides = [1]} : vector<16xi32> to vector<1xi32>
      %squeeze3A_1447 = vector.extract %slice3A_1446[0] : i32 from vector<1xi32>
      %dma_start3A_1448 = arith.constant 117 : i32
      %dma_start3A_1449 = arith.constant 0 : i32
      %dma_start3A_1450 = tpu.memref_slice %arg6[%dma_start3A_1448, %dma_start3A_1449] : memref<128x64xf32, #tpu.memory_space<vmem>> -> memref<1x64xf32, #tpu.memory_space<vmem>>
      %dma_start3A_1451 = arith.constant 0 : i32
      %dma_start3A_1452 = tpu.memref_slice %arg3[%squeeze3A_1447, %dma_start3A_1451] : memref<1000001x64xf32, #tpu.memory_space<hbm>> -> memref<1x64xf32, #tpu.memory_space<hbm>>
      %dma_start3A_1453 = arith.constant 117 : i32
      %dma_start3A_1454 = arith.constant 0 : i32
      %dma_start3A_1455 = tpu.memref_slice %arg6[%dma_start3A_1453, %dma_start3A_1454] : memref<128x64xf32, #tpu.memory_space<vmem>> -> memref<1x64xf32, #tpu.memory_space<vmem>>
      %dma_start3A_1456 = arith.constant 0 : i32
      %dma_start3A_1457 = tpu.memref_slice %arg3[%squeeze3A_1447, %dma_start3A_1456] : memref<1000001x64xf32, #tpu.memory_space<hbm>> -> memref<1x64xf32, #tpu.memory_space<hbm>>
      tpu.enqueue_dma source(%dma_start3A_1457 : memref<1x64xf32, #tpu.memory_space<hbm>>) target(%dma_start3A_1455 : memref<1x64xf32, #tpu.memory_space<vmem>>) target_semaphore(%arg7 : memref<!tpu.dma_semaphore, #tpu.memory_space<semaphore_mem>>)
      %slice3A_1458 = vector.extract_strided_slice %get3A_1385 {offsets = [6], sizes = [1], strides = [1]} : vector<16xi32> to vector<1xi32>
      %squeeze3A_1459 = vector.extract %slice3A_1458[0] : i32 from vector<1xi32>
      %dma_start3A_1460 = arith.constant 118 : i32
      %dma_start3A_1461 = arith.constant 0 : i32
      %dma_start3A_1462 = tpu.memref_slice %arg6[%dma_start3A_1460, %dma_start3A_1461] : memref<128x64xf32, #tpu.memory_space<vmem>> -> memref<1x64xf32, #tpu.memory_space<vmem>>
      %dma_start3A_1463 = arith.constant 0 : i32
      %dma_start3A_1464 = tpu.memref_slice %arg3[%squeeze3A_1459, %dma_start3A_1463] : memref<1000001x64xf32, #tpu.memory_space<hbm>> -> memref<1x64xf32, #tpu.memory_space<hbm>>
      %dma_start3A_1465 = arith.constant 118 : i32
      %dma_start3A_1466 = arith.constant 0 : i32
      %dma_start3A_1467 = tpu.memref_slice %arg6[%dma_start3A_1465, %dma_start3A_1466] : memref<128x64xf32, #tpu.memory_space<vmem>> -> memref<1x64xf32, #tpu.memory_space<vmem>>
      %dma_start3A_1468 = arith.constant 0 : i32
      %dma_start3A_1469 = tpu.memref_slice %arg3[%squeeze3A_1459, %dma_start3A_1468] : memref<1000001x64xf32, #tpu.memory_space<hbm>> -> memref<1x64xf32, #tpu.memory_space<hbm>>
      tpu.enqueue_dma source(%dma_start3A_1469 : memref<1x64xf32, #tpu.memory_space<hbm>>) target(%dma_start3A_1467 : memref<1x64xf32, #tpu.memory_space<vmem>>) target_semaphore(%arg7 : memref<!tpu.dma_semaphore, #tpu.memory_space<semaphore_mem>>)
      %slice3A_1470 = vector.extract_strided_slice %get3A_1385 {offsets = [7], sizes = [1], strides = [1]} : vector<16xi32> to vector<1xi32>
      %squeeze3A_1471 = vector.extract %slice3A_1470[0] : i32 from vector<1xi32>
      %dma_start3A_1472 = arith.constant 119 : i32
      %dma_start3A_1473 = arith.constant 0 : i32
      %dma_start3A_1474 = tpu.memref_slice %arg6[%dma_start3A_1472, %dma_start3A_1473] : memref<128x64xf32, #tpu.memory_space<vmem>> -> memref<1x64xf32, #tpu.memory_space<vmem>>
      %dma_start3A_1475 = arith.constant 0 : i32
      %dma_start3A_1476 = tpu.memref_slice %arg3[%squeeze3A_1471, %dma_start3A_1475] : memref<1000001x64xf32, #tpu.memory_space<hbm>> -> memref<1x64xf32, #tpu.memory_space<hbm>>
      %dma_start3A_1477 = arith.constant 119 : i32
      %dma_start3A_1478 = arith.constant 0 : i32
      %dma_start3A_1479 = tpu.memref_slice %arg6[%dma_start3A_1477, %dma_start3A_1478] : memref<128x64xf32, #tpu.memory_space<vmem>> -> memref<1x64xf32, #tpu.memory_space<vmem>>
      %dma_start3A_1480 = arith.constant 0 : i32
      %dma_start3A_1481 = tpu.memref_slice %arg3[%squeeze3A_1471, %dma_start3A_1480] : memref<1000001x64xf32, #tpu.memory_space<hbm>> -> memref<1x64xf32, #tpu.memory_space<hbm>>
      tpu.enqueue_dma source(%dma_start3A_1481 : memref<1x64xf32, #tpu.memory_space<hbm>>) target(%dma_start3A_1479 : memref<1x64xf32, #tpu.memory_space<vmem>>) target_semaphore(%arg7 : memref<!tpu.dma_semaphore, #tpu.memory_space<semaphore_mem>>)
      %slice3A_1482 = vector.extract_strided_slice %get3A_1385 {offsets = [8], sizes = [1], strides = [1]} : vector<16xi32> to vector<1xi32>
      %squeeze3A_1483 = vector.extract %slice3A_1482[0] : i32 from vector<1xi32>
      %dma_start3A_1484 = arith.constant 120 : i32
      %dma_start3A_1485 = arith.constant 0 : i32
      %dma_start3A_1486 = tpu.memref_slice %arg6[%dma_start3A_1484, %dma_start3A_1485] : memref<128x64xf32, #tpu.memory_space<vmem>> -> memref<1x64xf32, #tpu.memory_space<vmem>>
      %dma_start3A_1487 = arith.constant 0 : i32
      %dma_start3A_1488 = tpu.memref_slice %arg3[%squeeze3A_1483, %dma_start3A_1487] : memref<1000001x64xf32, #tpu.memory_space<hbm>> -> memref<1x64xf32, #tpu.memory_space<hbm>>
      %dma_start3A_1489 = arith.constant 120 : i32
      %dma_start3A_1490 = arith.constant 0 : i32
      %dma_start3A_1491 = tpu.memref_slice %arg6[%dma_start3A_1489, %dma_start3A_1490] : memref<128x64xf32, #tpu.memory_space<vmem>> -> memref<1x64xf32, #tpu.memory_space<vmem>>
      %dma_start3A_1492 = arith.constant 0 : i32
      %dma_start3A_1493 = tpu.memref_slice %arg3[%squeeze3A_1483, %dma_start3A_1492] : memref<1000001x64xf32, #tpu.memory_space<hbm>> -> memref<1x64xf32, #tpu.memory_space<hbm>>
      tpu.enqueue_dma source(%dma_start3A_1493 : memref<1x64xf32, #tpu.memory_space<hbm>>) target(%dma_start3A_1491 : memref<1x64xf32, #tpu.memory_space<vmem>>) target_semaphore(%arg7 : memref<!tpu.dma_semaphore, #tpu.memory_space<semaphore_mem>>)
      %slice3A_1494 = vector.extract_strided_slice %get3A_1385 {offsets = [9], sizes = [1], strides = [1]} : vector<16xi32> to vector<1xi32>
      %squeeze3A_1495 = vector.extract %slice3A_1494[0] : i32 from vector<1xi32>
      %dma_start3A_1496 = arith.constant 121 : i32
      %dma_start3A_1497 = arith.constant 0 : i32
      %dma_start3A_1498 = tpu.memref_slice %arg6[%dma_start3A_1496, %dma_start3A_1497] : memref<128x64xf32, #tpu.memory_space<vmem>> -> memref<1x64xf32, #tpu.memory_space<vmem>>
      %dma_start3A_1499 = arith.constant 0 : i32
      %dma_start3A_1500 = tpu.memref_slice %arg3[%squeeze3A_1495, %dma_start3A_1499] : memref<1000001x64xf32, #tpu.memory_space<hbm>> -> memref<1x64xf32, #tpu.memory_space<hbm>>
      %dma_start3A_1501 = arith.constant 121 : i32
      %dma_start3A_1502 = arith.constant 0 : i32
      %dma_start3A_1503 = tpu.memref_slice %arg6[%dma_start3A_1501, %dma_start3A_1502] : memref<128x64xf32, #tpu.memory_space<vmem>> -> memref<1x64xf32, #tpu.memory_space<vmem>>
      %dma_start3A_1504 = arith.constant 0 : i32
      %dma_start3A_1505 = tpu.memref_slice %arg3[%squeeze3A_1495, %dma_start3A_1504] : memref<1000001x64xf32, #tpu.memory_space<hbm>> -> memref<1x64xf32, #tpu.memory_space<hbm>>
      tpu.enqueue_dma source(%dma_start3A_1505 : memref<1x64xf32, #tpu.memory_space<hbm>>) target(%dma_start3A_1503 : memref<1x64xf32, #tpu.memory_space<vmem>>) target_semaphore(%arg7 : memref<!tpu.dma_semaphore, #tpu.memory_space<semaphore_mem>>)
      %slice3A_1506 = vector.extract_strided_slice %get3A_1385 {offsets = [10], sizes = [1], strides = [1]} : vector<16xi32> to vector<1xi32>
      %squeeze3A_1507 = vector.extract %slice3A_1506[0] : i32 from vector<1xi32>
      %dma_start3A_1508 = arith.constant 122 : i32
      %dma_start3A_1509 = arith.constant 0 : i32
      %dma_start3A_1510 = tpu.memref_slice %arg6[%dma_start3A_1508, %dma_start3A_1509] : memref<128x64xf32, #tpu.memory_space<vmem>> -> memref<1x64xf32, #tpu.memory_space<vmem>>
      %dma_start3A_1511 = arith.constant 0 : i32
      %dma_start3A_1512 = tpu.memref_slice %arg3[%squeeze3A_1507, %dma_start3A_1511] : memref<1000001x64xf32, #tpu.memory_space<hbm>> -> memref<1x64xf32, #tpu.memory_space<hbm>>
      %dma_start3A_1513 = arith.constant 122 : i32
      %dma_start3A_1514 = arith.constant 0 : i32
      %dma_start3A_1515 = tpu.memref_slice %arg6[%dma_start3A_1513, %dma_start3A_1514] : memref<128x64xf32, #tpu.memory_space<vmem>> -> memref<1x64xf32, #tpu.memory_space<vmem>>
      %dma_start3A_1516 = arith.constant 0 : i32
      %dma_start3A_1517 = tpu.memref_slice %arg3[%squeeze3A_1507, %dma_start3A_1516] : memref<1000001x64xf32, #tpu.memory_space<hbm>> -> memref<1x64xf32, #tpu.memory_space<hbm>>
      tpu.enqueue_dma source(%dma_start3A_1517 : memref<1x64xf32, #tpu.memory_space<hbm>>) target(%dma_start3A_1515 : memref<1x64xf32, #tpu.memory_space<vmem>>) target_semaphore(%arg7 : memref<!tpu.dma_semaphore, #tpu.memory_space<semaphore_mem>>)
      %slice3A_1518 = vector.extract_strided_slice %get3A_1385 {offsets = [11], sizes = [1], strides = [1]} : vector<16xi32> to vector<1xi32>
      %squeeze3A_1519 = vector.extract %slice3A_1518[0] : i32 from vector<1xi32>
      %dma_start3A_1520 = arith.constant 123 : i32
      %dma_start3A_1521 = arith.constant 0 : i32
      %dma_start3A_1522 = tpu.memref_slice %arg6[%dma_start3A_1520, %dma_start3A_1521] : memref<128x64xf32, #tpu.memory_space<vmem>> -> memref<1x64xf32, #tpu.memory_space<vmem>>
      %dma_start3A_1523 = arith.constant 0 : i32
      %dma_start3A_1524 = tpu.memref_slice %arg3[%squeeze3A_1519, %dma_start3A_1523] : memref<1000001x64xf32, #tpu.memory_space<hbm>> -> memref<1x64xf32, #tpu.memory_space<hbm>>
      %dma_start3A_1525 = arith.constant 123 : i32
      %dma_start3A_1526 = arith.constant 0 : i32
      %dma_start3A_1527 = tpu.memref_slice %arg6[%dma_start3A_1525, %dma_start3A_1526] : memref<128x64xf32, #tpu.memory_space<vmem>> -> memref<1x64xf32, #tpu.memory_space<vmem>>
      %dma_start3A_1528 = arith.constant 0 : i32
      %dma_start3A_1529 = tpu.memref_slice %arg3[%squeeze3A_1519, %dma_start3A_1528] : memref<1000001x64xf32, #tpu.memory_space<hbm>> -> memref<1x64xf32, #tpu.memory_space<hbm>>
      tpu.enqueue_dma source(%dma_start3A_1529 : memref<1x64xf32, #tpu.memory_space<hbm>>) target(%dma_start3A_1527 : memref<1x64xf32, #tpu.memory_space<vmem>>) target_semaphore(%arg7 : memref<!tpu.dma_semaphore, #tpu.memory_space<semaphore_mem>>)
      %slice3A_1530 = vector.extract_strided_slice %get3A_1385 {offsets = [12], sizes = [1], strides = [1]} : vector<16xi32> to vector<1xi32>
      %squeeze3A_1531 = vector.extract %slice3A_1530[0] : i32 from vector<1xi32>
      %dma_start3A_1532 = arith.constant 124 : i32
      %dma_start3A_1533 = arith.constant 0 : i32
      %dma_start3A_1534 = tpu.memref_slice %arg6[%dma_start3A_1532, %dma_start3A_1533] : memref<128x64xf32, #tpu.memory_space<vmem>> -> memref<1x64xf32, #tpu.memory_space<vmem>>
      %dma_start3A_1535 = arith.constant 0 : i32
      %dma_start3A_1536 = tpu.memref_slice %arg3[%squeeze3A_1531, %dma_start3A_1535] : memref<1000001x64xf32, #tpu.memory_space<hbm>> -> memref<1x64xf32, #tpu.memory_space<hbm>>
      %dma_start3A_1537 = arith.constant 124 : i32
      %dma_start3A_1538 = arith.constant 0 : i32
      %dma_start3A_1539 = tpu.memref_slice %arg6[%dma_start3A_1537, %dma_start3A_1538] : memref<128x64xf32, #tpu.memory_space<vmem>> -> memref<1x64xf32, #tpu.memory_space<vmem>>
      %dma_start3A_1540 = arith.constant 0 : i32
      %dma_start3A_1541 = tpu.memref_slice %arg3[%squeeze3A_1531, %dma_start3A_1540] : memref<1000001x64xf32, #tpu.memory_space<hbm>> -> memref<1x64xf32, #tpu.memory_space<hbm>>
      tpu.enqueue_dma source(%dma_start3A_1541 : memref<1x64xf32, #tpu.memory_space<hbm>>) target(%dma_start3A_1539 : memref<1x64xf32, #tpu.memory_space<vmem>>) target_semaphore(%arg7 : memref<!tpu.dma_semaphore, #tpu.memory_space<semaphore_mem>>)
      %slice3A_1542 = vector.extract_strided_slice %get3A_1385 {offsets = [13], sizes = [1], strides = [1]} : vector<16xi32> to vector<1xi32>
      %squeeze3A_1543 = vector.extract %slice3A_1542[0] : i32 from vector<1xi32>
      %dma_start3A_1544 = arith.constant 125 : i32
      %dma_start3A_1545 = arith.constant 0 : i32
      %dma_start3A_1546 = tpu.memref_slice %arg6[%dma_start3A_1544, %dma_start3A_1545] : memref<128x64xf32, #tpu.memory_space<vmem>> -> memref<1x64xf32, #tpu.memory_space<vmem>>
      %dma_start3A_1547 = arith.constant 0 : i32
      %dma_start3A_1548 = tpu.memref_slice %arg3[%squeeze3A_1543, %dma_start3A_1547] : memref<1000001x64xf32, #tpu.memory_space<hbm>> -> memref<1x64xf32, #tpu.memory_space<hbm>>
      %dma_start3A_1549 = arith.constant 125 : i32
      %dma_start3A_1550 = arith.constant 0 : i32
      %dma_start3A_1551 = tpu.memref_slice %arg6[%dma_start3A_1549, %dma_start3A_1550] : memref<128x64xf32, #tpu.memory_space<vmem>> -> memref<1x64xf32, #tpu.memory_space<vmem>>
      %dma_start3A_1552 = arith.constant 0 : i32
      %dma_start3A_1553 = tpu.memref_slice %arg3[%squeeze3A_1543, %dma_start3A_1552] : memref<1000001x64xf32, #tpu.memory_space<hbm>> -> memref<1x64xf32, #tpu.memory_space<hbm>>
      tpu.enqueue_dma source(%dma_start3A_1553 : memref<1x64xf32, #tpu.memory_space<hbm>>) target(%dma_start3A_1551 : memref<1x64xf32, #tpu.memory_space<vmem>>) target_semaphore(%arg7 : memref<!tpu.dma_semaphore, #tpu.memory_space<semaphore_mem>>)
      %slice3A_1554 = vector.extract_strided_slice %get3A_1385 {offsets = [14], sizes = [1], strides = [1]} : vector<16xi32> to vector<1xi32>
      %squeeze3A_1555 = vector.extract %slice3A_1554[0] : i32 from vector<1xi32>
      %dma_start3A_1556 = arith.constant 126 : i32
      %dma_start3A_1557 = arith.constant 0 : i32
      %dma_start3A_1558 = tpu.memref_slice %arg6[%dma_start3A_1556, %dma_start3A_1557] : memref<128x64xf32, #tpu.memory_space<vmem>> -> memref<1x64xf32, #tpu.memory_space<vmem>>
      %dma_start3A_1559 = arith.constant 0 : i32
      %dma_start3A_1560 = tpu.memref_slice %arg3[%squeeze3A_1555, %dma_start3A_1559] : memref<1000001x64xf32, #tpu.memory_space<hbm>> -> memref<1x64xf32, #tpu.memory_space<hbm>>
      %dma_start3A_1561 = arith.constant 126 : i32
      %dma_start3A_1562 = arith.constant 0 : i32
      %dma_start3A_1563 = tpu.memref_slice %arg6[%dma_start3A_1561, %dma_start3A_1562] : memref<128x64xf32, #tpu.memory_space<vmem>> -> memref<1x64xf32, #tpu.memory_space<vmem>>
      %dma_start3A_1564 = arith.constant 0 : i32
      %dma_start3A_1565 = tpu.memref_slice %arg3[%squeeze3A_1555, %dma_start3A_1564] : memref<1000001x64xf32, #tpu.memory_space<hbm>> -> memref<1x64xf32, #tpu.memory_space<hbm>>
      tpu.enqueue_dma source(%dma_start3A_1565 : memref<1x64xf32, #tpu.memory_space<hbm>>) target(%dma_start3A_1563 : memref<1x64xf32, #tpu.memory_space<vmem>>) target_semaphore(%arg7 : memref<!tpu.dma_semaphore, #tpu.memory_space<semaphore_mem>>)
      %slice3A_1566 = vector.extract_strided_slice %get3A_1385 {offsets = [15], sizes = [1], strides = [1]} : vector<16xi32> to vector<1xi32>
      %squeeze3A_1567 = vector.extract %slice3A_1566[0] : i32 from vector<1xi32>
      %dma_start3A_1568 = arith.constant 127 : i32
      %dma_start3A_1569 = arith.constant 0 : i32
      %dma_start3A_1570 = tpu.memref_slice %arg6[%dma_start3A_1568, %dma_start3A_1569] : memref<128x64xf32, #tpu.memory_space<vmem>> -> memref<1x64xf32, #tpu.memory_space<vmem>>
      %dma_start3A_1571 = arith.constant 0 : i32
      %dma_start3A_1572 = tpu.memref_slice %arg3[%squeeze3A_1567, %dma_start3A_1571] : memref<1000001x64xf32, #tpu.memory_space<hbm>> -> memref<1x64xf32, #tpu.memory_space<hbm>>
      %dma_start3A_1573 = arith.constant 127 : i32
      %dma_start3A_1574 = arith.constant 0 : i32
      %dma_start3A_1575 = tpu.memref_slice %arg6[%dma_start3A_1573, %dma_start3A_1574] : memref<128x64xf32, #tpu.memory_space<vmem>> -> memref<1x64xf32, #tpu.memory_space<vmem>>
      %dma_start3A_1576 = arith.constant 0 : i32
      %dma_start3A_1577 = tpu.memref_slice %arg3[%squeeze3A_1567, %dma_start3A_1576] : memref<1000001x64xf32, #tpu.memory_space<hbm>> -> memref<1x64xf32, #tpu.memory_space<hbm>>
      tpu.enqueue_dma source(%dma_start3A_1577 : memref<1x64xf32, #tpu.memory_space<hbm>>) target(%dma_start3A_1575 : memref<1x64xf32, #tpu.memory_space<vmem>>) target_semaphore(%arg7 : memref<!tpu.dma_semaphore, #tpu.memory_space<semaphore_mem>>)
      %dma_wait3A = arith.constant 0 : i32
      %dma_wait3A_1578 = arith.constant 0 : i32
      %dma_wait3A_1579 = tpu.memref_slice %arg6[%dma_wait3A, %dma_wait3A_1578] : memref<128x64xf32, #tpu.memory_space<vmem>> -> memref<1x64xf32, #tpu.memory_space<vmem>>
      %dma_wait3A_1580 = arith.constant 0 : i32
      %dma_wait3A_1581 = arith.constant 0 : i32
      %dma_wait3A_1582 = tpu.memref_slice %arg3[%dma_wait3A_1580, %dma_wait3A_1581] : memref<1000001x64xf32, #tpu.memory_space<hbm>> -> memref<1x64xf32, #tpu.memory_space<hbm>>
      %dma_wait3A_1583 = arith.constant 0 : i32
      %dma_wait3A_1584 = arith.constant 0 : i32
      %dma_wait3A_1585 = tpu.memref_slice %arg6[%dma_wait3A_1583, %dma_wait3A_1584] : memref<128x64xf32, #tpu.memory_space<vmem>> -> memref<1x64xf32, #tpu.memory_space<vmem>>
      %dma_wait3A_1586 = arith.constant 0 : i32
      %dma_wait3A_1587 = arith.constant 0 : i32
      %dma_wait3A_1588 = tpu.memref_slice %arg3[%dma_wait3A_1586, %dma_wait3A_1587] : memref<1000001x64xf32, #tpu.memory_space<hbm>> -> memref<1x64xf32, #tpu.memory_space<hbm>>
      tpu.wait_dma2 semaphore(%arg7 : memref<!tpu.dma_semaphore, #tpu.memory_space<semaphore_mem>>) src(%dma_wait3A_1588 : memref<1x64xf32, #tpu.memory_space<hbm>>) dst(%dma_wait3A_1585 : memref<1x64xf32, #tpu.memory_space<vmem>>)
      %dma_wait3A_1589 = arith.constant 0 : i32
      %dma_wait3A_1590 = arith.constant 0 : i32
      %dma_wait3A_1591 = tpu.memref_slice %arg6[%dma_wait3A_1589, %dma_wait3A_1590] : memref<128x64xf32, #tpu.memory_space<vmem>> -> memref<1x64xf32, #tpu.memory_space<vmem>>
      %dma_wait3A_1592 = arith.constant 0 : i32
      %dma_wait3A_1593 = arith.constant 0 : i32
      %dma_wait3A_1594 = tpu.memref_slice %arg3[%dma_wait3A_1592, %dma_wait3A_1593] : memref<1000001x64xf32, #tpu.memory_space<hbm>> -> memref<1x64xf32, #tpu.memory_space<hbm>>
      %dma_wait3A_1595 = arith.constant 0 : i32
      %dma_wait3A_1596 = arith.constant 0 : i32
      %dma_wait3A_1597 = tpu.memref_slice %arg6[%dma_wait3A_1595, %dma_wait3A_1596] : memref<128x64xf32, #tpu.memory_space<vmem>> -> memref<1x64xf32, #tpu.memory_space<vmem>>
      %dma_wait3A_1598 = arith.constant 0 : i32
      %dma_wait3A_1599 = arith.constant 0 : i32
      %dma_wait3A_1600 = tpu.memref_slice %arg3[%dma_wait3A_1598, %dma_wait3A_1599] : memref<1000001x64xf32, #tpu.memory_space<hbm>> -> memref<1x64xf32, #tpu.memory_space<hbm>>
      tpu.wait_dma2 semaphore(%arg7 : memref<!tpu.dma_semaphore, #tpu.memory_space<semaphore_mem>>) src(%dma_wait3A_1600 : memref<1x64xf32, #tpu.memory_space<hbm>>) dst(%dma_wait3A_1597 : memref<1x64xf32, #tpu.memory_space<vmem>>)
      %dma_wait3A_1601 = arith.constant 0 : i32
      %dma_wait3A_1602 = arith.constant 0 : i32
      %dma_wait3A_1603 = tpu.memref_slice %arg6[%dma_wait3A_1601, %dma_wait3A_1602] : memref<128x64xf32, #tpu.memory_space<vmem>> -> memref<1x64xf32, #tpu.memory_space<vmem>>
      %dma_wait3A_1604 = arith.constant 0 : i32
      %dma_wait3A_1605 = arith.constant 0 : i32
      %dma_wait3A_1606 = tpu.memref_slice %arg3[%dma_wait3A_1604, %dma_wait3A_1605] : memref<1000001x64xf32, #tpu.memory_space<hbm>> -> memref<1x64xf32, #tpu.memory_space<hbm>>
      %dma_wait3A_1607 = arith.constant 0 : i32
      %dma_wait3A_1608 = arith.constant 0 : i32
      %dma_wait3A_1609 = tpu.memref_slice %arg6[%dma_wait3A_1607, %dma_wait3A_1608] : memref<128x64xf32, #tpu.memory_space<vmem>> -> memref<1x64xf32, #tpu.memory_space<vmem>>
      %dma_wait3A_1610 = arith.constant 0 : i32
      %dma_wait3A_1611 = arith.constant 0 : i32
      %dma_wait3A_1612 = tpu.memref_slice %arg3[%dma_wait3A_1610, %dma_wait3A_1611] : memref<1000001x64xf32, #tpu.memory_space<hbm>> -> memref<1x64xf32, #tpu.memory_space<hbm>>
      tpu.wait_dma2 semaphore(%arg7 : memref<!tpu.dma_semaphore, #tpu.memory_space<semaphore_mem>>) src(%dma_wait3A_1612 : memref<1x64xf32, #tpu.memory_space<hbm>>) dst(%dma_wait3A_1609 : memref<1x64xf32, #tpu.memory_space<vmem>>)
      %dma_wait3A_1613 = arith.constant 0 : i32
      %dma_wait3A_1614 = arith.constant 0 : i32
      %dma_wait3A_1615 = tpu.memref_slice %arg6[%dma_wait3A_1613, %dma_wait3A_1614] : memref<128x64xf32, #tpu.memory_space<vmem>> -> memref<1x64xf32, #tpu.memory_space<vmem>>
      %dma_wait3A_1616 = arith.constant 0 : i32
      %dma_wait3A_1617 = arith.constant 0 : i32
      %dma_wait3A_1618 = tpu.memref_slice %arg3[%dma_wait3A_1616, %dma_wait3A_1617] : memref<1000001x64xf32, #tpu.memory_space<hbm>> -> memref<1x64xf32, #tpu.memory_space<hbm>>
      %dma_wait3A_1619 = arith.constant 0 : i32
      %dma_wait3A_1620 = arith.constant 0 : i32
      %dma_wait3A_1621 = tpu.memref_slice %arg6[%dma_wait3A_1619, %dma_wait3A_1620] : memref<128x64xf32, #tpu.memory_space<vmem>> -> memref<1x64xf32, #tpu.memory_space<vmem>>
      %dma_wait3A_1622 = arith.constant 0 : i32
      %dma_wait3A_1623 = arith.constant 0 : i32
      %dma_wait3A_1624 = tpu.memref_slice %arg3[%dma_wait3A_1622, %dma_wait3A_1623] : memref<1000001x64xf32, #tpu.memory_space<hbm>> -> memref<1x64xf32, #tpu.memory_space<hbm>>
      tpu.wait_dma2 semaphore(%arg7 : memref<!tpu.dma_semaphore, #tpu.memory_space<semaphore_mem>>) src(%dma_wait3A_1624 : memref<1x64xf32, #tpu.memory_space<hbm>>) dst(%dma_wait3A_1621 : memref<1x64xf32, #tpu.memory_space<vmem>>)
      %dma_wait3A_1625 = arith.constant 0 : i32
      %dma_wait3A_1626 = arith.constant 0 : i32
      %dma_wait3A_1627 = tpu.memref_slice %arg6[%dma_wait3A_1625, %dma_wait3A_1626] : memref<128x64xf32, #tpu.memory_space<vmem>> -> memref<1x64xf32, #tpu.memory_space<vmem>>
      %dma_wait3A_1628 = arith.constant 0 : i32
      %dma_wait3A_1629 = arith.constant 0 : i32
      %dma_wait3A_1630 = tpu.memref_slice %arg3[%dma_wait3A_1628, %dma_wait3A_1629] : memref<1000001x64xf32, #tpu.memory_space<hbm>> -> memref<1x64xf32, #tpu.memory_space<hbm>>
      %dma_wait3A_1631 = arith.constant 0 : i32
      %dma_wait3A_1632 = arith.constant 0 : i32
      %dma_wait3A_1633 = tpu.memref_slice %arg6[%dma_wait3A_1631, %dma_wait3A_1632] : memref<128x64xf32, #tpu.memory_space<vmem>> -> memref<1x64xf32, #tpu.memory_space<vmem>>
      %dma_wait3A_1634 = arith.constant 0 : i32
      %dma_wait3A_1635 = arith.constant 0 : i32
      %dma_wait3A_1636 = tpu.memref_slice %arg3[%dma_wait3A_1634, %dma_wait3A_1635] : memref<1000001x64xf32, #tpu.memory_space<hbm>> -> memref<1x64xf32, #tpu.memory_space<hbm>>
      tpu.wait_dma2 semaphore(%arg7 : memref<!tpu.dma_semaphore, #tpu.memory_space<semaphore_mem>>) src(%dma_wait3A_1636 : memref<1x64xf32, #tpu.memory_space<hbm>>) dst(%dma_wait3A_1633 : memref<1x64xf32, #tpu.memory_space<vmem>>)
      %dma_wait3A_1637 = arith.constant 0 : i32
      %dma_wait3A_1638 = arith.constant 0 : i32
      %dma_wait3A_1639 = tpu.memref_slice %arg6[%dma_wait3A_1637, %dma_wait3A_1638] : memref<128x64xf32, #tpu.memory_space<vmem>> -> memref<1x64xf32, #tpu.memory_space<vmem>>
      %dma_wait3A_1640 = arith.constant 0 : i32
      %dma_wait3A_1641 = arith.constant 0 : i32
      %dma_wait3A_1642 = tpu.memref_slice %arg3[%dma_wait3A_1640, %dma_wait3A_1641] : memref<1000001x64xf32, #tpu.memory_space<hbm>> -> memref<1x64xf32, #tpu.memory_space<hbm>>
      %dma_wait3A_1643 = arith.constant 0 : i32
      %dma_wait3A_1644 = arith.constant 0 : i32
      %dma_wait3A_1645 = tpu.memref_slice %arg6[%dma_wait3A_1643, %dma_wait3A_1644] : memref<128x64xf32, #tpu.memory_space<vmem>> -> memref<1x64xf32, #tpu.memory_space<vmem>>
      %dma_wait3A_1646 = arith.constant 0 : i32
      %dma_wait3A_1647 = arith.constant 0 : i32
      %dma_wait3A_1648 = tpu.memref_slice %arg3[%dma_wait3A_1646, %dma_wait3A_1647] : memref<1000001x64xf32, #tpu.memory_space<hbm>> -> memref<1x64xf32, #tpu.memory_space<hbm>>
      tpu.wait_dma2 semaphore(%arg7 : memref<!tpu.dma_semaphore, #tpu.memory_space<semaphore_mem>>) src(%dma_wait3A_1648 : memref<1x64xf32, #tpu.memory_space<hbm>>) dst(%dma_wait3A_1645 : memref<1x64xf32, #tpu.memory_space<vmem>>)
      %dma_wait3A_1649 = arith.constant 0 : i32
      %dma_wait3A_1650 = arith.constant 0 : i32
      %dma_wait3A_1651 = tpu.memref_slice %arg6[%dma_wait3A_1649, %dma_wait3A_1650] : memref<128x64xf32, #tpu.memory_space<vmem>> -> memref<1x64xf32, #tpu.memory_space<vmem>>
      %dma_wait3A_1652 = arith.constant 0 : i32
      %dma_wait3A_1653 = arith.constant 0 : i32
      %dma_wait3A_1654 = tpu.memref_slice %arg3[%dma_wait3A_1652, %dma_wait3A_1653] : memref<1000001x64xf32, #tpu.memory_space<hbm>> -> memref<1x64xf32, #tpu.memory_space<hbm>>
      %dma_wait3A_1655 = arith.constant 0 : i32
      %dma_wait3A_1656 = arith.constant 0 : i32
      %dma_wait3A_1657 = tpu.memref_slice %arg6[%dma_wait3A_1655, %dma_wait3A_1656] : memref<128x64xf32, #tpu.memory_space<vmem>> -> memref<1x64xf32, #tpu.memory_space<vmem>>
      %dma_wait3A_1658 = arith.constant 0 : i32
      %dma_wait3A_1659 = arith.constant 0 : i32
      %dma_wait3A_1660 = tpu.memref_slice %arg3[%dma_wait3A_1658, %dma_wait3A_1659] : memref<1000001x64xf32, #tpu.memory_space<hbm>> -> memref<1x64xf32, #tpu.memory_space<hbm>>
      tpu.wait_dma2 semaphore(%arg7 : memref<!tpu.dma_semaphore, #tpu.memory_space<semaphore_mem>>) src(%dma_wait3A_1660 : memref<1x64xf32, #tpu.memory_space<hbm>>) dst(%dma_wait3A_1657 : memref<1x64xf32, #tpu.memory_space<vmem>>)
      %dma_wait3A_1661 = arith.constant 0 : i32
      %dma_wait3A_1662 = arith.constant 0 : i32
      %dma_wait3A_1663 = tpu.memref_slice %arg6[%dma_wait3A_1661, %dma_wait3A_1662] : memref<128x64xf32, #tpu.memory_space<vmem>> -> memref<1x64xf32, #tpu.memory_space<vmem>>
      %dma_wait3A_1664 = arith.constant 0 : i32
      %dma_wait3A_1665 = arith.constant 0 : i32
      %dma_wait3A_1666 = tpu.memref_slice %arg3[%dma_wait3A_1664, %dma_wait3A_1665] : memref<1000001x64xf32, #tpu.memory_space<hbm>> -> memref<1x64xf32, #tpu.memory_space<hbm>>
      %dma_wait3A_1667 = arith.constant 0 : i32
      %dma_wait3A_1668 = arith.constant 0 : i32
      %dma_wait3A_1669 = tpu.memref_slice %arg6[%dma_wait3A_1667, %dma_wait3A_1668] : memref<128x64xf32, #tpu.memory_space<vmem>> -> memref<1x64xf32, #tpu.memory_space<vmem>>
      %dma_wait3A_1670 = arith.constant 0 : i32
      %dma_wait3A_1671 = arith.constant 0 : i32
      %dma_wait3A_1672 = tpu.memref_slice %arg3[%dma_wait3A_1670, %dma_wait3A_1671] : memref<1000001x64xf32, #tpu.memory_space<hbm>> -> memref<1x64xf32, #tpu.memory_space<hbm>>
      tpu.wait_dma2 semaphore(%arg7 : memref<!tpu.dma_semaphore, #tpu.memory_space<semaphore_mem>>) src(%dma_wait3A_1672 : memref<1x64xf32, #tpu.memory_space<hbm>>) dst(%dma_wait3A_1669 : memref<1x64xf32, #tpu.memory_space<vmem>>)
      %dma_wait3A_1673 = arith.constant 0 : i32
      %dma_wait3A_1674 = arith.constant 0 : i32
      %dma_wait3A_1675 = tpu.memref_slice %arg6[%dma_wait3A_1673, %dma_wait3A_1674] : memref<128x64xf32, #tpu.memory_space<vmem>> -> memref<1x64xf32, #tpu.memory_space<vmem>>
      %dma_wait3A_1676 = arith.constant 0 : i32
      %dma_wait3A_1677 = arith.constant 0 : i32
      %dma_wait3A_1678 = tpu.memref_slice %arg3[%dma_wait3A_1676, %dma_wait3A_1677] : memref<1000001x64xf32, #tpu.memory_space<hbm>> -> memref<1x64xf32, #tpu.memory_space<hbm>>
      %dma_wait3A_1679 = arith.constant 0 : i32
      %dma_wait3A_1680 = arith.constant 0 : i32
      %dma_wait3A_1681 = tpu.memref_slice %arg6[%dma_wait3A_1679, %dma_wait3A_1680] : memref<128x64xf32, #tpu.memory_space<vmem>> -> memref<1x64xf32, #tpu.memory_space<vmem>>
      %dma_wait3A_1682 = arith.constant 0 : i32
      %dma_wait3A_1683 = arith.constant 0 : i32
      %dma_wait3A_1684 = tpu.memref_slice %arg3[%dma_wait3A_1682, %dma_wait3A_1683] : memref<1000001x64xf32, #tpu.memory_space<hbm>> -> memref<1x64xf32, #tpu.memory_space<hbm>>
      tpu.wait_dma2 semaphore(%arg7 : memref<!tpu.dma_semaphore, #tpu.memory_space<semaphore_mem>>) src(%dma_wait3A_1684 : memref<1x64xf32, #tpu.memory_space<hbm>>) dst(%dma_wait3A_1681 : memref<1x64xf32, #tpu.memory_space<vmem>>)
      %dma_wait3A_1685 = arith.constant 0 : i32
      %dma_wait3A_1686 = arith.constant 0 : i32
      %dma_wait3A_1687 = tpu.memref_slice %arg6[%dma_wait3A_1685, %dma_wait3A_1686] : memref<128x64xf32, #tpu.memory_space<vmem>> -> memref<1x64xf32, #tpu.memory_space<vmem>>
      %dma_wait3A_1688 = arith.constant 0 : i32
      %dma_wait3A_1689 = arith.constant 0 : i32
      %dma_wait3A_1690 = tpu.memref_slice %arg3[%dma_wait3A_1688, %dma_wait3A_1689] : memref<1000001x64xf32, #tpu.memory_space<hbm>> -> memref<1x64xf32, #tpu.memory_space<hbm>>
      %dma_wait3A_1691 = arith.constant 0 : i32
      %dma_wait3A_1692 = arith.constant 0 : i32
      %dma_wait3A_1693 = tpu.memref_slice %arg6[%dma_wait3A_1691, %dma_wait3A_1692] : memref<128x64xf32, #tpu.memory_space<vmem>> -> memref<1x64xf32, #tpu.memory_space<vmem>>
      %dma_wait3A_1694 = arith.constant 0 : i32
      %dma_wait3A_1695 = arith.constant 0 : i32
      %dma_wait3A_1696 = tpu.memref_slice %arg3[%dma_wait3A_1694, %dma_wait3A_1695] : memref<1000001x64xf32, #tpu.memory_space<hbm>> -> memref<1x64xf32, #tpu.memory_space<hbm>>
      tpu.wait_dma2 semaphore(%arg7 : memref<!tpu.dma_semaphore, #tpu.memory_space<semaphore_mem>>) src(%dma_wait3A_1696 : memref<1x64xf32, #tpu.memory_space<hbm>>) dst(%dma_wait3A_1693 : memref<1x64xf32, #tpu.memory_space<vmem>>)
      %dma_wait3A_1697 = arith.constant 0 : i32
      %dma_wait3A_1698 = arith.constant 0 : i32
      %dma_wait3A_1699 = tpu.memref_slice %arg6[%dma_wait3A_1697, %dma_wait3A_1698] : memref<128x64xf32, #tpu.memory_space<vmem>> -> memref<1x64xf32, #tpu.memory_space<vmem>>
      %dma_wait3A_1700 = arith.constant 0 : i32
      %dma_wait3A_1701 = arith.constant 0 : i32
      %dma_wait3A_1702 = tpu.memref_slice %arg3[%dma_wait3A_1700, %dma_wait3A_1701] : memref<1000001x64xf32, #tpu.memory_space<hbm>> -> memref<1x64xf32, #tpu.memory_space<hbm>>
      %dma_wait3A_1703 = arith.constant 0 : i32
      %dma_wait3A_1704 = arith.constant 0 : i32
      %dma_wait3A_1705 = tpu.memref_slice %arg6[%dma_wait3A_1703, %dma_wait3A_1704] : memref<128x64xf32, #tpu.memory_space<vmem>> -> memref<1x64xf32, #tpu.memory_space<vmem>>
      %dma_wait3A_1706 = arith.constant 0 : i32
      %dma_wait3A_1707 = arith.constant 0 : i32
      %dma_wait3A_1708 = tpu.memref_slice %arg3[%dma_wait3A_1706, %dma_wait3A_1707] : memref<1000001x64xf32, #tpu.memory_space<hbm>> -> memref<1x64xf32, #tpu.memory_space<hbm>>
      tpu.wait_dma2 semaphore(%arg7 : memref<!tpu.dma_semaphore, #tpu.memory_space<semaphore_mem>>) src(%dma_wait3A_1708 : memref<1x64xf32, #tpu.memory_space<hbm>>) dst(%dma_wait3A_1705 : memref<1x64xf32, #tpu.memory_space<vmem>>)
      %dma_wait3A_1709 = arith.constant 0 : i32
      %dma_wait3A_1710 = arith.constant 0 : i32
      %dma_wait3A_1711 = tpu.memref_slice %arg6[%dma_wait3A_1709, %dma_wait3A_1710] : memref<128x64xf32, #tpu.memory_space<vmem>> -> memref<1x64xf32, #tpu.memory_space<vmem>>
      %dma_wait3A_1712 = arith.constant 0 : i32
      %dma_wait3A_1713 = arith.constant 0 : i32
      %dma_wait3A_1714 = tpu.memref_slice %arg3[%dma_wait3A_1712, %dma_wait3A_1713] : memref<1000001x64xf32, #tpu.memory_space<hbm>> -> memref<1x64xf32, #tpu.memory_space<hbm>>
      %dma_wait3A_1715 = arith.constant 0 : i32
      %dma_wait3A_1716 = arith.constant 0 : i32
      %dma_wait3A_1717 = tpu.memref_slice %arg6[%dma_wait3A_1715, %dma_wait3A_1716] : memref<128x64xf32, #tpu.memory_space<vmem>> -> memref<1x64xf32, #tpu.memory_space<vmem>>
      %dma_wait3A_1718 = arith.constant 0 : i32
      %dma_wait3A_1719 = arith.constant 0 : i32
      %dma_wait3A_1720 = tpu.memref_slice %arg3[%dma_wait3A_1718, %dma_wait3A_1719] : memref<1000001x64xf32, #tpu.memory_space<hbm>> -> memref<1x64xf32, #tpu.memory_space<hbm>>
      tpu.wait_dma2 semaphore(%arg7 : memref<!tpu.dma_semaphore, #tpu.memory_space<semaphore_mem>>) src(%dma_wait3A_1720 : memref<1x64xf32, #tpu.memory_space<hbm>>) dst(%dma_wait3A_1717 : memref<1x64xf32, #tpu.memory_space<vmem>>)
      %dma_wait3A_1721 = arith.constant 0 : i32
      %dma_wait3A_1722 = arith.constant 0 : i32
      %dma_wait3A_1723 = tpu.memref_slice %arg6[%dma_wait3A_1721, %dma_wait3A_1722] : memref<128x64xf32, #tpu.memory_space<vmem>> -> memref<1x64xf32, #tpu.memory_space<vmem>>
      %dma_wait3A_1724 = arith.constant 0 : i32
      %dma_wait3A_1725 = arith.constant 0 : i32
      %dma_wait3A_1726 = tpu.memref_slice %arg3[%dma_wait3A_1724, %dma_wait3A_1725] : memref<1000001x64xf32, #tpu.memory_space<hbm>> -> memref<1x64xf32, #tpu.memory_space<hbm>>
      %dma_wait3A_1727 = arith.constant 0 : i32
      %dma_wait3A_1728 = arith.constant 0 : i32
      %dma_wait3A_1729 = tpu.memref_slice %arg6[%dma_wait3A_1727, %dma_wait3A_1728] : memref<128x64xf32, #tpu.memory_space<vmem>> -> memref<1x64xf32, #tpu.memory_space<vmem>>
      %dma_wait3A_1730 = arith.constant 0 : i32
      %dma_wait3A_1731 = arith.constant 0 : i32
      %dma_wait3A_1732 = tpu.memref_slice %arg3[%dma_wait3A_1730, %dma_wait3A_1731] : memref<1000001x64xf32, #tpu.memory_space<hbm>> -> memref<1x64xf32, #tpu.memory_space<hbm>>
      tpu.wait_dma2 semaphore(%arg7 : memref<!tpu.dma_semaphore, #tpu.memory_space<semaphore_mem>>) src(%dma_wait3A_1732 : memref<1x64xf32, #tpu.memory_space<hbm>>) dst(%dma_wait3A_1729 : memref<1x64xf32, #tpu.memory_space<vmem>>)
      %dma_wait3A_1733 = arith.constant 0 : i32
      %dma_wait3A_1734 = arith.constant 0 : i32
      %dma_wait3A_1735 = tpu.memref_slice %arg6[%dma_wait3A_1733, %dma_wait3A_1734] : memref<128x64xf32, #tpu.memory_space<vmem>> -> memref<1x64xf32, #tpu.memory_space<vmem>>
      %dma_wait3A_1736 = arith.constant 0 : i32
      %dma_wait3A_1737 = arith.constant 0 : i32
      %dma_wait3A_1738 = tpu.memref_slice %arg3[%dma_wait3A_1736, %dma_wait3A_1737] : memref<1000001x64xf32, #tpu.memory_space<hbm>> -> memref<1x64xf32, #tpu.memory_space<hbm>>
      %dma_wait3A_1739 = arith.constant 0 : i32
      %dma_wait3A_1740 = arith.constant 0 : i32
      %dma_wait3A_1741 = tpu.memref_slice %arg6[%dma_wait3A_1739, %dma_wait3A_1740] : memref<128x64xf32, #tpu.memory_space<vmem>> -> memref<1x64xf32, #tpu.memory_space<vmem>>
      %dma_wait3A_1742 = arith.constant 0 : i32
      %dma_wait3A_1743 = arith.constant 0 : i32
      %dma_wait3A_1744 = tpu.memref_slice %arg3[%dma_wait3A_1742, %dma_wait3A_1743] : memref<1000001x64xf32, #tpu.memory_space<hbm>> -> memref<1x64xf32, #tpu.memory_space<hbm>>
      tpu.wait_dma2 semaphore(%arg7 : memref<!tpu.dma_semaphore, #tpu.memory_space<semaphore_mem>>) src(%dma_wait3A_1744 : memref<1x64xf32, #tpu.memory_space<hbm>>) dst(%dma_wait3A_1741 : memref<1x64xf32, #tpu.memory_space<vmem>>)
      %dma_wait3A_1745 = arith.constant 0 : i32
      %dma_wait3A_1746 = arith.constant 0 : i32
      %dma_wait3A_1747 = tpu.memref_slice %arg6[%dma_wait3A_1745, %dma_wait3A_1746] : memref<128x64xf32, #tpu.memory_space<vmem>> -> memref<1x64xf32, #tpu.memory_space<vmem>>
      %dma_wait3A_1748 = arith.constant 0 : i32
      %dma_wait3A_1749 = arith.constant 0 : i32
      %dma_wait3A_1750 = tpu.memref_slice %arg3[%dma_wait3A_1748, %dma_wait3A_1749] : memref<1000001x64xf32, #tpu.memory_space<hbm>> -> memref<1x64xf32, #tpu.memory_space<hbm>>
      %dma_wait3A_1751 = arith.constant 0 : i32
      %dma_wait3A_1752 = arith.constant 0 : i32
      %dma_wait3A_1753 = tpu.memref_slice %arg6[%dma_wait3A_1751, %dma_wait3A_1752] : memref<128x64xf32, #tpu.memory_space<vmem>> -> memref<1x64xf32, #tpu.memory_space<vmem>>
      %dma_wait3A_1754 = arith.constant 0 : i32
      %dma_wait3A_1755 = arith.constant 0 : i32
      %dma_wait3A_1756 = tpu.memref_slice %arg3[%dma_wait3A_1754, %dma_wait3A_1755] : memref<1000001x64xf32, #tpu.memory_space<hbm>> -> memref<1x64xf32, #tpu.memory_space<hbm>>
      tpu.wait_dma2 semaphore(%arg7 : memref<!tpu.dma_semaphore, #tpu.memory_space<semaphore_mem>>) src(%dma_wait3A_1756 : memref<1x64xf32, #tpu.memory_space<hbm>>) dst(%dma_wait3A_1753 : memref<1x64xf32, #tpu.memory_space<vmem>>)
      %dma_wait3A_1757 = arith.constant 0 : i32
      %dma_wait3A_1758 = arith.constant 0 : i32
      %dma_wait3A_1759 = tpu.memref_slice %arg6[%dma_wait3A_1757, %dma_wait3A_1758] : memref<128x64xf32, #tpu.memory_space<vmem>> -> memref<1x64xf32, #tpu.memory_space<vmem>>
      %dma_wait3A_1760 = arith.constant 0 : i32
      %dma_wait3A_1761 = arith.constant 0 : i32
      %dma_wait3A_1762 = tpu.memref_slice %arg3[%dma_wait3A_1760, %dma_wait3A_1761] : memref<1000001x64xf32, #tpu.memory_space<hbm>> -> memref<1x64xf32, #tpu.memory_space<hbm>>
      %dma_wait3A_1763 = arith.constant 0 : i32
      %dma_wait3A_1764 = arith.constant 0 : i32
      %dma_wait3A_1765 = tpu.memref_slice %arg6[%dma_wait3A_1763, %dma_wait3A_1764] : memref<128x64xf32, #tpu.memory_space<vmem>> -> memref<1x64xf32, #tpu.memory_space<vmem>>
      %dma_wait3A_1766 = arith.constant 0 : i32
      %dma_wait3A_1767 = arith.constant 0 : i32
      %dma_wait3A_1768 = tpu.memref_slice %arg3[%dma_wait3A_1766, %dma_wait3A_1767] : memref<1000001x64xf32, #tpu.memory_space<hbm>> -> memref<1x64xf32, #tpu.memory_space<hbm>>
      tpu.wait_dma2 semaphore(%arg7 : memref<!tpu.dma_semaphore, #tpu.memory_space<semaphore_mem>>) src(%dma_wait3A_1768 : memref<1x64xf32, #tpu.memory_space<hbm>>) dst(%dma_wait3A_1765 : memref<1x64xf32, #tpu.memory_space<vmem>>)
      %dma_wait3A_1769 = arith.constant 0 : i32
      %dma_wait3A_1770 = arith.constant 0 : i32
      %dma_wait3A_1771 = tpu.memref_slice %arg6[%dma_wait3A_1769, %dma_wait3A_1770] : memref<128x64xf32, #tpu.memory_space<vmem>> -> memref<1x64xf32, #tpu.memory_space<vmem>>
      %dma_wait3A_1772 = arith.constant 0 : i32
      %dma_wait3A_1773 = arith.constant 0 : i32
      %dma_wait3A_1774 = tpu.memref_slice %arg3[%dma_wait3A_1772, %dma_wait3A_1773] : memref<1000001x64xf32, #tpu.memory_space<hbm>> -> memref<1x64xf32, #tpu.memory_space<hbm>>
      %dma_wait3A_1775 = arith.constant 0 : i32
      %dma_wait3A_1776 = arith.constant 0 : i32
      %dma_wait3A_1777 = tpu.memref_slice %arg6[%dma_wait3A_1775, %dma_wait3A_1776] : memref<128x64xf32, #tpu.memory_space<vmem>> -> memref<1x64xf32, #tpu.memory_space<vmem>>
      %dma_wait3A_1778 = arith.constant 0 : i32
      %dma_wait3A_1779 = arith.constant 0 : i32
      %dma_wait3A_1780 = tpu.memref_slice %arg3[%dma_wait3A_1778, %dma_wait3A_1779] : memref<1000001x64xf32, #tpu.memory_space<hbm>> -> memref<1x64xf32, #tpu.memory_space<hbm>>
      tpu.wait_dma2 semaphore(%arg7 : memref<!tpu.dma_semaphore, #tpu.memory_space<semaphore_mem>>) src(%dma_wait3A_1780 : memref<1x64xf32, #tpu.memory_space<hbm>>) dst(%dma_wait3A_1777 : memref<1x64xf32, #tpu.memory_space<vmem>>)
      %dma_wait3A_1781 = arith.constant 0 : i32
      %dma_wait3A_1782 = arith.constant 0 : i32
      %dma_wait3A_1783 = tpu.memref_slice %arg6[%dma_wait3A_1781, %dma_wait3A_1782] : memref<128x64xf32, #tpu.memory_space<vmem>> -> memref<1x64xf32, #tpu.memory_space<vmem>>
      %dma_wait3A_1784 = arith.constant 0 : i32
      %dma_wait3A_1785 = arith.constant 0 : i32
      %dma_wait3A_1786 = tpu.memref_slice %arg3[%dma_wait3A_1784, %dma_wait3A_1785] : memref<1000001x64xf32, #tpu.memory_space<hbm>> -> memref<1x64xf32, #tpu.memory_space<hbm>>
      %dma_wait3A_1787 = arith.constant 0 : i32
      %dma_wait3A_1788 = arith.constant 0 : i32
      %dma_wait3A_1789 = tpu.memref_slice %arg6[%dma_wait3A_1787, %dma_wait3A_1788] : memref<128x64xf32, #tpu.memory_space<vmem>> -> memref<1x64xf32, #tpu.memory_space<vmem>>
      %dma_wait3A_1790 = arith.constant 0 : i32
      %dma_wait3A_1791 = arith.constant 0 : i32
      %dma_wait3A_1792 = tpu.memref_slice %arg3[%dma_wait3A_1790, %dma_wait3A_1791] : memref<1000001x64xf32, #tpu.memory_space<hbm>> -> memref<1x64xf32, #tpu.memory_space<hbm>>
      tpu.wait_dma2 semaphore(%arg7 : memref<!tpu.dma_semaphore, #tpu.memory_space<semaphore_mem>>) src(%dma_wait3A_1792 : memref<1x64xf32, #tpu.memory_space<hbm>>) dst(%dma_wait3A_1789 : memref<1x64xf32, #tpu.memory_space<vmem>>)
      %dma_wait3A_1793 = arith.constant 0 : i32
      %dma_wait3A_1794 = arith.constant 0 : i32
      %dma_wait3A_1795 = tpu.memref_slice %arg6[%dma_wait3A_1793, %dma_wait3A_1794] : memref<128x64xf32, #tpu.memory_space<vmem>> -> memref<1x64xf32, #tpu.memory_space<vmem>>
      %dma_wait3A_1796 = arith.constant 0 : i32
      %dma_wait3A_1797 = arith.constant 0 : i32
      %dma_wait3A_1798 = tpu.memref_slice %arg3[%dma_wait3A_1796, %dma_wait3A_1797] : memref<1000001x64xf32, #tpu.memory_space<hbm>> -> memref<1x64xf32, #tpu.memory_space<hbm>>
      %dma_wait3A_1799 = arith.constant 0 : i32
      %dma_wait3A_1800 = arith.constant 0 : i32
      %dma_wait3A_1801 = tpu.memref_slice %arg6[%dma_wait3A_1799, %dma_wait3A_1800] : memref<128x64xf32, #tpu.memory_space<vmem>> -> memref<1x64xf32, #tpu.memory_space<vmem>>
      %dma_wait3A_1802 = arith.constant 0 : i32
      %dma_wait3A_1803 = arith.constant 0 : i32
      %dma_wait3A_1804 = tpu.memref_slice %arg3[%dma_wait3A_1802, %dma_wait3A_1803] : memref<1000001x64xf32, #tpu.memory_space<hbm>> -> memref<1x64xf32, #tpu.memory_space<hbm>>
      tpu.wait_dma2 semaphore(%arg7 : memref<!tpu.dma_semaphore, #tpu.memory_space<semaphore_mem>>) src(%dma_wait3A_1804 : memref<1x64xf32, #tpu.memory_space<hbm>>) dst(%dma_wait3A_1801 : memref<1x64xf32, #tpu.memory_space<vmem>>)
      %dma_wait3A_1805 = arith.constant 0 : i32
      %dma_wait3A_1806 = arith.constant 0 : i32
      %dma_wait3A_1807 = tpu.memref_slice %arg6[%dma_wait3A_1805, %dma_wait3A_1806] : memref<128x64xf32, #tpu.memory_space<vmem>> -> memref<1x64xf32, #tpu.memory_space<vmem>>
      %dma_wait3A_1808 = arith.constant 0 : i32
      %dma_wait3A_1809 = arith.constant 0 : i32
      %dma_wait3A_1810 = tpu.memref_slice %arg3[%dma_wait3A_1808, %dma_wait3A_1809] : memref<1000001x64xf32, #tpu.memory_space<hbm>> -> memref<1x64xf32, #tpu.memory_space<hbm>>
      %dma_wait3A_1811 = arith.constant 0 : i32
      %dma_wait3A_1812 = arith.constant 0 : i32
      %dma_wait3A_1813 = tpu.memref_slice %arg6[%dma_wait3A_1811, %dma_wait3A_1812] : memref<128x64xf32, #tpu.memory_space<vmem>> -> memref<1x64xf32, #tpu.memory_space<vmem>>
      %dma_wait3A_1814 = arith.constant 0 : i32
      %dma_wait3A_1815 = arith.constant 0 : i32
      %dma_wait3A_1816 = tpu.memref_slice %arg3[%dma_wait3A_1814, %dma_wait3A_1815] : memref<1000001x64xf32, #tpu.memory_space<hbm>> -> memref<1x64xf32, #tpu.memory_space<hbm>>
      tpu.wait_dma2 semaphore(%arg7 : memref<!tpu.dma_semaphore, #tpu.memory_space<semaphore_mem>>) src(%dma_wait3A_1816 : memref<1x64xf32, #tpu.memory_space<hbm>>) dst(%dma_wait3A_1813 : memref<1x64xf32, #tpu.memory_space<vmem>>)
      %dma_wait3A_1817 = arith.constant 0 : i32
      %dma_wait3A_1818 = arith.constant 0 : i32
      %dma_wait3A_1819 = tpu.memref_slice %arg6[%dma_wait3A_1817, %dma_wait3A_1818] : memref<128x64xf32, #tpu.memory_space<vmem>> -> memref<1x64xf32, #tpu.memory_space<vmem>>
      %dma_wait3A_1820 = arith.constant 0 : i32
      %dma_wait3A_1821 = arith.constant 0 : i32
      %dma_wait3A_1822 = tpu.memref_slice %arg3[%dma_wait3A_1820, %dma_wait3A_1821] : memref<1000001x64xf32, #tpu.memory_space<hbm>> -> memref<1x64xf32, #tpu.memory_space<hbm>>
      %dma_wait3A_1823 = arith.constant 0 : i32
      %dma_wait3A_1824 = arith.constant 0 : i32
      %dma_wait3A_1825 = tpu.memref_slice %arg6[%dma_wait3A_1823, %dma_wait3A_1824] : memref<128x64xf32, #tpu.memory_space<vmem>> -> memref<1x64xf32, #tpu.memory_space<vmem>>
      %dma_wait3A_1826 = arith.constant 0 : i32
      %dma_wait3A_1827 = arith.constant 0 : i32
      %dma_wait3A_1828 = tpu.memref_slice %arg3[%dma_wait3A_1826, %dma_wait3A_1827] : memref<1000001x64xf32, #tpu.memory_space<hbm>> -> memref<1x64xf32, #tpu.memory_space<hbm>>
      tpu.wait_dma2 semaphore(%arg7 : memref<!tpu.dma_semaphore, #tpu.memory_space<semaphore_mem>>) src(%dma_wait3A_1828 : memref<1x64xf32, #tpu.memory_space<hbm>>) dst(%dma_wait3A_1825 : memref<1x64xf32, #tpu.memory_space<vmem>>)
      %dma_wait3A_1829 = arith.constant 0 : i32
      %dma_wait3A_1830 = arith.constant 0 : i32
      %dma_wait3A_1831 = tpu.memref_slice %arg6[%dma_wait3A_1829, %dma_wait3A_1830] : memref<128x64xf32, #tpu.memory_space<vmem>> -> memref<1x64xf32, #tpu.memory_space<vmem>>
      %dma_wait3A_1832 = arith.constant 0 : i32
      %dma_wait3A_1833 = arith.constant 0 : i32
      %dma_wait3A_1834 = tpu.memref_slice %arg3[%dma_wait3A_1832, %dma_wait3A_1833] : memref<1000001x64xf32, #tpu.memory_space<hbm>> -> memref<1x64xf32, #tpu.memory_space<hbm>>
      %dma_wait3A_1835 = arith.constant 0 : i32
      %dma_wait3A_1836 = arith.constant 0 : i32
      %dma_wait3A_1837 = tpu.memref_slice %arg6[%dma_wait3A_1835, %dma_wait3A_1836] : memref<128x64xf32, #tpu.memory_space<vmem>> -> memref<1x64xf32, #tpu.memory_space<vmem>>
      %dma_wait3A_1838 = arith.constant 0 : i32
      %dma_wait3A_1839 = arith.constant 0 : i32
      %dma_wait3A_1840 = tpu.memref_slice %arg3[%dma_wait3A_1838, %dma_wait3A_1839] : memref<1000001x64xf32, #tpu.memory_space<hbm>> -> memref<1x64xf32, #tpu.memory_space<hbm>>
      tpu.wait_dma2 semaphore(%arg7 : memref<!tpu.dma_semaphore, #tpu.memory_space<semaphore_mem>>) src(%dma_wait3A_1840 : memref<1x64xf32, #tpu.memory_space<hbm>>) dst(%dma_wait3A_1837 : memref<1x64xf32, #tpu.memory_space<vmem>>)
      %dma_wait3A_1841 = arith.constant 0 : i32
      %dma_wait3A_1842 = arith.constant 0 : i32
      %dma_wait3A_1843 = tpu.memref_slice %arg6[%dma_wait3A_1841, %dma_wait3A_1842] : memref<128x64xf32, #tpu.memory_space<vmem>> -> memref<1x64xf32, #tpu.memory_space<vmem>>
      %dma_wait3A_1844 = arith.constant 0 : i32
      %dma_wait3A_1845 = arith.constant 0 : i32
      %dma_wait3A_1846 = tpu.memref_slice %arg3[%dma_wait3A_1844, %dma_wait3A_1845] : memref<1000001x64xf32, #tpu.memory_space<hbm>> -> memref<1x64xf32, #tpu.memory_space<hbm>>
      %dma_wait3A_1847 = arith.constant 0 : i32
      %dma_wait3A_1848 = arith.constant 0 : i32
      %dma_wait3A_1849 = tpu.memref_slice %arg6[%dma_wait3A_1847, %dma_wait3A_1848] : memref<128x64xf32, #tpu.memory_space<vmem>> -> memref<1x64xf32, #tpu.memory_space<vmem>>
      %dma_wait3A_1850 = arith.constant 0 : i32
      %dma_wait3A_1851 = arith.constant 0 : i32
      %dma_wait3A_1852 = tpu.memref_slice %arg3[%dma_wait3A_1850, %dma_wait3A_1851] : memref<1000001x64xf32, #tpu.memory_space<hbm>> -> memref<1x64xf32, #tpu.memory_space<hbm>>
      tpu.wait_dma2 semaphore(%arg7 : memref<!tpu.dma_semaphore, #tpu.memory_space<semaphore_mem>>) src(%dma_wait3A_1852 : memref<1x64xf32, #tpu.memory_space<hbm>>) dst(%dma_wait3A_1849 : memref<1x64xf32, #tpu.memory_space<vmem>>)
      %dma_wait3A_1853 = arith.constant 0 : i32
      %dma_wait3A_1854 = arith.constant 0 : i32
      %dma_wait3A_1855 = tpu.memref_slice %arg6[%dma_wait3A_1853, %dma_wait3A_1854] : memref<128x64xf32, #tpu.memory_space<vmem>> -> memref<1x64xf32, #tpu.memory_space<vmem>>
      %dma_wait3A_1856 = arith.constant 0 : i32
      %dma_wait3A_1857 = arith.constant 0 : i32
      %dma_wait3A_1858 = tpu.memref_slice %arg3[%dma_wait3A_1856, %dma_wait3A_1857] : memref<1000001x64xf32, #tpu.memory_space<hbm>> -> memref<1x64xf32, #tpu.memory_space<hbm>>
      %dma_wait3A_1859 = arith.constant 0 : i32
      %dma_wait3A_1860 = arith.constant 0 : i32
      %dma_wait3A_1861 = tpu.memref_slice %arg6[%dma_wait3A_1859, %dma_wait3A_1860] : memref<128x64xf32, #tpu.memory_space<vmem>> -> memref<1x64xf32, #tpu.memory_space<vmem>>
      %dma_wait3A_1862 = arith.constant 0 : i32
      %dma_wait3A_1863 = arith.constant 0 : i32
      %dma_wait3A_1864 = tpu.memref_slice %arg3[%dma_wait3A_1862, %dma_wait3A_1863] : memref<1000001x64xf32, #tpu.memory_space<hbm>> -> memref<1x64xf32, #tpu.memory_space<hbm>>
      tpu.wait_dma2 semaphore(%arg7 : memref<!tpu.dma_semaphore, #tpu.memory_space<semaphore_mem>>) src(%dma_wait3A_1864 : memref<1x64xf32, #tpu.memory_space<hbm>>) dst(%dma_wait3A_1861 : memref<1x64xf32, #tpu.memory_space<vmem>>)
      %dma_wait3A_1865 = arith.constant 0 : i32
      %dma_wait3A_1866 = arith.constant 0 : i32
      %dma_wait3A_1867 = tpu.memref_slice %arg6[%dma_wait3A_1865, %dma_wait3A_1866] : memref<128x64xf32, #tpu.memory_space<vmem>> -> memref<1x64xf32, #tpu.memory_space<vmem>>
      %dma_wait3A_1868 = arith.constant 0 : i32
      %dma_wait3A_1869 = arith.constant 0 : i32
      %dma_wait3A_1870 = tpu.memref_slice %arg3[%dma_wait3A_1868, %dma_wait3A_1869] : memref<1000001x64xf32, #tpu.memory_space<hbm>> -> memref<1x64xf32, #tpu.memory_space<hbm>>
      %dma_wait3A_1871 = arith.constant 0 : i32
      %dma_wait3A_1872 = arith.constant 0 : i32
      %dma_wait3A_1873 = tpu.memref_slice %arg6[%dma_wait3A_1871, %dma_wait3A_1872] : memref<128x64xf32, #tpu.memory_space<vmem>> -> memref<1x64xf32, #tpu.memory_space<vmem>>
      %dma_wait3A_1874 = arith.constant 0 : i32
      %dma_wait3A_1875 = arith.constant 0 : i32
      %dma_wait3A_1876 = tpu.memref_slice %arg3[%dma_wait3A_1874, %dma_wait3A_1875] : memref<1000001x64xf32, #tpu.memory_space<hbm>> -> memref<1x64xf32, #tpu.memory_space<hbm>>
      tpu.wait_dma2 semaphore(%arg7 : memref<!tpu.dma_semaphore, #tpu.memory_space<semaphore_mem>>) src(%dma_wait3A_1876 : memref<1x64xf32, #tpu.memory_space<hbm>>) dst(%dma_wait3A_1873 : memref<1x64xf32, #tpu.memory_space<vmem>>)
      %dma_wait3A_1877 = arith.constant 0 : i32
      %dma_wait3A_1878 = arith.constant 0 : i32
      %dma_wait3A_1879 = tpu.memref_slice %arg6[%dma_wait3A_1877, %dma_wait3A_1878] : memref<128x64xf32, #tpu.memory_space<vmem>> -> memref<1x64xf32, #tpu.memory_space<vmem>>
      %dma_wait3A_1880 = arith.constant 0 : i32
      %dma_wait3A_1881 = arith.constant 0 : i32
      %dma_wait3A_1882 = tpu.memref_slice %arg3[%dma_wait3A_1880, %dma_wait3A_1881] : memref<1000001x64xf32, #tpu.memory_space<hbm>> -> memref<1x64xf32, #tpu.memory_space<hbm>>
      %dma_wait3A_1883 = arith.constant 0 : i32
      %dma_wait3A_1884 = arith.constant 0 : i32
      %dma_wait3A_1885 = tpu.memref_slice %arg6[%dma_wait3A_1883, %dma_wait3A_1884] : memref<128x64xf32, #tpu.memory_space<vmem>> -> memref<1x64xf32, #tpu.memory_space<vmem>>
      %dma_wait3A_1886 = arith.constant 0 : i32
      %dma_wait3A_1887 = arith.constant 0 : i32
      %dma_wait3A_1888 = tpu.memref_slice %arg3[%dma_wait3A_1886, %dma_wait3A_1887] : memref<1000001x64xf32, #tpu.memory_space<hbm>> -> memref<1x64xf32, #tpu.memory_space<hbm>>
      tpu.wait_dma2 semaphore(%arg7 : memref<!tpu.dma_semaphore, #tpu.memory_space<semaphore_mem>>) src(%dma_wait3A_1888 : memref<1x64xf32, #tpu.memory_space<hbm>>) dst(%dma_wait3A_1885 : memref<1x64xf32, #tpu.memory_space<vmem>>)
      %dma_wait3A_1889 = arith.constant 0 : i32
      %dma_wait3A_1890 = arith.constant 0 : i32
      %dma_wait3A_1891 = tpu.memref_slice %arg6[%dma_wait3A_1889, %dma_wait3A_1890] : memref<128x64xf32, #tpu.memory_space<vmem>> -> memref<1x64xf32, #tpu.memory_space<vmem>>
      %dma_wait3A_1892 = arith.constant 0 : i32
      %dma_wait3A_1893 = arith.constant 0 : i32
      %dma_wait3A_1894 = tpu.memref_slice %arg3[%dma_wait3A_1892, %dma_wait3A_1893] : memref<1000001x64xf32, #tpu.memory_space<hbm>> -> memref<1x64xf32, #tpu.memory_space<hbm>>
      %dma_wait3A_1895 = arith.constant 0 : i32
      %dma_wait3A_1896 = arith.constant 0 : i32
      %dma_wait3A_1897 = tpu.memref_slice %arg6[%dma_wait3A_1895, %dma_wait3A_1896] : memref<128x64xf32, #tpu.memory_space<vmem>> -> memref<1x64xf32, #tpu.memory_space<vmem>>
      %dma_wait3A_1898 = arith.constant 0 : i32
      %dma_wait3A_1899 = arith.constant 0 : i32
      %dma_wait3A_1900 = tpu.memref_slice %arg3[%dma_wait3A_1898, %dma_wait3A_1899] : memref<1000001x64xf32, #tpu.memory_space<hbm>> -> memref<1x64xf32, #tpu.memory_space<hbm>>
      tpu.wait_dma2 semaphore(%arg7 : memref<!tpu.dma_semaphore, #tpu.memory_space<semaphore_mem>>) src(%dma_wait3A_1900 : memref<1x64xf32, #tpu.memory_space<hbm>>) dst(%dma_wait3A_1897 : memref<1x64xf32, #tpu.memory_space<vmem>>)
      %dma_wait3A_1901 = arith.constant 0 : i32
      %dma_wait3A_1902 = arith.constant 0 : i32
      %dma_wait3A_1903 = tpu.memref_slice %arg6[%dma_wait3A_1901, %dma_wait3A_1902] : memref<128x64xf32, #tpu.memory_space<vmem>> -> memref<1x64xf32, #tpu.memory_space<vmem>>
      %dma_wait3A_1904 = arith.constant 0 : i32
      %dma_wait3A_1905 = arith.constant 0 : i32
      %dma_wait3A_1906 = tpu.memref_slice %arg3[%dma_wait3A_1904, %dma_wait3A_1905] : memref<1000001x64xf32, #tpu.memory_space<hbm>> -> memref<1x64xf32, #tpu.memory_space<hbm>>
      %dma_wait3A_1907 = arith.constant 0 : i32
      %dma_wait3A_1908 = arith.constant 0 : i32
      %dma_wait3A_1909 = tpu.memref_slice %arg6[%dma_wait3A_1907, %dma_wait3A_1908] : memref<128x64xf32, #tpu.memory_space<vmem>> -> memref<1x64xf32, #tpu.memory_space<vmem>>
      %dma_wait3A_1910 = arith.constant 0 : i32
      %dma_wait3A_1911 = arith.constant 0 : i32
      %dma_wait3A_1912 = tpu.memref_slice %arg3[%dma_wait3A_1910, %dma_wait3A_1911] : memref<1000001x64xf32, #tpu.memory_space<hbm>> -> memref<1x64xf32, #tpu.memory_space<hbm>>
      tpu.wait_dma2 semaphore(%arg7 : memref<!tpu.dma_semaphore, #tpu.memory_space<semaphore_mem>>) src(%dma_wait3A_1912 : memref<1x64xf32, #tpu.memory_space<hbm>>) dst(%dma_wait3A_1909 : memref<1x64xf32, #tpu.memory_space<vmem>>)
      %dma_wait3A_1913 = arith.constant 0 : i32
      %dma_wait3A_1914 = arith.constant 0 : i32
      %dma_wait3A_1915 = tpu.memref_slice %arg6[%dma_wait3A_1913, %dma_wait3A_1914] : memref<128x64xf32, #tpu.memory_space<vmem>> -> memref<1x64xf32, #tpu.memory_space<vmem>>
      %dma_wait3A_1916 = arith.constant 0 : i32
      %dma_wait3A_1917 = arith.constant 0 : i32
      %dma_wait3A_1918 = tpu.memref_slice %arg3[%dma_wait3A_1916, %dma_wait3A_1917] : memref<1000001x64xf32, #tpu.memory_space<hbm>> -> memref<1x64xf32, #tpu.memory_space<hbm>>
      %dma_wait3A_1919 = arith.constant 0 : i32
      %dma_wait3A_1920 = arith.constant 0 : i32
      %dma_wait3A_1921 = tpu.memref_slice %arg6[%dma_wait3A_1919, %dma_wait3A_1920] : memref<128x64xf32, #tpu.memory_space<vmem>> -> memref<1x64xf32, #tpu.memory_space<vmem>>
      %dma_wait3A_1922 = arith.constant 0 : i32
      %dma_wait3A_1923 = arith.constant 0 : i32
      %dma_wait3A_1924 = tpu.memref_slice %arg3[%dma_wait3A_1922, %dma_wait3A_1923] : memref<1000001x64xf32, #tpu.memory_space<hbm>> -> memref<1x64xf32, #tpu.memory_space<hbm>>
      tpu.wait_dma2 semaphore(%arg7 : memref<!tpu.dma_semaphore, #tpu.memory_space<semaphore_mem>>) src(%dma_wait3A_1924 : memref<1x64xf32, #tpu.memory_space<hbm>>) dst(%dma_wait3A_1921 : memref<1x64xf32, #tpu.memory_space<vmem>>)
      %dma_wait3A_1925 = arith.constant 0 : i32
      %dma_wait3A_1926 = arith.constant 0 : i32
      %dma_wait3A_1927 = tpu.memref_slice %arg6[%dma_wait3A_1925, %dma_wait3A_1926] : memref<128x64xf32, #tpu.memory_space<vmem>> -> memref<1x64xf32, #tpu.memory_space<vmem>>
      %dma_wait3A_1928 = arith.constant 0 : i32
      %dma_wait3A_1929 = arith.constant 0 : i32
      %dma_wait3A_1930 = tpu.memref_slice %arg3[%dma_wait3A_1928, %dma_wait3A_1929] : memref<1000001x64xf32, #tpu.memory_space<hbm>> -> memref<1x64xf32, #tpu.memory_space<hbm>>
      %dma_wait3A_1931 = arith.constant 0 : i32
      %dma_wait3A_1932 = arith.constant 0 : i32
      %dma_wait3A_1933 = tpu.memref_slice %arg6[%dma_wait3A_1931, %dma_wait3A_1932] : memref<128x64xf32, #tpu.memory_space<vmem>> -> memref<1x64xf32, #tpu.memory_space<vmem>>
      %dma_wait3A_1934 = arith.constant 0 : i32
      %dma_wait3A_1935 = arith.constant 0 : i32
      %dma_wait3A_1936 = tpu.memref_slice %arg3[%dma_wait3A_1934, %dma_wait3A_1935] : memref<1000001x64xf32, #tpu.memory_space<hbm>> -> memref<1x64xf32, #tpu.memory_space<hbm>>
      tpu.wait_dma2 semaphore(%arg7 : memref<!tpu.dma_semaphore, #tpu.memory_space<semaphore_mem>>) src(%dma_wait3A_1936 : memref<1x64xf32, #tpu.memory_space<hbm>>) dst(%dma_wait3A_1933 : memref<1x64xf32, #tpu.memory_space<vmem>>)
      %dma_wait3A_1937 = arith.constant 0 : i32
      %dma_wait3A_1938 = arith.constant 0 : i32
      %dma_wait3A_1939 = tpu.memref_slice %arg6[%dma_wait3A_1937, %dma_wait3A_1938] : memref<128x64xf32, #tpu.memory_space<vmem>> -> memref<1x64xf32, #tpu.memory_space<vmem>>
      %dma_wait3A_1940 = arith.constant 0 : i32
      %dma_wait3A_1941 = arith.constant 0 : i32
      %dma_wait3A_1942 = tpu.memref_slice %arg3[%dma_wait3A_1940, %dma_wait3A_1941] : memref<1000001x64xf32, #tpu.memory_space<hbm>> -> memref<1x64xf32, #tpu.memory_space<hbm>>
      %dma_wait3A_1943 = arith.constant 0 : i32
      %dma_wait3A_1944 = arith.constant 0 : i32
      %dma_wait3A_1945 = tpu.memref_slice %arg6[%dma_wait3A_1943, %dma_wait3A_1944] : memref<128x64xf32, #tpu.memory_space<vmem>> -> memref<1x64xf32, #tpu.memory_space<vmem>>
      %dma_wait3A_1946 = arith.constant 0 : i32
      %dma_wait3A_1947 = arith.constant 0 : i32
      %dma_wait3A_1948 = tpu.memref_slice %arg3[%dma_wait3A_1946, %dma_wait3A_1947] : memref<1000001x64xf32, #tpu.memory_space<hbm>> -> memref<1x64xf32, #tpu.memory_space<hbm>>
      tpu.wait_dma2 semaphore(%arg7 : memref<!tpu.dma_semaphore, #tpu.memory_space<semaphore_mem>>) src(%dma_wait3A_1948 : memref<1x64xf32, #tpu.memory_space<hbm>>) dst(%dma_wait3A_1945 : memref<1x64xf32, #tpu.memory_space<vmem>>)
      %dma_wait3A_1949 = arith.constant 0 : i32
      %dma_wait3A_1950 = arith.constant 0 : i32
      %dma_wait3A_1951 = tpu.memref_slice %arg6[%dma_wait3A_1949, %dma_wait3A_1950] : memref<128x64xf32, #tpu.memory_space<vmem>> -> memref<1x64xf32, #tpu.memory_space<vmem>>
      %dma_wait3A_1952 = arith.constant 0 : i32
      %dma_wait3A_1953 = arith.constant 0 : i32
      %dma_wait3A_1954 = tpu.memref_slice %arg3[%dma_wait3A_1952, %dma_wait3A_1953] : memref<1000001x64xf32, #tpu.memory_space<hbm>> -> memref<1x64xf32, #tpu.memory_space<hbm>>
      %dma_wait3A_1955 = arith.constant 0 : i32
      %dma_wait3A_1956 = arith.constant 0 : i32
      %dma_wait3A_1957 = tpu.memref_slice %arg6[%dma_wait3A_1955, %dma_wait3A_1956] : memref<128x64xf32, #tpu.memory_space<vmem>> -> memref<1x64xf32, #tpu.memory_space<vmem>>
      %dma_wait3A_1958 = arith.constant 0 : i32
      %dma_wait3A_1959 = arith.constant 0 : i32
      %dma_wait3A_1960 = tpu.memref_slice %arg3[%dma_wait3A_1958, %dma_wait3A_1959] : memref<1000001x64xf32, #tpu.memory_space<hbm>> -> memref<1x64xf32, #tpu.memory_space<hbm>>
      tpu.wait_dma2 semaphore(%arg7 : memref<!tpu.dma_semaphore, #tpu.memory_space<semaphore_mem>>) src(%dma_wait3A_1960 : memref<1x64xf32, #tpu.memory_space<hbm>>) dst(%dma_wait3A_1957 : memref<1x64xf32, #tpu.memory_space<vmem>>)
      %dma_wait3A_1961 = arith.constant 0 : i32
      %dma_wait3A_1962 = arith.constant 0 : i32
      %dma_wait3A_1963 = tpu.memref_slice %arg6[%dma_wait3A_1961, %dma_wait3A_1962] : memref<128x64xf32, #tpu.memory_space<vmem>> -> memref<1x64xf32, #tpu.memory_space<vmem>>
      %dma_wait3A_1964 = arith.constant 0 : i32
      %dma_wait3A_1965 = arith.constant 0 : i32
      %dma_wait3A_1966 = tpu.memref_slice %arg3[%dma_wait3A_1964, %dma_wait3A_1965] : memref<1000001x64xf32, #tpu.memory_space<hbm>> -> memref<1x64xf32, #tpu.memory_space<hbm>>
      %dma_wait3A_1967 = arith.constant 0 : i32
      %dma_wait3A_1968 = arith.constant 0 : i32
      %dma_wait3A_1969 = tpu.memref_slice %arg6[%dma_wait3A_1967, %dma_wait3A_1968] : memref<128x64xf32, #tpu.memory_space<vmem>> -> memref<1x64xf32, #tpu.memory_space<vmem>>
      %dma_wait3A_1970 = arith.constant 0 : i32
      %dma_wait3A_1971 = arith.constant 0 : i32
      %dma_wait3A_1972 = tpu.memref_slice %arg3[%dma_wait3A_1970, %dma_wait3A_1971] : memref<1000001x64xf32, #tpu.memory_space<hbm>> -> memref<1x64xf32, #tpu.memory_space<hbm>>
      tpu.wait_dma2 semaphore(%arg7 : memref<!tpu.dma_semaphore, #tpu.memory_space<semaphore_mem>>) src(%dma_wait3A_1972 : memref<1x64xf32, #tpu.memory_space<hbm>>) dst(%dma_wait3A_1969 : memref<1x64xf32, #tpu.memory_space<vmem>>)
      %dma_wait3A_1973 = arith.constant 0 : i32
      %dma_wait3A_1974 = arith.constant 0 : i32
      %dma_wait3A_1975 = tpu.memref_slice %arg6[%dma_wait3A_1973, %dma_wait3A_1974] : memref<128x64xf32, #tpu.memory_space<vmem>> -> memref<1x64xf32, #tpu.memory_space<vmem>>
      %dma_wait3A_1976 = arith.constant 0 : i32
      %dma_wait3A_1977 = arith.constant 0 : i32
      %dma_wait3A_1978 = tpu.memref_slice %arg3[%dma_wait3A_1976, %dma_wait3A_1977] : memref<1000001x64xf32, #tpu.memory_space<hbm>> -> memref<1x64xf32, #tpu.memory_space<hbm>>
      %dma_wait3A_1979 = arith.constant 0 : i32
      %dma_wait3A_1980 = arith.constant 0 : i32
      %dma_wait3A_1981 = tpu.memref_slice %arg6[%dma_wait3A_1979, %dma_wait3A_1980] : memref<128x64xf32, #tpu.memory_space<vmem>> -> memref<1x64xf32, #tpu.memory_space<vmem>>
      %dma_wait3A_1982 = arith.constant 0 : i32
      %dma_wait3A_1983 = arith.constant 0 : i32
      %dma_wait3A_1984 = tpu.memref_slice %arg3[%dma_wait3A_1982, %dma_wait3A_1983] : memref<1000001x64xf32, #tpu.memory_space<hbm>> -> memref<1x64xf32, #tpu.memory_space<hbm>>
      tpu.wait_dma2 semaphore(%arg7 : memref<!tpu.dma_semaphore, #tpu.memory_space<semaphore_mem>>) src(%dma_wait3A_1984 : memref<1x64xf32, #tpu.memory_space<hbm>>) dst(%dma_wait3A_1981 : memref<1x64xf32, #tpu.memory_space<vmem>>)
      %dma_wait3A_1985 = arith.constant 0 : i32
      %dma_wait3A_1986 = arith.constant 0 : i32
      %dma_wait3A_1987 = tpu.memref_slice %arg6[%dma_wait3A_1985, %dma_wait3A_1986] : memref<128x64xf32, #tpu.memory_space<vmem>> -> memref<1x64xf32, #tpu.memory_space<vmem>>
      %dma_wait3A_1988 = arith.constant 0 : i32
      %dma_wait3A_1989 = arith.constant 0 : i32
      %dma_wait3A_1990 = tpu.memref_slice %arg3[%dma_wait3A_1988, %dma_wait3A_1989] : memref<1000001x64xf32, #tpu.memory_space<hbm>> -> memref<1x64xf32, #tpu.memory_space<hbm>>
      %dma_wait3A_1991 = arith.constant 0 : i32
      %dma_wait3A_1992 = arith.constant 0 : i32
      %dma_wait3A_1993 = tpu.memref_slice %arg6[%dma_wait3A_1991, %dma_wait3A_1992] : memref<128x64xf32, #tpu.memory_space<vmem>> -> memref<1x64xf32, #tpu.memory_space<vmem>>
      %dma_wait3A_1994 = arith.constant 0 : i32
      %dma_wait3A_1995 = arith.constant 0 : i32
      %dma_wait3A_1996 = tpu.memref_slice %arg3[%dma_wait3A_1994, %dma_wait3A_1995] : memref<1000001x64xf32, #tpu.memory_space<hbm>> -> memref<1x64xf32, #tpu.memory_space<hbm>>
      tpu.wait_dma2 semaphore(%arg7 : memref<!tpu.dma_semaphore, #tpu.memory_space<semaphore_mem>>) src(%dma_wait3A_1996 : memref<1x64xf32, #tpu.memory_space<hbm>>) dst(%dma_wait3A_1993 : memref<1x64xf32, #tpu.memory_space<vmem>>)
      %dma_wait3A_1997 = arith.constant 0 : i32
      %dma_wait3A_1998 = arith.constant 0 : i32
      %dma_wait3A_1999 = tpu.memref_slice %arg6[%dma_wait3A_1997, %dma_wait3A_1998] : memref<128x64xf32, #tpu.memory_space<vmem>> -> memref<1x64xf32, #tpu.memory_space<vmem>>
      %dma_wait3A_2000 = arith.constant 0 : i32
      %dma_wait3A_2001 = arith.constant 0 : i32
      %dma_wait3A_2002 = tpu.memref_slice %arg3[%dma_wait3A_2000, %dma_wait3A_2001] : memref<1000001x64xf32, #tpu.memory_space<hbm>> -> memref<1x64xf32, #tpu.memory_space<hbm>>
      %dma_wait3A_2003 = arith.constant 0 : i32
      %dma_wait3A_2004 = arith.constant 0 : i32
      %dma_wait3A_2005 = tpu.memref_slice %arg6[%dma_wait3A_2003, %dma_wait3A_2004] : memref<128x64xf32, #tpu.memory_space<vmem>> -> memref<1x64xf32, #tpu.memory_space<vmem>>
      %dma_wait3A_2006 = arith.constant 0 : i32
      %dma_wait3A_2007 = arith.constant 0 : i32
      %dma_wait3A_2008 = tpu.memref_slice %arg3[%dma_wait3A_2006, %dma_wait3A_2007] : memref<1000001x64xf32, #tpu.memory_space<hbm>> -> memref<1x64xf32, #tpu.memory_space<hbm>>
      tpu.wait_dma2 semaphore(%arg7 : memref<!tpu.dma_semaphore, #tpu.memory_space<semaphore_mem>>) src(%dma_wait3A_2008 : memref<1x64xf32, #tpu.memory_space<hbm>>) dst(%dma_wait3A_2005 : memref<1x64xf32, #tpu.memory_space<vmem>>)
      %dma_wait3A_2009 = arith.constant 0 : i32
      %dma_wait3A_2010 = arith.constant 0 : i32
      %dma_wait3A_2011 = tpu.memref_slice %arg6[%dma_wait3A_2009, %dma_wait3A_2010] : memref<128x64xf32, #tpu.memory_space<vmem>> -> memref<1x64xf32, #tpu.memory_space<vmem>>
      %dma_wait3A_2012 = arith.constant 0 : i32
      %dma_wait3A_2013 = arith.constant 0 : i32
      %dma_wait3A_2014 = tpu.memref_slice %arg3[%dma_wait3A_2012, %dma_wait3A_2013] : memref<1000001x64xf32, #tpu.memory_space<hbm>> -> memref<1x64xf32, #tpu.memory_space<hbm>>
      %dma_wait3A_2015 = arith.constant 0 : i32
      %dma_wait3A_2016 = arith.constant 0 : i32
      %dma_wait3A_2017 = tpu.memref_slice %arg6[%dma_wait3A_2015, %dma_wait3A_2016] : memref<128x64xf32, #tpu.memory_space<vmem>> -> memref<1x64xf32, #tpu.memory_space<vmem>>
      %dma_wait3A_2018 = arith.constant 0 : i32
      %dma_wait3A_2019 = arith.constant 0 : i32
      %dma_wait3A_2020 = tpu.memref_slice %arg3[%dma_wait3A_2018, %dma_wait3A_2019] : memref<1000001x64xf32, #tpu.memory_space<hbm>> -> memref<1x64xf32, #tpu.memory_space<hbm>>
      tpu.wait_dma2 semaphore(%arg7 : memref<!tpu.dma_semaphore, #tpu.memory_space<semaphore_mem>>) src(%dma_wait3A_2020 : memref<1x64xf32, #tpu.memory_space<hbm>>) dst(%dma_wait3A_2017 : memref<1x64xf32, #tpu.memory_space<vmem>>)
      %dma_wait3A_2021 = arith.constant 0 : i32
      %dma_wait3A_2022 = arith.constant 0 : i32
      %dma_wait3A_2023 = tpu.memref_slice %arg6[%dma_wait3A_2021, %dma_wait3A_2022] : memref<128x64xf32, #tpu.memory_space<vmem>> -> memref<1x64xf32, #tpu.memory_space<vmem>>
      %dma_wait3A_2024 = arith.constant 0 : i32
      %dma_wait3A_2025 = arith.constant 0 : i32
      %dma_wait3A_2026 = tpu.memref_slice %arg3[%dma_wait3A_2024, %dma_wait3A_2025] : memref<1000001x64xf32, #tpu.memory_space<hbm>> -> memref<1x64xf32, #tpu.memory_space<hbm>>
      %dma_wait3A_2027 = arith.constant 0 : i32
      %dma_wait3A_2028 = arith.constant 0 : i32
      %dma_wait3A_2029 = tpu.memref_slice %arg6[%dma_wait3A_2027, %dma_wait3A_2028] : memref<128x64xf32, #tpu.memory_space<vmem>> -> memref<1x64xf32, #tpu.memory_space<vmem>>
      %dma_wait3A_2030 = arith.constant 0 : i32
      %dma_wait3A_2031 = arith.constant 0 : i32
      %dma_wait3A_2032 = tpu.memref_slice %arg3[%dma_wait3A_2030, %dma_wait3A_2031] : memref<1000001x64xf32, #tpu.memory_space<hbm>> -> memref<1x64xf32, #tpu.memory_space<hbm>>
      tpu.wait_dma2 semaphore(%arg7 : memref<!tpu.dma_semaphore, #tpu.memory_space<semaphore_mem>>) src(%dma_wait3A_2032 : memref<1x64xf32, #tpu.memory_space<hbm>>) dst(%dma_wait3A_2029 : memref<1x64xf32, #tpu.memory_space<vmem>>)
      %dma_wait3A_2033 = arith.constant 0 : i32
      %dma_wait3A_2034 = arith.constant 0 : i32
      %dma_wait3A_2035 = tpu.memref_slice %arg6[%dma_wait3A_2033, %dma_wait3A_2034] : memref<128x64xf32, #tpu.memory_space<vmem>> -> memref<1x64xf32, #tpu.memory_space<vmem>>
      %dma_wait3A_2036 = arith.constant 0 : i32
      %dma_wait3A_2037 = arith.constant 0 : i32
      %dma_wait3A_2038 = tpu.memref_slice %arg3[%dma_wait3A_2036, %dma_wait3A_2037] : memref<1000001x64xf32, #tpu.memory_space<hbm>> -> memref<1x64xf32, #tpu.memory_space<hbm>>
      %dma_wait3A_2039 = arith.constant 0 : i32
      %dma_wait3A_2040 = arith.constant 0 : i32
      %dma_wait3A_2041 = tpu.memref_slice %arg6[%dma_wait3A_2039, %dma_wait3A_2040] : memref<128x64xf32, #tpu.memory_space<vmem>> -> memref<1x64xf32, #tpu.memory_space<vmem>>
      %dma_wait3A_2042 = arith.constant 0 : i32
      %dma_wait3A_2043 = arith.constant 0 : i32
      %dma_wait3A_2044 = tpu.memref_slice %arg3[%dma_wait3A_2042, %dma_wait3A_2043] : memref<1000001x64xf32, #tpu.memory_space<hbm>> -> memref<1x64xf32, #tpu.memory_space<hbm>>
      tpu.wait_dma2 semaphore(%arg7 : memref<!tpu.dma_semaphore, #tpu.memory_space<semaphore_mem>>) src(%dma_wait3A_2044 : memref<1x64xf32, #tpu.memory_space<hbm>>) dst(%dma_wait3A_2041 : memref<1x64xf32, #tpu.memory_space<vmem>>)
      %dma_wait3A_2045 = arith.constant 0 : i32
      %dma_wait3A_2046 = arith.constant 0 : i32
      %dma_wait3A_2047 = tpu.memref_slice %arg6[%dma_wait3A_2045, %dma_wait3A_2046] : memref<128x64xf32, #tpu.memory_space<vmem>> -> memref<1x64xf32, #tpu.memory_space<vmem>>
      %dma_wait3A_2048 = arith.constant 0 : i32
      %dma_wait3A_2049 = arith.constant 0 : i32
      %dma_wait3A_2050 = tpu.memref_slice %arg3[%dma_wait3A_2048, %dma_wait3A_2049] : memref<1000001x64xf32, #tpu.memory_space<hbm>> -> memref<1x64xf32, #tpu.memory_space<hbm>>
      %dma_wait3A_2051 = arith.constant 0 : i32
      %dma_wait3A_2052 = arith.constant 0 : i32
      %dma_wait3A_2053 = tpu.memref_slice %arg6[%dma_wait3A_2051, %dma_wait3A_2052] : memref<128x64xf32, #tpu.memory_space<vmem>> -> memref<1x64xf32, #tpu.memory_space<vmem>>
      %dma_wait3A_2054 = arith.constant 0 : i32
      %dma_wait3A_2055 = arith.constant 0 : i32
      %dma_wait3A_2056 = tpu.memref_slice %arg3[%dma_wait3A_2054, %dma_wait3A_2055] : memref<1000001x64xf32, #tpu.memory_space<hbm>> -> memref<1x64xf32, #tpu.memory_space<hbm>>
      tpu.wait_dma2 semaphore(%arg7 : memref<!tpu.dma_semaphore, #tpu.memory_space<semaphore_mem>>) src(%dma_wait3A_2056 : memref<1x64xf32, #tpu.memory_space<hbm>>) dst(%dma_wait3A_2053 : memref<1x64xf32, #tpu.memory_space<vmem>>)
      %dma_wait3A_2057 = arith.constant 0 : i32
      %dma_wait3A_2058 = arith.constant 0 : i32
      %dma_wait3A_2059 = tpu.memref_slice %arg6[%dma_wait3A_2057, %dma_wait3A_2058] : memref<128x64xf32, #tpu.memory_space<vmem>> -> memref<1x64xf32, #tpu.memory_space<vmem>>
      %dma_wait3A_2060 = arith.constant 0 : i32
      %dma_wait3A_2061 = arith.constant 0 : i32
      %dma_wait3A_2062 = tpu.memref_slice %arg3[%dma_wait3A_2060, %dma_wait3A_2061] : memref<1000001x64xf32, #tpu.memory_space<hbm>> -> memref<1x64xf32, #tpu.memory_space<hbm>>
      %dma_wait3A_2063 = arith.constant 0 : i32
      %dma_wait3A_2064 = arith.constant 0 : i32
      %dma_wait3A_2065 = tpu.memref_slice %arg6[%dma_wait3A_2063, %dma_wait3A_2064] : memref<128x64xf32, #tpu.memory_space<vmem>> -> memref<1x64xf32, #tpu.memory_space<vmem>>
      %dma_wait3A_2066 = arith.constant 0 : i32
      %dma_wait3A_2067 = arith.constant 0 : i32
      %dma_wait3A_2068 = tpu.memref_slice %arg3[%dma_wait3A_2066, %dma_wait3A_2067] : memref<1000001x64xf32, #tpu.memory_space<hbm>> -> memref<1x64xf32, #tpu.memory_space<hbm>>
      tpu.wait_dma2 semaphore(%arg7 : memref<!tpu.dma_semaphore, #tpu.memory_space<semaphore_mem>>) src(%dma_wait3A_2068 : memref<1x64xf32, #tpu.memory_space<hbm>>) dst(%dma_wait3A_2065 : memref<1x64xf32, #tpu.memory_space<vmem>>)
      %dma_wait3A_2069 = arith.constant 0 : i32
      %dma_wait3A_2070 = arith.constant 0 : i32
      %dma_wait3A_2071 = tpu.memref_slice %arg6[%dma_wait3A_2069, %dma_wait3A_2070] : memref<128x64xf32, #tpu.memory_space<vmem>> -> memref<1x64xf32, #tpu.memory_space<vmem>>
      %dma_wait3A_2072 = arith.constant 0 : i32
      %dma_wait3A_2073 = arith.constant 0 : i32
      %dma_wait3A_2074 = tpu.memref_slice %arg3[%dma_wait3A_2072, %dma_wait3A_2073] : memref<1000001x64xf32, #tpu.memory_space<hbm>> -> memref<1x64xf32, #tpu.memory_space<hbm>>
      %dma_wait3A_2075 = arith.constant 0 : i32
      %dma_wait3A_2076 = arith.constant 0 : i32
      %dma_wait3A_2077 = tpu.memref_slice %arg6[%dma_wait3A_2075, %dma_wait3A_2076] : memref<128x64xf32, #tpu.memory_space<vmem>> -> memref<1x64xf32, #tpu.memory_space<vmem>>
      %dma_wait3A_2078 = arith.constant 0 : i32
      %dma_wait3A_2079 = arith.constant 0 : i32
      %dma_wait3A_2080 = tpu.memref_slice %arg3[%dma_wait3A_2078, %dma_wait3A_2079] : memref<1000001x64xf32, #tpu.memory_space<hbm>> -> memref<1x64xf32, #tpu.memory_space<hbm>>
      tpu.wait_dma2 semaphore(%arg7 : memref<!tpu.dma_semaphore, #tpu.memory_space<semaphore_mem>>) src(%dma_wait3A_2080 : memref<1x64xf32, #tpu.memory_space<hbm>>) dst(%dma_wait3A_2077 : memref<1x64xf32, #tpu.memory_space<vmem>>)
      %dma_wait3A_2081 = arith.constant 0 : i32
      %dma_wait3A_2082 = arith.constant 0 : i32
      %dma_wait3A_2083 = tpu.memref_slice %arg6[%dma_wait3A_2081, %dma_wait3A_2082] : memref<128x64xf32, #tpu.memory_space<vmem>> -> memref<1x64xf32, #tpu.memory_space<vmem>>
      %dma_wait3A_2084 = arith.constant 0 : i32
      %dma_wait3A_2085 = arith.constant 0 : i32
      %dma_wait3A_2086 = tpu.memref_slice %arg3[%dma_wait3A_2084, %dma_wait3A_2085] : memref<1000001x64xf32, #tpu.memory_space<hbm>> -> memref<1x64xf32, #tpu.memory_space<hbm>>
      %dma_wait3A_2087 = arith.constant 0 : i32
      %dma_wait3A_2088 = arith.constant 0 : i32
      %dma_wait3A_2089 = tpu.memref_slice %arg6[%dma_wait3A_2087, %dma_wait3A_2088] : memref<128x64xf32, #tpu.memory_space<vmem>> -> memref<1x64xf32, #tpu.memory_space<vmem>>
      %dma_wait3A_2090 = arith.constant 0 : i32
      %dma_wait3A_2091 = arith.constant 0 : i32
      %dma_wait3A_2092 = tpu.memref_slice %arg3[%dma_wait3A_2090, %dma_wait3A_2091] : memref<1000001x64xf32, #tpu.memory_space<hbm>> -> memref<1x64xf32, #tpu.memory_space<hbm>>
      tpu.wait_dma2 semaphore(%arg7 : memref<!tpu.dma_semaphore, #tpu.memory_space<semaphore_mem>>) src(%dma_wait3A_2092 : memref<1x64xf32, #tpu.memory_space<hbm>>) dst(%dma_wait3A_2089 : memref<1x64xf32, #tpu.memory_space<vmem>>)
      %dma_wait3A_2093 = arith.constant 0 : i32
      %dma_wait3A_2094 = arith.constant 0 : i32
      %dma_wait3A_2095 = tpu.memref_slice %arg6[%dma_wait3A_2093, %dma_wait3A_2094] : memref<128x64xf32, #tpu.memory_space<vmem>> -> memref<1x64xf32, #tpu.memory_space<vmem>>
      %dma_wait3A_2096 = arith.constant 0 : i32
      %dma_wait3A_2097 = arith.constant 0 : i32
      %dma_wait3A_2098 = tpu.memref_slice %arg3[%dma_wait3A_2096, %dma_wait3A_2097] : memref<1000001x64xf32, #tpu.memory_space<hbm>> -> memref<1x64xf32, #tpu.memory_space<hbm>>
      %dma_wait3A_2099 = arith.constant 0 : i32
      %dma_wait3A_2100 = arith.constant 0 : i32
      %dma_wait3A_2101 = tpu.memref_slice %arg6[%dma_wait3A_2099, %dma_wait3A_2100] : memref<128x64xf32, #tpu.memory_space<vmem>> -> memref<1x64xf32, #tpu.memory_space<vmem>>
      %dma_wait3A_2102 = arith.constant 0 : i32
      %dma_wait3A_2103 = arith.constant 0 : i32
      %dma_wait3A_2104 = tpu.memref_slice %arg3[%dma_wait3A_2102, %dma_wait3A_2103] : memref<1000001x64xf32, #tpu.memory_space<hbm>> -> memref<1x64xf32, #tpu.memory_space<hbm>>
      tpu.wait_dma2 semaphore(%arg7 : memref<!tpu.dma_semaphore, #tpu.memory_space<semaphore_mem>>) src(%dma_wait3A_2104 : memref<1x64xf32, #tpu.memory_space<hbm>>) dst(%dma_wait3A_2101 : memref<1x64xf32, #tpu.memory_space<vmem>>)
      %dma_wait3A_2105 = arith.constant 0 : i32
      %dma_wait3A_2106 = arith.constant 0 : i32
      %dma_wait3A_2107 = tpu.memref_slice %arg6[%dma_wait3A_2105, %dma_wait3A_2106] : memref<128x64xf32, #tpu.memory_space<vmem>> -> memref<1x64xf32, #tpu.memory_space<vmem>>
      %dma_wait3A_2108 = arith.constant 0 : i32
      %dma_wait3A_2109 = arith.constant 0 : i32
      %dma_wait3A_2110 = tpu.memref_slice %arg3[%dma_wait3A_2108, %dma_wait3A_2109] : memref<1000001x64xf32, #tpu.memory_space<hbm>> -> memref<1x64xf32, #tpu.memory_space<hbm>>
      %dma_wait3A_2111 = arith.constant 0 : i32
      %dma_wait3A_2112 = arith.constant 0 : i32
      %dma_wait3A_2113 = tpu.memref_slice %arg6[%dma_wait3A_2111, %dma_wait3A_2112] : memref<128x64xf32, #tpu.memory_space<vmem>> -> memref<1x64xf32, #tpu.memory_space<vmem>>
      %dma_wait3A_2114 = arith.constant 0 : i32
      %dma_wait3A_2115 = arith.constant 0 : i32
      %dma_wait3A_2116 = tpu.memref_slice %arg3[%dma_wait3A_2114, %dma_wait3A_2115] : memref<1000001x64xf32, #tpu.memory_space<hbm>> -> memref<1x64xf32, #tpu.memory_space<hbm>>
      tpu.wait_dma2 semaphore(%arg7 : memref<!tpu.dma_semaphore, #tpu.memory_space<semaphore_mem>>) src(%dma_wait3A_2116 : memref<1x64xf32, #tpu.memory_space<hbm>>) dst(%dma_wait3A_2113 : memref<1x64xf32, #tpu.memory_space<vmem>>)
      %dma_wait3A_2117 = arith.constant 0 : i32
      %dma_wait3A_2118 = arith.constant 0 : i32
      %dma_wait3A_2119 = tpu.memref_slice %arg6[%dma_wait3A_2117, %dma_wait3A_2118] : memref<128x64xf32, #tpu.memory_space<vmem>> -> memref<1x64xf32, #tpu.memory_space<vmem>>
      %dma_wait3A_2120 = arith.constant 0 : i32
      %dma_wait3A_2121 = arith.constant 0 : i32
      %dma_wait3A_2122 = tpu.memref_slice %arg3[%dma_wait3A_2120, %dma_wait3A_2121] : memref<1000001x64xf32, #tpu.memory_space<hbm>> -> memref<1x64xf32, #tpu.memory_space<hbm>>
      %dma_wait3A_2123 = arith.constant 0 : i32
      %dma_wait3A_2124 = arith.constant 0 : i32
      %dma_wait3A_2125 = tpu.memref_slice %arg6[%dma_wait3A_2123, %dma_wait3A_2124] : memref<128x64xf32, #tpu.memory_space<vmem>> -> memref<1x64xf32, #tpu.memory_space<vmem>>
      %dma_wait3A_2126 = arith.constant 0 : i32
      %dma_wait3A_2127 = arith.constant 0 : i32
      %dma_wait3A_2128 = tpu.memref_slice %arg3[%dma_wait3A_2126, %dma_wait3A_2127] : memref<1000001x64xf32, #tpu.memory_space<hbm>> -> memref<1x64xf32, #tpu.memory_space<hbm>>
      tpu.wait_dma2 semaphore(%arg7 : memref<!tpu.dma_semaphore, #tpu.memory_space<semaphore_mem>>) src(%dma_wait3A_2128 : memref<1x64xf32, #tpu.memory_space<hbm>>) dst(%dma_wait3A_2125 : memref<1x64xf32, #tpu.memory_space<vmem>>)
      %dma_wait3A_2129 = arith.constant 0 : i32
      %dma_wait3A_2130 = arith.constant 0 : i32
      %dma_wait3A_2131 = tpu.memref_slice %arg6[%dma_wait3A_2129, %dma_wait3A_2130] : memref<128x64xf32, #tpu.memory_space<vmem>> -> memref<1x64xf32, #tpu.memory_space<vmem>>
      %dma_wait3A_2132 = arith.constant 0 : i32
      %dma_wait3A_2133 = arith.constant 0 : i32
      %dma_wait3A_2134 = tpu.memref_slice %arg3[%dma_wait3A_2132, %dma_wait3A_2133] : memref<1000001x64xf32, #tpu.memory_space<hbm>> -> memref<1x64xf32, #tpu.memory_space<hbm>>
      %dma_wait3A_2135 = arith.constant 0 : i32
      %dma_wait3A_2136 = arith.constant 0 : i32
      %dma_wait3A_2137 = tpu.memref_slice %arg6[%dma_wait3A_2135, %dma_wait3A_2136] : memref<128x64xf32, #tpu.memory_space<vmem>> -> memref<1x64xf32, #tpu.memory_space<vmem>>
      %dma_wait3A_2138 = arith.constant 0 : i32
      %dma_wait3A_2139 = arith.constant 0 : i32
      %dma_wait3A_2140 = tpu.memref_slice %arg3[%dma_wait3A_2138, %dma_wait3A_2139] : memref<1000001x64xf32, #tpu.memory_space<hbm>> -> memref<1x64xf32, #tpu.memory_space<hbm>>
      tpu.wait_dma2 semaphore(%arg7 : memref<!tpu.dma_semaphore, #tpu.memory_space<semaphore_mem>>) src(%dma_wait3A_2140 : memref<1x64xf32, #tpu.memory_space<hbm>>) dst(%dma_wait3A_2137 : memref<1x64xf32, #tpu.memory_space<vmem>>)
      %dma_wait3A_2141 = arith.constant 0 : i32
      %dma_wait3A_2142 = arith.constant 0 : i32
      %dma_wait3A_2143 = tpu.memref_slice %arg6[%dma_wait3A_2141, %dma_wait3A_2142] : memref<128x64xf32, #tpu.memory_space<vmem>> -> memref<1x64xf32, #tpu.memory_space<vmem>>
      %dma_wait3A_2144 = arith.constant 0 : i32
      %dma_wait3A_2145 = arith.constant 0 : i32
      %dma_wait3A_2146 = tpu.memref_slice %arg3[%dma_wait3A_2144, %dma_wait3A_2145] : memref<1000001x64xf32, #tpu.memory_space<hbm>> -> memref<1x64xf32, #tpu.memory_space<hbm>>
      %dma_wait3A_2147 = arith.constant 0 : i32
      %dma_wait3A_2148 = arith.constant 0 : i32
      %dma_wait3A_2149 = tpu.memref_slice %arg6[%dma_wait3A_2147, %dma_wait3A_2148] : memref<128x64xf32, #tpu.memory_space<vmem>> -> memref<1x64xf32, #tpu.memory_space<vmem>>
      %dma_wait3A_2150 = arith.constant 0 : i32
      %dma_wait3A_2151 = arith.constant 0 : i32
      %dma_wait3A_2152 = tpu.memref_slice %arg3[%dma_wait3A_2150, %dma_wait3A_2151] : memref<1000001x64xf32, #tpu.memory_space<hbm>> -> memref<1x64xf32, #tpu.memory_space<hbm>>
      tpu.wait_dma2 semaphore(%arg7 : memref<!tpu.dma_semaphore, #tpu.memory_space<semaphore_mem>>) src(%dma_wait3A_2152 : memref<1x64xf32, #tpu.memory_space<hbm>>) dst(%dma_wait3A_2149 : memref<1x64xf32, #tpu.memory_space<vmem>>)
      %dma_wait3A_2153 = arith.constant 0 : i32
      %dma_wait3A_2154 = arith.constant 0 : i32
      %dma_wait3A_2155 = tpu.memref_slice %arg6[%dma_wait3A_2153, %dma_wait3A_2154] : memref<128x64xf32, #tpu.memory_space<vmem>> -> memref<1x64xf32, #tpu.memory_space<vmem>>
      %dma_wait3A_2156 = arith.constant 0 : i32
      %dma_wait3A_2157 = arith.constant 0 : i32
      %dma_wait3A_2158 = tpu.memref_slice %arg3[%dma_wait3A_2156, %dma_wait3A_2157] : memref<1000001x64xf32, #tpu.memory_space<hbm>> -> memref<1x64xf32, #tpu.memory_space<hbm>>
      %dma_wait3A_2159 = arith.constant 0 : i32
      %dma_wait3A_2160 = arith.constant 0 : i32
      %dma_wait3A_2161 = tpu.memref_slice %arg6[%dma_wait3A_2159, %dma_wait3A_2160] : memref<128x64xf32, #tpu.memory_space<vmem>> -> memref<1x64xf32, #tpu.memory_space<vmem>>
      %dma_wait3A_2162 = arith.constant 0 : i32
      %dma_wait3A_2163 = arith.constant 0 : i32
      %dma_wait3A_2164 = tpu.memref_slice %arg3[%dma_wait3A_2162, %dma_wait3A_2163] : memref<1000001x64xf32, #tpu.memory_space<hbm>> -> memref<1x64xf32, #tpu.memory_space<hbm>>
      tpu.wait_dma2 semaphore(%arg7 : memref<!tpu.dma_semaphore, #tpu.memory_space<semaphore_mem>>) src(%dma_wait3A_2164 : memref<1x64xf32, #tpu.memory_space<hbm>>) dst(%dma_wait3A_2161 : memref<1x64xf32, #tpu.memory_space<vmem>>)
      %dma_wait3A_2165 = arith.constant 0 : i32
      %dma_wait3A_2166 = arith.constant 0 : i32
      %dma_wait3A_2167 = tpu.memref_slice %arg6[%dma_wait3A_2165, %dma_wait3A_2166] : memref<128x64xf32, #tpu.memory_space<vmem>> -> memref<1x64xf32, #tpu.memory_space<vmem>>
      %dma_wait3A_2168 = arith.constant 0 : i32
      %dma_wait3A_2169 = arith.constant 0 : i32
      %dma_wait3A_2170 = tpu.memref_slice %arg3[%dma_wait3A_2168, %dma_wait3A_2169] : memref<1000001x64xf32, #tpu.memory_space<hbm>> -> memref<1x64xf32, #tpu.memory_space<hbm>>
      %dma_wait3A_2171 = arith.constant 0 : i32
      %dma_wait3A_2172 = arith.constant 0 : i32
      %dma_wait3A_2173 = tpu.memref_slice %arg6[%dma_wait3A_2171, %dma_wait3A_2172] : memref<128x64xf32, #tpu.memory_space<vmem>> -> memref<1x64xf32, #tpu.memory_space<vmem>>
      %dma_wait3A_2174 = arith.constant 0 : i32
      %dma_wait3A_2175 = arith.constant 0 : i32
      %dma_wait3A_2176 = tpu.memref_slice %arg3[%dma_wait3A_2174, %dma_wait3A_2175] : memref<1000001x64xf32, #tpu.memory_space<hbm>> -> memref<1x64xf32, #tpu.memory_space<hbm>>
      tpu.wait_dma2 semaphore(%arg7 : memref<!tpu.dma_semaphore, #tpu.memory_space<semaphore_mem>>) src(%dma_wait3A_2176 : memref<1x64xf32, #tpu.memory_space<hbm>>) dst(%dma_wait3A_2173 : memref<1x64xf32, #tpu.memory_space<vmem>>)
      %dma_wait3A_2177 = arith.constant 0 : i32
      %dma_wait3A_2178 = arith.constant 0 : i32
      %dma_wait3A_2179 = tpu.memref_slice %arg6[%dma_wait3A_2177, %dma_wait3A_2178] : memref<128x64xf32, #tpu.memory_space<vmem>> -> memref<1x64xf32, #tpu.memory_space<vmem>>
      %dma_wait3A_2180 = arith.constant 0 : i32
      %dma_wait3A_2181 = arith.constant 0 : i32
      %dma_wait3A_2182 = tpu.memref_slice %arg3[%dma_wait3A_2180, %dma_wait3A_2181] : memref<1000001x64xf32, #tpu.memory_space<hbm>> -> memref<1x64xf32, #tpu.memory_space<hbm>>
      %dma_wait3A_2183 = arith.constant 0 : i32
      %dma_wait3A_2184 = arith.constant 0 : i32
      %dma_wait3A_2185 = tpu.memref_slice %arg6[%dma_wait3A_2183, %dma_wait3A_2184] : memref<128x64xf32, #tpu.memory_space<vmem>> -> memref<1x64xf32, #tpu.memory_space<vmem>>
      %dma_wait3A_2186 = arith.constant 0 : i32
      %dma_wait3A_2187 = arith.constant 0 : i32
      %dma_wait3A_2188 = tpu.memref_slice %arg3[%dma_wait3A_2186, %dma_wait3A_2187] : memref<1000001x64xf32, #tpu.memory_space<hbm>> -> memref<1x64xf32, #tpu.memory_space<hbm>>
      tpu.wait_dma2 semaphore(%arg7 : memref<!tpu.dma_semaphore, #tpu.memory_space<semaphore_mem>>) src(%dma_wait3A_2188 : memref<1x64xf32, #tpu.memory_space<hbm>>) dst(%dma_wait3A_2185 : memref<1x64xf32, #tpu.memory_space<vmem>>)
      %dma_wait3A_2189 = arith.constant 0 : i32
      %dma_wait3A_2190 = arith.constant 0 : i32
      %dma_wait3A_2191 = tpu.memref_slice %arg6[%dma_wait3A_2189, %dma_wait3A_2190] : memref<128x64xf32, #tpu.memory_space<vmem>> -> memref<1x64xf32, #tpu.memory_space<vmem>>
      %dma_wait3A_2192 = arith.constant 0 : i32
      %dma_wait3A_2193 = arith.constant 0 : i32
      %dma_wait3A_2194 = tpu.memref_slice %arg3[%dma_wait3A_2192, %dma_wait3A_2193] : memref<1000001x64xf32, #tpu.memory_space<hbm>> -> memref<1x64xf32, #tpu.memory_space<hbm>>
      %dma_wait3A_2195 = arith.constant 0 : i32
      %dma_wait3A_2196 = arith.constant 0 : i32
      %dma_wait3A_2197 = tpu.memref_slice %arg6[%dma_wait3A_2195, %dma_wait3A_2196] : memref<128x64xf32, #tpu.memory_space<vmem>> -> memref<1x64xf32, #tpu.memory_space<vmem>>
      %dma_wait3A_2198 = arith.constant 0 : i32
      %dma_wait3A_2199 = arith.constant 0 : i32
      %dma_wait3A_2200 = tpu.memref_slice %arg3[%dma_wait3A_2198, %dma_wait3A_2199] : memref<1000001x64xf32, #tpu.memory_space<hbm>> -> memref<1x64xf32, #tpu.memory_space<hbm>>
      tpu.wait_dma2 semaphore(%arg7 : memref<!tpu.dma_semaphore, #tpu.memory_space<semaphore_mem>>) src(%dma_wait3A_2200 : memref<1x64xf32, #tpu.memory_space<hbm>>) dst(%dma_wait3A_2197 : memref<1x64xf32, #tpu.memory_space<vmem>>)
      %dma_wait3A_2201 = arith.constant 0 : i32
      %dma_wait3A_2202 = arith.constant 0 : i32
      %dma_wait3A_2203 = tpu.memref_slice %arg6[%dma_wait3A_2201, %dma_wait3A_2202] : memref<128x64xf32, #tpu.memory_space<vmem>> -> memref<1x64xf32, #tpu.memory_space<vmem>>
      %dma_wait3A_2204 = arith.constant 0 : i32
      %dma_wait3A_2205 = arith.constant 0 : i32
      %dma_wait3A_2206 = tpu.memref_slice %arg3[%dma_wait3A_2204, %dma_wait3A_2205] : memref<1000001x64xf32, #tpu.memory_space<hbm>> -> memref<1x64xf32, #tpu.memory_space<hbm>>
      %dma_wait3A_2207 = arith.constant 0 : i32
      %dma_wait3A_2208 = arith.constant 0 : i32
      %dma_wait3A_2209 = tpu.memref_slice %arg6[%dma_wait3A_2207, %dma_wait3A_2208] : memref<128x64xf32, #tpu.memory_space<vmem>> -> memref<1x64xf32, #tpu.memory_space<vmem>>
      %dma_wait3A_2210 = arith.constant 0 : i32
      %dma_wait3A_2211 = arith.constant 0 : i32
      %dma_wait3A_2212 = tpu.memref_slice %arg3[%dma_wait3A_2210, %dma_wait3A_2211] : memref<1000001x64xf32, #tpu.memory_space<hbm>> -> memref<1x64xf32, #tpu.memory_space<hbm>>
      tpu.wait_dma2 semaphore(%arg7 : memref<!tpu.dma_semaphore, #tpu.memory_space<semaphore_mem>>) src(%dma_wait3A_2212 : memref<1x64xf32, #tpu.memory_space<hbm>>) dst(%dma_wait3A_2209 : memref<1x64xf32, #tpu.memory_space<vmem>>)
      %dma_wait3A_2213 = arith.constant 0 : i32
      %dma_wait3A_2214 = arith.constant 0 : i32
      %dma_wait3A_2215 = tpu.memref_slice %arg6[%dma_wait3A_2213, %dma_wait3A_2214] : memref<128x64xf32, #tpu.memory_space<vmem>> -> memref<1x64xf32, #tpu.memory_space<vmem>>
      %dma_wait3A_2216 = arith.constant 0 : i32
      %dma_wait3A_2217 = arith.constant 0 : i32
      %dma_wait3A_2218 = tpu.memref_slice %arg3[%dma_wait3A_2216, %dma_wait3A_2217] : memref<1000001x64xf32, #tpu.memory_space<hbm>> -> memref<1x64xf32, #tpu.memory_space<hbm>>
      %dma_wait3A_2219 = arith.constant 0 : i32
      %dma_wait3A_2220 = arith.constant 0 : i32
      %dma_wait3A_2221 = tpu.memref_slice %arg6[%dma_wait3A_2219, %dma_wait3A_2220] : memref<128x64xf32, #tpu.memory_space<vmem>> -> memref<1x64xf32, #tpu.memory_space<vmem>>
      %dma_wait3A_2222 = arith.constant 0 : i32
      %dma_wait3A_2223 = arith.constant 0 : i32
      %dma_wait3A_2224 = tpu.memref_slice %arg3[%dma_wait3A_2222, %dma_wait3A_2223] : memref<1000001x64xf32, #tpu.memory_space<hbm>> -> memref<1x64xf32, #tpu.memory_space<hbm>>
      tpu.wait_dma2 semaphore(%arg7 : memref<!tpu.dma_semaphore, #tpu.memory_space<semaphore_mem>>) src(%dma_wait3A_2224 : memref<1x64xf32, #tpu.memory_space<hbm>>) dst(%dma_wait3A_2221 : memref<1x64xf32, #tpu.memory_space<vmem>>)
      %dma_wait3A_2225 = arith.constant 0 : i32
      %dma_wait3A_2226 = arith.constant 0 : i32
      %dma_wait3A_2227 = tpu.memref_slice %arg6[%dma_wait3A_2225, %dma_wait3A_2226] : memref<128x64xf32, #tpu.memory_space<vmem>> -> memref<1x64xf32, #tpu.memory_space<vmem>>
      %dma_wait3A_2228 = arith.constant 0 : i32
      %dma_wait3A_2229 = arith.constant 0 : i32
      %dma_wait3A_2230 = tpu.memref_slice %arg3[%dma_wait3A_2228, %dma_wait3A_2229] : memref<1000001x64xf32, #tpu.memory_space<hbm>> -> memref<1x64xf32, #tpu.memory_space<hbm>>
      %dma_wait3A_2231 = arith.constant 0 : i32
      %dma_wait3A_2232 = arith.constant 0 : i32
      %dma_wait3A_2233 = tpu.memref_slice %arg6[%dma_wait3A_2231, %dma_wait3A_2232] : memref<128x64xf32, #tpu.memory_space<vmem>> -> memref<1x64xf32, #tpu.memory_space<vmem>>
      %dma_wait3A_2234 = arith.constant 0 : i32
      %dma_wait3A_2235 = arith.constant 0 : i32
      %dma_wait3A_2236 = tpu.memref_slice %arg3[%dma_wait3A_2234, %dma_wait3A_2235] : memref<1000001x64xf32, #tpu.memory_space<hbm>> -> memref<1x64xf32, #tpu.memory_space<hbm>>
      tpu.wait_dma2 semaphore(%arg7 : memref<!tpu.dma_semaphore, #tpu.memory_space<semaphore_mem>>) src(%dma_wait3A_2236 : memref<1x64xf32, #tpu.memory_space<hbm>>) dst(%dma_wait3A_2233 : memref<1x64xf32, #tpu.memory_space<vmem>>)
      %dma_wait3A_2237 = arith.constant 0 : i32
      %dma_wait3A_2238 = arith.constant 0 : i32
      %dma_wait3A_2239 = tpu.memref_slice %arg6[%dma_wait3A_2237, %dma_wait3A_2238] : memref<128x64xf32, #tpu.memory_space<vmem>> -> memref<1x64xf32, #tpu.memory_space<vmem>>
      %dma_wait3A_2240 = arith.constant 0 : i32
      %dma_wait3A_2241 = arith.constant 0 : i32
      %dma_wait3A_2242 = tpu.memref_slice %arg3[%dma_wait3A_2240, %dma_wait3A_2241] : memref<1000001x64xf32, #tpu.memory_space<hbm>> -> memref<1x64xf32, #tpu.memory_space<hbm>>
      %dma_wait3A_2243 = arith.constant 0 : i32
      %dma_wait3A_2244 = arith.constant 0 : i32
      %dma_wait3A_2245 = tpu.memref_slice %arg6[%dma_wait3A_2243, %dma_wait3A_2244] : memref<128x64xf32, #tpu.memory_space<vmem>> -> memref<1x64xf32, #tpu.memory_space<vmem>>
      %dma_wait3A_2246 = arith.constant 0 : i32
      %dma_wait3A_2247 = arith.constant 0 : i32
      %dma_wait3A_2248 = tpu.memref_slice %arg3[%dma_wait3A_2246, %dma_wait3A_2247] : memref<1000001x64xf32, #tpu.memory_space<hbm>> -> memref<1x64xf32, #tpu.memory_space<hbm>>
      tpu.wait_dma2 semaphore(%arg7 : memref<!tpu.dma_semaphore, #tpu.memory_space<semaphore_mem>>) src(%dma_wait3A_2248 : memref<1x64xf32, #tpu.memory_space<hbm>>) dst(%dma_wait3A_2245 : memref<1x64xf32, #tpu.memory_space<vmem>>)
      %dma_wait3A_2249 = arith.constant 0 : i32
      %dma_wait3A_2250 = arith.constant 0 : i32
      %dma_wait3A_2251 = tpu.memref_slice %arg6[%dma_wait3A_2249, %dma_wait3A_2250] : memref<128x64xf32, #tpu.memory_space<vmem>> -> memref<1x64xf32, #tpu.memory_space<vmem>>
      %dma_wait3A_2252 = arith.constant 0 : i32
      %dma_wait3A_2253 = arith.constant 0 : i32
      %dma_wait3A_2254 = tpu.memref_slice %arg3[%dma_wait3A_2252, %dma_wait3A_2253] : memref<1000001x64xf32, #tpu.memory_space<hbm>> -> memref<1x64xf32, #tpu.memory_space<hbm>>
      %dma_wait3A_2255 = arith.constant 0 : i32
      %dma_wait3A_2256 = arith.constant 0 : i32
      %dma_wait3A_2257 = tpu.memref_slice %arg6[%dma_wait3A_2255, %dma_wait3A_2256] : memref<128x64xf32, #tpu.memory_space<vmem>> -> memref<1x64xf32, #tpu.memory_space<vmem>>
      %dma_wait3A_2258 = arith.constant 0 : i32
      %dma_wait3A_2259 = arith.constant 0 : i32
      %dma_wait3A_2260 = tpu.memref_slice %arg3[%dma_wait3A_2258, %dma_wait3A_2259] : memref<1000001x64xf32, #tpu.memory_space<hbm>> -> memref<1x64xf32, #tpu.memory_space<hbm>>
      tpu.wait_dma2 semaphore(%arg7 : memref<!tpu.dma_semaphore, #tpu.memory_space<semaphore_mem>>) src(%dma_wait3A_2260 : memref<1x64xf32, #tpu.memory_space<hbm>>) dst(%dma_wait3A_2257 : memref<1x64xf32, #tpu.memory_space<vmem>>)
      %dma_wait3A_2261 = arith.constant 0 : i32
      %dma_wait3A_2262 = arith.constant 0 : i32
      %dma_wait3A_2263 = tpu.memref_slice %arg6[%dma_wait3A_2261, %dma_wait3A_2262] : memref<128x64xf32, #tpu.memory_space<vmem>> -> memref<1x64xf32, #tpu.memory_space<vmem>>
      %dma_wait3A_2264 = arith.constant 0 : i32
      %dma_wait3A_2265 = arith.constant 0 : i32
      %dma_wait3A_2266 = tpu.memref_slice %arg3[%dma_wait3A_2264, %dma_wait3A_2265] : memref<1000001x64xf32, #tpu.memory_space<hbm>> -> memref<1x64xf32, #tpu.memory_space<hbm>>
      %dma_wait3A_2267 = arith.constant 0 : i32
      %dma_wait3A_2268 = arith.constant 0 : i32
      %dma_wait3A_2269 = tpu.memref_slice %arg6[%dma_wait3A_2267, %dma_wait3A_2268] : memref<128x64xf32, #tpu.memory_space<vmem>> -> memref<1x64xf32, #tpu.memory_space<vmem>>
      %dma_wait3A_2270 = arith.constant 0 : i32
      %dma_wait3A_2271 = arith.constant 0 : i32
      %dma_wait3A_2272 = tpu.memref_slice %arg3[%dma_wait3A_2270, %dma_wait3A_2271] : memref<1000001x64xf32, #tpu.memory_space<hbm>> -> memref<1x64xf32, #tpu.memory_space<hbm>>
      tpu.wait_dma2 semaphore(%arg7 : memref<!tpu.dma_semaphore, #tpu.memory_space<semaphore_mem>>) src(%dma_wait3A_2272 : memref<1x64xf32, #tpu.memory_space<hbm>>) dst(%dma_wait3A_2269 : memref<1x64xf32, #tpu.memory_space<vmem>>)
      %dma_wait3A_2273 = arith.constant 0 : i32
      %dma_wait3A_2274 = arith.constant 0 : i32
      %dma_wait3A_2275 = tpu.memref_slice %arg6[%dma_wait3A_2273, %dma_wait3A_2274] : memref<128x64xf32, #tpu.memory_space<vmem>> -> memref<1x64xf32, #tpu.memory_space<vmem>>
      %dma_wait3A_2276 = arith.constant 0 : i32
      %dma_wait3A_2277 = arith.constant 0 : i32
      %dma_wait3A_2278 = tpu.memref_slice %arg3[%dma_wait3A_2276, %dma_wait3A_2277] : memref<1000001x64xf32, #tpu.memory_space<hbm>> -> memref<1x64xf32, #tpu.memory_space<hbm>>
      %dma_wait3A_2279 = arith.constant 0 : i32
      %dma_wait3A_2280 = arith.constant 0 : i32
      %dma_wait3A_2281 = tpu.memref_slice %arg6[%dma_wait3A_2279, %dma_wait3A_2280] : memref<128x64xf32, #tpu.memory_space<vmem>> -> memref<1x64xf32, #tpu.memory_space<vmem>>
      %dma_wait3A_2282 = arith.constant 0 : i32
      %dma_wait3A_2283 = arith.constant 0 : i32
      %dma_wait3A_2284 = tpu.memref_slice %arg3[%dma_wait3A_2282, %dma_wait3A_2283] : memref<1000001x64xf32, #tpu.memory_space<hbm>> -> memref<1x64xf32, #tpu.memory_space<hbm>>
      tpu.wait_dma2 semaphore(%arg7 : memref<!tpu.dma_semaphore, #tpu.memory_space<semaphore_mem>>) src(%dma_wait3A_2284 : memref<1x64xf32, #tpu.memory_space<hbm>>) dst(%dma_wait3A_2281 : memref<1x64xf32, #tpu.memory_space<vmem>>)
      %dma_wait3A_2285 = arith.constant 0 : i32
      %dma_wait3A_2286 = arith.constant 0 : i32
      %dma_wait3A_2287 = tpu.memref_slice %arg6[%dma_wait3A_2285, %dma_wait3A_2286] : memref<128x64xf32, #tpu.memory_space<vmem>> -> memref<1x64xf32, #tpu.memory_space<vmem>>
      %dma_wait3A_2288 = arith.constant 0 : i32
      %dma_wait3A_2289 = arith.constant 0 : i32
      %dma_wait3A_2290 = tpu.memref_slice %arg3[%dma_wait3A_2288, %dma_wait3A_2289] : memref<1000001x64xf32, #tpu.memory_space<hbm>> -> memref<1x64xf32, #tpu.memory_space<hbm>>
      %dma_wait3A_2291 = arith.constant 0 : i32
      %dma_wait3A_2292 = arith.constant 0 : i32
      %dma_wait3A_2293 = tpu.memref_slice %arg6[%dma_wait3A_2291, %dma_wait3A_2292] : memref<128x64xf32, #tpu.memory_space<vmem>> -> memref<1x64xf32, #tpu.memory_space<vmem>>
      %dma_wait3A_2294 = arith.constant 0 : i32
      %dma_wait3A_2295 = arith.constant 0 : i32
      %dma_wait3A_2296 = tpu.memref_slice %arg3[%dma_wait3A_2294, %dma_wait3A_2295] : memref<1000001x64xf32, #tpu.memory_space<hbm>> -> memref<1x64xf32, #tpu.memory_space<hbm>>
      tpu.wait_dma2 semaphore(%arg7 : memref<!tpu.dma_semaphore, #tpu.memory_space<semaphore_mem>>) src(%dma_wait3A_2296 : memref<1x64xf32, #tpu.memory_space<hbm>>) dst(%dma_wait3A_2293 : memref<1x64xf32, #tpu.memory_space<vmem>>)
      %dma_wait3A_2297 = arith.constant 0 : i32
      %dma_wait3A_2298 = arith.constant 0 : i32
      %dma_wait3A_2299 = tpu.memref_slice %arg6[%dma_wait3A_2297, %dma_wait3A_2298] : memref<128x64xf32, #tpu.memory_space<vmem>> -> memref<1x64xf32, #tpu.memory_space<vmem>>
      %dma_wait3A_2300 = arith.constant 0 : i32
      %dma_wait3A_2301 = arith.constant 0 : i32
      %dma_wait3A_2302 = tpu.memref_slice %arg3[%dma_wait3A_2300, %dma_wait3A_2301] : memref<1000001x64xf32, #tpu.memory_space<hbm>> -> memref<1x64xf32, #tpu.memory_space<hbm>>
      %dma_wait3A_2303 = arith.constant 0 : i32
      %dma_wait3A_2304 = arith.constant 0 : i32
      %dma_wait3A_2305 = tpu.memref_slice %arg6[%dma_wait3A_2303, %dma_wait3A_2304] : memref<128x64xf32, #tpu.memory_space<vmem>> -> memref<1x64xf32, #tpu.memory_space<vmem>>
      %dma_wait3A_2306 = arith.constant 0 : i32
      %dma_wait3A_2307 = arith.constant 0 : i32
      %dma_wait3A_2308 = tpu.memref_slice %arg3[%dma_wait3A_2306, %dma_wait3A_2307] : memref<1000001x64xf32, #tpu.memory_space<hbm>> -> memref<1x64xf32, #tpu.memory_space<hbm>>
      tpu.wait_dma2 semaphore(%arg7 : memref<!tpu.dma_semaphore, #tpu.memory_space<semaphore_mem>>) src(%dma_wait3A_2308 : memref<1x64xf32, #tpu.memory_space<hbm>>) dst(%dma_wait3A_2305 : memref<1x64xf32, #tpu.memory_space<vmem>>)
      %dma_wait3A_2309 = arith.constant 0 : i32
      %dma_wait3A_2310 = arith.constant 0 : i32
      %dma_wait3A_2311 = tpu.memref_slice %arg6[%dma_wait3A_2309, %dma_wait3A_2310] : memref<128x64xf32, #tpu.memory_space<vmem>> -> memref<1x64xf32, #tpu.memory_space<vmem>>
      %dma_wait3A_2312 = arith.constant 0 : i32
      %dma_wait3A_2313 = arith.constant 0 : i32
      %dma_wait3A_2314 = tpu.memref_slice %arg3[%dma_wait3A_2312, %dma_wait3A_2313] : memref<1000001x64xf32, #tpu.memory_space<hbm>> -> memref<1x64xf32, #tpu.memory_space<hbm>>
      %dma_wait3A_2315 = arith.constant 0 : i32
      %dma_wait3A_2316 = arith.constant 0 : i32
      %dma_wait3A_2317 = tpu.memref_slice %arg6[%dma_wait3A_2315, %dma_wait3A_2316] : memref<128x64xf32, #tpu.memory_space<vmem>> -> memref<1x64xf32, #tpu.memory_space<vmem>>
      %dma_wait3A_2318 = arith.constant 0 : i32
      %dma_wait3A_2319 = arith.constant 0 : i32
      %dma_wait3A_2320 = tpu.memref_slice %arg3[%dma_wait3A_2318, %dma_wait3A_2319] : memref<1000001x64xf32, #tpu.memory_space<hbm>> -> memref<1x64xf32, #tpu.memory_space<hbm>>
      tpu.wait_dma2 semaphore(%arg7 : memref<!tpu.dma_semaphore, #tpu.memory_space<semaphore_mem>>) src(%dma_wait3A_2320 : memref<1x64xf32, #tpu.memory_space<hbm>>) dst(%dma_wait3A_2317 : memref<1x64xf32, #tpu.memory_space<vmem>>)
      %dma_wait3A_2321 = arith.constant 0 : i32
      %dma_wait3A_2322 = arith.constant 0 : i32
      %dma_wait3A_2323 = tpu.memref_slice %arg6[%dma_wait3A_2321, %dma_wait3A_2322] : memref<128x64xf32, #tpu.memory_space<vmem>> -> memref<1x64xf32, #tpu.memory_space<vmem>>
      %dma_wait3A_2324 = arith.constant 0 : i32
      %dma_wait3A_2325 = arith.constant 0 : i32
      %dma_wait3A_2326 = tpu.memref_slice %arg3[%dma_wait3A_2324, %dma_wait3A_2325] : memref<1000001x64xf32, #tpu.memory_space<hbm>> -> memref<1x64xf32, #tpu.memory_space<hbm>>
      %dma_wait3A_2327 = arith.constant 0 : i32
      %dma_wait3A_2328 = arith.constant 0 : i32
      %dma_wait3A_2329 = tpu.memref_slice %arg6[%dma_wait3A_2327, %dma_wait3A_2328] : memref<128x64xf32, #tpu.memory_space<vmem>> -> memref<1x64xf32, #tpu.memory_space<vmem>>
      %dma_wait3A_2330 = arith.constant 0 : i32
      %dma_wait3A_2331 = arith.constant 0 : i32
      %dma_wait3A_2332 = tpu.memref_slice %arg3[%dma_wait3A_2330, %dma_wait3A_2331] : memref<1000001x64xf32, #tpu.memory_space<hbm>> -> memref<1x64xf32, #tpu.memory_space<hbm>>
      tpu.wait_dma2 semaphore(%arg7 : memref<!tpu.dma_semaphore, #tpu.memory_space<semaphore_mem>>) src(%dma_wait3A_2332 : memref<1x64xf32, #tpu.memory_space<hbm>>) dst(%dma_wait3A_2329 : memref<1x64xf32, #tpu.memory_space<vmem>>)
      %dma_wait3A_2333 = arith.constant 0 : i32
      %dma_wait3A_2334 = arith.constant 0 : i32
      %dma_wait3A_2335 = tpu.memref_slice %arg6[%dma_wait3A_2333, %dma_wait3A_2334] : memref<128x64xf32, #tpu.memory_space<vmem>> -> memref<1x64xf32, #tpu.memory_space<vmem>>
      %dma_wait3A_2336 = arith.constant 0 : i32
      %dma_wait3A_2337 = arith.constant 0 : i32
      %dma_wait3A_2338 = tpu.memref_slice %arg3[%dma_wait3A_2336, %dma_wait3A_2337] : memref<1000001x64xf32, #tpu.memory_space<hbm>> -> memref<1x64xf32, #tpu.memory_space<hbm>>
      %dma_wait3A_2339 = arith.constant 0 : i32
      %dma_wait3A_2340 = arith.constant 0 : i32
      %dma_wait3A_2341 = tpu.memref_slice %arg6[%dma_wait3A_2339, %dma_wait3A_2340] : memref<128x64xf32, #tpu.memory_space<vmem>> -> memref<1x64xf32, #tpu.memory_space<vmem>>
      %dma_wait3A_2342 = arith.constant 0 : i32
      %dma_wait3A_2343 = arith.constant 0 : i32
      %dma_wait3A_2344 = tpu.memref_slice %arg3[%dma_wait3A_2342, %dma_wait3A_2343] : memref<1000001x64xf32, #tpu.memory_space<hbm>> -> memref<1x64xf32, #tpu.memory_space<hbm>>
      tpu.wait_dma2 semaphore(%arg7 : memref<!tpu.dma_semaphore, #tpu.memory_space<semaphore_mem>>) src(%dma_wait3A_2344 : memref<1x64xf32, #tpu.memory_space<hbm>>) dst(%dma_wait3A_2341 : memref<1x64xf32, #tpu.memory_space<vmem>>)
      %dma_wait3A_2345 = arith.constant 0 : i32
      %dma_wait3A_2346 = arith.constant 0 : i32
      %dma_wait3A_2347 = tpu.memref_slice %arg6[%dma_wait3A_2345, %dma_wait3A_2346] : memref<128x64xf32, #tpu.memory_space<vmem>> -> memref<1x64xf32, #tpu.memory_space<vmem>>
      %dma_wait3A_2348 = arith.constant 0 : i32
      %dma_wait3A_2349 = arith.constant 0 : i32
      %dma_wait3A_2350 = tpu.memref_slice %arg3[%dma_wait3A_2348, %dma_wait3A_2349] : memref<1000001x64xf32, #tpu.memory_space<hbm>> -> memref<1x64xf32, #tpu.memory_space<hbm>>
      %dma_wait3A_2351 = arith.constant 0 : i32
      %dma_wait3A_2352 = arith.constant 0 : i32
      %dma_wait3A_2353 = tpu.memref_slice %arg6[%dma_wait3A_2351, %dma_wait3A_2352] : memref<128x64xf32, #tpu.memory_space<vmem>> -> memref<1x64xf32, #tpu.memory_space<vmem>>
      %dma_wait3A_2354 = arith.constant 0 : i32
      %dma_wait3A_2355 = arith.constant 0 : i32
      %dma_wait3A_2356 = tpu.memref_slice %arg3[%dma_wait3A_2354, %dma_wait3A_2355] : memref<1000001x64xf32, #tpu.memory_space<hbm>> -> memref<1x64xf32, #tpu.memory_space<hbm>>
      tpu.wait_dma2 semaphore(%arg7 : memref<!tpu.dma_semaphore, #tpu.memory_space<semaphore_mem>>) src(%dma_wait3A_2356 : memref<1x64xf32, #tpu.memory_space<hbm>>) dst(%dma_wait3A_2353 : memref<1x64xf32, #tpu.memory_space<vmem>>)
      %dma_wait3A_2357 = arith.constant 0 : i32
      %dma_wait3A_2358 = arith.constant 0 : i32
      %dma_wait3A_2359 = tpu.memref_slice %arg6[%dma_wait3A_2357, %dma_wait3A_2358] : memref<128x64xf32, #tpu.memory_space<vmem>> -> memref<1x64xf32, #tpu.memory_space<vmem>>
      %dma_wait3A_2360 = arith.constant 0 : i32
      %dma_wait3A_2361 = arith.constant 0 : i32
      %dma_wait3A_2362 = tpu.memref_slice %arg3[%dma_wait3A_2360, %dma_wait3A_2361] : memref<1000001x64xf32, #tpu.memory_space<hbm>> -> memref<1x64xf32, #tpu.memory_space<hbm>>
      %dma_wait3A_2363 = arith.constant 0 : i32
      %dma_wait3A_2364 = arith.constant 0 : i32
      %dma_wait3A_2365 = tpu.memref_slice %arg6[%dma_wait3A_2363, %dma_wait3A_2364] : memref<128x64xf32, #tpu.memory_space<vmem>> -> memref<1x64xf32, #tpu.memory_space<vmem>>
      %dma_wait3A_2366 = arith.constant 0 : i32
      %dma_wait3A_2367 = arith.constant 0 : i32
      %dma_wait3A_2368 = tpu.memref_slice %arg3[%dma_wait3A_2366, %dma_wait3A_2367] : memref<1000001x64xf32, #tpu.memory_space<hbm>> -> memref<1x64xf32, #tpu.memory_space<hbm>>
      tpu.wait_dma2 semaphore(%arg7 : memref<!tpu.dma_semaphore, #tpu.memory_space<semaphore_mem>>) src(%dma_wait3A_2368 : memref<1x64xf32, #tpu.memory_space<hbm>>) dst(%dma_wait3A_2365 : memref<1x64xf32, #tpu.memory_space<vmem>>)
      %dma_wait3A_2369 = arith.constant 0 : i32
      %dma_wait3A_2370 = arith.constant 0 : i32
      %dma_wait3A_2371 = tpu.memref_slice %arg6[%dma_wait3A_2369, %dma_wait3A_2370] : memref<128x64xf32, #tpu.memory_space<vmem>> -> memref<1x64xf32, #tpu.memory_space<vmem>>
      %dma_wait3A_2372 = arith.constant 0 : i32
      %dma_wait3A_2373 = arith.constant 0 : i32
      %dma_wait3A_2374 = tpu.memref_slice %arg3[%dma_wait3A_2372, %dma_wait3A_2373] : memref<1000001x64xf32, #tpu.memory_space<hbm>> -> memref<1x64xf32, #tpu.memory_space<hbm>>
      %dma_wait3A_2375 = arith.constant 0 : i32
      %dma_wait3A_2376 = arith.constant 0 : i32
      %dma_wait3A_2377 = tpu.memref_slice %arg6[%dma_wait3A_2375, %dma_wait3A_2376] : memref<128x64xf32, #tpu.memory_space<vmem>> -> memref<1x64xf32, #tpu.memory_space<vmem>>
      %dma_wait3A_2378 = arith.constant 0 : i32
      %dma_wait3A_2379 = arith.constant 0 : i32
      %dma_wait3A_2380 = tpu.memref_slice %arg3[%dma_wait3A_2378, %dma_wait3A_2379] : memref<1000001x64xf32, #tpu.memory_space<hbm>> -> memref<1x64xf32, #tpu.memory_space<hbm>>
      tpu.wait_dma2 semaphore(%arg7 : memref<!tpu.dma_semaphore, #tpu.memory_space<semaphore_mem>>) src(%dma_wait3A_2380 : memref<1x64xf32, #tpu.memory_space<hbm>>) dst(%dma_wait3A_2377 : memref<1x64xf32, #tpu.memory_space<vmem>>)
      %dma_wait3A_2381 = arith.constant 0 : i32
      %dma_wait3A_2382 = arith.constant 0 : i32
      %dma_wait3A_2383 = tpu.memref_slice %arg6[%dma_wait3A_2381, %dma_wait3A_2382] : memref<128x64xf32, #tpu.memory_space<vmem>> -> memref<1x64xf32, #tpu.memory_space<vmem>>
      %dma_wait3A_2384 = arith.constant 0 : i32
      %dma_wait3A_2385 = arith.constant 0 : i32
      %dma_wait3A_2386 = tpu.memref_slice %arg3[%dma_wait3A_2384, %dma_wait3A_2385] : memref<1000001x64xf32, #tpu.memory_space<hbm>> -> memref<1x64xf32, #tpu.memory_space<hbm>>
      %dma_wait3A_2387 = arith.constant 0 : i32
      %dma_wait3A_2388 = arith.constant 0 : i32
      %dma_wait3A_2389 = tpu.memref_slice %arg6[%dma_wait3A_2387, %dma_wait3A_2388] : memref<128x64xf32, #tpu.memory_space<vmem>> -> memref<1x64xf32, #tpu.memory_space<vmem>>
      %dma_wait3A_2390 = arith.constant 0 : i32
      %dma_wait3A_2391 = arith.constant 0 : i32
      %dma_wait3A_2392 = tpu.memref_slice %arg3[%dma_wait3A_2390, %dma_wait3A_2391] : memref<1000001x64xf32, #tpu.memory_space<hbm>> -> memref<1x64xf32, #tpu.memory_space<hbm>>
      tpu.wait_dma2 semaphore(%arg7 : memref<!tpu.dma_semaphore, #tpu.memory_space<semaphore_mem>>) src(%dma_wait3A_2392 : memref<1x64xf32, #tpu.memory_space<hbm>>) dst(%dma_wait3A_2389 : memref<1x64xf32, #tpu.memory_space<vmem>>)
      %dma_wait3A_2393 = arith.constant 0 : i32
      %dma_wait3A_2394 = arith.constant 0 : i32
      %dma_wait3A_2395 = tpu.memref_slice %arg6[%dma_wait3A_2393, %dma_wait3A_2394] : memref<128x64xf32, #tpu.memory_space<vmem>> -> memref<1x64xf32, #tpu.memory_space<vmem>>
      %dma_wait3A_2396 = arith.constant 0 : i32
      %dma_wait3A_2397 = arith.constant 0 : i32
      %dma_wait3A_2398 = tpu.memref_slice %arg3[%dma_wait3A_2396, %dma_wait3A_2397] : memref<1000001x64xf32, #tpu.memory_space<hbm>> -> memref<1x64xf32, #tpu.memory_space<hbm>>
      %dma_wait3A_2399 = arith.constant 0 : i32
      %dma_wait3A_2400 = arith.constant 0 : i32
      %dma_wait3A_2401 = tpu.memref_slice %arg6[%dma_wait3A_2399, %dma_wait3A_2400] : memref<128x64xf32, #tpu.memory_space<vmem>> -> memref<1x64xf32, #tpu.memory_space<vmem>>
      %dma_wait3A_2402 = arith.constant 0 : i32
      %dma_wait3A_2403 = arith.constant 0 : i32
      %dma_wait3A_2404 = tpu.memref_slice %arg3[%dma_wait3A_2402, %dma_wait3A_2403] : memref<1000001x64xf32, #tpu.memory_space<hbm>> -> memref<1x64xf32, #tpu.memory_space<hbm>>
      tpu.wait_dma2 semaphore(%arg7 : memref<!tpu.dma_semaphore, #tpu.memory_space<semaphore_mem>>) src(%dma_wait3A_2404 : memref<1x64xf32, #tpu.memory_space<hbm>>) dst(%dma_wait3A_2401 : memref<1x64xf32, #tpu.memory_space<vmem>>)
      %dma_wait3A_2405 = arith.constant 0 : i32
      %dma_wait3A_2406 = arith.constant 0 : i32
      %dma_wait3A_2407 = tpu.memref_slice %arg6[%dma_wait3A_2405, %dma_wait3A_2406] : memref<128x64xf32, #tpu.memory_space<vmem>> -> memref<1x64xf32, #tpu.memory_space<vmem>>
      %dma_wait3A_2408 = arith.constant 0 : i32
      %dma_wait3A_2409 = arith.constant 0 : i32
      %dma_wait3A_2410 = tpu.memref_slice %arg3[%dma_wait3A_2408, %dma_wait3A_2409] : memref<1000001x64xf32, #tpu.memory_space<hbm>> -> memref<1x64xf32, #tpu.memory_space<hbm>>
      %dma_wait3A_2411 = arith.constant 0 : i32
      %dma_wait3A_2412 = arith.constant 0 : i32
      %dma_wait3A_2413 = tpu.memref_slice %arg6[%dma_wait3A_2411, %dma_wait3A_2412] : memref<128x64xf32, #tpu.memory_space<vmem>> -> memref<1x64xf32, #tpu.memory_space<vmem>>
      %dma_wait3A_2414 = arith.constant 0 : i32
      %dma_wait3A_2415 = arith.constant 0 : i32
      %dma_wait3A_2416 = tpu.memref_slice %arg3[%dma_wait3A_2414, %dma_wait3A_2415] : memref<1000001x64xf32, #tpu.memory_space<hbm>> -> memref<1x64xf32, #tpu.memory_space<hbm>>
      tpu.wait_dma2 semaphore(%arg7 : memref<!tpu.dma_semaphore, #tpu.memory_space<semaphore_mem>>) src(%dma_wait3A_2416 : memref<1x64xf32, #tpu.memory_space<hbm>>) dst(%dma_wait3A_2413 : memref<1x64xf32, #tpu.memory_space<vmem>>)
      %dma_wait3A_2417 = arith.constant 0 : i32
      %dma_wait3A_2418 = arith.constant 0 : i32
      %dma_wait3A_2419 = tpu.memref_slice %arg6[%dma_wait3A_2417, %dma_wait3A_2418] : memref<128x64xf32, #tpu.memory_space<vmem>> -> memref<1x64xf32, #tpu.memory_space<vmem>>
      %dma_wait3A_2420 = arith.constant 0 : i32
      %dma_wait3A_2421 = arith.constant 0 : i32
      %dma_wait3A_2422 = tpu.memref_slice %arg3[%dma_wait3A_2420, %dma_wait3A_2421] : memref<1000001x64xf32, #tpu.memory_space<hbm>> -> memref<1x64xf32, #tpu.memory_space<hbm>>
      %dma_wait3A_2423 = arith.constant 0 : i32
      %dma_wait3A_2424 = arith.constant 0 : i32
      %dma_wait3A_2425 = tpu.memref_slice %arg6[%dma_wait3A_2423, %dma_wait3A_2424] : memref<128x64xf32, #tpu.memory_space<vmem>> -> memref<1x64xf32, #tpu.memory_space<vmem>>
      %dma_wait3A_2426 = arith.constant 0 : i32
      %dma_wait3A_2427 = arith.constant 0 : i32
      %dma_wait3A_2428 = tpu.memref_slice %arg3[%dma_wait3A_2426, %dma_wait3A_2427] : memref<1000001x64xf32, #tpu.memory_space<hbm>> -> memref<1x64xf32, #tpu.memory_space<hbm>>
      tpu.wait_dma2 semaphore(%arg7 : memref<!tpu.dma_semaphore, #tpu.memory_space<semaphore_mem>>) src(%dma_wait3A_2428 : memref<1x64xf32, #tpu.memory_space<hbm>>) dst(%dma_wait3A_2425 : memref<1x64xf32, #tpu.memory_space<vmem>>)
      %dma_wait3A_2429 = arith.constant 0 : i32
      %dma_wait3A_2430 = arith.constant 0 : i32
      %dma_wait3A_2431 = tpu.memref_slice %arg6[%dma_wait3A_2429, %dma_wait3A_2430] : memref<128x64xf32, #tpu.memory_space<vmem>> -> memref<1x64xf32, #tpu.memory_space<vmem>>
      %dma_wait3A_2432 = arith.constant 0 : i32
      %dma_wait3A_2433 = arith.constant 0 : i32
      %dma_wait3A_2434 = tpu.memref_slice %arg3[%dma_wait3A_2432, %dma_wait3A_2433] : memref<1000001x64xf32, #tpu.memory_space<hbm>> -> memref<1x64xf32, #tpu.memory_space<hbm>>
      %dma_wait3A_2435 = arith.constant 0 : i32
      %dma_wait3A_2436 = arith.constant 0 : i32
      %dma_wait3A_2437 = tpu.memref_slice %arg6[%dma_wait3A_2435, %dma_wait3A_2436] : memref<128x64xf32, #tpu.memory_space<vmem>> -> memref<1x64xf32, #tpu.memory_space<vmem>>
      %dma_wait3A_2438 = arith.constant 0 : i32
      %dma_wait3A_2439 = arith.constant 0 : i32
      %dma_wait3A_2440 = tpu.memref_slice %arg3[%dma_wait3A_2438, %dma_wait3A_2439] : memref<1000001x64xf32, #tpu.memory_space<hbm>> -> memref<1x64xf32, #tpu.memory_space<hbm>>
      tpu.wait_dma2 semaphore(%arg7 : memref<!tpu.dma_semaphore, #tpu.memory_space<semaphore_mem>>) src(%dma_wait3A_2440 : memref<1x64xf32, #tpu.memory_space<hbm>>) dst(%dma_wait3A_2437 : memref<1x64xf32, #tpu.memory_space<vmem>>)
      %dma_wait3A_2441 = arith.constant 0 : i32
      %dma_wait3A_2442 = arith.constant 0 : i32
      %dma_wait3A_2443 = tpu.memref_slice %arg6[%dma_wait3A_2441, %dma_wait3A_2442] : memref<128x64xf32, #tpu.memory_space<vmem>> -> memref<1x64xf32, #tpu.memory_space<vmem>>
      %dma_wait3A_2444 = arith.constant 0 : i32
      %dma_wait3A_2445 = arith.constant 0 : i32
      %dma_wait3A_2446 = tpu.memref_slice %arg3[%dma_wait3A_2444, %dma_wait3A_2445] : memref<1000001x64xf32, #tpu.memory_space<hbm>> -> memref<1x64xf32, #tpu.memory_space<hbm>>
      %dma_wait3A_2447 = arith.constant 0 : i32
      %dma_wait3A_2448 = arith.constant 0 : i32
      %dma_wait3A_2449 = tpu.memref_slice %arg6[%dma_wait3A_2447, %dma_wait3A_2448] : memref<128x64xf32, #tpu.memory_space<vmem>> -> memref<1x64xf32, #tpu.memory_space<vmem>>
      %dma_wait3A_2450 = arith.constant 0 : i32
      %dma_wait3A_2451 = arith.constant 0 : i32
      %dma_wait3A_2452 = tpu.memref_slice %arg3[%dma_wait3A_2450, %dma_wait3A_2451] : memref<1000001x64xf32, #tpu.memory_space<hbm>> -> memref<1x64xf32, #tpu.memory_space<hbm>>
      tpu.wait_dma2 semaphore(%arg7 : memref<!tpu.dma_semaphore, #tpu.memory_space<semaphore_mem>>) src(%dma_wait3A_2452 : memref<1x64xf32, #tpu.memory_space<hbm>>) dst(%dma_wait3A_2449 : memref<1x64xf32, #tpu.memory_space<vmem>>)
      %dma_wait3A_2453 = arith.constant 0 : i32
      %dma_wait3A_2454 = arith.constant 0 : i32
      %dma_wait3A_2455 = tpu.memref_slice %arg6[%dma_wait3A_2453, %dma_wait3A_2454] : memref<128x64xf32, #tpu.memory_space<vmem>> -> memref<1x64xf32, #tpu.memory_space<vmem>>
      %dma_wait3A_2456 = arith.constant 0 : i32
      %dma_wait3A_2457 = arith.constant 0 : i32
      %dma_wait3A_2458 = tpu.memref_slice %arg3[%dma_wait3A_2456, %dma_wait3A_2457] : memref<1000001x64xf32, #tpu.memory_space<hbm>> -> memref<1x64xf32, #tpu.memory_space<hbm>>
      %dma_wait3A_2459 = arith.constant 0 : i32
      %dma_wait3A_2460 = arith.constant 0 : i32
      %dma_wait3A_2461 = tpu.memref_slice %arg6[%dma_wait3A_2459, %dma_wait3A_2460] : memref<128x64xf32, #tpu.memory_space<vmem>> -> memref<1x64xf32, #tpu.memory_space<vmem>>
      %dma_wait3A_2462 = arith.constant 0 : i32
      %dma_wait3A_2463 = arith.constant 0 : i32
      %dma_wait3A_2464 = tpu.memref_slice %arg3[%dma_wait3A_2462, %dma_wait3A_2463] : memref<1000001x64xf32, #tpu.memory_space<hbm>> -> memref<1x64xf32, #tpu.memory_space<hbm>>
      tpu.wait_dma2 semaphore(%arg7 : memref<!tpu.dma_semaphore, #tpu.memory_space<semaphore_mem>>) src(%dma_wait3A_2464 : memref<1x64xf32, #tpu.memory_space<hbm>>) dst(%dma_wait3A_2461 : memref<1x64xf32, #tpu.memory_space<vmem>>)
      %dma_wait3A_2465 = arith.constant 0 : i32
      %dma_wait3A_2466 = arith.constant 0 : i32
      %dma_wait3A_2467 = tpu.memref_slice %arg6[%dma_wait3A_2465, %dma_wait3A_2466] : memref<128x64xf32, #tpu.memory_space<vmem>> -> memref<1x64xf32, #tpu.memory_space<vmem>>
      %dma_wait3A_2468 = arith.constant 0 : i32
      %dma_wait3A_2469 = arith.constant 0 : i32
      %dma_wait3A_2470 = tpu.memref_slice %arg3[%dma_wait3A_2468, %dma_wait3A_2469] : memref<1000001x64xf32, #tpu.memory_space<hbm>> -> memref<1x64xf32, #tpu.memory_space<hbm>>
      %dma_wait3A_2471 = arith.constant 0 : i32
      %dma_wait3A_2472 = arith.constant 0 : i32
      %dma_wait3A_2473 = tpu.memref_slice %arg6[%dma_wait3A_2471, %dma_wait3A_2472] : memref<128x64xf32, #tpu.memory_space<vmem>> -> memref<1x64xf32, #tpu.memory_space<vmem>>
      %dma_wait3A_2474 = arith.constant 0 : i32
      %dma_wait3A_2475 = arith.constant 0 : i32
      %dma_wait3A_2476 = tpu.memref_slice %arg3[%dma_wait3A_2474, %dma_wait3A_2475] : memref<1000001x64xf32, #tpu.memory_space<hbm>> -> memref<1x64xf32, #tpu.memory_space<hbm>>
      tpu.wait_dma2 semaphore(%arg7 : memref<!tpu.dma_semaphore, #tpu.memory_space<semaphore_mem>>) src(%dma_wait3A_2476 : memref<1x64xf32, #tpu.memory_space<hbm>>) dst(%dma_wait3A_2473 : memref<1x64xf32, #tpu.memory_space<vmem>>)
      %dma_wait3A_2477 = arith.constant 0 : i32
      %dma_wait3A_2478 = arith.constant 0 : i32
      %dma_wait3A_2479 = tpu.memref_slice %arg6[%dma_wait3A_2477, %dma_wait3A_2478] : memref<128x64xf32, #tpu.memory_space<vmem>> -> memref<1x64xf32, #tpu.memory_space<vmem>>
      %dma_wait3A_2480 = arith.constant 0 : i32
      %dma_wait3A_2481 = arith.constant 0 : i32
      %dma_wait3A_2482 = tpu.memref_slice %arg3[%dma_wait3A_2480, %dma_wait3A_2481] : memref<1000001x64xf32, #tpu.memory_space<hbm>> -> memref<1x64xf32, #tpu.memory_space<hbm>>
      %dma_wait3A_2483 = arith.constant 0 : i32
      %dma_wait3A_2484 = arith.constant 0 : i32
      %dma_wait3A_2485 = tpu.memref_slice %arg6[%dma_wait3A_2483, %dma_wait3A_2484] : memref<128x64xf32, #tpu.memory_space<vmem>> -> memref<1x64xf32, #tpu.memory_space<vmem>>
      %dma_wait3A_2486 = arith.constant 0 : i32
      %dma_wait3A_2487 = arith.constant 0 : i32
      %dma_wait3A_2488 = tpu.memref_slice %arg3[%dma_wait3A_2486, %dma_wait3A_2487] : memref<1000001x64xf32, #tpu.memory_space<hbm>> -> memref<1x64xf32, #tpu.memory_space<hbm>>
      tpu.wait_dma2 semaphore(%arg7 : memref<!tpu.dma_semaphore, #tpu.memory_space<semaphore_mem>>) src(%dma_wait3A_2488 : memref<1x64xf32, #tpu.memory_space<hbm>>) dst(%dma_wait3A_2485 : memref<1x64xf32, #tpu.memory_space<vmem>>)
      %dma_wait3A_2489 = arith.constant 0 : i32
      %dma_wait3A_2490 = arith.constant 0 : i32
      %dma_wait3A_2491 = tpu.memref_slice %arg6[%dma_wait3A_2489, %dma_wait3A_2490] : memref<128x64xf32, #tpu.memory_space<vmem>> -> memref<1x64xf32, #tpu.memory_space<vmem>>
      %dma_wait3A_2492 = arith.constant 0 : i32
      %dma_wait3A_2493 = arith.constant 0 : i32
      %dma_wait3A_2494 = tpu.memref_slice %arg3[%dma_wait3A_2492, %dma_wait3A_2493] : memref<1000001x64xf32, #tpu.memory_space<hbm>> -> memref<1x64xf32, #tpu.memory_space<hbm>>
      %dma_wait3A_2495 = arith.constant 0 : i32
      %dma_wait3A_2496 = arith.constant 0 : i32
      %dma_wait3A_2497 = tpu.memref_slice %arg6[%dma_wait3A_2495, %dma_wait3A_2496] : memref<128x64xf32, #tpu.memory_space<vmem>> -> memref<1x64xf32, #tpu.memory_space<vmem>>
      %dma_wait3A_2498 = arith.constant 0 : i32
      %dma_wait3A_2499 = arith.constant 0 : i32
      %dma_wait3A_2500 = tpu.memref_slice %arg3[%dma_wait3A_2498, %dma_wait3A_2499] : memref<1000001x64xf32, #tpu.memory_space<hbm>> -> memref<1x64xf32, #tpu.memory_space<hbm>>
      tpu.wait_dma2 semaphore(%arg7 : memref<!tpu.dma_semaphore, #tpu.memory_space<semaphore_mem>>) src(%dma_wait3A_2500 : memref<1x64xf32, #tpu.memory_space<hbm>>) dst(%dma_wait3A_2497 : memref<1x64xf32, #tpu.memory_space<vmem>>)
      %dma_wait3A_2501 = arith.constant 0 : i32
      %dma_wait3A_2502 = arith.constant 0 : i32
      %dma_wait3A_2503 = tpu.memref_slice %arg6[%dma_wait3A_2501, %dma_wait3A_2502] : memref<128x64xf32, #tpu.memory_space<vmem>> -> memref<1x64xf32, #tpu.memory_space<vmem>>
      %dma_wait3A_2504 = arith.constant 0 : i32
      %dma_wait3A_2505 = arith.constant 0 : i32
      %dma_wait3A_2506 = tpu.memref_slice %arg3[%dma_wait3A_2504, %dma_wait3A_2505] : memref<1000001x64xf32, #tpu.memory_space<hbm>> -> memref<1x64xf32, #tpu.memory_space<hbm>>
      %dma_wait3A_2507 = arith.constant 0 : i32
      %dma_wait3A_2508 = arith.constant 0 : i32
      %dma_wait3A_2509 = tpu.memref_slice %arg6[%dma_wait3A_2507, %dma_wait3A_2508] : memref<128x64xf32, #tpu.memory_space<vmem>> -> memref<1x64xf32, #tpu.memory_space<vmem>>
      %dma_wait3A_2510 = arith.constant 0 : i32
      %dma_wait3A_2511 = arith.constant 0 : i32
      %dma_wait3A_2512 = tpu.memref_slice %arg3[%dma_wait3A_2510, %dma_wait3A_2511] : memref<1000001x64xf32, #tpu.memory_space<hbm>> -> memref<1x64xf32, #tpu.memory_space<hbm>>
      tpu.wait_dma2 semaphore(%arg7 : memref<!tpu.dma_semaphore, #tpu.memory_space<semaphore_mem>>) src(%dma_wait3A_2512 : memref<1x64xf32, #tpu.memory_space<hbm>>) dst(%dma_wait3A_2509 : memref<1x64xf32, #tpu.memory_space<vmem>>)
      %dma_wait3A_2513 = arith.constant 0 : i32
      %dma_wait3A_2514 = arith.constant 0 : i32
      %dma_wait3A_2515 = tpu.memref_slice %arg6[%dma_wait3A_2513, %dma_wait3A_2514] : memref<128x64xf32, #tpu.memory_space<vmem>> -> memref<1x64xf32, #tpu.memory_space<vmem>>
      %dma_wait3A_2516 = arith.constant 0 : i32
      %dma_wait3A_2517 = arith.constant 0 : i32
      %dma_wait3A_2518 = tpu.memref_slice %arg3[%dma_wait3A_2516, %dma_wait3A_2517] : memref<1000001x64xf32, #tpu.memory_space<hbm>> -> memref<1x64xf32, #tpu.memory_space<hbm>>
      %dma_wait3A_2519 = arith.constant 0 : i32
      %dma_wait3A_2520 = arith.constant 0 : i32
      %dma_wait3A_2521 = tpu.memref_slice %arg6[%dma_wait3A_2519, %dma_wait3A_2520] : memref<128x64xf32, #tpu.memory_space<vmem>> -> memref<1x64xf32, #tpu.memory_space<vmem>>
      %dma_wait3A_2522 = arith.constant 0 : i32
      %dma_wait3A_2523 = arith.constant 0 : i32
      %dma_wait3A_2524 = tpu.memref_slice %arg3[%dma_wait3A_2522, %dma_wait3A_2523] : memref<1000001x64xf32, #tpu.memory_space<hbm>> -> memref<1x64xf32, #tpu.memory_space<hbm>>
      tpu.wait_dma2 semaphore(%arg7 : memref<!tpu.dma_semaphore, #tpu.memory_space<semaphore_mem>>) src(%dma_wait3A_2524 : memref<1x64xf32, #tpu.memory_space<hbm>>) dst(%dma_wait3A_2521 : memref<1x64xf32, #tpu.memory_space<vmem>>)
      %dma_wait3A_2525 = arith.constant 0 : i32
      %dma_wait3A_2526 = arith.constant 0 : i32
      %dma_wait3A_2527 = tpu.memref_slice %arg6[%dma_wait3A_2525, %dma_wait3A_2526] : memref<128x64xf32, #tpu.memory_space<vmem>> -> memref<1x64xf32, #tpu.memory_space<vmem>>
      %dma_wait3A_2528 = arith.constant 0 : i32
      %dma_wait3A_2529 = arith.constant 0 : i32
      %dma_wait3A_2530 = tpu.memref_slice %arg3[%dma_wait3A_2528, %dma_wait3A_2529] : memref<1000001x64xf32, #tpu.memory_space<hbm>> -> memref<1x64xf32, #tpu.memory_space<hbm>>
      %dma_wait3A_2531 = arith.constant 0 : i32
      %dma_wait3A_2532 = arith.constant 0 : i32
      %dma_wait3A_2533 = tpu.memref_slice %arg6[%dma_wait3A_2531, %dma_wait3A_2532] : memref<128x64xf32, #tpu.memory_space<vmem>> -> memref<1x64xf32, #tpu.memory_space<vmem>>
      %dma_wait3A_2534 = arith.constant 0 : i32
      %dma_wait3A_2535 = arith.constant 0 : i32
      %dma_wait3A_2536 = tpu.memref_slice %arg3[%dma_wait3A_2534, %dma_wait3A_2535] : memref<1000001x64xf32, #tpu.memory_space<hbm>> -> memref<1x64xf32, #tpu.memory_space<hbm>>
      tpu.wait_dma2 semaphore(%arg7 : memref<!tpu.dma_semaphore, #tpu.memory_space<semaphore_mem>>) src(%dma_wait3A_2536 : memref<1x64xf32, #tpu.memory_space<hbm>>) dst(%dma_wait3A_2533 : memref<1x64xf32, #tpu.memory_space<vmem>>)
      %dma_wait3A_2537 = arith.constant 0 : i32
      %dma_wait3A_2538 = arith.constant 0 : i32
      %dma_wait3A_2539 = tpu.memref_slice %arg6[%dma_wait3A_2537, %dma_wait3A_2538] : memref<128x64xf32, #tpu.memory_space<vmem>> -> memref<1x64xf32, #tpu.memory_space<vmem>>
      %dma_wait3A_2540 = arith.constant 0 : i32
      %dma_wait3A_2541 = arith.constant 0 : i32
      %dma_wait3A_2542 = tpu.memref_slice %arg3[%dma_wait3A_2540, %dma_wait3A_2541] : memref<1000001x64xf32, #tpu.memory_space<hbm>> -> memref<1x64xf32, #tpu.memory_space<hbm>>
      %dma_wait3A_2543 = arith.constant 0 : i32
      %dma_wait3A_2544 = arith.constant 0 : i32
      %dma_wait3A_2545 = tpu.memref_slice %arg6[%dma_wait3A_2543, %dma_wait3A_2544] : memref<128x64xf32, #tpu.memory_space<vmem>> -> memref<1x64xf32, #tpu.memory_space<vmem>>
      %dma_wait3A_2546 = arith.constant 0 : i32
      %dma_wait3A_2547 = arith.constant 0 : i32
      %dma_wait3A_2548 = tpu.memref_slice %arg3[%dma_wait3A_2546, %dma_wait3A_2547] : memref<1000001x64xf32, #tpu.memory_space<hbm>> -> memref<1x64xf32, #tpu.memory_space<hbm>>
      tpu.wait_dma2 semaphore(%arg7 : memref<!tpu.dma_semaphore, #tpu.memory_space<semaphore_mem>>) src(%dma_wait3A_2548 : memref<1x64xf32, #tpu.memory_space<hbm>>) dst(%dma_wait3A_2545 : memref<1x64xf32, #tpu.memory_space<vmem>>)
      %dma_wait3A_2549 = arith.constant 0 : i32
      %dma_wait3A_2550 = arith.constant 0 : i32
      %dma_wait3A_2551 = tpu.memref_slice %arg6[%dma_wait3A_2549, %dma_wait3A_2550] : memref<128x64xf32, #tpu.memory_space<vmem>> -> memref<1x64xf32, #tpu.memory_space<vmem>>
      %dma_wait3A_2552 = arith.constant 0 : i32
      %dma_wait3A_2553 = arith.constant 0 : i32
      %dma_wait3A_2554 = tpu.memref_slice %arg3[%dma_wait3A_2552, %dma_wait3A_2553] : memref<1000001x64xf32, #tpu.memory_space<hbm>> -> memref<1x64xf32, #tpu.memory_space<hbm>>
      %dma_wait3A_2555 = arith.constant 0 : i32
      %dma_wait3A_2556 = arith.constant 0 : i32
      %dma_wait3A_2557 = tpu.memref_slice %arg6[%dma_wait3A_2555, %dma_wait3A_2556] : memref<128x64xf32, #tpu.memory_space<vmem>> -> memref<1x64xf32, #tpu.memory_space<vmem>>
      %dma_wait3A_2558 = arith.constant 0 : i32
      %dma_wait3A_2559 = arith.constant 0 : i32
      %dma_wait3A_2560 = tpu.memref_slice %arg3[%dma_wait3A_2558, %dma_wait3A_2559] : memref<1000001x64xf32, #tpu.memory_space<hbm>> -> memref<1x64xf32, #tpu.memory_space<hbm>>
      tpu.wait_dma2 semaphore(%arg7 : memref<!tpu.dma_semaphore, #tpu.memory_space<semaphore_mem>>) src(%dma_wait3A_2560 : memref<1x64xf32, #tpu.memory_space<hbm>>) dst(%dma_wait3A_2557 : memref<1x64xf32, #tpu.memory_space<vmem>>)
      %dma_wait3A_2561 = arith.constant 0 : i32
      %dma_wait3A_2562 = arith.constant 0 : i32
      %dma_wait3A_2563 = tpu.memref_slice %arg6[%dma_wait3A_2561, %dma_wait3A_2562] : memref<128x64xf32, #tpu.memory_space<vmem>> -> memref<1x64xf32, #tpu.memory_space<vmem>>
      %dma_wait3A_2564 = arith.constant 0 : i32
      %dma_wait3A_2565 = arith.constant 0 : i32
      %dma_wait3A_2566 = tpu.memref_slice %arg3[%dma_wait3A_2564, %dma_wait3A_2565] : memref<1000001x64xf32, #tpu.memory_space<hbm>> -> memref<1x64xf32, #tpu.memory_space<hbm>>
      %dma_wait3A_2567 = arith.constant 0 : i32
      %dma_wait3A_2568 = arith.constant 0 : i32
      %dma_wait3A_2569 = tpu.memref_slice %arg6[%dma_wait3A_2567, %dma_wait3A_2568] : memref<128x64xf32, #tpu.memory_space<vmem>> -> memref<1x64xf32, #tpu.memory_space<vmem>>
      %dma_wait3A_2570 = arith.constant 0 : i32
      %dma_wait3A_2571 = arith.constant 0 : i32
      %dma_wait3A_2572 = tpu.memref_slice %arg3[%dma_wait3A_2570, %dma_wait3A_2571] : memref<1000001x64xf32, #tpu.memory_space<hbm>> -> memref<1x64xf32, #tpu.memory_space<hbm>>
      tpu.wait_dma2 semaphore(%arg7 : memref<!tpu.dma_semaphore, #tpu.memory_space<semaphore_mem>>) src(%dma_wait3A_2572 : memref<1x64xf32, #tpu.memory_space<hbm>>) dst(%dma_wait3A_2569 : memref<1x64xf32, #tpu.memory_space<vmem>>)
      %dma_wait3A_2573 = arith.constant 0 : i32
      %dma_wait3A_2574 = arith.constant 0 : i32
      %dma_wait3A_2575 = tpu.memref_slice %arg6[%dma_wait3A_2573, %dma_wait3A_2574] : memref<128x64xf32, #tpu.memory_space<vmem>> -> memref<1x64xf32, #tpu.memory_space<vmem>>
      %dma_wait3A_2576 = arith.constant 0 : i32
      %dma_wait3A_2577 = arith.constant 0 : i32
      %dma_wait3A_2578 = tpu.memref_slice %arg3[%dma_wait3A_2576, %dma_wait3A_2577] : memref<1000001x64xf32, #tpu.memory_space<hbm>> -> memref<1x64xf32, #tpu.memory_space<hbm>>
      %dma_wait3A_2579 = arith.constant 0 : i32
      %dma_wait3A_2580 = arith.constant 0 : i32
      %dma_wait3A_2581 = tpu.memref_slice %arg6[%dma_wait3A_2579, %dma_wait3A_2580] : memref<128x64xf32, #tpu.memory_space<vmem>> -> memref<1x64xf32, #tpu.memory_space<vmem>>
      %dma_wait3A_2582 = arith.constant 0 : i32
      %dma_wait3A_2583 = arith.constant 0 : i32
      %dma_wait3A_2584 = tpu.memref_slice %arg3[%dma_wait3A_2582, %dma_wait3A_2583] : memref<1000001x64xf32, #tpu.memory_space<hbm>> -> memref<1x64xf32, #tpu.memory_space<hbm>>
      tpu.wait_dma2 semaphore(%arg7 : memref<!tpu.dma_semaphore, #tpu.memory_space<semaphore_mem>>) src(%dma_wait3A_2584 : memref<1x64xf32, #tpu.memory_space<hbm>>) dst(%dma_wait3A_2581 : memref<1x64xf32, #tpu.memory_space<vmem>>)
      %dma_wait3A_2585 = arith.constant 0 : i32
      %dma_wait3A_2586 = arith.constant 0 : i32
      %dma_wait3A_2587 = tpu.memref_slice %arg6[%dma_wait3A_2585, %dma_wait3A_2586] : memref<128x64xf32, #tpu.memory_space<vmem>> -> memref<1x64xf32, #tpu.memory_space<vmem>>
      %dma_wait3A_2588 = arith.constant 0 : i32
      %dma_wait3A_2589 = arith.constant 0 : i32
      %dma_wait3A_2590 = tpu.memref_slice %arg3[%dma_wait3A_2588, %dma_wait3A_2589] : memref<1000001x64xf32, #tpu.memory_space<hbm>> -> memref<1x64xf32, #tpu.memory_space<hbm>>
      %dma_wait3A_2591 = arith.constant 0 : i32
      %dma_wait3A_2592 = arith.constant 0 : i32
      %dma_wait3A_2593 = tpu.memref_slice %arg6[%dma_wait3A_2591, %dma_wait3A_2592] : memref<128x64xf32, #tpu.memory_space<vmem>> -> memref<1x64xf32, #tpu.memory_space<vmem>>
      %dma_wait3A_2594 = arith.constant 0 : i32
      %dma_wait3A_2595 = arith.constant 0 : i32
      %dma_wait3A_2596 = tpu.memref_slice %arg3[%dma_wait3A_2594, %dma_wait3A_2595] : memref<1000001x64xf32, #tpu.memory_space<hbm>> -> memref<1x64xf32, #tpu.memory_space<hbm>>
      tpu.wait_dma2 semaphore(%arg7 : memref<!tpu.dma_semaphore, #tpu.memory_space<semaphore_mem>>) src(%dma_wait3A_2596 : memref<1x64xf32, #tpu.memory_space<hbm>>) dst(%dma_wait3A_2593 : memref<1x64xf32, #tpu.memory_space<vmem>>)
      %dma_wait3A_2597 = arith.constant 0 : i32
      %dma_wait3A_2598 = arith.constant 0 : i32
      %dma_wait3A_2599 = tpu.memref_slice %arg6[%dma_wait3A_2597, %dma_wait3A_2598] : memref<128x64xf32, #tpu.memory_space<vmem>> -> memref<1x64xf32, #tpu.memory_space<vmem>>
      %dma_wait3A_2600 = arith.constant 0 : i32
      %dma_wait3A_2601 = arith.constant 0 : i32
      %dma_wait3A_2602 = tpu.memref_slice %arg3[%dma_wait3A_2600, %dma_wait3A_2601] : memref<1000001x64xf32, #tpu.memory_space<hbm>> -> memref<1x64xf32, #tpu.memory_space<hbm>>
      %dma_wait3A_2603 = arith.constant 0 : i32
      %dma_wait3A_2604 = arith.constant 0 : i32
      %dma_wait3A_2605 = tpu.memref_slice %arg6[%dma_wait3A_2603, %dma_wait3A_2604] : memref<128x64xf32, #tpu.memory_space<vmem>> -> memref<1x64xf32, #tpu.memory_space<vmem>>
      %dma_wait3A_2606 = arith.constant 0 : i32
      %dma_wait3A_2607 = arith.constant 0 : i32
      %dma_wait3A_2608 = tpu.memref_slice %arg3[%dma_wait3A_2606, %dma_wait3A_2607] : memref<1000001x64xf32, #tpu.memory_space<hbm>> -> memref<1x64xf32, #tpu.memory_space<hbm>>
      tpu.wait_dma2 semaphore(%arg7 : memref<!tpu.dma_semaphore, #tpu.memory_space<semaphore_mem>>) src(%dma_wait3A_2608 : memref<1x64xf32, #tpu.memory_space<hbm>>) dst(%dma_wait3A_2605 : memref<1x64xf32, #tpu.memory_space<vmem>>)
      %dma_wait3A_2609 = arith.constant 0 : i32
      %dma_wait3A_2610 = arith.constant 0 : i32
      %dma_wait3A_2611 = tpu.memref_slice %arg6[%dma_wait3A_2609, %dma_wait3A_2610] : memref<128x64xf32, #tpu.memory_space<vmem>> -> memref<1x64xf32, #tpu.memory_space<vmem>>
      %dma_wait3A_2612 = arith.constant 0 : i32
      %dma_wait3A_2613 = arith.constant 0 : i32
      %dma_wait3A_2614 = tpu.memref_slice %arg3[%dma_wait3A_2612, %dma_wait3A_2613] : memref<1000001x64xf32, #tpu.memory_space<hbm>> -> memref<1x64xf32, #tpu.memory_space<hbm>>
      %dma_wait3A_2615 = arith.constant 0 : i32
      %dma_wait3A_2616 = arith.constant 0 : i32
      %dma_wait3A_2617 = tpu.memref_slice %arg6[%dma_wait3A_2615, %dma_wait3A_2616] : memref<128x64xf32, #tpu.memory_space<vmem>> -> memref<1x64xf32, #tpu.memory_space<vmem>>
      %dma_wait3A_2618 = arith.constant 0 : i32
      %dma_wait3A_2619 = arith.constant 0 : i32
      %dma_wait3A_2620 = tpu.memref_slice %arg3[%dma_wait3A_2618, %dma_wait3A_2619] : memref<1000001x64xf32, #tpu.memory_space<hbm>> -> memref<1x64xf32, #tpu.memory_space<hbm>>
      tpu.wait_dma2 semaphore(%arg7 : memref<!tpu.dma_semaphore, #tpu.memory_space<semaphore_mem>>) src(%dma_wait3A_2620 : memref<1x64xf32, #tpu.memory_space<hbm>>) dst(%dma_wait3A_2617 : memref<1x64xf32, #tpu.memory_space<vmem>>)
      %dma_wait3A_2621 = arith.constant 0 : i32
      %dma_wait3A_2622 = arith.constant 0 : i32
      %dma_wait3A_2623 = tpu.memref_slice %arg6[%dma_wait3A_2621, %dma_wait3A_2622] : memref<128x64xf32, #tpu.memory_space<vmem>> -> memref<1x64xf32, #tpu.memory_space<vmem>>
      %dma_wait3A_2624 = arith.constant 0 : i32
      %dma_wait3A_2625 = arith.constant 0 : i32
      %dma_wait3A_2626 = tpu.memref_slice %arg3[%dma_wait3A_2624, %dma_wait3A_2625] : memref<1000001x64xf32, #tpu.memory_space<hbm>> -> memref<1x64xf32, #tpu.memory_space<hbm>>
      %dma_wait3A_2627 = arith.constant 0 : i32
      %dma_wait3A_2628 = arith.constant 0 : i32
      %dma_wait3A_2629 = tpu.memref_slice %arg6[%dma_wait3A_2627, %dma_wait3A_2628] : memref<128x64xf32, #tpu.memory_space<vmem>> -> memref<1x64xf32, #tpu.memory_space<vmem>>
      %dma_wait3A_2630 = arith.constant 0 : i32
      %dma_wait3A_2631 = arith.constant 0 : i32
      %dma_wait3A_2632 = tpu.memref_slice %arg3[%dma_wait3A_2630, %dma_wait3A_2631] : memref<1000001x64xf32, #tpu.memory_space<hbm>> -> memref<1x64xf32, #tpu.memory_space<hbm>>
      tpu.wait_dma2 semaphore(%arg7 : memref<!tpu.dma_semaphore, #tpu.memory_space<semaphore_mem>>) src(%dma_wait3A_2632 : memref<1x64xf32, #tpu.memory_space<hbm>>) dst(%dma_wait3A_2629 : memref<1x64xf32, #tpu.memory_space<vmem>>)
      %dma_wait3A_2633 = arith.constant 0 : i32
      %dma_wait3A_2634 = arith.constant 0 : i32
      %dma_wait3A_2635 = tpu.memref_slice %arg6[%dma_wait3A_2633, %dma_wait3A_2634] : memref<128x64xf32, #tpu.memory_space<vmem>> -> memref<1x64xf32, #tpu.memory_space<vmem>>
      %dma_wait3A_2636 = arith.constant 0 : i32
      %dma_wait3A_2637 = arith.constant 0 : i32
      %dma_wait3A_2638 = tpu.memref_slice %arg3[%dma_wait3A_2636, %dma_wait3A_2637] : memref<1000001x64xf32, #tpu.memory_space<hbm>> -> memref<1x64xf32, #tpu.memory_space<hbm>>
      %dma_wait3A_2639 = arith.constant 0 : i32
      %dma_wait3A_2640 = arith.constant 0 : i32
      %dma_wait3A_2641 = tpu.memref_slice %arg6[%dma_wait3A_2639, %dma_wait3A_2640] : memref<128x64xf32, #tpu.memory_space<vmem>> -> memref<1x64xf32, #tpu.memory_space<vmem>>
      %dma_wait3A_2642 = arith.constant 0 : i32
      %dma_wait3A_2643 = arith.constant 0 : i32
      %dma_wait3A_2644 = tpu.memref_slice %arg3[%dma_wait3A_2642, %dma_wait3A_2643] : memref<1000001x64xf32, #tpu.memory_space<hbm>> -> memref<1x64xf32, #tpu.memory_space<hbm>>
      tpu.wait_dma2 semaphore(%arg7 : memref<!tpu.dma_semaphore, #tpu.memory_space<semaphore_mem>>) src(%dma_wait3A_2644 : memref<1x64xf32, #tpu.memory_space<hbm>>) dst(%dma_wait3A_2641 : memref<1x64xf32, #tpu.memory_space<vmem>>)
      %dma_wait3A_2645 = arith.constant 0 : i32
      %dma_wait3A_2646 = arith.constant 0 : i32
      %dma_wait3A_2647 = tpu.memref_slice %arg6[%dma_wait3A_2645, %dma_wait3A_2646] : memref<128x64xf32, #tpu.memory_space<vmem>> -> memref<1x64xf32, #tpu.memory_space<vmem>>
      %dma_wait3A_2648 = arith.constant 0 : i32
      %dma_wait3A_2649 = arith.constant 0 : i32
      %dma_wait3A_2650 = tpu.memref_slice %arg3[%dma_wait3A_2648, %dma_wait3A_2649] : memref<1000001x64xf32, #tpu.memory_space<hbm>> -> memref<1x64xf32, #tpu.memory_space<hbm>>
      %dma_wait3A_2651 = arith.constant 0 : i32
      %dma_wait3A_2652 = arith.constant 0 : i32
      %dma_wait3A_2653 = tpu.memref_slice %arg6[%dma_wait3A_2651, %dma_wait3A_2652] : memref<128x64xf32, #tpu.memory_space<vmem>> -> memref<1x64xf32, #tpu.memory_space<vmem>>
      %dma_wait3A_2654 = arith.constant 0 : i32
      %dma_wait3A_2655 = arith.constant 0 : i32
      %dma_wait3A_2656 = tpu.memref_slice %arg3[%dma_wait3A_2654, %dma_wait3A_2655] : memref<1000001x64xf32, #tpu.memory_space<hbm>> -> memref<1x64xf32, #tpu.memory_space<hbm>>
      tpu.wait_dma2 semaphore(%arg7 : memref<!tpu.dma_semaphore, #tpu.memory_space<semaphore_mem>>) src(%dma_wait3A_2656 : memref<1x64xf32, #tpu.memory_space<hbm>>) dst(%dma_wait3A_2653 : memref<1x64xf32, #tpu.memory_space<vmem>>)
      %dma_wait3A_2657 = arith.constant 0 : i32
      %dma_wait3A_2658 = arith.constant 0 : i32
      %dma_wait3A_2659 = tpu.memref_slice %arg6[%dma_wait3A_2657, %dma_wait3A_2658] : memref<128x64xf32, #tpu.memory_space<vmem>> -> memref<1x64xf32, #tpu.memory_space<vmem>>
      %dma_wait3A_2660 = arith.constant 0 : i32
      %dma_wait3A_2661 = arith.constant 0 : i32
      %dma_wait3A_2662 = tpu.memref_slice %arg3[%dma_wait3A_2660, %dma_wait3A_2661] : memref<1000001x64xf32, #tpu.memory_space<hbm>> -> memref<1x64xf32, #tpu.memory_space<hbm>>
      %dma_wait3A_2663 = arith.constant 0 : i32
      %dma_wait3A_2664 = arith.constant 0 : i32
      %dma_wait3A_2665 = tpu.memref_slice %arg6[%dma_wait3A_2663, %dma_wait3A_2664] : memref<128x64xf32, #tpu.memory_space<vmem>> -> memref<1x64xf32, #tpu.memory_space<vmem>>
      %dma_wait3A_2666 = arith.constant 0 : i32
      %dma_wait3A_2667 = arith.constant 0 : i32
      %dma_wait3A_2668 = tpu.memref_slice %arg3[%dma_wait3A_2666, %dma_wait3A_2667] : memref<1000001x64xf32, #tpu.memory_space<hbm>> -> memref<1x64xf32, #tpu.memory_space<hbm>>
      tpu.wait_dma2 semaphore(%arg7 : memref<!tpu.dma_semaphore, #tpu.memory_space<semaphore_mem>>) src(%dma_wait3A_2668 : memref<1x64xf32, #tpu.memory_space<hbm>>) dst(%dma_wait3A_2665 : memref<1x64xf32, #tpu.memory_space<vmem>>)
      %dma_wait3A_2669 = arith.constant 0 : i32
      %dma_wait3A_2670 = arith.constant 0 : i32
      %dma_wait3A_2671 = tpu.memref_slice %arg6[%dma_wait3A_2669, %dma_wait3A_2670] : memref<128x64xf32, #tpu.memory_space<vmem>> -> memref<1x64xf32, #tpu.memory_space<vmem>>
      %dma_wait3A_2672 = arith.constant 0 : i32
      %dma_wait3A_2673 = arith.constant 0 : i32
      %dma_wait3A_2674 = tpu.memref_slice %arg3[%dma_wait3A_2672, %dma_wait3A_2673] : memref<1000001x64xf32, #tpu.memory_space<hbm>> -> memref<1x64xf32, #tpu.memory_space<hbm>>
      %dma_wait3A_2675 = arith.constant 0 : i32
      %dma_wait3A_2676 = arith.constant 0 : i32
      %dma_wait3A_2677 = tpu.memref_slice %arg6[%dma_wait3A_2675, %dma_wait3A_2676] : memref<128x64xf32, #tpu.memory_space<vmem>> -> memref<1x64xf32, #tpu.memory_space<vmem>>
      %dma_wait3A_2678 = arith.constant 0 : i32
      %dma_wait3A_2679 = arith.constant 0 : i32
      %dma_wait3A_2680 = tpu.memref_slice %arg3[%dma_wait3A_2678, %dma_wait3A_2679] : memref<1000001x64xf32, #tpu.memory_space<hbm>> -> memref<1x64xf32, #tpu.memory_space<hbm>>
      tpu.wait_dma2 semaphore(%arg7 : memref<!tpu.dma_semaphore, #tpu.memory_space<semaphore_mem>>) src(%dma_wait3A_2680 : memref<1x64xf32, #tpu.memory_space<hbm>>) dst(%dma_wait3A_2677 : memref<1x64xf32, #tpu.memory_space<vmem>>)
      %dma_wait3A_2681 = arith.constant 0 : i32
      %dma_wait3A_2682 = arith.constant 0 : i32
      %dma_wait3A_2683 = tpu.memref_slice %arg6[%dma_wait3A_2681, %dma_wait3A_2682] : memref<128x64xf32, #tpu.memory_space<vmem>> -> memref<1x64xf32, #tpu.memory_space<vmem>>
      %dma_wait3A_2684 = arith.constant 0 : i32
      %dma_wait3A_2685 = arith.constant 0 : i32
      %dma_wait3A_2686 = tpu.memref_slice %arg3[%dma_wait3A_2684, %dma_wait3A_2685] : memref<1000001x64xf32, #tpu.memory_space<hbm>> -> memref<1x64xf32, #tpu.memory_space<hbm>>
      %dma_wait3A_2687 = arith.constant 0 : i32
      %dma_wait3A_2688 = arith.constant 0 : i32
      %dma_wait3A_2689 = tpu.memref_slice %arg6[%dma_wait3A_2687, %dma_wait3A_2688] : memref<128x64xf32, #tpu.memory_space<vmem>> -> memref<1x64xf32, #tpu.memory_space<vmem>>
      %dma_wait3A_2690 = arith.constant 0 : i32
      %dma_wait3A_2691 = arith.constant 0 : i32
      %dma_wait3A_2692 = tpu.memref_slice %arg3[%dma_wait3A_2690, %dma_wait3A_2691] : memref<1000001x64xf32, #tpu.memory_space<hbm>> -> memref<1x64xf32, #tpu.memory_space<hbm>>
      tpu.wait_dma2 semaphore(%arg7 : memref<!tpu.dma_semaphore, #tpu.memory_space<semaphore_mem>>) src(%dma_wait3A_2692 : memref<1x64xf32, #tpu.memory_space<hbm>>) dst(%dma_wait3A_2689 : memref<1x64xf32, #tpu.memory_space<vmem>>)
      %dma_wait3A_2693 = arith.constant 0 : i32
      %dma_wait3A_2694 = arith.constant 0 : i32
      %dma_wait3A_2695 = tpu.memref_slice %arg6[%dma_wait3A_2693, %dma_wait3A_2694] : memref<128x64xf32, #tpu.memory_space<vmem>> -> memref<1x64xf32, #tpu.memory_space<vmem>>
      %dma_wait3A_2696 = arith.constant 0 : i32
      %dma_wait3A_2697 = arith.constant 0 : i32
      %dma_wait3A_2698 = tpu.memref_slice %arg3[%dma_wait3A_2696, %dma_wait3A_2697] : memref<1000001x64xf32, #tpu.memory_space<hbm>> -> memref<1x64xf32, #tpu.memory_space<hbm>>
      %dma_wait3A_2699 = arith.constant 0 : i32
      %dma_wait3A_2700 = arith.constant 0 : i32
      %dma_wait3A_2701 = tpu.memref_slice %arg6[%dma_wait3A_2699, %dma_wait3A_2700] : memref<128x64xf32, #tpu.memory_space<vmem>> -> memref<1x64xf32, #tpu.memory_space<vmem>>
      %dma_wait3A_2702 = arith.constant 0 : i32
      %dma_wait3A_2703 = arith.constant 0 : i32
      %dma_wait3A_2704 = tpu.memref_slice %arg3[%dma_wait3A_2702, %dma_wait3A_2703] : memref<1000001x64xf32, #tpu.memory_space<hbm>> -> memref<1x64xf32, #tpu.memory_space<hbm>>
      tpu.wait_dma2 semaphore(%arg7 : memref<!tpu.dma_semaphore, #tpu.memory_space<semaphore_mem>>) src(%dma_wait3A_2704 : memref<1x64xf32, #tpu.memory_space<hbm>>) dst(%dma_wait3A_2701 : memref<1x64xf32, #tpu.memory_space<vmem>>)
      %dma_wait3A_2705 = arith.constant 0 : i32
      %dma_wait3A_2706 = arith.constant 0 : i32
      %dma_wait3A_2707 = tpu.memref_slice %arg6[%dma_wait3A_2705, %dma_wait3A_2706] : memref<128x64xf32, #tpu.memory_space<vmem>> -> memref<1x64xf32, #tpu.memory_space<vmem>>
      %dma_wait3A_2708 = arith.constant 0 : i32
      %dma_wait3A_2709 = arith.constant 0 : i32
      %dma_wait3A_2710 = tpu.memref_slice %arg3[%dma_wait3A_2708, %dma_wait3A_2709] : memref<1000001x64xf32, #tpu.memory_space<hbm>> -> memref<1x64xf32, #tpu.memory_space<hbm>>
      %dma_wait3A_2711 = arith.constant 0 : i32
      %dma_wait3A_2712 = arith.constant 0 : i32
      %dma_wait3A_2713 = tpu.memref_slice %arg6[%dma_wait3A_2711, %dma_wait3A_2712] : memref<128x64xf32, #tpu.memory_space<vmem>> -> memref<1x64xf32, #tpu.memory_space<vmem>>
      %dma_wait3A_2714 = arith.constant 0 : i32
      %dma_wait3A_2715 = arith.constant 0 : i32
      %dma_wait3A_2716 = tpu.memref_slice %arg3[%dma_wait3A_2714, %dma_wait3A_2715] : memref<1000001x64xf32, #tpu.memory_space<hbm>> -> memref<1x64xf32, #tpu.memory_space<hbm>>
      tpu.wait_dma2 semaphore(%arg7 : memref<!tpu.dma_semaphore, #tpu.memory_space<semaphore_mem>>) src(%dma_wait3A_2716 : memref<1x64xf32, #tpu.memory_space<hbm>>) dst(%dma_wait3A_2713 : memref<1x64xf32, #tpu.memory_space<vmem>>)
      %dma_wait3A_2717 = arith.constant 0 : i32
      %dma_wait3A_2718 = arith.constant 0 : i32
      %dma_wait3A_2719 = tpu.memref_slice %arg6[%dma_wait3A_2717, %dma_wait3A_2718] : memref<128x64xf32, #tpu.memory_space<vmem>> -> memref<1x64xf32, #tpu.memory_space<vmem>>
      %dma_wait3A_2720 = arith.constant 0 : i32
      %dma_wait3A_2721 = arith.constant 0 : i32
      %dma_wait3A_2722 = tpu.memref_slice %arg3[%dma_wait3A_2720, %dma_wait3A_2721] : memref<1000001x64xf32, #tpu.memory_space<hbm>> -> memref<1x64xf32, #tpu.memory_space<hbm>>
      %dma_wait3A_2723 = arith.constant 0 : i32
      %dma_wait3A_2724 = arith.constant 0 : i32
      %dma_wait3A_2725 = tpu.memref_slice %arg6[%dma_wait3A_2723, %dma_wait3A_2724] : memref<128x64xf32, #tpu.memory_space<vmem>> -> memref<1x64xf32, #tpu.memory_space<vmem>>
      %dma_wait3A_2726 = arith.constant 0 : i32
      %dma_wait3A_2727 = arith.constant 0 : i32
      %dma_wait3A_2728 = tpu.memref_slice %arg3[%dma_wait3A_2726, %dma_wait3A_2727] : memref<1000001x64xf32, #tpu.memory_space<hbm>> -> memref<1x64xf32, #tpu.memory_space<hbm>>
      tpu.wait_dma2 semaphore(%arg7 : memref<!tpu.dma_semaphore, #tpu.memory_space<semaphore_mem>>) src(%dma_wait3A_2728 : memref<1x64xf32, #tpu.memory_space<hbm>>) dst(%dma_wait3A_2725 : memref<1x64xf32, #tpu.memory_space<vmem>>)
      %dma_wait3A_2729 = arith.constant 0 : i32
      %dma_wait3A_2730 = arith.constant 0 : i32
      %dma_wait3A_2731 = tpu.memref_slice %arg6[%dma_wait3A_2729, %dma_wait3A_2730] : memref<128x64xf32, #tpu.memory_space<vmem>> -> memref<1x64xf32, #tpu.memory_space<vmem>>
      %dma_wait3A_2732 = arith.constant 0 : i32
      %dma_wait3A_2733 = arith.constant 0 : i32
      %dma_wait3A_2734 = tpu.memref_slice %arg3[%dma_wait3A_2732, %dma_wait3A_2733] : memref<1000001x64xf32, #tpu.memory_space<hbm>> -> memref<1x64xf32, #tpu.memory_space<hbm>>
      %dma_wait3A_2735 = arith.constant 0 : i32
      %dma_wait3A_2736 = arith.constant 0 : i32
      %dma_wait3A_2737 = tpu.memref_slice %arg6[%dma_wait3A_2735, %dma_wait3A_2736] : memref<128x64xf32, #tpu.memory_space<vmem>> -> memref<1x64xf32, #tpu.memory_space<vmem>>
      %dma_wait3A_2738 = arith.constant 0 : i32
      %dma_wait3A_2739 = arith.constant 0 : i32
      %dma_wait3A_2740 = tpu.memref_slice %arg3[%dma_wait3A_2738, %dma_wait3A_2739] : memref<1000001x64xf32, #tpu.memory_space<hbm>> -> memref<1x64xf32, #tpu.memory_space<hbm>>
      tpu.wait_dma2 semaphore(%arg7 : memref<!tpu.dma_semaphore, #tpu.memory_space<semaphore_mem>>) src(%dma_wait3A_2740 : memref<1x64xf32, #tpu.memory_space<hbm>>) dst(%dma_wait3A_2737 : memref<1x64xf32, #tpu.memory_space<vmem>>)
      %dma_wait3A_2741 = arith.constant 0 : i32
      %dma_wait3A_2742 = arith.constant 0 : i32
      %dma_wait3A_2743 = tpu.memref_slice %arg6[%dma_wait3A_2741, %dma_wait3A_2742] : memref<128x64xf32, #tpu.memory_space<vmem>> -> memref<1x64xf32, #tpu.memory_space<vmem>>
      %dma_wait3A_2744 = arith.constant 0 : i32
      %dma_wait3A_2745 = arith.constant 0 : i32
      %dma_wait3A_2746 = tpu.memref_slice %arg3[%dma_wait3A_2744, %dma_wait3A_2745] : memref<1000001x64xf32, #tpu.memory_space<hbm>> -> memref<1x64xf32, #tpu.memory_space<hbm>>
      %dma_wait3A_2747 = arith.constant 0 : i32
      %dma_wait3A_2748 = arith.constant 0 : i32
      %dma_wait3A_2749 = tpu.memref_slice %arg6[%dma_wait3A_2747, %dma_wait3A_2748] : memref<128x64xf32, #tpu.memory_space<vmem>> -> memref<1x64xf32, #tpu.memory_space<vmem>>
      %dma_wait3A_2750 = arith.constant 0 : i32
      %dma_wait3A_2751 = arith.constant 0 : i32
      %dma_wait3A_2752 = tpu.memref_slice %arg3[%dma_wait3A_2750, %dma_wait3A_2751] : memref<1000001x64xf32, #tpu.memory_space<hbm>> -> memref<1x64xf32, #tpu.memory_space<hbm>>
      tpu.wait_dma2 semaphore(%arg7 : memref<!tpu.dma_semaphore, #tpu.memory_space<semaphore_mem>>) src(%dma_wait3A_2752 : memref<1x64xf32, #tpu.memory_space<hbm>>) dst(%dma_wait3A_2749 : memref<1x64xf32, #tpu.memory_space<vmem>>)
      %dma_wait3A_2753 = arith.constant 0 : i32
      %dma_wait3A_2754 = arith.constant 0 : i32
      %dma_wait3A_2755 = tpu.memref_slice %arg6[%dma_wait3A_2753, %dma_wait3A_2754] : memref<128x64xf32, #tpu.memory_space<vmem>> -> memref<1x64xf32, #tpu.memory_space<vmem>>
      %dma_wait3A_2756 = arith.constant 0 : i32
      %dma_wait3A_2757 = arith.constant 0 : i32
      %dma_wait3A_2758 = tpu.memref_slice %arg3[%dma_wait3A_2756, %dma_wait3A_2757] : memref<1000001x64xf32, #tpu.memory_space<hbm>> -> memref<1x64xf32, #tpu.memory_space<hbm>>
      %dma_wait3A_2759 = arith.constant 0 : i32
      %dma_wait3A_2760 = arith.constant 0 : i32
      %dma_wait3A_2761 = tpu.memref_slice %arg6[%dma_wait3A_2759, %dma_wait3A_2760] : memref<128x64xf32, #tpu.memory_space<vmem>> -> memref<1x64xf32, #tpu.memory_space<vmem>>
      %dma_wait3A_2762 = arith.constant 0 : i32
      %dma_wait3A_2763 = arith.constant 0 : i32
      %dma_wait3A_2764 = tpu.memref_slice %arg3[%dma_wait3A_2762, %dma_wait3A_2763] : memref<1000001x64xf32, #tpu.memory_space<hbm>> -> memref<1x64xf32, #tpu.memory_space<hbm>>
      tpu.wait_dma2 semaphore(%arg7 : memref<!tpu.dma_semaphore, #tpu.memory_space<semaphore_mem>>) src(%dma_wait3A_2764 : memref<1x64xf32, #tpu.memory_space<hbm>>) dst(%dma_wait3A_2761 : memref<1x64xf32, #tpu.memory_space<vmem>>)
      %dma_wait3A_2765 = arith.constant 0 : i32
      %dma_wait3A_2766 = arith.constant 0 : i32
      %dma_wait3A_2767 = tpu.memref_slice %arg6[%dma_wait3A_2765, %dma_wait3A_2766] : memref<128x64xf32, #tpu.memory_space<vmem>> -> memref<1x64xf32, #tpu.memory_space<vmem>>
      %dma_wait3A_2768 = arith.constant 0 : i32
      %dma_wait3A_2769 = arith.constant 0 : i32
      %dma_wait3A_2770 = tpu.memref_slice %arg3[%dma_wait3A_2768, %dma_wait3A_2769] : memref<1000001x64xf32, #tpu.memory_space<hbm>> -> memref<1x64xf32, #tpu.memory_space<hbm>>
      %dma_wait3A_2771 = arith.constant 0 : i32
      %dma_wait3A_2772 = arith.constant 0 : i32
      %dma_wait3A_2773 = tpu.memref_slice %arg6[%dma_wait3A_2771, %dma_wait3A_2772] : memref<128x64xf32, #tpu.memory_space<vmem>> -> memref<1x64xf32, #tpu.memory_space<vmem>>
      %dma_wait3A_2774 = arith.constant 0 : i32
      %dma_wait3A_2775 = arith.constant 0 : i32
      %dma_wait3A_2776 = tpu.memref_slice %arg3[%dma_wait3A_2774, %dma_wait3A_2775] : memref<1000001x64xf32, #tpu.memory_space<hbm>> -> memref<1x64xf32, #tpu.memory_space<hbm>>
      tpu.wait_dma2 semaphore(%arg7 : memref<!tpu.dma_semaphore, #tpu.memory_space<semaphore_mem>>) src(%dma_wait3A_2776 : memref<1x64xf32, #tpu.memory_space<hbm>>) dst(%dma_wait3A_2773 : memref<1x64xf32, #tpu.memory_space<vmem>>)
      %dma_wait3A_2777 = arith.constant 0 : i32
      %dma_wait3A_2778 = arith.constant 0 : i32
      %dma_wait3A_2779 = tpu.memref_slice %arg6[%dma_wait3A_2777, %dma_wait3A_2778] : memref<128x64xf32, #tpu.memory_space<vmem>> -> memref<1x64xf32, #tpu.memory_space<vmem>>
      %dma_wait3A_2780 = arith.constant 0 : i32
      %dma_wait3A_2781 = arith.constant 0 : i32
      %dma_wait3A_2782 = tpu.memref_slice %arg3[%dma_wait3A_2780, %dma_wait3A_2781] : memref<1000001x64xf32, #tpu.memory_space<hbm>> -> memref<1x64xf32, #tpu.memory_space<hbm>>
      %dma_wait3A_2783 = arith.constant 0 : i32
      %dma_wait3A_2784 = arith.constant 0 : i32
      %dma_wait3A_2785 = tpu.memref_slice %arg6[%dma_wait3A_2783, %dma_wait3A_2784] : memref<128x64xf32, #tpu.memory_space<vmem>> -> memref<1x64xf32, #tpu.memory_space<vmem>>
      %dma_wait3A_2786 = arith.constant 0 : i32
      %dma_wait3A_2787 = arith.constant 0 : i32
      %dma_wait3A_2788 = tpu.memref_slice %arg3[%dma_wait3A_2786, %dma_wait3A_2787] : memref<1000001x64xf32, #tpu.memory_space<hbm>> -> memref<1x64xf32, #tpu.memory_space<hbm>>
      tpu.wait_dma2 semaphore(%arg7 : memref<!tpu.dma_semaphore, #tpu.memory_space<semaphore_mem>>) src(%dma_wait3A_2788 : memref<1x64xf32, #tpu.memory_space<hbm>>) dst(%dma_wait3A_2785 : memref<1x64xf32, #tpu.memory_space<vmem>>)
      %dma_wait3A_2789 = arith.constant 0 : i32
      %dma_wait3A_2790 = arith.constant 0 : i32
      %dma_wait3A_2791 = tpu.memref_slice %arg6[%dma_wait3A_2789, %dma_wait3A_2790] : memref<128x64xf32, #tpu.memory_space<vmem>> -> memref<1x64xf32, #tpu.memory_space<vmem>>
      %dma_wait3A_2792 = arith.constant 0 : i32
      %dma_wait3A_2793 = arith.constant 0 : i32
      %dma_wait3A_2794 = tpu.memref_slice %arg3[%dma_wait3A_2792, %dma_wait3A_2793] : memref<1000001x64xf32, #tpu.memory_space<hbm>> -> memref<1x64xf32, #tpu.memory_space<hbm>>
      %dma_wait3A_2795 = arith.constant 0 : i32
      %dma_wait3A_2796 = arith.constant 0 : i32
      %dma_wait3A_2797 = tpu.memref_slice %arg6[%dma_wait3A_2795, %dma_wait3A_2796] : memref<128x64xf32, #tpu.memory_space<vmem>> -> memref<1x64xf32, #tpu.memory_space<vmem>>
      %dma_wait3A_2798 = arith.constant 0 : i32
      %dma_wait3A_2799 = arith.constant 0 : i32
      %dma_wait3A_2800 = tpu.memref_slice %arg3[%dma_wait3A_2798, %dma_wait3A_2799] : memref<1000001x64xf32, #tpu.memory_space<hbm>> -> memref<1x64xf32, #tpu.memory_space<hbm>>
      tpu.wait_dma2 semaphore(%arg7 : memref<!tpu.dma_semaphore, #tpu.memory_space<semaphore_mem>>) src(%dma_wait3A_2800 : memref<1x64xf32, #tpu.memory_space<hbm>>) dst(%dma_wait3A_2797 : memref<1x64xf32, #tpu.memory_space<vmem>>)
      %dma_wait3A_2801 = arith.constant 0 : i32
      %dma_wait3A_2802 = arith.constant 0 : i32
      %dma_wait3A_2803 = tpu.memref_slice %arg6[%dma_wait3A_2801, %dma_wait3A_2802] : memref<128x64xf32, #tpu.memory_space<vmem>> -> memref<1x64xf32, #tpu.memory_space<vmem>>
      %dma_wait3A_2804 = arith.constant 0 : i32
      %dma_wait3A_2805 = arith.constant 0 : i32
      %dma_wait3A_2806 = tpu.memref_slice %arg3[%dma_wait3A_2804, %dma_wait3A_2805] : memref<1000001x64xf32, #tpu.memory_space<hbm>> -> memref<1x64xf32, #tpu.memory_space<hbm>>
      %dma_wait3A_2807 = arith.constant 0 : i32
      %dma_wait3A_2808 = arith.constant 0 : i32
      %dma_wait3A_2809 = tpu.memref_slice %arg6[%dma_wait3A_2807, %dma_wait3A_2808] : memref<128x64xf32, #tpu.memory_space<vmem>> -> memref<1x64xf32, #tpu.memory_space<vmem>>
      %dma_wait3A_2810 = arith.constant 0 : i32
      %dma_wait3A_2811 = arith.constant 0 : i32
      %dma_wait3A_2812 = tpu.memref_slice %arg3[%dma_wait3A_2810, %dma_wait3A_2811] : memref<1000001x64xf32, #tpu.memory_space<hbm>> -> memref<1x64xf32, #tpu.memory_space<hbm>>
      tpu.wait_dma2 semaphore(%arg7 : memref<!tpu.dma_semaphore, #tpu.memory_space<semaphore_mem>>) src(%dma_wait3A_2812 : memref<1x64xf32, #tpu.memory_space<hbm>>) dst(%dma_wait3A_2809 : memref<1x64xf32, #tpu.memory_space<vmem>>)
      %dma_wait3A_2813 = arith.constant 0 : i32
      %dma_wait3A_2814 = arith.constant 0 : i32
      %dma_wait3A_2815 = tpu.memref_slice %arg6[%dma_wait3A_2813, %dma_wait3A_2814] : memref<128x64xf32, #tpu.memory_space<vmem>> -> memref<1x64xf32, #tpu.memory_space<vmem>>
      %dma_wait3A_2816 = arith.constant 0 : i32
      %dma_wait3A_2817 = arith.constant 0 : i32
      %dma_wait3A_2818 = tpu.memref_slice %arg3[%dma_wait3A_2816, %dma_wait3A_2817] : memref<1000001x64xf32, #tpu.memory_space<hbm>> -> memref<1x64xf32, #tpu.memory_space<hbm>>
      %dma_wait3A_2819 = arith.constant 0 : i32
      %dma_wait3A_2820 = arith.constant 0 : i32
      %dma_wait3A_2821 = tpu.memref_slice %arg6[%dma_wait3A_2819, %dma_wait3A_2820] : memref<128x64xf32, #tpu.memory_space<vmem>> -> memref<1x64xf32, #tpu.memory_space<vmem>>
      %dma_wait3A_2822 = arith.constant 0 : i32
      %dma_wait3A_2823 = arith.constant 0 : i32
      %dma_wait3A_2824 = tpu.memref_slice %arg3[%dma_wait3A_2822, %dma_wait3A_2823] : memref<1000001x64xf32, #tpu.memory_space<hbm>> -> memref<1x64xf32, #tpu.memory_space<hbm>>
      tpu.wait_dma2 semaphore(%arg7 : memref<!tpu.dma_semaphore, #tpu.memory_space<semaphore_mem>>) src(%dma_wait3A_2824 : memref<1x64xf32, #tpu.memory_space<hbm>>) dst(%dma_wait3A_2821 : memref<1x64xf32, #tpu.memory_space<vmem>>)
      %dma_wait3A_2825 = arith.constant 0 : i32
      %dma_wait3A_2826 = arith.constant 0 : i32
      %dma_wait3A_2827 = tpu.memref_slice %arg6[%dma_wait3A_2825, %dma_wait3A_2826] : memref<128x64xf32, #tpu.memory_space<vmem>> -> memref<1x64xf32, #tpu.memory_space<vmem>>
      %dma_wait3A_2828 = arith.constant 0 : i32
      %dma_wait3A_2829 = arith.constant 0 : i32
      %dma_wait3A_2830 = tpu.memref_slice %arg3[%dma_wait3A_2828, %dma_wait3A_2829] : memref<1000001x64xf32, #tpu.memory_space<hbm>> -> memref<1x64xf32, #tpu.memory_space<hbm>>
      %dma_wait3A_2831 = arith.constant 0 : i32
      %dma_wait3A_2832 = arith.constant 0 : i32
      %dma_wait3A_2833 = tpu.memref_slice %arg6[%dma_wait3A_2831, %dma_wait3A_2832] : memref<128x64xf32, #tpu.memory_space<vmem>> -> memref<1x64xf32, #tpu.memory_space<vmem>>
      %dma_wait3A_2834 = arith.constant 0 : i32
      %dma_wait3A_2835 = arith.constant 0 : i32
      %dma_wait3A_2836 = tpu.memref_slice %arg3[%dma_wait3A_2834, %dma_wait3A_2835] : memref<1000001x64xf32, #tpu.memory_space<hbm>> -> memref<1x64xf32, #tpu.memory_space<hbm>>
      tpu.wait_dma2 semaphore(%arg7 : memref<!tpu.dma_semaphore, #tpu.memory_space<semaphore_mem>>) src(%dma_wait3A_2836 : memref<1x64xf32, #tpu.memory_space<hbm>>) dst(%dma_wait3A_2833 : memref<1x64xf32, #tpu.memory_space<vmem>>)
      %dma_wait3A_2837 = arith.constant 0 : i32
      %dma_wait3A_2838 = arith.constant 0 : i32
      %dma_wait3A_2839 = tpu.memref_slice %arg6[%dma_wait3A_2837, %dma_wait3A_2838] : memref<128x64xf32, #tpu.memory_space<vmem>> -> memref<1x64xf32, #tpu.memory_space<vmem>>
      %dma_wait3A_2840 = arith.constant 0 : i32
      %dma_wait3A_2841 = arith.constant 0 : i32
      %dma_wait3A_2842 = tpu.memref_slice %arg3[%dma_wait3A_2840, %dma_wait3A_2841] : memref<1000001x64xf32, #tpu.memory_space<hbm>> -> memref<1x64xf32, #tpu.memory_space<hbm>>
      %dma_wait3A_2843 = arith.constant 0 : i32
      %dma_wait3A_2844 = arith.constant 0 : i32
      %dma_wait3A_2845 = tpu.memref_slice %arg6[%dma_wait3A_2843, %dma_wait3A_2844] : memref<128x64xf32, #tpu.memory_space<vmem>> -> memref<1x64xf32, #tpu.memory_space<vmem>>
      %dma_wait3A_2846 = arith.constant 0 : i32
      %dma_wait3A_2847 = arith.constant 0 : i32
      %dma_wait3A_2848 = tpu.memref_slice %arg3[%dma_wait3A_2846, %dma_wait3A_2847] : memref<1000001x64xf32, #tpu.memory_space<hbm>> -> memref<1x64xf32, #tpu.memory_space<hbm>>
      tpu.wait_dma2 semaphore(%arg7 : memref<!tpu.dma_semaphore, #tpu.memory_space<semaphore_mem>>) src(%dma_wait3A_2848 : memref<1x64xf32, #tpu.memory_space<hbm>>) dst(%dma_wait3A_2845 : memref<1x64xf32, #tpu.memory_space<vmem>>)
      %dma_wait3A_2849 = arith.constant 0 : i32
      %dma_wait3A_2850 = arith.constant 0 : i32
      %dma_wait3A_2851 = tpu.memref_slice %arg6[%dma_wait3A_2849, %dma_wait3A_2850] : memref<128x64xf32, #tpu.memory_space<vmem>> -> memref<1x64xf32, #tpu.memory_space<vmem>>
      %dma_wait3A_2852 = arith.constant 0 : i32
      %dma_wait3A_2853 = arith.constant 0 : i32
      %dma_wait3A_2854 = tpu.memref_slice %arg3[%dma_wait3A_2852, %dma_wait3A_2853] : memref<1000001x64xf32, #tpu.memory_space<hbm>> -> memref<1x64xf32, #tpu.memory_space<hbm>>
      %dma_wait3A_2855 = arith.constant 0 : i32
      %dma_wait3A_2856 = arith.constant 0 : i32
      %dma_wait3A_2857 = tpu.memref_slice %arg6[%dma_wait3A_2855, %dma_wait3A_2856] : memref<128x64xf32, #tpu.memory_space<vmem>> -> memref<1x64xf32, #tpu.memory_space<vmem>>
      %dma_wait3A_2858 = arith.constant 0 : i32
      %dma_wait3A_2859 = arith.constant 0 : i32
      %dma_wait3A_2860 = tpu.memref_slice %arg3[%dma_wait3A_2858, %dma_wait3A_2859] : memref<1000001x64xf32, #tpu.memory_space<hbm>> -> memref<1x64xf32, #tpu.memory_space<hbm>>
      tpu.wait_dma2 semaphore(%arg7 : memref<!tpu.dma_semaphore, #tpu.memory_space<semaphore_mem>>) src(%dma_wait3A_2860 : memref<1x64xf32, #tpu.memory_space<hbm>>) dst(%dma_wait3A_2857 : memref<1x64xf32, #tpu.memory_space<vmem>>)
      %dma_wait3A_2861 = arith.constant 0 : i32
      %dma_wait3A_2862 = arith.constant 0 : i32
      %dma_wait3A_2863 = tpu.memref_slice %arg6[%dma_wait3A_2861, %dma_wait3A_2862] : memref<128x64xf32, #tpu.memory_space<vmem>> -> memref<1x64xf32, #tpu.memory_space<vmem>>
      %dma_wait3A_2864 = arith.constant 0 : i32
      %dma_wait3A_2865 = arith.constant 0 : i32
      %dma_wait3A_2866 = tpu.memref_slice %arg3[%dma_wait3A_2864, %dma_wait3A_2865] : memref<1000001x64xf32, #tpu.memory_space<hbm>> -> memref<1x64xf32, #tpu.memory_space<hbm>>
      %dma_wait3A_2867 = arith.constant 0 : i32
      %dma_wait3A_2868 = arith.constant 0 : i32
      %dma_wait3A_2869 = tpu.memref_slice %arg6[%dma_wait3A_2867, %dma_wait3A_2868] : memref<128x64xf32, #tpu.memory_space<vmem>> -> memref<1x64xf32, #tpu.memory_space<vmem>>
      %dma_wait3A_2870 = arith.constant 0 : i32
      %dma_wait3A_2871 = arith.constant 0 : i32
      %dma_wait3A_2872 = tpu.memref_slice %arg3[%dma_wait3A_2870, %dma_wait3A_2871] : memref<1000001x64xf32, #tpu.memory_space<hbm>> -> memref<1x64xf32, #tpu.memory_space<hbm>>
      tpu.wait_dma2 semaphore(%arg7 : memref<!tpu.dma_semaphore, #tpu.memory_space<semaphore_mem>>) src(%dma_wait3A_2872 : memref<1x64xf32, #tpu.memory_space<hbm>>) dst(%dma_wait3A_2869 : memref<1x64xf32, #tpu.memory_space<vmem>>)
      %dma_wait3A_2873 = arith.constant 0 : i32
      %dma_wait3A_2874 = arith.constant 0 : i32
      %dma_wait3A_2875 = tpu.memref_slice %arg6[%dma_wait3A_2873, %dma_wait3A_2874] : memref<128x64xf32, #tpu.memory_space<vmem>> -> memref<1x64xf32, #tpu.memory_space<vmem>>
      %dma_wait3A_2876 = arith.constant 0 : i32
      %dma_wait3A_2877 = arith.constant 0 : i32
      %dma_wait3A_2878 = tpu.memref_slice %arg3[%dma_wait3A_2876, %dma_wait3A_2877] : memref<1000001x64xf32, #tpu.memory_space<hbm>> -> memref<1x64xf32, #tpu.memory_space<hbm>>
      %dma_wait3A_2879 = arith.constant 0 : i32
      %dma_wait3A_2880 = arith.constant 0 : i32
      %dma_wait3A_2881 = tpu.memref_slice %arg6[%dma_wait3A_2879, %dma_wait3A_2880] : memref<128x64xf32, #tpu.memory_space<vmem>> -> memref<1x64xf32, #tpu.memory_space<vmem>>
      %dma_wait3A_2882 = arith.constant 0 : i32
      %dma_wait3A_2883 = arith.constant 0 : i32
      %dma_wait3A_2884 = tpu.memref_slice %arg3[%dma_wait3A_2882, %dma_wait3A_2883] : memref<1000001x64xf32, #tpu.memory_space<hbm>> -> memref<1x64xf32, #tpu.memory_space<hbm>>
      tpu.wait_dma2 semaphore(%arg7 : memref<!tpu.dma_semaphore, #tpu.memory_space<semaphore_mem>>) src(%dma_wait3A_2884 : memref<1x64xf32, #tpu.memory_space<hbm>>) dst(%dma_wait3A_2881 : memref<1x64xf32, #tpu.memory_space<vmem>>)
      %dma_wait3A_2885 = arith.constant 0 : i32
      %dma_wait3A_2886 = arith.constant 0 : i32
      %dma_wait3A_2887 = tpu.memref_slice %arg6[%dma_wait3A_2885, %dma_wait3A_2886] : memref<128x64xf32, #tpu.memory_space<vmem>> -> memref<1x64xf32, #tpu.memory_space<vmem>>
      %dma_wait3A_2888 = arith.constant 0 : i32
      %dma_wait3A_2889 = arith.constant 0 : i32
      %dma_wait3A_2890 = tpu.memref_slice %arg3[%dma_wait3A_2888, %dma_wait3A_2889] : memref<1000001x64xf32, #tpu.memory_space<hbm>> -> memref<1x64xf32, #tpu.memory_space<hbm>>
      %dma_wait3A_2891 = arith.constant 0 : i32
      %dma_wait3A_2892 = arith.constant 0 : i32
      %dma_wait3A_2893 = tpu.memref_slice %arg6[%dma_wait3A_2891, %dma_wait3A_2892] : memref<128x64xf32, #tpu.memory_space<vmem>> -> memref<1x64xf32, #tpu.memory_space<vmem>>
      %dma_wait3A_2894 = arith.constant 0 : i32
      %dma_wait3A_2895 = arith.constant 0 : i32
      %dma_wait3A_2896 = tpu.memref_slice %arg3[%dma_wait3A_2894, %dma_wait3A_2895] : memref<1000001x64xf32, #tpu.memory_space<hbm>> -> memref<1x64xf32, #tpu.memory_space<hbm>>
      tpu.wait_dma2 semaphore(%arg7 : memref<!tpu.dma_semaphore, #tpu.memory_space<semaphore_mem>>) src(%dma_wait3A_2896 : memref<1x64xf32, #tpu.memory_space<hbm>>) dst(%dma_wait3A_2893 : memref<1x64xf32, #tpu.memory_space<vmem>>)
      %dma_wait3A_2897 = arith.constant 0 : i32
      %dma_wait3A_2898 = arith.constant 0 : i32
      %dma_wait3A_2899 = tpu.memref_slice %arg6[%dma_wait3A_2897, %dma_wait3A_2898] : memref<128x64xf32, #tpu.memory_space<vmem>> -> memref<1x64xf32, #tpu.memory_space<vmem>>
      %dma_wait3A_2900 = arith.constant 0 : i32
      %dma_wait3A_2901 = arith.constant 0 : i32
      %dma_wait3A_2902 = tpu.memref_slice %arg3[%dma_wait3A_2900, %dma_wait3A_2901] : memref<1000001x64xf32, #tpu.memory_space<hbm>> -> memref<1x64xf32, #tpu.memory_space<hbm>>
      %dma_wait3A_2903 = arith.constant 0 : i32
      %dma_wait3A_2904 = arith.constant 0 : i32
      %dma_wait3A_2905 = tpu.memref_slice %arg6[%dma_wait3A_2903, %dma_wait3A_2904] : memref<128x64xf32, #tpu.memory_space<vmem>> -> memref<1x64xf32, #tpu.memory_space<vmem>>
      %dma_wait3A_2906 = arith.constant 0 : i32
      %dma_wait3A_2907 = arith.constant 0 : i32
      %dma_wait3A_2908 = tpu.memref_slice %arg3[%dma_wait3A_2906, %dma_wait3A_2907] : memref<1000001x64xf32, #tpu.memory_space<hbm>> -> memref<1x64xf32, #tpu.memory_space<hbm>>
      tpu.wait_dma2 semaphore(%arg7 : memref<!tpu.dma_semaphore, #tpu.memory_space<semaphore_mem>>) src(%dma_wait3A_2908 : memref<1x64xf32, #tpu.memory_space<hbm>>) dst(%dma_wait3A_2905 : memref<1x64xf32, #tpu.memory_space<vmem>>)
      %dma_wait3A_2909 = arith.constant 0 : i32
      %dma_wait3A_2910 = arith.constant 0 : i32
      %dma_wait3A_2911 = tpu.memref_slice %arg6[%dma_wait3A_2909, %dma_wait3A_2910] : memref<128x64xf32, #tpu.memory_space<vmem>> -> memref<1x64xf32, #tpu.memory_space<vmem>>
      %dma_wait3A_2912 = arith.constant 0 : i32
      %dma_wait3A_2913 = arith.constant 0 : i32
      %dma_wait3A_2914 = tpu.memref_slice %arg3[%dma_wait3A_2912, %dma_wait3A_2913] : memref<1000001x64xf32, #tpu.memory_space<hbm>> -> memref<1x64xf32, #tpu.memory_space<hbm>>
      %dma_wait3A_2915 = arith.constant 0 : i32
      %dma_wait3A_2916 = arith.constant 0 : i32
      %dma_wait3A_2917 = tpu.memref_slice %arg6[%dma_wait3A_2915, %dma_wait3A_2916] : memref<128x64xf32, #tpu.memory_space<vmem>> -> memref<1x64xf32, #tpu.memory_space<vmem>>
      %dma_wait3A_2918 = arith.constant 0 : i32
      %dma_wait3A_2919 = arith.constant 0 : i32
      %dma_wait3A_2920 = tpu.memref_slice %arg3[%dma_wait3A_2918, %dma_wait3A_2919] : memref<1000001x64xf32, #tpu.memory_space<hbm>> -> memref<1x64xf32, #tpu.memory_space<hbm>>
      tpu.wait_dma2 semaphore(%arg7 : memref<!tpu.dma_semaphore, #tpu.memory_space<semaphore_mem>>) src(%dma_wait3A_2920 : memref<1x64xf32, #tpu.memory_space<hbm>>) dst(%dma_wait3A_2917 : memref<1x64xf32, #tpu.memory_space<vmem>>)
      %dma_wait3A_2921 = arith.constant 0 : i32
      %dma_wait3A_2922 = arith.constant 0 : i32
      %dma_wait3A_2923 = tpu.memref_slice %arg6[%dma_wait3A_2921, %dma_wait3A_2922] : memref<128x64xf32, #tpu.memory_space<vmem>> -> memref<1x64xf32, #tpu.memory_space<vmem>>
      %dma_wait3A_2924 = arith.constant 0 : i32
      %dma_wait3A_2925 = arith.constant 0 : i32
      %dma_wait3A_2926 = tpu.memref_slice %arg3[%dma_wait3A_2924, %dma_wait3A_2925] : memref<1000001x64xf32, #tpu.memory_space<hbm>> -> memref<1x64xf32, #tpu.memory_space<hbm>>
      %dma_wait3A_2927 = arith.constant 0 : i32
      %dma_wait3A_2928 = arith.constant 0 : i32
      %dma_wait3A_2929 = tpu.memref_slice %arg6[%dma_wait3A_2927, %dma_wait3A_2928] : memref<128x64xf32, #tpu.memory_space<vmem>> -> memref<1x64xf32, #tpu.memory_space<vmem>>
      %dma_wait3A_2930 = arith.constant 0 : i32
      %dma_wait3A_2931 = arith.constant 0 : i32
      %dma_wait3A_2932 = tpu.memref_slice %arg3[%dma_wait3A_2930, %dma_wait3A_2931] : memref<1000001x64xf32, #tpu.memory_space<hbm>> -> memref<1x64xf32, #tpu.memory_space<hbm>>
      tpu.wait_dma2 semaphore(%arg7 : memref<!tpu.dma_semaphore, #tpu.memory_space<semaphore_mem>>) src(%dma_wait3A_2932 : memref<1x64xf32, #tpu.memory_space<hbm>>) dst(%dma_wait3A_2929 : memref<1x64xf32, #tpu.memory_space<vmem>>)
      %dma_wait3A_2933 = arith.constant 0 : i32
      %dma_wait3A_2934 = arith.constant 0 : i32
      %dma_wait3A_2935 = tpu.memref_slice %arg6[%dma_wait3A_2933, %dma_wait3A_2934] : memref<128x64xf32, #tpu.memory_space<vmem>> -> memref<1x64xf32, #tpu.memory_space<vmem>>
      %dma_wait3A_2936 = arith.constant 0 : i32
      %dma_wait3A_2937 = arith.constant 0 : i32
      %dma_wait3A_2938 = tpu.memref_slice %arg3[%dma_wait3A_2936, %dma_wait3A_2937] : memref<1000001x64xf32, #tpu.memory_space<hbm>> -> memref<1x64xf32, #tpu.memory_space<hbm>>
      %dma_wait3A_2939 = arith.constant 0 : i32
      %dma_wait3A_2940 = arith.constant 0 : i32
      %dma_wait3A_2941 = tpu.memref_slice %arg6[%dma_wait3A_2939, %dma_wait3A_2940] : memref<128x64xf32, #tpu.memory_space<vmem>> -> memref<1x64xf32, #tpu.memory_space<vmem>>
      %dma_wait3A_2942 = arith.constant 0 : i32
      %dma_wait3A_2943 = arith.constant 0 : i32
      %dma_wait3A_2944 = tpu.memref_slice %arg3[%dma_wait3A_2942, %dma_wait3A_2943] : memref<1000001x64xf32, #tpu.memory_space<hbm>> -> memref<1x64xf32, #tpu.memory_space<hbm>>
      tpu.wait_dma2 semaphore(%arg7 : memref<!tpu.dma_semaphore, #tpu.memory_space<semaphore_mem>>) src(%dma_wait3A_2944 : memref<1x64xf32, #tpu.memory_space<hbm>>) dst(%dma_wait3A_2941 : memref<1x64xf32, #tpu.memory_space<vmem>>)
      %dma_wait3A_2945 = arith.constant 0 : i32
      %dma_wait3A_2946 = arith.constant 0 : i32
      %dma_wait3A_2947 = tpu.memref_slice %arg6[%dma_wait3A_2945, %dma_wait3A_2946] : memref<128x64xf32, #tpu.memory_space<vmem>> -> memref<1x64xf32, #tpu.memory_space<vmem>>
      %dma_wait3A_2948 = arith.constant 0 : i32
      %dma_wait3A_2949 = arith.constant 0 : i32
      %dma_wait3A_2950 = tpu.memref_slice %arg3[%dma_wait3A_2948, %dma_wait3A_2949] : memref<1000001x64xf32, #tpu.memory_space<hbm>> -> memref<1x64xf32, #tpu.memory_space<hbm>>
      %dma_wait3A_2951 = arith.constant 0 : i32
      %dma_wait3A_2952 = arith.constant 0 : i32
      %dma_wait3A_2953 = tpu.memref_slice %arg6[%dma_wait3A_2951, %dma_wait3A_2952] : memref<128x64xf32, #tpu.memory_space<vmem>> -> memref<1x64xf32, #tpu.memory_space<vmem>>
      %dma_wait3A_2954 = arith.constant 0 : i32
      %dma_wait3A_2955 = arith.constant 0 : i32
      %dma_wait3A_2956 = tpu.memref_slice %arg3[%dma_wait3A_2954, %dma_wait3A_2955] : memref<1000001x64xf32, #tpu.memory_space<hbm>> -> memref<1x64xf32, #tpu.memory_space<hbm>>
      tpu.wait_dma2 semaphore(%arg7 : memref<!tpu.dma_semaphore, #tpu.memory_space<semaphore_mem>>) src(%dma_wait3A_2956 : memref<1x64xf32, #tpu.memory_space<hbm>>) dst(%dma_wait3A_2953 : memref<1x64xf32, #tpu.memory_space<vmem>>)
      %dma_wait3A_2957 = arith.constant 0 : i32
      %dma_wait3A_2958 = arith.constant 0 : i32
      %dma_wait3A_2959 = tpu.memref_slice %arg6[%dma_wait3A_2957, %dma_wait3A_2958] : memref<128x64xf32, #tpu.memory_space<vmem>> -> memref<1x64xf32, #tpu.memory_space<vmem>>
      %dma_wait3A_2960 = arith.constant 0 : i32
      %dma_wait3A_2961 = arith.constant 0 : i32
      %dma_wait3A_2962 = tpu.memref_slice %arg3[%dma_wait3A_2960, %dma_wait3A_2961] : memref<1000001x64xf32, #tpu.memory_space<hbm>> -> memref<1x64xf32, #tpu.memory_space<hbm>>
      %dma_wait3A_2963 = arith.constant 0 : i32
      %dma_wait3A_2964 = arith.constant 0 : i32
      %dma_wait3A_2965 = tpu.memref_slice %arg6[%dma_wait3A_2963, %dma_wait3A_2964] : memref<128x64xf32, #tpu.memory_space<vmem>> -> memref<1x64xf32, #tpu.memory_space<vmem>>
      %dma_wait3A_2966 = arith.constant 0 : i32
      %dma_wait3A_2967 = arith.constant 0 : i32
      %dma_wait3A_2968 = tpu.memref_slice %arg3[%dma_wait3A_2966, %dma_wait3A_2967] : memref<1000001x64xf32, #tpu.memory_space<hbm>> -> memref<1x64xf32, #tpu.memory_space<hbm>>
      tpu.wait_dma2 semaphore(%arg7 : memref<!tpu.dma_semaphore, #tpu.memory_space<semaphore_mem>>) src(%dma_wait3A_2968 : memref<1x64xf32, #tpu.memory_space<hbm>>) dst(%dma_wait3A_2965 : memref<1x64xf32, #tpu.memory_space<vmem>>)
      %dma_wait3A_2969 = arith.constant 0 : i32
      %dma_wait3A_2970 = arith.constant 0 : i32
      %dma_wait3A_2971 = tpu.memref_slice %arg6[%dma_wait3A_2969, %dma_wait3A_2970] : memref<128x64xf32, #tpu.memory_space<vmem>> -> memref<1x64xf32, #tpu.memory_space<vmem>>
      %dma_wait3A_2972 = arith.constant 0 : i32
      %dma_wait3A_2973 = arith.constant 0 : i32
      %dma_wait3A_2974 = tpu.memref_slice %arg3[%dma_wait3A_2972, %dma_wait3A_2973] : memref<1000001x64xf32, #tpu.memory_space<hbm>> -> memref<1x64xf32, #tpu.memory_space<hbm>>
      %dma_wait3A_2975 = arith.constant 0 : i32
      %dma_wait3A_2976 = arith.constant 0 : i32
      %dma_wait3A_2977 = tpu.memref_slice %arg6[%dma_wait3A_2975, %dma_wait3A_2976] : memref<128x64xf32, #tpu.memory_space<vmem>> -> memref<1x64xf32, #tpu.memory_space<vmem>>
      %dma_wait3A_2978 = arith.constant 0 : i32
      %dma_wait3A_2979 = arith.constant 0 : i32
      %dma_wait3A_2980 = tpu.memref_slice %arg3[%dma_wait3A_2978, %dma_wait3A_2979] : memref<1000001x64xf32, #tpu.memory_space<hbm>> -> memref<1x64xf32, #tpu.memory_space<hbm>>
      tpu.wait_dma2 semaphore(%arg7 : memref<!tpu.dma_semaphore, #tpu.memory_space<semaphore_mem>>) src(%dma_wait3A_2980 : memref<1x64xf32, #tpu.memory_space<hbm>>) dst(%dma_wait3A_2977 : memref<1x64xf32, #tpu.memory_space<vmem>>)
      %dma_wait3A_2981 = arith.constant 0 : i32
      %dma_wait3A_2982 = arith.constant 0 : i32
      %dma_wait3A_2983 = tpu.memref_slice %arg6[%dma_wait3A_2981, %dma_wait3A_2982] : memref<128x64xf32, #tpu.memory_space<vmem>> -> memref<1x64xf32, #tpu.memory_space<vmem>>
      %dma_wait3A_2984 = arith.constant 0 : i32
      %dma_wait3A_2985 = arith.constant 0 : i32
      %dma_wait3A_2986 = tpu.memref_slice %arg3[%dma_wait3A_2984, %dma_wait3A_2985] : memref<1000001x64xf32, #tpu.memory_space<hbm>> -> memref<1x64xf32, #tpu.memory_space<hbm>>
      %dma_wait3A_2987 = arith.constant 0 : i32
      %dma_wait3A_2988 = arith.constant 0 : i32
      %dma_wait3A_2989 = tpu.memref_slice %arg6[%dma_wait3A_2987, %dma_wait3A_2988] : memref<128x64xf32, #tpu.memory_space<vmem>> -> memref<1x64xf32, #tpu.memory_space<vmem>>
      %dma_wait3A_2990 = arith.constant 0 : i32
      %dma_wait3A_2991 = arith.constant 0 : i32
      %dma_wait3A_2992 = tpu.memref_slice %arg3[%dma_wait3A_2990, %dma_wait3A_2991] : memref<1000001x64xf32, #tpu.memory_space<hbm>> -> memref<1x64xf32, #tpu.memory_space<hbm>>
      tpu.wait_dma2 semaphore(%arg7 : memref<!tpu.dma_semaphore, #tpu.memory_space<semaphore_mem>>) src(%dma_wait3A_2992 : memref<1x64xf32, #tpu.memory_space<hbm>>) dst(%dma_wait3A_2989 : memref<1x64xf32, #tpu.memory_space<vmem>>)
      %dma_wait3A_2993 = arith.constant 0 : i32
      %dma_wait3A_2994 = arith.constant 0 : i32
      %dma_wait3A_2995 = tpu.memref_slice %arg6[%dma_wait3A_2993, %dma_wait3A_2994] : memref<128x64xf32, #tpu.memory_space<vmem>> -> memref<1x64xf32, #tpu.memory_space<vmem>>
      %dma_wait3A_2996 = arith.constant 0 : i32
      %dma_wait3A_2997 = arith.constant 0 : i32
      %dma_wait3A_2998 = tpu.memref_slice %arg3[%dma_wait3A_2996, %dma_wait3A_2997] : memref<1000001x64xf32, #tpu.memory_space<hbm>> -> memref<1x64xf32, #tpu.memory_space<hbm>>
      %dma_wait3A_2999 = arith.constant 0 : i32
      %dma_wait3A_3000 = arith.constant 0 : i32
      %dma_wait3A_3001 = tpu.memref_slice %arg6[%dma_wait3A_2999, %dma_wait3A_3000] : memref<128x64xf32, #tpu.memory_space<vmem>> -> memref<1x64xf32, #tpu.memory_space<vmem>>
      %dma_wait3A_3002 = arith.constant 0 : i32
      %dma_wait3A_3003 = arith.constant 0 : i32
      %dma_wait3A_3004 = tpu.memref_slice %arg3[%dma_wait3A_3002, %dma_wait3A_3003] : memref<1000001x64xf32, #tpu.memory_space<hbm>> -> memref<1x64xf32, #tpu.memory_space<hbm>>
      tpu.wait_dma2 semaphore(%arg7 : memref<!tpu.dma_semaphore, #tpu.memory_space<semaphore_mem>>) src(%dma_wait3A_3004 : memref<1x64xf32, #tpu.memory_space<hbm>>) dst(%dma_wait3A_3001 : memref<1x64xf32, #tpu.memory_space<vmem>>)
      %dma_wait3A_3005 = arith.constant 0 : i32
      %dma_wait3A_3006 = arith.constant 0 : i32
      %dma_wait3A_3007 = tpu.memref_slice %arg6[%dma_wait3A_3005, %dma_wait3A_3006] : memref<128x64xf32, #tpu.memory_space<vmem>> -> memref<1x64xf32, #tpu.memory_space<vmem>>
      %dma_wait3A_3008 = arith.constant 0 : i32
      %dma_wait3A_3009 = arith.constant 0 : i32
      %dma_wait3A_3010 = tpu.memref_slice %arg3[%dma_wait3A_3008, %dma_wait3A_3009] : memref<1000001x64xf32, #tpu.memory_space<hbm>> -> memref<1x64xf32, #tpu.memory_space<hbm>>
      %dma_wait3A_3011 = arith.constant 0 : i32
      %dma_wait3A_3012 = arith.constant 0 : i32
      %dma_wait3A_3013 = tpu.memref_slice %arg6[%dma_wait3A_3011, %dma_wait3A_3012] : memref<128x64xf32, #tpu.memory_space<vmem>> -> memref<1x64xf32, #tpu.memory_space<vmem>>
      %dma_wait3A_3014 = arith.constant 0 : i32
      %dma_wait3A_3015 = arith.constant 0 : i32
      %dma_wait3A_3016 = tpu.memref_slice %arg3[%dma_wait3A_3014, %dma_wait3A_3015] : memref<1000001x64xf32, #tpu.memory_space<hbm>> -> memref<1x64xf32, #tpu.memory_space<hbm>>
      tpu.wait_dma2 semaphore(%arg7 : memref<!tpu.dma_semaphore, #tpu.memory_space<semaphore_mem>>) src(%dma_wait3A_3016 : memref<1x64xf32, #tpu.memory_space<hbm>>) dst(%dma_wait3A_3013 : memref<1x64xf32, #tpu.memory_space<vmem>>)
      %dma_wait3A_3017 = arith.constant 0 : i32
      %dma_wait3A_3018 = arith.constant 0 : i32
      %dma_wait3A_3019 = tpu.memref_slice %arg6[%dma_wait3A_3017, %dma_wait3A_3018] : memref<128x64xf32, #tpu.memory_space<vmem>> -> memref<1x64xf32, #tpu.memory_space<vmem>>
      %dma_wait3A_3020 = arith.constant 0 : i32
      %dma_wait3A_3021 = arith.constant 0 : i32
      %dma_wait3A_3022 = tpu.memref_slice %arg3[%dma_wait3A_3020, %dma_wait3A_3021] : memref<1000001x64xf32, #tpu.memory_space<hbm>> -> memref<1x64xf32, #tpu.memory_space<hbm>>
      %dma_wait3A_3023 = arith.constant 0 : i32
      %dma_wait3A_3024 = arith.constant 0 : i32
      %dma_wait3A_3025 = tpu.memref_slice %arg6[%dma_wait3A_3023, %dma_wait3A_3024] : memref<128x64xf32, #tpu.memory_space<vmem>> -> memref<1x64xf32, #tpu.memory_space<vmem>>
      %dma_wait3A_3026 = arith.constant 0 : i32
      %dma_wait3A_3027 = arith.constant 0 : i32
      %dma_wait3A_3028 = tpu.memref_slice %arg3[%dma_wait3A_3026, %dma_wait3A_3027] : memref<1000001x64xf32, #tpu.memory_space<hbm>> -> memref<1x64xf32, #tpu.memory_space<hbm>>
      tpu.wait_dma2 semaphore(%arg7 : memref<!tpu.dma_semaphore, #tpu.memory_space<semaphore_mem>>) src(%dma_wait3A_3028 : memref<1x64xf32, #tpu.memory_space<hbm>>) dst(%dma_wait3A_3025 : memref<1x64xf32, #tpu.memory_space<vmem>>)
      %dma_wait3A_3029 = arith.constant 0 : i32
      %dma_wait3A_3030 = arith.constant 0 : i32
      %dma_wait3A_3031 = tpu.memref_slice %arg6[%dma_wait3A_3029, %dma_wait3A_3030] : memref<128x64xf32, #tpu.memory_space<vmem>> -> memref<1x64xf32, #tpu.memory_space<vmem>>
      %dma_wait3A_3032 = arith.constant 0 : i32
      %dma_wait3A_3033 = arith.constant 0 : i32
      %dma_wait3A_3034 = tpu.memref_slice %arg3[%dma_wait3A_3032, %dma_wait3A_3033] : memref<1000001x64xf32, #tpu.memory_space<hbm>> -> memref<1x64xf32, #tpu.memory_space<hbm>>
      %dma_wait3A_3035 = arith.constant 0 : i32
      %dma_wait3A_3036 = arith.constant 0 : i32
      %dma_wait3A_3037 = tpu.memref_slice %arg6[%dma_wait3A_3035, %dma_wait3A_3036] : memref<128x64xf32, #tpu.memory_space<vmem>> -> memref<1x64xf32, #tpu.memory_space<vmem>>
      %dma_wait3A_3038 = arith.constant 0 : i32
      %dma_wait3A_3039 = arith.constant 0 : i32
      %dma_wait3A_3040 = tpu.memref_slice %arg3[%dma_wait3A_3038, %dma_wait3A_3039] : memref<1000001x64xf32, #tpu.memory_space<hbm>> -> memref<1x64xf32, #tpu.memory_space<hbm>>
      tpu.wait_dma2 semaphore(%arg7 : memref<!tpu.dma_semaphore, #tpu.memory_space<semaphore_mem>>) src(%dma_wait3A_3040 : memref<1x64xf32, #tpu.memory_space<hbm>>) dst(%dma_wait3A_3037 : memref<1x64xf32, #tpu.memory_space<vmem>>)
      %dma_wait3A_3041 = arith.constant 0 : i32
      %dma_wait3A_3042 = arith.constant 0 : i32
      %dma_wait3A_3043 = tpu.memref_slice %arg6[%dma_wait3A_3041, %dma_wait3A_3042] : memref<128x64xf32, #tpu.memory_space<vmem>> -> memref<1x64xf32, #tpu.memory_space<vmem>>
      %dma_wait3A_3044 = arith.constant 0 : i32
      %dma_wait3A_3045 = arith.constant 0 : i32
      %dma_wait3A_3046 = tpu.memref_slice %arg3[%dma_wait3A_3044, %dma_wait3A_3045] : memref<1000001x64xf32, #tpu.memory_space<hbm>> -> memref<1x64xf32, #tpu.memory_space<hbm>>
      %dma_wait3A_3047 = arith.constant 0 : i32
      %dma_wait3A_3048 = arith.constant 0 : i32
      %dma_wait3A_3049 = tpu.memref_slice %arg6[%dma_wait3A_3047, %dma_wait3A_3048] : memref<128x64xf32, #tpu.memory_space<vmem>> -> memref<1x64xf32, #tpu.memory_space<vmem>>
      %dma_wait3A_3050 = arith.constant 0 : i32
      %dma_wait3A_3051 = arith.constant 0 : i32
      %dma_wait3A_3052 = tpu.memref_slice %arg3[%dma_wait3A_3050, %dma_wait3A_3051] : memref<1000001x64xf32, #tpu.memory_space<hbm>> -> memref<1x64xf32, #tpu.memory_space<hbm>>
      tpu.wait_dma2 semaphore(%arg7 : memref<!tpu.dma_semaphore, #tpu.memory_space<semaphore_mem>>) src(%dma_wait3A_3052 : memref<1x64xf32, #tpu.memory_space<hbm>>) dst(%dma_wait3A_3049 : memref<1x64xf32, #tpu.memory_space<vmem>>)
      %dma_wait3A_3053 = arith.constant 0 : i32
      %dma_wait3A_3054 = arith.constant 0 : i32
      %dma_wait3A_3055 = tpu.memref_slice %arg6[%dma_wait3A_3053, %dma_wait3A_3054] : memref<128x64xf32, #tpu.memory_space<vmem>> -> memref<1x64xf32, #tpu.memory_space<vmem>>
      %dma_wait3A_3056 = arith.constant 0 : i32
      %dma_wait3A_3057 = arith.constant 0 : i32
      %dma_wait3A_3058 = tpu.memref_slice %arg3[%dma_wait3A_3056, %dma_wait3A_3057] : memref<1000001x64xf32, #tpu.memory_space<hbm>> -> memref<1x64xf32, #tpu.memory_space<hbm>>
      %dma_wait3A_3059 = arith.constant 0 : i32
      %dma_wait3A_3060 = arith.constant 0 : i32
      %dma_wait3A_3061 = tpu.memref_slice %arg6[%dma_wait3A_3059, %dma_wait3A_3060] : memref<128x64xf32, #tpu.memory_space<vmem>> -> memref<1x64xf32, #tpu.memory_space<vmem>>
      %dma_wait3A_3062 = arith.constant 0 : i32
      %dma_wait3A_3063 = arith.constant 0 : i32
      %dma_wait3A_3064 = tpu.memref_slice %arg3[%dma_wait3A_3062, %dma_wait3A_3063] : memref<1000001x64xf32, #tpu.memory_space<hbm>> -> memref<1x64xf32, #tpu.memory_space<hbm>>
      tpu.wait_dma2 semaphore(%arg7 : memref<!tpu.dma_semaphore, #tpu.memory_space<semaphore_mem>>) src(%dma_wait3A_3064 : memref<1x64xf32, #tpu.memory_space<hbm>>) dst(%dma_wait3A_3061 : memref<1x64xf32, #tpu.memory_space<vmem>>)
      %dma_wait3A_3065 = arith.constant 0 : i32
      %dma_wait3A_3066 = arith.constant 0 : i32
      %dma_wait3A_3067 = tpu.memref_slice %arg6[%dma_wait3A_3065, %dma_wait3A_3066] : memref<128x64xf32, #tpu.memory_space<vmem>> -> memref<1x64xf32, #tpu.memory_space<vmem>>
      %dma_wait3A_3068 = arith.constant 0 : i32
      %dma_wait3A_3069 = arith.constant 0 : i32
      %dma_wait3A_3070 = tpu.memref_slice %arg3[%dma_wait3A_3068, %dma_wait3A_3069] : memref<1000001x64xf32, #tpu.memory_space<hbm>> -> memref<1x64xf32, #tpu.memory_space<hbm>>
      %dma_wait3A_3071 = arith.constant 0 : i32
      %dma_wait3A_3072 = arith.constant 0 : i32
      %dma_wait3A_3073 = tpu.memref_slice %arg6[%dma_wait3A_3071, %dma_wait3A_3072] : memref<128x64xf32, #tpu.memory_space<vmem>> -> memref<1x64xf32, #tpu.memory_space<vmem>>
      %dma_wait3A_3074 = arith.constant 0 : i32
      %dma_wait3A_3075 = arith.constant 0 : i32
      %dma_wait3A_3076 = tpu.memref_slice %arg3[%dma_wait3A_3074, %dma_wait3A_3075] : memref<1000001x64xf32, #tpu.memory_space<hbm>> -> memref<1x64xf32, #tpu.memory_space<hbm>>
      tpu.wait_dma2 semaphore(%arg7 : memref<!tpu.dma_semaphore, #tpu.memory_space<semaphore_mem>>) src(%dma_wait3A_3076 : memref<1x64xf32, #tpu.memory_space<hbm>>) dst(%dma_wait3A_3073 : memref<1x64xf32, #tpu.memory_space<vmem>>)
      %dma_wait3A_3077 = arith.constant 0 : i32
      %dma_wait3A_3078 = arith.constant 0 : i32
      %dma_wait3A_3079 = tpu.memref_slice %arg6[%dma_wait3A_3077, %dma_wait3A_3078] : memref<128x64xf32, #tpu.memory_space<vmem>> -> memref<1x64xf32, #tpu.memory_space<vmem>>
      %dma_wait3A_3080 = arith.constant 0 : i32
      %dma_wait3A_3081 = arith.constant 0 : i32
      %dma_wait3A_3082 = tpu.memref_slice %arg3[%dma_wait3A_3080, %dma_wait3A_3081] : memref<1000001x64xf32, #tpu.memory_space<hbm>> -> memref<1x64xf32, #tpu.memory_space<hbm>>
      %dma_wait3A_3083 = arith.constant 0 : i32
      %dma_wait3A_3084 = arith.constant 0 : i32
      %dma_wait3A_3085 = tpu.memref_slice %arg6[%dma_wait3A_3083, %dma_wait3A_3084] : memref<128x64xf32, #tpu.memory_space<vmem>> -> memref<1x64xf32, #tpu.memory_space<vmem>>
      %dma_wait3A_3086 = arith.constant 0 : i32
      %dma_wait3A_3087 = arith.constant 0 : i32
      %dma_wait3A_3088 = tpu.memref_slice %arg3[%dma_wait3A_3086, %dma_wait3A_3087] : memref<1000001x64xf32, #tpu.memory_space<hbm>> -> memref<1x64xf32, #tpu.memory_space<hbm>>
      tpu.wait_dma2 semaphore(%arg7 : memref<!tpu.dma_semaphore, #tpu.memory_space<semaphore_mem>>) src(%dma_wait3A_3088 : memref<1x64xf32, #tpu.memory_space<hbm>>) dst(%dma_wait3A_3085 : memref<1x64xf32, #tpu.memory_space<vmem>>)
      %dma_wait3A_3089 = arith.constant 0 : i32
      %dma_wait3A_3090 = arith.constant 0 : i32
      %dma_wait3A_3091 = tpu.memref_slice %arg6[%dma_wait3A_3089, %dma_wait3A_3090] : memref<128x64xf32, #tpu.memory_space<vmem>> -> memref<1x64xf32, #tpu.memory_space<vmem>>
      %dma_wait3A_3092 = arith.constant 0 : i32
      %dma_wait3A_3093 = arith.constant 0 : i32
      %dma_wait3A_3094 = tpu.memref_slice %arg3[%dma_wait3A_3092, %dma_wait3A_3093] : memref<1000001x64xf32, #tpu.memory_space<hbm>> -> memref<1x64xf32, #tpu.memory_space<hbm>>
      %dma_wait3A_3095 = arith.constant 0 : i32
      %dma_wait3A_3096 = arith.constant 0 : i32
      %dma_wait3A_3097 = tpu.memref_slice %arg6[%dma_wait3A_3095, %dma_wait3A_3096] : memref<128x64xf32, #tpu.memory_space<vmem>> -> memref<1x64xf32, #tpu.memory_space<vmem>>
      %dma_wait3A_3098 = arith.constant 0 : i32
      %dma_wait3A_3099 = arith.constant 0 : i32
      %dma_wait3A_3100 = tpu.memref_slice %arg3[%dma_wait3A_3098, %dma_wait3A_3099] : memref<1000001x64xf32, #tpu.memory_space<hbm>> -> memref<1x64xf32, #tpu.memory_space<hbm>>
      tpu.wait_dma2 semaphore(%arg7 : memref<!tpu.dma_semaphore, #tpu.memory_space<semaphore_mem>>) src(%dma_wait3A_3100 : memref<1x64xf32, #tpu.memory_space<hbm>>) dst(%dma_wait3A_3097 : memref<1x64xf32, #tpu.memory_space<vmem>>)
      %dma_wait3A_3101 = arith.constant 0 : i32
      %dma_wait3A_3102 = arith.constant 0 : i32
      %dma_wait3A_3103 = tpu.memref_slice %arg6[%dma_wait3A_3101, %dma_wait3A_3102] : memref<128x64xf32, #tpu.memory_space<vmem>> -> memref<1x64xf32, #tpu.memory_space<vmem>>
      %dma_wait3A_3104 = arith.constant 0 : i32
      %dma_wait3A_3105 = arith.constant 0 : i32
      %dma_wait3A_3106 = tpu.memref_slice %arg3[%dma_wait3A_3104, %dma_wait3A_3105] : memref<1000001x64xf32, #tpu.memory_space<hbm>> -> memref<1x64xf32, #tpu.memory_space<hbm>>
      %dma_wait3A_3107 = arith.constant 0 : i32
      %dma_wait3A_3108 = arith.constant 0 : i32
      %dma_wait3A_3109 = tpu.memref_slice %arg6[%dma_wait3A_3107, %dma_wait3A_3108] : memref<128x64xf32, #tpu.memory_space<vmem>> -> memref<1x64xf32, #tpu.memory_space<vmem>>
      %dma_wait3A_3110 = arith.constant 0 : i32
      %dma_wait3A_3111 = arith.constant 0 : i32
      %dma_wait3A_3112 = tpu.memref_slice %arg3[%dma_wait3A_3110, %dma_wait3A_3111] : memref<1000001x64xf32, #tpu.memory_space<hbm>> -> memref<1x64xf32, #tpu.memory_space<hbm>>
      tpu.wait_dma2 semaphore(%arg7 : memref<!tpu.dma_semaphore, #tpu.memory_space<semaphore_mem>>) src(%dma_wait3A_3112 : memref<1x64xf32, #tpu.memory_space<hbm>>) dst(%dma_wait3A_3109 : memref<1x64xf32, #tpu.memory_space<vmem>>)
      %add3A_3113 = arith.addi %mul3A_2, %mul3A_13 : i32
      %dma_start3A_3114 = arith.constant 0 : i32
      %dma_start3A_3115 = tpu.memref_slice %arg4[%add3A_3113, %dma_start3A_3114] : memref<16384x64xf32, #tpu.memory_space<hbm>> -> memref<128x64xf32, #tpu.memory_space<hbm>>
      %dma_start3A_3116 = arith.constant 0 : i32
      %dma_start3A_3117 = tpu.memref_slice %arg4[%add3A_3113, %dma_start3A_3116] : memref<16384x64xf32, #tpu.memory_space<hbm>> -> memref<128x64xf32, #tpu.memory_space<hbm>>
      tpu.enqueue_dma source(%arg6 : memref<128x64xf32, #tpu.memory_space<vmem>>) target(%dma_start3A_3117 : memref<128x64xf32, #tpu.memory_space<hbm>>) target_semaphore(%arg8 : memref<!tpu.dma_semaphore, #tpu.memory_space<semaphore_mem>>)
      %dma_wait3A_3118 = arith.constant 0 : i32
      %dma_wait3A_3119 = arith.constant 0 : i32
      %dma_wait3A_3120 = tpu.memref_slice %arg4[%dma_wait3A_3118, %dma_wait3A_3119] : memref<16384x64xf32, #tpu.memory_space<hbm>> -> memref<128x64xf32, #tpu.memory_space<hbm>>
      %dma_wait3A_3121 = arith.constant 0 : i32
      %dma_wait3A_3122 = arith.constant 0 : i32
      %dma_wait3A_3123 = tpu.memref_slice %arg4[%dma_wait3A_3121, %dma_wait3A_3122] : memref<16384x64xf32, #tpu.memory_space<hbm>> -> memref<128x64xf32, #tpu.memory_space<hbm>>
      tpu.wait_dma2 semaphore(%arg8 : memref<!tpu.dma_semaphore, #tpu.memory_space<semaphore_mem>>) src(%dma_wait3A_3123 : memref<128x64xf32, #tpu.memory_space<hbm>>) dst(%arg6 : memref<128x64xf32, #tpu.memory_space<vmem>>)
    }
    %scan3A_6 = arith.constant 4 : i32
    return
  }
}

</mosaic_0001>

<sc_bundles>
// kernel: kernel.3.cloned.1.call-start
scs
__scs_entry_jumppad:
0x0: {  	(pc) =	sbr.rel $0x88, $3  }
0x1: {  	(tag) =	ssettag $0x0;
	lr =	simm.s32 $0x1  }
0x2: {  	[smem:$0x3F9E] =	sst lr;
	_ =	strace $0xD0000000  }
0x3: {  	_ = 	snop  }
0x4: {  	_ = 	snop  }
0x5: {  	_ = 	snop  }
0x6: {  	_ = 	snop  }
0x7: {  	_ = 	snop  }
__scs_overlays_trampoline_lowered:
0x8: {  	[smem:$0x3FAD] =	sst s0  }
0x9: {  	[smem:$0x3FAE] =	sst s1  }
0xa: {  	[smem:$0x3FAF] =	sst s2  }
0xb: {  	[smem:$0x3FB0] =	sst s3  }
0xc: {  	[smem:$0x3FB1] =	sst s4  }
0xd: {  	[smem:$0x3FB2] =	sst s5  }
0xe: {  	[smem:$0x3FB3] =	sst s6  }
0xf: {  	[smem:$0x3FB4] =	sst s7  }
0x10: {  	[smem:$0x3FB5] =	sst s8  }
0x11: {  	[smem:$0x3FB6] =	sst s9;
	s0 =	simm.s32 @!p0 $0x0  }
0x12: {  	s1 =	sld [smem:$0x3F9C];
	s0 =	simm.s32 @p0 $0x1  }
0x13: {  	[smem:$0x3FB7] =	sst s0;
	s0 =	simm.s32 @!p1 $0x0  }
0x14: {  	s2 =	sld [smem:$0x3F9B];
	s0 =	simm.s32 @p1 $0x1  }
0x15: {  	[smem:$0x3FB8] =	sst s0;
	s0 =	simm.s32 @!p2 $0x0  }
0x16: {  	s3 =	sld [smem:$0x3FDB];
	s0 =	simm.s32 @p2 $0x1  }
0x17: {  	s4 =	simm.s32 $0x1BF5;
	[smem:$0x3FBA] =	sst s0  }
0x18: {  	s0 =	sld [smem:$0x3F9D];
	_ =	swait.ge [sflag:s4], $0x0  }
0x19: {  	s7 =	sld [smem:$0x3F9E]  }
0x1a: {  	s8 =	sadd.s32 $0xFFFFE003, lr  }
0x1b: {  	s9 =	sadd.s32 $0xFFFFFEF7, lr;
	s5 =	simm.s32 $0xFFFFFFFF;
	p2 =	slt.u32 s8, $0xFFFFF086  }
0x1c: {  	p1 =	slt.u32 s9, $0xF7A;
	s5 =	simm.s32 @!p2 $0x0  }
0x1d: {  	s5 =	simm.s32 @p1 $0x1;
	p0 =	seq.s32 s7, s2  }
0x1e: {  	s7 =	smul.u32 @!p0 $0xF7A, s2;
	p2 =	seq.s32 @!p0 s5, $0x0  }
0x1f: {  	s9 =	smul.u32 $0xF7A, s1;
	s8 =	simm.s32 @!p0 $0x1BF5;
	p2 =	por !p2, p0  }
0x20: {  	[sflag:s8] =	ssyncset.s32 @!p0 $0xFFFFF086;
	s6 =	sadd.s32 @!p0 s3, s7;
	s7 =	simm.s32 @!p0 $0x108  }
0x21: {  	s3 =	sadd.s32 s3, s9;
	s6 =	sadd.s32 @!p0 $0x88, s6;
	s7 =	simm.s32 @p2 $0x1082  }
0x22: {  	[simem:s7], [sflag:s8] =	dma.local @!p0 [hbm:s6], $0xF7A  }
0x23: {  	s9 =	sor.u32 $0xD0000000, s2;
	s6 =	simm.s32 $0x108;
	_ =	swait.ge @!p0 [sflag:s8], $0x0  }
0x24: {  	s3 =	sadd.s32 $0x88, s3;
	s6 =	simm.s32 @!p1 $0x1082;
	[sflag:s4] =	ssyncset.s32 $0xFFFFF086  }
0x25: {  	[simem:s6], [sflag:s4] =	dma.local [hbm:s3], $0xF7A  }
0x26: {  	[smem:$0x3F9E] =	sst s1;
	(tag) =	ssettag s2;
	_ =	strace s9  }
0x27: {  	s1 =	sld [smem:$0x3FAE]  }
0x28: {  	s2 =	sld [smem:$0x3FAF]  }
0x29: {  	s4 =	sld [smem:$0x3FB1]  }
0x2a: {  	p0 =	seq.s32 s5, $0x0;
	s5 =	sld [smem:$0x3FB2]  }
0x2b: {  	s6 =	sld [smem:$0x3FB3]  }
0x2c: {  	s7 =	sld [smem:$0x3FB4]  }
0x2d: {  	s3 =	simm.s32 $0x108;
	s8 =	sld [smem:$0x3FB5]  }
0x2e: {  	s3 =	simm.s32 @!p0 $0x1082;
	s9 =	sld [smem:$0x3FB6]  }
0x2f: {  	lr =	sadd.s32 s0, s3;
	s0 =	sld [smem:$0x3FAD]  }
0x30: {  	s3 =	sld [smem:$0x3FB0]  }
0x31: {  	[smem:$0x3FB9] =	sst s10  }
0x32: {  	s10 =	sld [smem:$0x3FB7];
	_ =	sdelay $0x3  }
0x33: {  	p0 =	seq.s32 s10, $0x1;
	s10 =	sld [smem:$0x3FB9];
	_ =	sdelay $0x3  }
0x34: {  	[smem:$0x3FB9] =	sst s10  }
0x35: {  	s10 =	sld [smem:$0x3FB8];
	_ =	sdelay $0x3  }
0x36: {  	p1 =	seq.s32 s10, $0x1;
	s10 =	sld [smem:$0x3FB9];
	_ =	sdelay $0x3  }
0x37: {  	[smem:$0x3FB9] =	sst s10  }
0x38: {  	s10 =	sld [smem:$0x3FBA]  }
0x39: {  	_ = 	snop;
	(pc) =	sbr.ind lr, $3  }
0x3a: {  	_ = 	snop  }
0x3b: {  	_ = 	snop  }
0x3c: {  	p2 =	seq.s32 s10, $0x1;
	s10 =	sld [smem:$0x3FB9]  }
0x3d: {  	_ =	shalt  }
0x3e: {  	_ =	shalt  }
0x3f: {  	_ =	shalt  }
0x40: {  	_ =	shalt  }
0x41: {  	_ =	shalt  }
0x42: {  	_ =	shalt  }
0x43: {  	_ =	shalt  }
0x44: {  	_ =	shalt  }
0x45: {  	_ =	shalt  }
0x46: {  	_ =	shalt  }
0x47: {  	_ =	shalt  }
0x48: {  	_ =	shalt  }
0x49: {  	_ =	shalt  }
0x4a: {  	_ =	shalt  }
0x4b: {  	_ =	shalt  }
0x4c: {  	_ =	shalt  }
0x4d: {  	_ =	shalt  }
0x4e: {  	_ =	shalt  }
0x4f: {  	_ =	shalt  }
0x50: {  	_ =	shalt  }
0x51: {  	_ =	shalt  }
0x52: {  	_ =	shalt  }
0x53: {  	_ =	shalt  }
0x54: {  	_ =	shalt  }
0x55: {  	_ =	shalt  }
0x56: {  	_ =	shalt  }
0x57: {  	_ =	shalt  }
0x58: {  	_ =	shalt  }
0x59: {  	_ =	shalt  }
0x5a: {  	_ =	shalt  }
0x5b: {  	_ =	shalt  }
0x5c: {  	_ =	shalt  }
0x5d: {  	_ =	shalt  }
0x5e: {  	_ =	shalt  }
0x5f: {  	_ =	shalt  }
0x60: {  	_ =	shalt  }
0x61: {  	_ =	shalt  }
0x62: {  	_ =	shalt  }
0x63: {  	_ =	shalt  }
0x64: {  	_ =	shalt  }
0x65: {  	_ =	shalt  }
0x66: {  	_ =	shalt  }
0x67: {  	_ =	shalt  }
0x68: {  	_ =	shalt  }
0x69: {  	_ =	shalt  }
0x6a: {  	_ =	shalt  }
0x6b: {  	_ =	shalt  }
0x6c: {  	_ =	shalt  }
0x6d: {  	_ =	shalt  }
0x6e: {  	_ =	shalt  }
0x6f: {  	_ =	shalt  }
0x70: {  	_ =	shalt  }
0x71: {  	_ =	shalt  }
0x72: {  	_ =	shalt  }
0x73: {  	_ =	shalt  }
0x74: {  	_ =	shalt  }
0x75: {  	_ =	shalt  }
0x76: {  	_ =	shalt  }
0x77: {  	_ =	shalt  }
0x78: {  	_ =	shalt  }
0x79: {  	_ =	shalt  }
0x7a: {  	_ =	shalt  }
0x7b: {  	_ =	shalt  }
0x7c: {  	_ =	shalt  }
0x7d: {  	_ =	shalt  }
0x7e: {  	_ =	shalt  }
0x7f: {  	_ =	shalt  }
0x80: {  	_ =	shalt  }
0x81: {  	_ =	shalt  }
0x82: {  	_ =	shalt  }
0x83: {  	_ =	shalt  }
0x84: {  	_ =	shalt  }
0x85: {  	_ =	shalt  }
0x86: {  	_ =	shalt  }
0x87: {  	_ =	shalt  }
.Lfunc_end0:
.L_simem_size_0:
called_computation_lowered:
.L_overlay_start_0:
0x88: {  	s2 =	sld [smem:$0x3FD9]  }
0x89: {  	s3 =	sld [smem:$0x3FFE];
	_ =	sdelay $0x1  }
0x8a: {  	s1 =	srdreg.scid  }
0x8b: {  	s0 =	sand.u32 $0x1, s1  }
0x8c: {  	s17 =	sshll.u32 s0, $0xA;
	s2 =	sadd.s32 s3, s2  }
0x8d: {  	s2 =	sadd.s32 s2, s17  }
0x8e: {  	[smem:$0x3FC5] =	sst s2  }
0x8f: {  	_ = 	snop  }
0x90: {  	s2 =	sld [smem:$0x3FD0];
	(tm) =	ssettm $0x1  }
0x91: {  	s18 =	sld [smem:$0x3FFB];
	_ =	sdelay $0x3  }
0x92: {  	_ =	strace s18  }
0x93: {  	s3 =	sld [smem:$0x3FFC];
	_ =	sdelay $0x3  }
0x94: {  	_ =	strace s3  }
0x95: {  	s3 =	sld [smem:$0x3FFD];
	_ =	sdelay $0x3  }
0x96: {  	_ =	strace s3  }
0x97: {  	_ =	strace $0x8FFFFFFF  }
0x98: {  	s19 =	sld [smem:$0x3FDB];
	_ =	sdelay $0x1  }
0x99: {  	s4 =	simm.s32 $_scs_section_size  }
0x9a: {  	s5 =	simm.s32 $_size__tile_overlayer_lowered;
	s6 =	simm.s32 $_tile_overlayer_lowered  }
0x9b: {  	s22 =	simm.s32 $0x1BFF;
	s21 =	sshll.u32 s6, $0x1;
	s3 =	sadd.s32 s4, s19  }
0x9c: {  	s7 =	simm.s32 $0x0;
	s20 =	sshll.u32 s5, $0x1;
	s5 =	sadd.s32 s21, s3  }
0x9d: {  	[timem:s7], [sflag:s22] =	dma.local [hbm:s5], s20  }
0x9e: {  	_ =	swait.ge [sflag:s22], s20  }
0x9f: {  	s4 =	ssub.s32 $0x0, s20;
	[sflag:s22] =	ssyncset.done $0x0  }
0xa0: {  	[sflag:s22] =	ssyncadd.s32 s4;
	_ =	sdelay $0x1  }
0xa1: {  	s23 =	simm.s32 $0x1B8B  }
0xa2: {  	_ =	swait.ge [sflag:s23], $0x1  }
0xa3: {  	[sflag:s23] =	ssyncset.done $0x0  }
0xa4: {  	s25 =	simm.s32 $0x1B8E;
	s24 =	sld [smem:$0x3FFE];
	[sflag:s23] =	ssyncadd.s32 $0xFFFFFFFF  }
0xa5: {  	s26 =	simm.s32 $execute0_lowered;
	[smem:$0x3FD2] =	sst s25  }
0xa6: {  	s5 =	sshll.u32 s26, $0x1;
	_ =	strace $0x80000046;
	[dreg:$0x1] =	wrdreg $0xFFFFFFFF  }
0xa7: {  	s28 =	simm.s32 $_size_execute0_lowered;
	s3 =	sadd.s32 s3, s5;
	[dreg:$0x0] =	wrdreg $0x0  }
0xa8: {  	s5 =	sshll.u32 s28, $0x1;
	[dreg:$0x2] =	wrdreg s3  }
0xa9: {  	[dreg:$0x3] =	wrdreg s5  }
0xaa: {  	[dreg:$0x4] =	wrdreg $0xC0  }
0xab: {  	_ =	task [dreg:s7], $0x5FFFF  }
0xac: {  	[dreg:$0x1] =	wrdreg $0xFFFFFFFF  }
0xad: {  	[dreg:$0x0] =	wrdreg $0x60  }
0xae: {  	[dreg:$0x2] =	wrdreg s2  }
0xaf: {  	[dreg:$0x3] =	wrdreg s24  }
0xb0: {  	[dreg:$0x4] =	wrdreg $0x9  }
0xb1: {  	_ =	task.clear_ibuf [dreg:s7], $0x5FFFF;
	_ =	strace $0x90000046  }
0xb2: {  	s29 =	simm.s32 $0x9;
	_ =	strace $0x80000048  }
0xb3: {  	_ =	swait.ge [sflag:s29], $0x1  }
0xb4: {  	[sflag:s29] =	ssyncadd.s32 $0xFFFFFFFF  }
0xb5: {  	_ =	strace $0x90000048  }
0xb6: {  	_ =	sfence  }
0xb7: {  	s30 =	sld [smem:$0x0];
	_ =	sdelay $0x2  }
0xb8: {  	s31 =	sshll.u32 s1, $0xD;
	s1 =	sshrl.u32 s1, $0x2  }
0xb9: {  	s3 =	sand.u32 $0x4000, s31;
	s1 =	sadd.s32 s1, s30  }
0xba: {  	s0 =	sor.u32 s3, s0;
	s1 =	sshll.u32 s1, $0x11  }
0xbb: {  	s0 =	sor.u32 s1, s0  }
0xbc: {  	s0 =	sadd.s32 $0x8F2B, s0  }
0xbd: {  	[sflag:s0] =	ssyncadd.remote.s32 $0x1  }
0xbe: {  	_ =	sfence.sel $0xFFFF  }
0xbf: {  	[dreg:$0x0] =	wrdreg $0xFFFFFFFF;
	(pc) =	sbr.abs _section_cstart, $3  }
0xc0: {  	[dreg:$0x1] =	wrdreg $0xFFFFFFFF  }
0xc1: {  	_ =	task.clear_ibuf [dreg:s7], $0x2FFFF;
	_ =	strace $0x9FFFFFFF  }
0xc2: {  	(tm) =	ssettm $0x7FFFFFFF  }
0xc3: {  	_ =	shalt  }
tec
execute0_lowered:
.L_overlay_start_1:
0x0: {  	(tag) =	ssettag $0x1  }
0x1: {  	s4 =	rddreg [dreg:$0x0]  }
0x2: {  	s3 =	rddreg [dreg:$0x1];
	s2 =	srdreg.scid  }
0x3: {  	s0 =	rddreg [dreg:$0x2];
	s5 =	sand.u32 $0x1, s2;
	s2 =	simm.s32 $0x0  }
0x4: {  	s22 =	simm.s32 $0x280;
	[smem:$0x7FF] =	sst s2  }
0x5: {  	s23 =	simm.s32 $0x300;
	_ =	strace $0x80000047;
	[dreg:$0x4] =	wrdreg s22  }
0x6: {  	s24 =	simm.s32 $0x380;
	[dreg:$0x5] =	wrdreg s23  }
0x7: {  	s25 =	simm.s32 $0x400;
	[dreg:$0x6] =	wrdreg s24  }
0x8: {  	s26 =	simm.s32 $0x480;
	[dreg:$0x7] =	wrdreg s25  }
0x9: {  	s28 =	simm.s32 $0x500;
	[dreg:$0x8] =	wrdreg s26  }
0xa: {  	s29 =	simm.s32 $0x580;
	[dreg:$0x9] =	wrdreg s28  }
0xb: {  	s30 =	simm.s32 $0x600;
	[dreg:$0xa] =	wrdreg s29  }
0xc: {  	s31 =	simm.s32 $0x680;
	[dreg:$0xb] =	wrdreg s30  }
0xd: {  	s8 =	simm.s32 $0x780;
	[dreg:$0xc] =	wrdreg s31  }
0xe: {  	s9 =	simm.s32 $0x800;
	[dreg:$0xe] =	wrdreg s8  }
0xf: {  	s10 =	simm.s32 $0x880;
	[dreg:$0xf] =	wrdreg s9  }
0x10: {  	s11 =	simm.s32 $0x900;
	[dreg:$0x10] =	wrdreg s10  }
0x11: {  	s12 =	simm.s32 $0x980;
	[dreg:$0x11] =	wrdreg s11  }
0x12: {  	s13 =	simm.s32 $0xA00;
	[dreg:$0x12] =	wrdreg s12  }
0x13: {  	s14 =	simm.s32 $0xA80;
	[dreg:$0x13] =	wrdreg s13  }
0x14: {  	s15 =	simm.s32 $0xB00;
	[dreg:$0x14] =	wrdreg s14  }
0x15: {  	s16 =	simm.s32 $0xB80;
	[dreg:$0x15] =	wrdreg s15  }
0x16: {  	s17 =	simm.s32 $0xC00;
	[dreg:$0x16] =	wrdreg s16  }
0x17: {  	s1 =	stileid.u32;
	s18 =	simm.s32 $0xC80;
	[dreg:$0x17] =	wrdreg s17  }
0x18: {  	s19 =	simm.s32 $0xD00;
	s20 =	simm.s32 $0xD80;
	[dreg:$0x18] =	wrdreg s18  }
0x19: {  	s21 =	simm.s32 $0xE00;
	s6 =	sshll.u32 s1, $0xE;
	[dreg:$0x19] =	wrdreg s19  }
0x1a: {  	s6 =	sadd.s32 s6, s3;
	s7 =	sshll.u32 s5, $0xD;
	[dreg:$0x1a] =	wrdreg s20  }
0x1b: {  	s6 =	sadd.s32 s7, s6;
	s7 =	simm.s32 $0x700;
	[dreg:$0x1b] =	wrdreg s21  }
0x1c: {  	s22 =	simm.s32 $0xE80;
	[dreg:$0xd] =	wrdreg s7  }
0x1d: {  	s23 =	simm.s32 $0xF00;
	[dreg:$0x1c] =	wrdreg s22  }
0x1e: {  	s24 =	simm.s32 $0xF80;
	[dreg:$0x1d] =	wrdreg s23  }
0x1f: {  	s25 =	simm.s32 $0x1000;
	[dreg:$0x1e] =	wrdreg s24  }
0x20: {  	s26 =	simm.s32 $0x1080;
	[dreg:$0x1f] =	wrdreg s25  }
0x21: {  	s28 =	simm.s32 $0x1100;
	[smem:$0x79B] =	sst s26  }
0x22: {  	s29 =	simm.s32 $0x1180;
	[smem:$0x79C] =	sst s28  }
0x23: {  	s30 =	simm.s32 $0x1200;
	[smem:$0x79D] =	sst s29  }
0x24: {  	s31 =	simm.s32 $0x1280;
	[smem:$0x79E] =	sst s30  }
0x25: {  	s8 =	simm.s32 $0x1380;
	[smem:$0x79F] =	sst s31  }
0x26: {  	s9 =	simm.s32 $0x1400;
	[smem:$0x7A1] =	sst s8  }
0x27: {  	s10 =	simm.s32 $0x1480;
	[smem:$0x7A2] =	sst s9  }
0x28: {  	s11 =	simm.s32 $0x1500;
	[smem:$0x7A3] =	sst s10  }
0x29: {  	s12 =	simm.s32 $0x1580;
	[smem:$0x7A4] =	sst s11  }
0x2a: {  	s13 =	simm.s32 $0x1600;
	[smem:$0x7A5] =	sst s12  }
0x2b: {  	s14 =	simm.s32 $0x1680;
	[smem:$0x7A6] =	sst s13  }
0x2c: {  	s15 =	simm.s32 $0x1700;
	[smem:$0x7A7] =	sst s14  }
0x2d: {  	s16 =	simm.s32 $0x1780;
	[smem:$0x7A8] =	sst s15  }
0x2e: {  	s17 =	simm.s32 $0x1800;
	[smem:$0x7A9] =	sst s16  }
0x2f: {  	s18 =	simm.s32 $0x1880;
	[smem:$0x7AA] =	sst s17  }
0x30: {  	s19 =	simm.s32 $0x1900;
	[smem:$0x7AB] =	sst s18  }
0x31: {  	s20 =	simm.s32 $0x1980;
	[smem:$0x7AC] =	sst s19  }
0x32: {  	s21 =	simm.s32 $0x1A00;
	[smem:$0x7AD] =	sst s20  }
0x33: {  	s6 =	sadd.s32 $0xF42C00, s6;
	[smem:$0x7AE] =	sst s21  }
0x34: {  	s7 =	simm.s32 $0x1300;
	[dreg:$0x3] =	wrdreg s6  }
0x35: {  	s22 =	simm.s32 $0x1A80;
	[smem:$0x7A0] =	sst s7  }
0x36: {  	s23 =	simm.s32 $0x1B00;
	[smem:$0x7AF] =	sst s22  }
0x37: {  	s24 =	simm.s32 $0x1B80;
	[smem:$0x7B0] =	sst s23  }
0x38: {  	s25 =	simm.s32 $0x1C00;
	[smem:$0x7B1] =	sst s24  }
0x39: {  	s26 =	simm.s32 $0x1C80;
	[smem:$0x7B2] =	sst s25  }
0x3a: {  	s28 =	simm.s32 $0x1D00;
	[smem:$0x7B3] =	sst s26  }
0x3b: {  	s29 =	simm.s32 $0x1D80;
	[smem:$0x7B4] =	sst s28  }
0x3c: {  	s30 =	simm.s32 $0x1E00;
	[smem:$0x7B5] =	sst s29  }
0x3d: {  	s31 =	simm.s32 $0x1E80;
	[smem:$0x7B6] =	sst s30  }
0x3e: {  	s8 =	simm.s32 $0x1F80;
	[smem:$0x7B7] =	sst s31  }
0x3f: {  	s9 =	simm.s32 $0x2000;
	[smem:$0x7B9] =	sst s8  }
0x40: {  	s10 =	simm.s32 $0x2080;
	[smem:$0x7BA] =	sst s9  }
0x41: {  	s11 =	simm.s32 $0x2100;
	[smem:$0x7BB] =	sst s10  }
0x42: {  	s12 =	simm.s32 $0x2180;
	[smem:$0x7BC] =	sst s11  }
0x43: {  	s13 =	simm.s32 $0x2200;
	[smem:$0x7BD] =	sst s12  }
0x44: {  	s14 =	simm.s32 $0x2280;
	[smem:$0x7BE] =	sst s13  }
0x45: {  	s15 =	simm.s32 $0x2300;
	[smem:$0x7BF] =	sst s14  }
0x46: {  	s16 =	simm.s32 $0x2380;
	[smem:$0x7C0] =	sst s15  }
0x47: {  	s17 =	simm.s32 $0x2400;
	[smem:$0x7C1] =	sst s16  }
0x48: {  	s18 =	simm.s32 $0x2480;
	[smem:$0x7C2] =	sst s17  }
0x49: {  	s19 =	simm.s32 $0x2500;
	[smem:$0x7C3] =	sst s18  }
0x4a: {  	s20 =	simm.s32 $0x2580;
	[smem:$0x7C4] =	sst s19  }
0x4b: {  	s21 =	simm.s32 $0x2600;
	[smem:$0x7C5] =	sst s20  }
0x4c: {  	s7 =	simm.s32 $0x1F00;
	[smem:$0x7C6] =	sst s21  }
0x4d: {  	s22 =	simm.s32 $0x2680;
	[smem:$0x7B8] =	sst s7  }
0x4e: {  	s23 =	simm.s32 $0x2700;
	[smem:$0x7C7] =	sst s22  }
0x4f: {  	s24 =	simm.s32 $0x2780;
	[smem:$0x7C8] =	sst s23  }
0x50: {  	s25 =	simm.s32 $0x2800;
	[smem:$0x7C9] =	sst s24  }
0x51: {  	s26 =	simm.s32 $0x2880;
	[smem:$0x7CA] =	sst s25  }
0x52: {  	s28 =	simm.s32 $0x2900;
	[smem:$0x7CB] =	sst s26  }
0x53: {  	s29 =	simm.s32 $0x2980;
	[smem:$0x7CC] =	sst s28  }
0x54: {  	s30 =	simm.s32 $0x2A00;
	[smem:$0x7CD] =	sst s29  }
0x55: {  	s31 =	simm.s32 $0x2A80;
	[smem:$0x7CE] =	sst s30  }
0x56: {  	s8 =	simm.s32 $0x2B80;
	[smem:$0x7CF] =	sst s31  }
0x57: {  	s9 =	simm.s32 $0x2C00;
	[smem:$0x7D1] =	sst s8  }
0x58: {  	s10 =	simm.s32 $0x2C80;
	[smem:$0x7D2] =	sst s9  }
0x59: {  	s11 =	simm.s32 $0x2D00;
	[smem:$0x7D3] =	sst s10  }
0x5a: {  	s12 =	simm.s32 $0x2D80;
	[smem:$0x7D4] =	sst s11  }
0x5b: {  	s13 =	simm.s32 $0x2E00;
	[smem:$0x7D5] =	sst s12  }
0x5c: {  	s14 =	simm.s32 $0x2E80;
	[smem:$0x7D6] =	sst s13  }
0x5d: {  	s15 =	simm.s32 $0x2F00;
	[smem:$0x7D7] =	sst s14  }
0x5e: {  	s16 =	simm.s32 $0x2F80;
	[smem:$0x7D8] =	sst s15  }
0x5f: {  	s17 =	simm.s32 $0x3000;
	[smem:$0x7D9] =	sst s16  }
0x60: {  	s18 =	simm.s32 $0x3080;
	[smem:$0x7DA] =	sst s17  }
0x61: {  	s19 =	simm.s32 $0x3100;
	[smem:$0x7DB] =	sst s18  }
0x62: {  	s20 =	simm.s32 $0x3180;
	[smem:$0x7DC] =	sst s19  }
0x63: {  	s21 =	simm.s32 $0x3200;
	[smem:$0x7DD] =	sst s20  }
0x64: {  	s7 =	simm.s32 $0x2B00;
	[smem:$0x7DE] =	sst s21  }
0x65: {  	s22 =	simm.s32 $0x3280;
	[smem:$0x7D0] =	sst s7  }
0x66: {  	s23 =	simm.s32 $0x3300;
	[smem:$0x7DF] =	sst s22  }
0x67: {  	s24 =	simm.s32 $0x3380;
	[smem:$0x7E0] =	sst s23  }
0x68: {  	s25 =	simm.s32 $0x3400;
	[smem:$0x7E1] =	sst s24  }
0x69: {  	s26 =	simm.s32 $0x3480;
	[smem:$0x7E2] =	sst s25  }
0x6a: {  	s28 =	simm.s32 $0x3500;
	[smem:$0x7E3] =	sst s26  }
0x6b: {  	s29 =	simm.s32 $0x3580;
	[smem:$0x7E4] =	sst s28  }
0x6c: {  	s30 =	simm.s32 $0x3600;
	[smem:$0x7E5] =	sst s29  }
0x6d: {  	s31 =	simm.s32 $0x3680;
	[smem:$0x7E6] =	sst s30  }
0x6e: {  	s8 =	simm.s32 $0x3780;
	[smem:$0x7E7] =	sst s31  }
0x6f: {  	s9 =	simm.s32 $0x3800;
	[smem:$0x7E9] =	sst s8  }
0x70: {  	s10 =	simm.s32 $0x3880;
	[smem:$0x7EA] =	sst s9  }
0x71: {  	s11 =	simm.s32 $0x3900;
	[smem:$0x7EB] =	sst s10  }
0x72: {  	s12 =	simm.s32 $0x3980;
	[smem:$0x7EC] =	sst s11  }
0x73: {  	s13 =	simm.s32 $0x3A00;
	[smem:$0x7ED] =	sst s12  }
0x74: {  	s14 =	simm.s32 $0x3A80;
	[smem:$0x7EE] =	sst s13  }
0x75: {  	s15 =	simm.s32 $0x3B00;
	[smem:$0x7EF] =	sst s14  }
0x76: {  	s16 =	simm.s32 $0x3B80;
	[smem:$0x7F0] =	sst s15  }
0x77: {  	s17 =	simm.s32 $0x3C00;
	[smem:$0x7F1] =	sst s16  }
0x78: {  	s18 =	simm.s32 $0x3C80;
	[smem:$0x7F2] =	sst s17  }
0x79: {  	s19 =	simm.s32 $0x3D00;
	[smem:$0x7F3] =	sst s18  }
0x7a: {  	s3 =	sadd.s32 $0x600, s3;
	s21 =	simm.s32 $0x3D80;
	[smem:$0x7F4] =	sst s19  }
0x7b: {  	s6 =	simm.s32 $0x3;
	s7 =	simm.s32 $0x3700;
	[smem:$0x7F5] =	sst s21  }
0x7c: {  	s20 =	ssub.s32 $0x2, s5;
	s22 =	simm.s32 $0x3E00;
	[smem:$0x7E8] =	sst s7  }
0x7d: {  	s5 =	sshll.u32 s5, $0x9;
	s23 =	simm.s32 $0x3E80;
	[smem:$0x7F6] =	sst s22  }
0x7e: {  	s8 =	sshrl.u32 s20, $0x1;
	s25 =	simm.s32 $0x3F00;
	[smem:$0x7F7] =	sst s23  }
0x7f: {  	s24 =	sshll.u32 s1, $0xA;
	s26 =	simm.s32 $0x3F80;
	[smem:$0x7F8] =	sst s25  }
0x80: {  	s28 =	simm.s32 $0x4000;
	s29 =	simm.s32 $0x4080;
	[smem:$0x7F9] =	sst s26  }
0x81: {  	s30 =	simm.s32 $0x4100;
	s31 =	simm.s32 $0x4180;
	[smem:$0x7FA] =	sst s28  }
0x82: {  	s9 =	simm.s32 $0x2;
	s10 =	simm.s32 $0x0;
	[smem:$0x7FB] =	sst s29  }
0x83: {  	s7 =	ssub.s32 s20, s8;
	s5 =	sor.u32 s5, s24;
	[smem:$0x7FC] =	sst s30  }
0x84: {  	[smem:$0x7FD] =	sst s31;
	s8 =	simm.s32 $0x1;
	s5 =	sshrl.u32 s5, $0x3  }
0x85: {  	s4 =	sadd.s32 s4, s5;
	s5 =	smax.u32 s7, $0x1;
	s7 =	simm.s32 $0x200  }
.LBB2_1:
0x86: {  	[tilespmem:s2], [sflag:$0x3] =	stream.linear.gather [hbm4b:s4+s2], $0x200, $0x38;
	[tilespmem:$0x4200] =	vst v63  }
0x87: {  	_ =	swait.ge [sflag:s6], $0x200  }
0x88: {  	[sflag:s6] =	ssyncset.done $0x0  }
0x89: {  	s11 =	simm.s32 $0x40;
	s12 =	simm.s32 $0x0;
	[sflag:s6] =	ssyncadd.s32 $0xFFFFFE00  }
.LBB2_2:
0x8a: {  	v0 =	vld [tilespmem:s11+$0xFFFFFFC0];
	_ =	sdelay $0x4  }
0x8b: {  	v0 =	vshll.u32 v0, $0x4  }
0x8c: {  	(v2sf) =	vpush v0, $0x0;
	_ =	sdelay $0x1  }
0x8d: {  	(v2sf) =	vpush v0, $0x1;
	_ =	sdelay $0x1  }
0x8e: {  	(v2sf) =	vpush v0, $0x2;
	_ =	sdelay $0x2  }
0x8f: {  	(v2sf) =	vpush v0, $0x3;
	_ =	sdelay $0x7  }
0x90: {  	s13 =	spop (v2sf);
	(v2sf) =	vpush v0, $0x4;
	_ =	sdelay $0x1  }
0x91: {  	s20 =	spop (v2sf);
	(v2sf) =	vpush v0, $0x5;
	_ =	sdelay $0x1  }
0x92: {  	s21 =	spop (v2sf);
	(v2sf) =	vpush v0, $0x6;
	_ =	sdelay $0x1  }
0x93: {  	s13 =	sand.u32 $0x1FFFFFF0, s13  }
0x94: {  	s13 =	sadd.s32 s3, s13;
	s23 =	spop (v2sf);
	(v2sf) =	vpush v0, $0x7  }
0x95: {  	[tilespmem:s7], [sflag:$0x1] =	stream.linear.gather [hbm4b:s13+s2], $0x80, $0x38;
	[tilespmem:$0x4200] =	vst v63  }
0x96: {  	s13 =	sand.u32 $0x1FFFFFF0, s20  }
0x97: {  	s14 =	rddreg [dreg:$0x4];
	s13 =	sadd.s32 s3, s13  }
0x98: {  	[tilespmem:s14], [sflag:$0x1] =	stream.linear.gather [hbm4b:s13+s2], $0x80, $0x38;
	[tilespmem:$0x4200] =	vst v63  }
0x99: {  	s13 =	sand.u32 $0x1FFFFFF0, s21  }
0x9a: {  	s22 =	rddreg [dreg:$0x5];
	s13 =	sadd.s32 s3, s13  }
0x9b: {  	[tilespmem:s22], [sflag:$0x1] =	stream.linear.gather [hbm4b:s13+s2], $0x80, $0x38;
	[tilespmem:$0x4200] =	vst v63  }
0x9c: {  	s25 =	spop (v2sf);
	(v2sf) =	vpush v0, $0x8  }
0x9d: {  	s13 =	sand.u32 $0x1FFFFFF0, s23  }
0x9e: {  	s24 =	rddreg [dreg:$0x6];
	s13 =	sadd.s32 s3, s13;
	s28 =	spop (v2sf);
	(v2sf) =	vpush v0, $0x9  }
0x9f: {  	[tilespmem:s24], [sflag:$0x1] =	stream.linear.gather [hbm4b:s13+s2], $0x80, $0x38;
	[tilespmem:$0x4200] =	vst v63  }
0xa0: {  	s13 =	sand.u32 $0x1FFFFFF0, s25;
	s30 =	spop (v2sf);
	(v2sf) =	vpush v0, $0xA  }
0xa1: {  	s26 =	rddreg [dreg:$0x7];
	s13 =	sadd.s32 s3, s13  }
0xa2: {  	[tilespmem:s26], [sflag:$0x1] =	stream.linear.gather [hbm4b:s13+s2], $0x80, $0x38;
	[tilespmem:$0x4200] =	vst v63  }
0xa3: {  	s15 =	spop (v2sf);
	(v2sf) =	vpush v0, $0xB  }
0xa4: {  	s13 =	sand.u32 $0x1FFFFFF0, s28  }
0xa5: {  	s29 =	rddreg [dreg:$0x8];
	s13 =	sadd.s32 s3, s13  }
0xa6: {  	[tilespmem:s29], [sflag:$0x1] =	stream.linear.gather [hbm4b:s13+s2], $0x80, $0x38;
	[tilespmem:$0x4200] =	vst v63  }
0xa7: {  	s13 =	sand.u32 $0x1FFFFFF0, s30  }
0xa8: {  	s31 =	rddreg [dreg:$0x9];
	s13 =	sadd.s32 s3, s13  }
0xa9: {  	[tilespmem:s31], [sflag:$0x1] =	stream.linear.gather [hbm4b:s13+s2], $0x80, $0x38;
	[tilespmem:$0x4200] =	vst v63  }
0xaa: {  	s13 =	sand.u32 $0x1FFFFFF0, s15  }
0xab: {  	s16 =	rddreg [dreg:$0xa];
	s13 =	sadd.s32 s3, s13;
	s17 =	spop (v2sf);
	(v2sf) =	vpush v0, $0xC  }
0xac: {  	[tilespmem:s16], [sflag:$0x1] =	stream.linear.gather [hbm4b:s13+s2], $0x80, $0x38;
	[tilespmem:$0x4200] =	vst v63  }
0xad: {  	s19 =	spop (v2sf);
	(v2sf) =	vpush v0, $0xD  }
0xae: {  	s13 =	sand.u32 $0x1FFFFFF0, s17  }
0xaf: {  	s18 =	rddreg [dreg:$0xb];
	s13 =	sadd.s32 s3, s13;
	s21 =	spop (v2sf)  }
0xb0: {  	(v2sf) =	vpush v0, $0xE;
	[tilespmem:s18], [sflag:$0x1] =	stream.linear.gather [hbm4b:s13+s2], $0x80, $0x38;
	[tilespmem:$0x4200] =	vst v63  }
0xb1: {  	s13 =	sand.u32 $0x1FFFFFF0, s19  }
0xb2: {  	s20 =	rddreg [dreg:$0xc];
	s23 =	spop (v2sf);
	s13 =	sadd.s32 s3, s13  }
0xb3: {  	(v2sf) =	vpush v0, $0xF;
	[tilespmem:s20], [sflag:$0x1] =	stream.linear.gather [hbm4b:s13+s2], $0x80, $0x38;
	[tilespmem:$0x4200] =	vst v63  }
0xb4: {  	s13 =	sand.u32 $0x1FFFFFF0, s21  }
0xb5: {  	s22 =	rddreg [dreg:$0xd];
	s13 =	sadd.s32 s3, s13  }
0xb6: {  	[tilespmem:s22], [sflag:$0x1] =	stream.linear.gather [hbm4b:s13+s2], $0x80, $0x38;
	[tilespmem:$0x4200] =	vst v63  }
0xb7: {  	s13 =	sand.u32 $0x1FFFFFF0, s23  }
0xb8: {  	s24 =	rddreg [dreg:$0xe];
	s13 =	sadd.s32 s3, s13  }
0xb9: {  	[tilespmem:s24], [sflag:$0x1] =	stream.linear.gather [hbm4b:s13+s2], $0x80, $0x38;
	[tilespmem:$0x4200] =	vst v63  }
0xba: {  	s25 =	spop (v2sf)  }
0xbb: {  	s13 =	sand.u32 $0x1FFFFFF0, s25  }
0xbc: {  	s26 =	rddreg [dreg:$0xf];
	s28 =	spop (v2sf);
	s13 =	sadd.s32 s3, s13  }
0xbd: {  	[tilespmem:s26], [sflag:$0x1] =	stream.linear.gather [hbm4b:s13+s2], $0x80, $0x38;
	[tilespmem:$0x4200] =	vst v63  }
0xbe: {  	s13 =	sand.u32 $0x1FFFFFF0, s28  }
0xbf: {  	s29 =	rddreg [dreg:$0x10];
	s30 =	spop (v2sf);
	s13 =	sadd.s32 s3, s13  }
0xc0: {  	[tilespmem:s29], [sflag:$0x1] =	stream.linear.gather [hbm4b:s13+s2], $0x80, $0x38;
	[tilespmem:$0x4200] =	vst v63  }
0xc1: {  	s13 =	sand.u32 $0x1FFFFFF0, s30  }
0xc2: {  	s31 =	rddreg [dreg:$0x11];
	s15 =	spop (v2sf);
	s13 =	sadd.s32 s3, s13  }
0xc3: {  	[tilespmem:s31], [sflag:$0x1] =	stream.linear.gather [hbm4b:s13+s2], $0x80, $0x38;
	[tilespmem:$0x4200] =	vst v63  }
0xc4: {  	s13 =	sand.u32 $0x1FFFFFF0, s15  }
0xc5: {  	s16 =	rddreg [dreg:$0x12];
	s13 =	sadd.s32 s3, s13  }
0xc6: {  	[tilespmem:s16], [sflag:$0x1] =	stream.linear.gather [hbm4b:s13+s2], $0x80, $0x38;
	[tilespmem:$0x4200] =	vst v63  }
0xc7: {  	v57 =	vld [tilespmem:s11+$0xFFFFFFD0];
	_ =	sdelay $0x4  }
0xc8: {  	v0 =	vshll.u32 v57, $0x4  }
0xc9: {  	(v2sf) =	vpush v0, $0x0;
	_ =	sdelay $0x1  }
0xca: {  	(v2sf) =	vpush v0, $0x1;
	_ =	sdelay $0x1  }
0xcb: {  	(v2sf) =	vpush v0, $0x2;
	_ =	sdelay $0x2  }
0xcc: {  	(v2sf) =	vpush v0, $0x3;
	_ =	sdelay $0x7  }
0xcd: {  	s17 =	spop (v2sf);
	(v2sf) =	vpush v0, $0x4;
	_ =	sdelay $0x1  }
0xce: {  	s19 =	spop (v2sf);
	(v2sf) =	vpush v0, $0x5;
	_ =	sdelay $0x1  }
0xcf: {  	s21 =	spop (v2sf);
	(v2sf) =	vpush v0, $0x6;
	_ =	sdelay $0x1  }
0xd0: {  	s13 =	sand.u32 $0x1FFFFFF0, s17  }
0xd1: {  	s18 =	rddreg [dreg:$0x13];
	s13 =	sadd.s32 s3, s13;
	s23 =	spop (v2sf);
	(v2sf) =	vpush v0, $0x7  }
0xd2: {  	[tilespmem:s18], [sflag:$0x1] =	stream.linear.gather [hbm4b:s13+s2], $0x80, $0x38;
	[tilespmem:$0x4200] =	vst v63  }
0xd3: {  	s13 =	sand.u32 $0x1FFFFFF0, s19  }
0xd4: {  	s20 =	rddreg [dreg:$0x14];
	s13 =	sadd.s32 s3, s13  }
0xd5: {  	[tilespmem:s20], [sflag:$0x1] =	stream.linear.gather [hbm4b:s13+s2], $0x80, $0x38;
	[tilespmem:$0x4200] =	vst v63  }
0xd6: {  	s13 =	sand.u32 $0x1FFFFFF0, s21  }
0xd7: {  	s22 =	rddreg [dreg:$0x15];
	s13 =	sadd.s32 s3, s13  }
0xd8: {  	[tilespmem:s22], [sflag:$0x1] =	stream.linear.gather [hbm4b:s13+s2], $0x80, $0x38;
	[tilespmem:$0x4200] =	vst v63  }
0xd9: {  	s25 =	spop (v2sf);
	(v2sf) =	vpush v0, $0x8  }
0xda: {  	s13 =	sand.u32 $0x1FFFFFF0, s23  }
0xdb: {  	s24 =	rddreg [dreg:$0x16];
	s13 =	sadd.s32 s3, s13;
	s28 =	spop (v2sf);
	(v2sf) =	vpush v0, $0x9  }
0xdc: {  	[tilespmem:s24], [sflag:$0x1] =	stream.linear.gather [hbm4b:s13+s2], $0x80, $0x38;
	[tilespmem:$0x4200] =	vst v63  }
0xdd: {  	s13 =	sand.u32 $0x1FFFFFF0, s25;
	s30 =	spop (v2sf);
	(v2sf) =	vpush v0, $0xA  }
0xde: {  	s26 =	rddreg [dreg:$0x17];
	s13 =	sadd.s32 s3, s13  }
0xdf: {  	[tilespmem:s26], [sflag:$0x1] =	stream.linear.gather [hbm4b:s13+s2], $0x80, $0x38;
	[tilespmem:$0x4200] =	vst v63  }
0xe0: {  	s15 =	spop (v2sf);
	(v2sf) =	vpush v0, $0xB  }
0xe1: {  	s13 =	sand.u32 $0x1FFFFFF0, s28  }
0xe2: {  	s29 =	rddreg [dreg:$0x18];
	s13 =	sadd.s32 s3, s13  }
0xe3: {  	[tilespmem:s29], [sflag:$0x1] =	stream.linear.gather [hbm4b:s13+s2], $0x80, $0x38;
	[tilespmem:$0x4200] =	vst v63  }
0xe4: {  	s13 =	sand.u32 $0x1FFFFFF0, s30  }
0xe5: {  	s31 =	rddreg [dreg:$0x19];
	s13 =	sadd.s32 s3, s13  }
0xe6: {  	[tilespmem:s31], [sflag:$0x1] =	stream.linear.gather [hbm4b:s13+s2], $0x80, $0x38;
	[tilespmem:$0x4200] =	vst v63  }
0xe7: {  	s13 =	sand.u32 $0x1FFFFFF0, s15  }
0xe8: {  	s16 =	rddreg [dreg:$0x1a];
	s13 =	sadd.s32 s3, s13;
	s17 =	spop (v2sf);
	(v2sf) =	vpush v0, $0xC  }
0xe9: {  	[tilespmem:s16], [sflag:$0x1] =	stream.linear.gather [hbm4b:s13+s2], $0x80, $0x38;
	[tilespmem:$0x4200] =	vst v63  }
0xea: {  	s19 =	spop (v2sf);
	(v2sf) =	vpush v0, $0xD  }
0xeb: {  	s13 =	sand.u32 $0x1FFFFFF0, s17  }
0xec: {  	s18 =	rddreg [dreg:$0x1b];
	s13 =	sadd.s32 s3, s13;
	s21 =	spop (v2sf)  }
0xed: {  	(v2sf) =	vpush v0, $0xE;
	[tilespmem:s18], [sflag:$0x1] =	stream.linear.gather [hbm4b:s13+s2], $0x80, $0x38;
	[tilespmem:$0x4200] =	vst v63  }
0xee: {  	s13 =	sand.u32 $0x1FFFFFF0, s19  }
0xef: {  	s20 =	rddreg [dreg:$0x1c];
	s23 =	spop (v2sf);
	s13 =	sadd.s32 s3, s13  }
0xf0: {  	(v2sf) =	vpush v0, $0xF;
	[tilespmem:s20], [sflag:$0x1] =	stream.linear.gather [hbm4b:s13+s2], $0x80, $0x38;
	[tilespmem:$0x4200] =	vst v63  }
0xf1: {  	s13 =	sand.u32 $0x1FFFFFF0, s21  }
0xf2: {  	s22 =	rddreg [dreg:$0x1d];
	s13 =	sadd.s32 s3, s13  }
0xf3: {  	[tilespmem:s22], [sflag:$0x1] =	stream.linear.gather [hbm4b:s13+s2], $0x80, $0x38;
	[tilespmem:$0x4200] =	vst v63  }
0xf4: {  	s13 =	sand.u32 $0x1FFFFFF0, s23  }
0xf5: {  	s24 =	rddreg [dreg:$0x1e];
	s13 =	sadd.s32 s3, s13  }
0xf6: {  	[tilespmem:s24], [sflag:$0x1] =	stream.linear.gather [hbm4b:s13+s2], $0x80, $0x38;
	[tilespmem:$0x4200] =	vst v63  }
0xf7: {  	s25 =	spop (v2sf)  }
0xf8: {  	s26 =	rddreg [dreg:$0x1f];
	s13 =	sand.u32 $0x1FFFFFF0, s25  }
0xf9: {  	s29 =	sld [smem:$0x79B];
	s28 =	spop (v2sf);
	s13 =	sadd.s32 s3, s13  }
0xfa: {  	[tilespmem:s26], [sflag:$0x1] =	stream.linear.gather [hbm4b:s13+s2], $0x80, $0x38;
	[tilespmem:$0x4200] =	vst v63  }
0xfb: {  	s13 =	sand.u32 $0x1FFFFFF0, s28  }
0xfc: {  	s31 =	sld [smem:$0x79C];
	s30 =	spop (v2sf);
	s13 =	sadd.s32 s3, s13  }
0xfd: {  	[tilespmem:s29], [sflag:$0x1] =	stream.linear.gather [hbm4b:s13+s2], $0x80, $0x38;
	[tilespmem:$0x4200] =	vst v63  }
0xfe: {  	s13 =	sand.u32 $0x1FFFFFF0, s30  }
0xff: {  	s16 =	sld [smem:$0x79D];
	s15 =	spop (v2sf);
	s13 =	sadd.s32 s3, s13  }
0x100: {  	[tilespmem:s31], [sflag:$0x1] =	stream.linear.gather [hbm4b:s13+s2], $0x80, $0x38;
	[tilespmem:$0x4200] =	vst v63  }
0x101: {  	s13 =	sand.u32 $0x1FFFFFF0, s15  }
0x102: {  	s13 =	sadd.s32 s3, s13  }
0x103: {  	[tilespmem:s16], [sflag:$0x1] =	stream.linear.gather [hbm4b:s13+s2], $0x80, $0x38;
	[tilespmem:$0x4200] =	vst v63  }
0x104: {  	v58 =	vld [tilespmem:s11+$0xFFFFFFE0];
	_ =	sdelay $0x4  }
0x105: {  	v0 =	vshll.u32 v58, $0x4  }
0x106: {  	(v2sf) =	vpush v0, $0x0;
	_ =	sdelay $0x1  }
0x107: {  	(v2sf) =	vpush v0, $0x1;
	_ =	sdelay $0x1  }
0x108: {  	(v2sf) =	vpush v0, $0x2;
	_ =	sdelay $0x2  }
0x109: {  	(v2sf) =	vpush v0, $0x3;
	_ =	sdelay $0x7  }
0x10a: {  	s17 =	spop (v2sf);
	(v2sf) =	vpush v0, $0x4;
	_ =	sdelay $0x1  }
0x10b: {  	s19 =	spop (v2sf);
	(v2sf) =	vpush v0, $0x5;
	_ =	sdelay $0x1  }
0x10c: {  	s21 =	spop (v2sf);
	(v2sf) =	vpush v0, $0x6  }
0x10d: {  	s18 =	sld [smem:$0x79E]  }
0x10e: {  	s13 =	sand.u32 $0x1FFFFFF0, s17  }
0x10f: {  	s20 =	sld [smem:$0x79F];
	s13 =	sadd.s32 s3, s13;
	s23 =	spop (v2sf);
	(v2sf) =	vpush v0, $0x7  }
0x110: {  	[tilespmem:s18], [sflag:$0x1] =	stream.linear.gather [hbm4b:s13+s2], $0x80, $0x38;
	[tilespmem:$0x4200] =	vst v63  }
0x111: {  	s13 =	sand.u32 $0x1FFFFFF0, s19  }
0x112: {  	s22 =	sld [smem:$0x7A0];
	s13 =	sadd.s32 s3, s13  }
0x113: {  	[tilespmem:s20], [sflag:$0x1] =	stream.linear.gather [hbm4b:s13+s2], $0x80, $0x38;
	[tilespmem:$0x4200] =	vst v63  }
0x114: {  	s13 =	sand.u32 $0x1FFFFFF0, s21  }
0x115: {  	s13 =	sadd.s32 s3, s13  }
0x116: {  	[tilespmem:s22], [sflag:$0x1] =	stream.linear.gather [hbm4b:s13+s2], $0x80, $0x38;
	[tilespmem:$0x4200] =	vst v63  }
0x117: {  	s24 =	sld [smem:$0x7A1];
	s25 =	spop (v2sf);
	(v2sf) =	vpush v0, $0x8  }
0x118: {  	s13 =	sand.u32 $0x1FFFFFF0, s23  }
0x119: {  	s26 =	sld [smem:$0x7A2];
	s13 =	sadd.s32 s3, s13;
	s28 =	spop (v2sf);
	(v2sf) =	vpush v0, $0x9  }
0x11a: {  	[tilespmem:s24], [sflag:$0x1] =	stream.linear.gather [hbm4b:s13+s2], $0x80, $0x38;
	[tilespmem:$0x4200] =	vst v63  }
0x11b: {  	s13 =	sand.u32 $0x1FFFFFF0, s25;
	s30 =	spop (v2sf);
	(v2sf) =	vpush v0, $0xA  }
0x11c: {  	s13 =	sadd.s32 s3, s13  }
0x11d: {  	[tilespmem:s26], [sflag:$0x1] =	stream.linear.gather [hbm4b:s13+s2], $0x80, $0x38;
	[tilespmem:$0x4200] =	vst v63  }
0x11e: {  	s29 =	sld [smem:$0x7A3];
	s15 =	spop (v2sf);
	(v2sf) =	vpush v0, $0xB  }
0x11f: {  	s13 =	sand.u32 $0x1FFFFFF0, s28  }
0x120: {  	s31 =	sld [smem:$0x7A4];
	s13 =	sadd.s32 s3, s13  }
0x121: {  	[tilespmem:s29], [sflag:$0x1] =	stream.linear.gather [hbm4b:s13+s2], $0x80, $0x38;
	[tilespmem:$0x4200] =	vst v63  }
0x122: {  	s13 =	sand.u32 $0x1FFFFFF0, s30  }
0x123: {  	s16 =	sld [smem:$0x7A5];
	s13 =	sadd.s32 s3, s13  }
0x124: {  	[tilespmem:s31], [sflag:$0x1] =	stream.linear.gather [hbm4b:s13+s2], $0x80, $0x38;
	[tilespmem:$0x4200] =	vst v63  }
0x125: {  	s13 =	sand.u32 $0x1FFFFFF0, s15  }
0x126: {  	s13 =	sadd.s32 s3, s13;
	s17 =	spop (v2sf);
	(v2sf) =	vpush v0, $0xC  }
0x127: {  	[tilespmem:s16], [sflag:$0x1] =	stream.linear.gather [hbm4b:s13+s2], $0x80, $0x38;
	[tilespmem:$0x4200] =	vst v63  }
0x128: {  	s18 =	sld [smem:$0x7A6];
	s19 =	spop (v2sf);
	(v2sf) =	vpush v0, $0xD  }
0x129: {  	s13 =	sand.u32 $0x1FFFFFF0, s17  }
0x12a: {  	s20 =	sld [smem:$0x7A7];
	s13 =	sadd.s32 s3, s13;
	s21 =	spop (v2sf)  }
0x12b: {  	(v2sf) =	vpush v0, $0xE;
	[tilespmem:s18], [sflag:$0x1] =	stream.linear.gather [hbm4b:s13+s2], $0x80, $0x38;
	[tilespmem:$0x4200] =	vst v63  }
0x12c: {  	s13 =	sand.u32 $0x1FFFFFF0, s19  }
0x12d: {  	s22 =	sld [smem:$0x7A8];
	s23 =	spop (v2sf);
	s13 =	sadd.s32 s3, s13  }
0x12e: {  	(v2sf) =	vpush v0, $0xF;
	[tilespmem:s20], [sflag:$0x1] =	stream.linear.gather [hbm4b:s13+s2], $0x80, $0x38;
	[tilespmem:$0x4200] =	vst v63  }
0x12f: {  	s13 =	sand.u32 $0x1FFFFFF0, s21  }
0x130: {  	s24 =	sld [smem:$0x7A9];
	s13 =	sadd.s32 s3, s13  }
0x131: {  	[tilespmem:s22], [sflag:$0x1] =	stream.linear.gather [hbm4b:s13+s2], $0x80, $0x38;
	[tilespmem:$0x4200] =	vst v63  }
0x132: {  	s13 =	sand.u32 $0x1FFFFFF0, s23  }
0x133: {  	s13 =	sadd.s32 s3, s13  }
0x134: {  	[tilespmem:s24], [sflag:$0x1] =	stream.linear.gather [hbm4b:s13+s2], $0x80, $0x38;
	[tilespmem:$0x4200] =	vst v63  }
0x135: {  	s26 =	sld [smem:$0x7AA];
	s25 =	spop (v2sf)  }
0x136: {  	s13 =	sand.u32 $0x1FFFFFF0, s25  }
0x137: {  	s29 =	sld [smem:$0x7AB];
	s28 =	spop (v2sf);
	s13 =	sadd.s32 s3, s13  }
0x138: {  	[tilespmem:s26], [sflag:$0x1] =	stream.linear.gather [hbm4b:s13+s2], $0x80, $0x38;
	[tilespmem:$0x4200] =	vst v63  }
0x139: {  	s13 =	sand.u32 $0x1FFFFFF0, s28  }
0x13a: {  	s31 =	sld [smem:$0x7AC];
	s30 =	spop (v2sf);
	s13 =	sadd.s32 s3, s13  }
0x13b: {  	[tilespmem:s29], [sflag:$0x1] =	stream.linear.gather [hbm4b:s13+s2], $0x80, $0x38;
	[tilespmem:$0x4200] =	vst v63  }
0x13c: {  	s13 =	sand.u32 $0x1FFFFFF0, s30  }
0x13d: {  	s16 =	sld [smem:$0x7AD];
	s15 =	spop (v2sf);
	s13 =	sadd.s32 s3, s13  }
0x13e: {  	[tilespmem:s31], [sflag:$0x1] =	stream.linear.gather [hbm4b:s13+s2], $0x80, $0x38;
	[tilespmem:$0x4200] =	vst v63  }
0x13f: {  	s13 =	sand.u32 $0x1FFFFFF0, s15  }
0x140: {  	s13 =	sadd.s32 s3, s13  }
0x141: {  	[tilespmem:s16], [sflag:$0x1] =	stream.linear.gather [hbm4b:s13+s2], $0x80, $0x38;
	[tilespmem:$0x4200] =	vst v63  }
0x142: {  	v59 =	vld [tilespmem:s11+$0xFFFFFFF0];
	_ =	sdelay $0x4  }
0x143: {  	v0 =	vshll.u32 v59, $0x4  }
0x144: {  	(v2sf) =	vpush v0, $0x0;
	_ =	sdelay $0x1  }
0x145: {  	(v2sf) =	vpush v0, $0x1;
	_ =	sdelay $0x1  }
0x146: {  	(v2sf) =	vpush v0, $0x2;
	_ =	sdelay $0x2  }
0x147: {  	(v2sf) =	vpush v0, $0x3;
	_ =	sdelay $0x7  }
0x148: {  	s17 =	spop (v2sf);
	(v2sf) =	vpush v0, $0x4;
	_ =	sdelay $0x1  }
0x149: {  	s19 =	spop (v2sf);
	(v2sf) =	vpush v0, $0x5;
	_ =	sdelay $0x1  }
0x14a: {  	s21 =	spop (v2sf);
	(v2sf) =	vpush v0, $0x6  }
0x14b: {  	s18 =	sld [smem:$0x7AE]  }
0x14c: {  	s13 =	sand.u32 $0x1FFFFFF0, s17  }
0x14d: {  	s20 =	sld [smem:$0x7AF];
	s13 =	sadd.s32 s3, s13;
	s23 =	spop (v2sf);
	(v2sf) =	vpush v0, $0x7  }
0x14e: {  	[tilespmem:s18], [sflag:$0x1] =	stream.linear.gather [hbm4b:s13+s2], $0x80, $0x38;
	[tilespmem:$0x4200] =	vst v63  }
0x14f: {  	s13 =	sand.u32 $0x1FFFFFF0, s19  }
0x150: {  	s22 =	sld [smem:$0x7B0];
	s13 =	sadd.s32 s3, s13  }
0x151: {  	[tilespmem:s20], [sflag:$0x1] =	stream.linear.gather [hbm4b:s13+s2], $0x80, $0x38;
	[tilespmem:$0x4200] =	vst v63  }
0x152: {  	s13 =	sand.u32 $0x1FFFFFF0, s21  }
0x153: {  	s13 =	sadd.s32 s3, s13  }
0x154: {  	[tilespmem:s22], [sflag:$0x1] =	stream.linear.gather [hbm4b:s13+s2], $0x80, $0x38;
	[tilespmem:$0x4200] =	vst v63  }
0x155: {  	s24 =	sld [smem:$0x7B1];
	s25 =	spop (v2sf);
	(v2sf) =	vpush v0, $0x8  }
0x156: {  	s13 =	sand.u32 $0x1FFFFFF0, s23  }
0x157: {  	s26 =	sld [smem:$0x7B2];
	s13 =	sadd.s32 s3, s13;
	s28 =	spop (v2sf);
	(v2sf) =	vpush v0, $0x9  }
0x158: {  	[tilespmem:s24], [sflag:$0x1] =	stream.linear.gather [hbm4b:s13+s2], $0x80, $0x38;
	[tilespmem:$0x4200] =	vst v63  }
0x159: {  	s13 =	sand.u32 $0x1FFFFFF0, s25;
	s30 =	spop (v2sf);
	(v2sf) =	vpush v0, $0xA  }
0x15a: {  	s13 =	sadd.s32 s3, s13  }
0x15b: {  	[tilespmem:s26], [sflag:$0x1] =	stream.linear.gather [hbm4b:s13+s2], $0x80, $0x38;
	[tilespmem:$0x4200] =	vst v63  }
0x15c: {  	s29 =	sld [smem:$0x7B3];
	s15 =	spop (v2sf);
	(v2sf) =	vpush v0, $0xB  }
0x15d: {  	s13 =	sand.u32 $0x1FFFFFF0, s28  }
0x15e: {  	s31 =	sld [smem:$0x7B4];
	s13 =	sadd.s32 s3, s13  }
0x15f: {  	[tilespmem:s29], [sflag:$0x1] =	stream.linear.gather [hbm4b:s13+s2], $0x80, $0x38;
	[tilespmem:$0x4200] =	vst v63  }
0x160: {  	s13 =	sand.u32 $0x1FFFFFF0, s30  }
0x161: {  	s16 =	sld [smem:$0x7B5];
	s13 =	sadd.s32 s3, s13  }
0x162: {  	[tilespmem:s31], [sflag:$0x1] =	stream.linear.gather [hbm4b:s13+s2], $0x80, $0x38;
	[tilespmem:$0x4200] =	vst v63  }
0x163: {  	s13 =	sand.u32 $0x1FFFFFF0, s15  }
0x164: {  	s13 =	sadd.s32 s3, s13;
	s17 =	spop (v2sf);
	(v2sf) =	vpush v0, $0xC  }
0x165: {  	[tilespmem:s16], [sflag:$0x1] =	stream.linear.gather [hbm4b:s13+s2], $0x80, $0x38;
	[tilespmem:$0x4200] =	vst v63  }
0x166: {  	s18 =	sld [smem:$0x7B6];
	s19 =	spop (v2sf);
	(v2sf) =	vpush v0, $0xD  }
0x167: {  	s13 =	sand.u32 $0x1FFFFFF0, s17  }
0x168: {  	s20 =	sld [smem:$0x7B7];
	s13 =	sadd.s32 s3, s13;
	s21 =	spop (v2sf)  }
0x169: {  	(v2sf) =	vpush v0, $0xE;
	[tilespmem:s18], [sflag:$0x1] =	stream.linear.gather [hbm4b:s13+s2], $0x80, $0x38;
	[tilespmem:$0x4200] =	vst v63  }
0x16a: {  	s13 =	sand.u32 $0x1FFFFFF0, s19  }
0x16b: {  	s22 =	sld [smem:$0x7B8];
	s23 =	spop (v2sf);
	s13 =	sadd.s32 s3, s13  }
0x16c: {  	(v2sf) =	vpush v0, $0xF;
	[tilespmem:s20], [sflag:$0x1] =	stream.linear.gather [hbm4b:s13+s2], $0x80, $0x38;
	[tilespmem:$0x4200] =	vst v63  }
0x16d: {  	s13 =	sand.u32 $0x1FFFFFF0, s21  }
0x16e: {  	s24 =	sld [smem:$0x7B9];
	s13 =	sadd.s32 s3, s13  }
0x16f: {  	[tilespmem:s22], [sflag:$0x1] =	stream.linear.gather [hbm4b:s13+s2], $0x80, $0x38;
	[tilespmem:$0x4200] =	vst v63  }
0x170: {  	s13 =	sand.u32 $0x1FFFFFF0, s23  }
0x171: {  	s13 =	sadd.s32 s3, s13  }
0x172: {  	[tilespmem:s24], [sflag:$0x1] =	stream.linear.gather [hbm4b:s13+s2], $0x80, $0x38;
	[tilespmem:$0x4200] =	vst v63  }
0x173: {  	s26 =	sld [smem:$0x7BA];
	s25 =	spop (v2sf)  }
0x174: {  	s13 =	sand.u32 $0x1FFFFFF0, s25  }
0x175: {  	s29 =	sld [smem:$0x7BB];
	s28 =	spop (v2sf);
	s13 =	sadd.s32 s3, s13  }
0x176: {  	[tilespmem:s26], [sflag:$0x1] =	stream.linear.gather [hbm4b:s13+s2], $0x80, $0x38;
	[tilespmem:$0x4200] =	vst v63  }
0x177: {  	s13 =	sand.u32 $0x1FFFFFF0, s28  }
0x178: {  	s31 =	sld [smem:$0x7BC];
	s30 =	spop (v2sf);
	s13 =	sadd.s32 s3, s13  }
0x179: {  	[tilespmem:s29], [sflag:$0x1] =	stream.linear.gather [hbm4b:s13+s2], $0x80, $0x38;
	[tilespmem:$0x4200] =	vst v63  }
0x17a: {  	s13 =	sand.u32 $0x1FFFFFF0, s30  }
0x17b: {  	s16 =	sld [smem:$0x7BD];
	s15 =	spop (v2sf);
	s13 =	sadd.s32 s3, s13  }
0x17c: {  	[tilespmem:s31], [sflag:$0x1] =	stream.linear.gather [hbm4b:s13+s2], $0x80, $0x38;
	[tilespmem:$0x4200] =	vst v63  }
0x17d: {  	s13 =	sand.u32 $0x1FFFFFF0, s15  }
0x17e: {  	s13 =	sadd.s32 s3, s13  }
0x17f: {  	[tilespmem:s16], [sflag:$0x1] =	stream.linear.gather [hbm4b:s13+s2], $0x80, $0x38;
	[tilespmem:$0x4200] =	vst v63  }
0x180: {  	v60 =	vld [tilespmem:s11+$0x0];
	_ =	sdelay $0x4  }
0x181: {  	v0 =	vshll.u32 v60, $0x4  }
0x182: {  	(v2sf) =	vpush v0, $0x0;
	_ =	sdelay $0x3  }
0x183: {  	(v2sf) =	vpush v0, $0x1;
	_ =	sdelay $0x2  }
0x184: {  	(v2sf) =	vpush v0, $0x2;
	_ =	sdelay $0x2  }
0x185: {  	(v2sf) =	vpush v0, $0x3;
	_ =	sdelay $0x4  }
0x186: {  	s17 =	spop (v2sf);
	(v2sf) =	vpush v0, $0x4;
	_ =	sdelay $0x1  }
0x187: {  	s18 =	sld [smem:$0x7BE]  }
0x188: {  	s13 =	sand.u32 $0x1FFFFFF0, s17  }
0x189: {  	s20 =	sld [smem:$0x7BF];
	s19 =	spop (v2sf);
	s13 =	sadd.s32 s3, s13  }
0x18a: {  	[tilespmem:s18], [sflag:$0x1] =	stream.linear.gather [hbm4b:s13+s2], $0x80, $0x38;
	[tilespmem:$0x4200] =	vst v63  }
0x18b: {  	s13 =	sand.u32 $0x1FFFFFF0, s19  }
0x18c: {  	s22 =	sld [smem:$0x7C0];
	s21 =	spop (v2sf);
	s13 =	sadd.s32 s3, s13  }
0x18d: {  	[tilespmem:s20], [sflag:$0x1] =	stream.linear.gather [hbm4b:s13+s2], $0x80, $0x38;
	[tilespmem:$0x4200] =	vst v63  }
0x18e: {  	s13 =	sand.u32 $0x1FFFFFF0, s21  }
0x18f: {  	s24 =	sld [smem:$0x7C1];
	s23 =	spop (v2sf);
	s13 =	sadd.s32 s3, s13  }
0x190: {  	[tilespmem:s22], [sflag:$0x1] =	stream.linear.gather [hbm4b:s13+s2], $0x80, $0x38;
	[tilespmem:$0x4200] =	vst v63  }
0x191: {  	s13 =	sand.u32 $0x1FFFFFF0, s23  }
0x192: {  	s13 =	sadd.s32 s3, s13  }
0x193: {  	[tilespmem:s24], [sflag:$0x1] =	stream.linear.gather [hbm4b:s13+s2], $0x80, $0x38;
	[tilespmem:$0x4200] =	vst v63  }
0x194: {  	s26 =	sld [smem:$0x7C2];
	s25 =	spop (v2sf)  }
0x195: {  	s13 =	sand.u32 $0x1FFFFFF0, s25  }
0x196: {  	s13 =	sadd.s32 s3, s13  }
0x197: {  	[tilespmem:s26], [sflag:$0x1] =	stream.linear.gather [hbm4b:s13+s2], $0x80, $0x38;
	[tilespmem:$0x4200] =	vst v63  }
0x198: {  	(v2sf) =	vpush v0, $0x5;
	_ =	sdelay $0x1  }
0x199: {  	(v2sf) =	vpush v0, $0x6;
	_ =	sdelay $0x1  }
0x19a: {  	(v2sf) =	vpush v0, $0x7;
	_ =	sdelay $0x4  }
0x19b: {  	(v2sf) =	vpush v0, $0x8;
	_ =	sdelay $0x5  }
0x19c: {  	s13 =	spop (v2sf);
	(v2sf) =	vpush v0, $0x9;
	_ =	sdelay $0x1  }
0x19d: {  	s28 =	spop (v2sf);
	(v2sf) =	vpush v0, $0xA;
	_ =	sdelay $0x1  }
0x19e: {  	s14 =	sld [smem:$0x7C3];
	s30 =	spop (v2sf);
	(v2sf) =	vpush v0, $0xB  }
0x19f: {  	s13 =	sand.u32 $0x1FFFFFF0, s13  }
0x1a0: {  	s29 =	sld [smem:$0x7C4];
	s13 =	sadd.s32 s3, s13  }
0x1a1: {  	[tilespmem:s14], [sflag:$0x1] =	stream.linear.gather [hbm4b:s13+s2], $0x80, $0x38;
	[tilespmem:$0x4200] =	vst v63  }
0x1a2: {  	s13 =	sand.u32 $0x1FFFFFF0, s28  }
0x1a3: {  	s31 =	sld [smem:$0x7C5];
	s15 =	spop (v2sf);
	s13 =	sadd.s32 s3, s13  }
0x1a4: {  	(v2sf) =	vpush v0, $0xC;
	[tilespmem:s29], [sflag:$0x1] =	stream.linear.gather [hbm4b:s13+s2], $0x80, $0x38;
	[tilespmem:$0x4200] =	vst v63  }
0x1a5: {  	s13 =	sand.u32 $0x1FFFFFF0, s30  }
0x1a6: {  	s16 =	sld [smem:$0x7C6];
	s13 =	sadd.s32 s3, s13  }
0x1a7: {  	[tilespmem:s31], [sflag:$0x1] =	stream.linear.gather [hbm4b:s13+s2], $0x80, $0x38;
	[tilespmem:$0x4200] =	vst v63  }
0x1a8: {  	s13 =	sand.u32 $0x1FFFFFF0, s15  }
0x1a9: {  	s13 =	sadd.s32 s3, s13;
	s17 =	spop (v2sf);
	(v2sf) =	vpush v0, $0xD  }
0x1aa: {  	[tilespmem:s16], [sflag:$0x1] =	stream.linear.gather [hbm4b:s13+s2], $0x80, $0x38;
	[tilespmem:$0x4200] =	vst v63  }
0x1ab: {  	s18 =	sld [smem:$0x7C7];
	s19 =	spop (v2sf);
	(v2sf) =	vpush v0, $0xE  }
0x1ac: {  	s13 =	sand.u32 $0x1FFFFFF0, s17  }
0x1ad: {  	s20 =	sld [smem:$0x7C8];
	s13 =	sadd.s32 s3, s13;
	s21 =	spop (v2sf)  }
0x1ae: {  	(v2sf) =	vpush v0, $0xF;
	[tilespmem:s18], [sflag:$0x1] =	stream.linear.gather [hbm4b:s13+s2], $0x80, $0x38;
	[tilespmem:$0x4200] =	vst v63  }
0x1af: {  	s13 =	sand.u32 $0x1FFFFFF0, s19  }
0x1b0: {  	s22 =	sld [smem:$0x7C9];
	s13 =	sadd.s32 s3, s13  }
0x1b1: {  	[tilespmem:s20], [sflag:$0x1] =	stream.linear.gather [hbm4b:s13+s2], $0x80, $0x38;
	[tilespmem:$0x4200] =	vst v63  }
0x1b2: {  	s13 =	sand.u32 $0x1FFFFFF0, s21  }
0x1b3: {  	s24 =	sld [smem:$0x7CA];
	s23 =	spop (v2sf);
	s13 =	sadd.s32 s3, s13  }
0x1b4: {  	[tilespmem:s22], [sflag:$0x1] =	stream.linear.gather [hbm4b:s13+s2], $0x80, $0x38;
	[tilespmem:$0x4200] =	vst v63  }
0x1b5: {  	s13 =	sand.u32 $0x1FFFFFF0, s23  }
0x1b6: {  	s13 =	sadd.s32 s3, s13  }
0x1b7: {  	[tilespmem:s24], [sflag:$0x1] =	stream.linear.gather [hbm4b:s13+s2], $0x80, $0x38;
	[tilespmem:$0x4200] =	vst v63  }
0x1b8: {  	s26 =	sld [smem:$0x7CB];
	s25 =	spop (v2sf)  }
0x1b9: {  	s13 =	sand.u32 $0x1FFFFFF0, s25  }
0x1ba: {  	s29 =	sld [smem:$0x7CC];
	s28 =	spop (v2sf);
	s13 =	sadd.s32 s3, s13  }
0x1bb: {  	[tilespmem:s26], [sflag:$0x1] =	stream.linear.gather [hbm4b:s13+s2], $0x80, $0x38;
	[tilespmem:$0x4200] =	vst v63  }
0x1bc: {  	s13 =	sand.u32 $0x1FFFFFF0, s28  }
0x1bd: {  	s31 =	sld [smem:$0x7CD];
	s30 =	spop (v2sf);
	s13 =	sadd.s32 s3, s13  }
0x1be: {  	[tilespmem:s29], [sflag:$0x1] =	stream.linear.gather [hbm4b:s13+s2], $0x80, $0x38;
	[tilespmem:$0x4200] =	vst v63  }
0x1bf: {  	s13 =	sand.u32 $0x1FFFFFF0, s30  }
0x1c0: {  	s13 =	sadd.s32 s3, s13  }
0x1c1: {  	[tilespmem:s31], [sflag:$0x1] =	stream.linear.gather [hbm4b:s13+s2], $0x80, $0x38;
	[tilespmem:$0x4200] =	vst v63  }
0x1c2: {  	v61 =	vld [tilespmem:s11+$0x10];
	_ =	sdelay $0x4  }
0x1c3: {  	v0 =	vshll.u32 v61, $0x4  }
0x1c4: {  	(v2sf) =	vpush v0, $0x0;
	_ =	sdelay $0x1  }
0x1c5: {  	(v2sf) =	vpush v0, $0x1;
	_ =	sdelay $0x1  }
0x1c6: {  	(v2sf) =	vpush v0, $0x2;
	_ =	sdelay $0x2  }
0x1c7: {  	(v2sf) =	vpush v0, $0x3;
	_ =	sdelay $0x7  }
0x1c8: {  	s15 =	spop (v2sf);
	(v2sf) =	vpush v0, $0x4;
	_ =	sdelay $0x1  }
0x1c9: {  	s17 =	spop (v2sf);
	(v2sf) =	vpush v0, $0x5;
	_ =	sdelay $0x1  }
0x1ca: {  	s19 =	spop (v2sf);
	(v2sf) =	vpush v0, $0x6  }
0x1cb: {  	s16 =	sld [smem:$0x7CE]  }
0x1cc: {  	s13 =	sand.u32 $0x1FFFFFF0, s15  }
0x1cd: {  	s18 =	sld [smem:$0x7CF];
	s13 =	sadd.s32 s3, s13;
	s21 =	spop (v2sf);
	(v2sf) =	vpush v0, $0x7  }
0x1ce: {  	[tilespmem:s16], [sflag:$0x1] =	stream.linear.gather [hbm4b:s13+s2], $0x80, $0x38;
	[tilespmem:$0x4200] =	vst v63  }
0x1cf: {  	s13 =	sand.u32 $0x1FFFFFF0, s17  }
0x1d0: {  	s20 =	sld [smem:$0x7D0];
	s13 =	sadd.s32 s3, s13  }
0x1d1: {  	[tilespmem:s18], [sflag:$0x1] =	stream.linear.gather [hbm4b:s13+s2], $0x80, $0x38;
	[tilespmem:$0x4200] =	vst v63  }
0x1d2: {  	s13 =	sand.u32 $0x1FFFFFF0, s19  }
0x1d3: {  	s13 =	sadd.s32 s3, s13  }
0x1d4: {  	[tilespmem:s20], [sflag:$0x1] =	stream.linear.gather [hbm4b:s13+s2], $0x80, $0x38;
	[tilespmem:$0x4200] =	vst v63  }
0x1d5: {  	s22 =	sld [smem:$0x7D1];
	s23 =	spop (v2sf);
	(v2sf) =	vpush v0, $0x8  }
0x1d6: {  	s13 =	sand.u32 $0x1FFFFFF0, s21  }
0x1d7: {  	s24 =	sld [smem:$0x7D2];
	s13 =	sadd.s32 s3, s13;
	s25 =	spop (v2sf);
	(v2sf) =	vpush v0, $0x9  }
0x1d8: {  	[tilespmem:s22], [sflag:$0x1] =	stream.linear.gather [hbm4b:s13+s2], $0x80, $0x38;
	[tilespmem:$0x4200] =	vst v63  }
0x1d9: {  	s13 =	sand.u32 $0x1FFFFFF0, s23;
	s28 =	spop (v2sf);
	(v2sf) =	vpush v0, $0xA  }
0x1da: {  	s13 =	sadd.s32 s3, s13  }
0x1db: {  	[tilespmem:s24], [sflag:$0x1] =	stream.linear.gather [hbm4b:s13+s2], $0x80, $0x38;
	[tilespmem:$0x4200] =	vst v63  }
0x1dc: {  	s26 =	sld [smem:$0x7D3];
	s30 =	spop (v2sf);
	(v2sf) =	vpush v0, $0xB  }
0x1dd: {  	s13 =	sand.u32 $0x1FFFFFF0, s25  }
0x1de: {  	s29 =	sld [smem:$0x7D4];
	s13 =	sadd.s32 s3, s13  }
0x1df: {  	[tilespmem:s26], [sflag:$0x1] =	stream.linear.gather [hbm4b:s13+s2], $0x80, $0x38;
	[tilespmem:$0x4200] =	vst v63  }
0x1e0: {  	s13 =	sand.u32 $0x1FFFFFF0, s28  }
0x1e1: {  	s31 =	sld [smem:$0x7D5];
	s13 =	sadd.s32 s3, s13  }
0x1e2: {  	[tilespmem:s29], [sflag:$0x1] =	stream.linear.gather [hbm4b:s13+s2], $0x80, $0x38;
	[tilespmem:$0x4200] =	vst v63  }
0x1e3: {  	s13 =	sand.u32 $0x1FFFFFF0, s30  }
0x1e4: {  	s13 =	sadd.s32 s3, s13;
	s15 =	spop (v2sf);
	(v2sf) =	vpush v0, $0xC  }
0x1e5: {  	[tilespmem:s31], [sflag:$0x1] =	stream.linear.gather [hbm4b:s13+s2], $0x80, $0x38;
	[tilespmem:$0x4200] =	vst v63  }
0x1e6: {  	s16 =	sld [smem:$0x7D6];
	s17 =	spop (v2sf);
	(v2sf) =	vpush v0, $0xD  }
0x1e7: {  	s13 =	sand.u32 $0x1FFFFFF0, s15  }
0x1e8: {  	s18 =	sld [smem:$0x7D7];
	s13 =	sadd.s32 s3, s13;
	s19 =	spop (v2sf)  }
0x1e9: {  	(v2sf) =	vpush v0, $0xE;
	[tilespmem:s16], [sflag:$0x1] =	stream.linear.gather [hbm4b:s13+s2], $0x80, $0x38;
	[tilespmem:$0x4200] =	vst v63  }
0x1ea: {  	s13 =	sand.u32 $0x1FFFFFF0, s17  }
0x1eb: {  	s20 =	sld [smem:$0x7D8];
	s21 =	spop (v2sf);
	s13 =	sadd.s32 s3, s13  }
0x1ec: {  	(v2sf) =	vpush v0, $0xF;
	[tilespmem:s18], [sflag:$0x1] =	stream.linear.gather [hbm4b:s13+s2], $0x80, $0x38;
	[tilespmem:$0x4200] =	vst v63  }
0x1ed: {  	s13 =	sand.u32 $0x1FFFFFF0, s19  }
0x1ee: {  	s22 =	sld [smem:$0x7D9];
	s13 =	sadd.s32 s3, s13  }
0x1ef: {  	[tilespmem:s20], [sflag:$0x1] =	stream.linear.gather [hbm4b:s13+s2], $0x80, $0x38;
	[tilespmem:$0x4200] =	vst v63  }
0x1f0: {  	s13 =	sand.u32 $0x1FFFFFF0, s21  }
0x1f1: {  	s13 =	sadd.s32 s3, s13  }
0x1f2: {  	[tilespmem:s22], [sflag:$0x1] =	stream.linear.gather [hbm4b:s13+s2], $0x80, $0x38;
	[tilespmem:$0x4200] =	vst v63  }
0x1f3: {  	s24 =	sld [smem:$0x7DA];
	s23 =	spop (v2sf)  }
0x1f4: {  	s13 =	sand.u32 $0x1FFFFFF0, s23  }
0x1f5: {  	s26 =	sld [smem:$0x7DB];
	s25 =	spop (v2sf);
	s13 =	sadd.s32 s3, s13  }
0x1f6: {  	[tilespmem:s24], [sflag:$0x1] =	stream.linear.gather [hbm4b:s13+s2], $0x80, $0x38;
	[tilespmem:$0x4200] =	vst v63  }
0x1f7: {  	s13 =	sand.u32 $0x1FFFFFF0, s25  }
0x1f8: {  	s29 =	sld [smem:$0x7DC];
	s28 =	spop (v2sf);
	s13 =	sadd.s32 s3, s13  }
0x1f9: {  	[tilespmem:s26], [sflag:$0x1] =	stream.linear.gather [hbm4b:s13+s2], $0x80, $0x38;
	[tilespmem:$0x4200] =	vst v63  }
0x1fa: {  	s13 =	sand.u32 $0x1FFFFFF0, s28  }
0x1fb: {  	s31 =	sld [smem:$0x7DD];
	s30 =	spop (v2sf);
	s13 =	sadd.s32 s3, s13  }
0x1fc: {  	[tilespmem:s29], [sflag:$0x1] =	stream.linear.gather [hbm4b:s13+s2], $0x80, $0x38;
	[tilespmem:$0x4200] =	vst v63  }
0x1fd: {  	s13 =	sand.u32 $0x1FFFFFF0, s30  }
0x1fe: {  	s13 =	sadd.s32 s3, s13  }
0x1ff: {  	[tilespmem:s31], [sflag:$0x1] =	stream.linear.gather [hbm4b:s13+s2], $0x80, $0x38;
	[tilespmem:$0x4200] =	vst v63  }
0x200: {  	v62 =	vld [tilespmem:s11+$0x20];
	_ =	sdelay $0x4  }
0x201: {  	v0 =	vshll.u32 v62, $0x4  }
0x202: {  	(v2sf) =	vpush v0, $0x0;
	_ =	sdelay $0x1  }
0x203: {  	(v2sf) =	vpush v0, $0x1;
	_ =	sdelay $0x1  }
0x204: {  	(v2sf) =	vpush v0, $0x2;
	_ =	sdelay $0x2  }
0x205: {  	(v2sf) =	vpush v0, $0x3;
	_ =	sdelay $0x7  }
0x206: {  	s15 =	spop (v2sf);
	(v2sf) =	vpush v0, $0x4;
	_ =	sdelay $0x1  }
0x207: {  	s17 =	spop (v2sf);
	(v2sf) =	vpush v0, $0x5;
	_ =	sdelay $0x1  }
0x208: {  	s19 =	spop (v2sf);
	(v2sf) =	vpush v0, $0x6  }
0x209: {  	s16 =	sld [smem:$0x7DE]  }
0x20a: {  	s13 =	sand.u32 $0x1FFFFFF0, s15  }
0x20b: {  	s18 =	sld [smem:$0x7DF];
	s13 =	sadd.s32 s3, s13;
	s21 =	spop (v2sf);
	(v2sf) =	vpush v0, $0x7  }
0x20c: {  	[tilespmem:s16], [sflag:$0x1] =	stream.linear.gather [hbm4b:s13+s2], $0x80, $0x38;
	[tilespmem:$0x4200] =	vst v63  }
0x20d: {  	s13 =	sand.u32 $0x1FFFFFF0, s17  }
0x20e: {  	s20 =	sld [smem:$0x7E0];
	s13 =	sadd.s32 s3, s13  }
0x20f: {  	[tilespmem:s18], [sflag:$0x1] =	stream.linear.gather [hbm4b:s13+s2], $0x80, $0x38;
	[tilespmem:$0x4200] =	vst v63  }
0x210: {  	s13 =	sand.u32 $0x1FFFFFF0, s19  }
0x211: {  	s13 =	sadd.s32 s3, s13  }
0x212: {  	[tilespmem:s20], [sflag:$0x1] =	stream.linear.gather [hbm4b:s13+s2], $0x80, $0x38;
	[tilespmem:$0x4200] =	vst v63  }
0x213: {  	s22 =	sld [smem:$0x7E1];
	s23 =	spop (v2sf);
	(v2sf) =	vpush v0, $0x8  }
0x214: {  	s13 =	sand.u32 $0x1FFFFFF0, s21  }
0x215: {  	s24 =	sld [smem:$0x7E2];
	s13 =	sadd.s32 s3, s13;
	s25 =	spop (v2sf);
	(v2sf) =	vpush v0, $0x9  }
0x216: {  	[tilespmem:s22], [sflag:$0x1] =	stream.linear.gather [hbm4b:s13+s2], $0x80, $0x38;
	[tilespmem:$0x4200] =	vst v63  }
0x217: {  	s13 =	sand.u32 $0x1FFFFFF0, s23;
	s28 =	spop (v2sf);
	(v2sf) =	vpush v0, $0xA  }
0x218: {  	s13 =	sadd.s32 s3, s13  }
0x219: {  	[tilespmem:s24], [sflag:$0x1] =	stream.linear.gather [hbm4b:s13+s2], $0x80, $0x38;
	[tilespmem:$0x4200] =	vst v63  }
0x21a: {  	s26 =	sld [smem:$0x7E3];
	s30 =	spop (v2sf);
	(v2sf) =	vpush v0, $0xB  }
0x21b: {  	s13 =	sand.u32 $0x1FFFFFF0, s25  }
0x21c: {  	s29 =	sld [smem:$0x7E4];
	s13 =	sadd.s32 s3, s13  }
0x21d: {  	[tilespmem:s26], [sflag:$0x1] =	stream.linear.gather [hbm4b:s13+s2], $0x80, $0x38;
	[tilespmem:$0x4200] =	vst v63  }
0x21e: {  	s13 =	sand.u32 $0x1FFFFFF0, s28  }
0x21f: {  	s31 =	sld [smem:$0x7E5];
	s13 =	sadd.s32 s3, s13  }
0x220: {  	[tilespmem:s29], [sflag:$0x1] =	stream.linear.gather [hbm4b:s13+s2], $0x80, $0x38;
	[tilespmem:$0x4200] =	vst v63  }
0x221: {  	s13 =	sand.u32 $0x1FFFFFF0, s30  }
0x222: {  	s13 =	sadd.s32 s3, s13;
	s15 =	spop (v2sf);
	(v2sf) =	vpush v0, $0xC  }
0x223: {  	[tilespmem:s31], [sflag:$0x1] =	stream.linear.gather [hbm4b:s13+s2], $0x80, $0x38;
	[tilespmem:$0x4200] =	vst v63  }
0x224: {  	s16 =	sld [smem:$0x7E6];
	s17 =	spop (v2sf);
	(v2sf) =	vpush v0, $0xD  }
0x225: {  	s13 =	sand.u32 $0x1FFFFFF0, s15  }
0x226: {  	s18 =	sld [smem:$0x7E7];
	s13 =	sadd.s32 s3, s13;
	s19 =	spop (v2sf)  }
0x227: {  	(v2sf) =	vpush v0, $0xE;
	[tilespmem:s16], [sflag:$0x1] =	stream.linear.gather [hbm4b:s13+s2], $0x80, $0x38;
	[tilespmem:$0x4200] =	vst v63  }
0x228: {  	s13 =	sand.u32 $0x1FFFFFF0, s17  }
0x229: {  	s20 =	sld [smem:$0x7E8];
	s21 =	spop (v2sf);
	s13 =	sadd.s32 s3, s13  }
0x22a: {  	(v2sf) =	vpush v0, $0xF;
	[tilespmem:s18], [sflag:$0x1] =	stream.linear.gather [hbm4b:s13+s2], $0x80, $0x38;
	[tilespmem:$0x4200] =	vst v63  }
0x22b: {  	s13 =	sand.u32 $0x1FFFFFF0, s19  }
0x22c: {  	s22 =	sld [smem:$0x7E9];
	s13 =	sadd.s32 s3, s13  }
0x22d: {  	[tilespmem:s20], [sflag:$0x1] =	stream.linear.gather [hbm4b:s13+s2], $0x80, $0x38;
	[tilespmem:$0x4200] =	vst v63  }
0x22e: {  	s13 =	sand.u32 $0x1FFFFFF0, s21  }
0x22f: {  	s13 =	sadd.s32 s3, s13  }
0x230: {  	[tilespmem:s22], [sflag:$0x1] =	stream.linear.gather [hbm4b:s13+s2], $0x80, $0x38;
	[tilespmem:$0x4200] =	vst v63  }
0x231: {  	s24 =	sld [smem:$0x7EA];
	s23 =	spop (v2sf)  }
0x232: {  	s13 =	sand.u32 $0x1FFFFFF0, s23  }
0x233: {  	s26 =	sld [smem:$0x7EB];
	s25 =	spop (v2sf);
	s13 =	sadd.s32 s3, s13  }
0x234: {  	[tilespmem:s24], [sflag:$0x1] =	stream.linear.gather [hbm4b:s13+s2], $0x80, $0x38;
	[tilespmem:$0x4200] =	vst v63  }
0x235: {  	s13 =	sand.u32 $0x1FFFFFF0, s25  }
0x236: {  	s29 =	sld [smem:$0x7EC];
	s28 =	spop (v2sf);
	s13 =	sadd.s32 s3, s13  }
0x237: {  	[tilespmem:s26], [sflag:$0x1] =	stream.linear.gather [hbm4b:s13+s2], $0x80, $0x38;
	[tilespmem:$0x4200] =	vst v63  }
0x238: {  	s13 =	sand.u32 $0x1FFFFFF0, s28  }
0x239: {  	s31 =	sld [smem:$0x7ED];
	s30 =	spop (v2sf);
	s13 =	sadd.s32 s3, s13  }
0x23a: {  	[tilespmem:s29], [sflag:$0x1] =	stream.linear.gather [hbm4b:s13+s2], $0x80, $0x38;
	[tilespmem:$0x4200] =	vst v63  }
0x23b: {  	s13 =	sand.u32 $0x1FFFFFF0, s30  }
0x23c: {  	s13 =	sadd.s32 s3, s13  }
0x23d: {  	[tilespmem:s31], [sflag:$0x1] =	stream.linear.gather [hbm4b:s13+s2], $0x80, $0x38;
	[tilespmem:$0x4200] =	vst v63  }
0x23e: {  	v63 =	vld [tilespmem:s11+$0x30];
	_ =	sdelay $0x4  }
0x23f: {  	v0 =	vshll.u32 v63, $0x4  }
0x240: {  	(v2sf) =	vpush v0, $0x0;
	_ =	sdelay $0x1  }
0x241: {  	(v2sf) =	vpush v0, $0x1;
	_ =	sdelay $0x1  }
0x242: {  	(v2sf) =	vpush v0, $0x2;
	_ =	sdelay $0x2  }
0x243: {  	(v2sf) =	vpush v0, $0x3;
	_ =	sdelay $0x7  }
0x244: {  	s15 =	spop (v2sf);
	(v2sf) =	vpush v0, $0x4;
	_ =	sdelay $0x1  }
0x245: {  	s17 =	spop (v2sf);
	(v2sf) =	vpush v0, $0x5;
	_ =	sdelay $0x1  }
0x246: {  	s19 =	spop (v2sf);
	(v2sf) =	vpush v0, $0x6  }
0x247: {  	s16 =	sld [smem:$0x7EE]  }
0x248: {  	s13 =	sand.u32 $0x1FFFFFF0, s15  }
0x249: {  	s18 =	sld [smem:$0x7EF];
	s13 =	sadd.s32 s3, s13;
	s21 =	spop (v2sf);
	(v2sf) =	vpush v0, $0x7  }
0x24a: {  	[tilespmem:s16], [sflag:$0x1] =	stream.linear.gather [hbm4b:s13+s2], $0x80, $0x38;
	[tilespmem:$0x4200] =	vst v63  }
0x24b: {  	s13 =	sand.u32 $0x1FFFFFF0, s17  }
0x24c: {  	s20 =	sld [smem:$0x7F0];
	s13 =	sadd.s32 s3, s13  }
0x24d: {  	[tilespmem:s18], [sflag:$0x1] =	stream.linear.gather [hbm4b:s13+s2], $0x80, $0x38;
	[tilespmem:$0x4200] =	vst v63  }
0x24e: {  	s13 =	sand.u32 $0x1FFFFFF0, s19  }
0x24f: {  	s13 =	sadd.s32 s3, s13  }
0x250: {  	[tilespmem:s20], [sflag:$0x1] =	stream.linear.gather [hbm4b:s13+s2], $0x80, $0x38;
	[tilespmem:$0x4200] =	vst v63  }
0x251: {  	s22 =	sld [smem:$0x7F1];
	s23 =	spop (v2sf);
	(v2sf) =	vpush v0, $0x8  }
0x252: {  	s13 =	sand.u32 $0x1FFFFFF0, s21  }
0x253: {  	s24 =	sld [smem:$0x7F2];
	s13 =	sadd.s32 s3, s13;
	s25 =	spop (v2sf);
	(v2sf) =	vpush v0, $0x9  }
0x254: {  	[tilespmem:s22], [sflag:$0x1] =	stream.linear.gather [hbm4b:s13+s2], $0x80, $0x38;
	[tilespmem:$0x4200] =	vst v63  }
0x255: {  	s13 =	sand.u32 $0x1FFFFFF0, s23;
	s28 =	spop (v2sf);
	(v2sf) =	vpush v0, $0xA  }
0x256: {  	s13 =	sadd.s32 s3, s13  }
0x257: {  	[tilespmem:s24], [sflag:$0x1] =	stream.linear.gather [hbm4b:s13+s2], $0x80, $0x38;
	[tilespmem:$0x4200] =	vst v63  }
0x258: {  	s26 =	sld [smem:$0x7F3];
	s30 =	spop (v2sf);
	(v2sf) =	vpush v0, $0xB  }
0x259: {  	s13 =	sand.u32 $0x1FFFFFF0, s25  }
0x25a: {  	s29 =	sld [smem:$0x7F4];
	s13 =	sadd.s32 s3, s13  }
0x25b: {  	[tilespmem:s26], [sflag:$0x1] =	stream.linear.gather [hbm4b:s13+s2], $0x80, $0x38;
	[tilespmem:$0x4200] =	vst v63  }
0x25c: {  	s13 =	sand.u32 $0x1FFFFFF0, s28  }
0x25d: {  	s31 =	sld [smem:$0x7F5];
	s13 =	sadd.s32 s3, s13  }
0x25e: {  	[tilespmem:s29], [sflag:$0x1] =	stream.linear.gather [hbm4b:s13+s2], $0x80, $0x38;
	[tilespmem:$0x4200] =	vst v63  }
0x25f: {  	s13 =	sand.u32 $0x1FFFFFF0, s30  }
0x260: {  	s13 =	sadd.s32 s3, s13;
	s14 =	spop (v2sf);
	(v2sf) =	vpush v0, $0xC  }
0x261: {  	[tilespmem:s31], [sflag:$0x1] =	stream.linear.gather [hbm4b:s13+s2], $0x80, $0x38;
	[tilespmem:$0x4200] =	vst v63  }
0x262: {  	s15 =	sld [smem:$0x7F6];
	s16 =	spop (v2sf);
	(v2sf) =	vpush v0, $0xD  }
0x263: {  	s13 =	sand.u32 $0x1FFFFFF0, s14  }
0x264: {  	s17 =	sld [smem:$0x7F7];
	s13 =	sadd.s32 s3, s13;
	s18 =	spop (v2sf)  }
0x265: {  	(v2sf) =	vpush v0, $0xE;
	[tilespmem:s15], [sflag:$0x1] =	stream.linear.gather [hbm4b:s13+s2], $0x80, $0x38;
	[tilespmem:$0x4200] =	vst v63  }
0x266: {  	s13 =	sand.u32 $0x1FFFFFF0, s16  }
0x267: {  	s19 =	sld [smem:$0x7F8];
	s20 =	spop (v2sf);
	s13 =	sadd.s32 s3, s13  }
0x268: {  	(v2sf) =	vpush v0, $0xF;
	[tilespmem:s17], [sflag:$0x1] =	stream.linear.gather [hbm4b:s13+s2], $0x80, $0x38;
	[tilespmem:$0x4200] =	vst v63  }
0x269: {  	s13 =	sand.u32 $0x1FFFFFF0, s18  }
0x26a: {  	s21 =	sld [smem:$0x7F9];
	s13 =	sadd.s32 s3, s13  }
0x26b: {  	[tilespmem:s19], [sflag:$0x1] =	stream.linear.gather [hbm4b:s13+s2], $0x80, $0x38;
	[tilespmem:$0x4200] =	vst v63  }
0x26c: {  	s13 =	sand.u32 $0x1FFFFFF0, s20  }
0x26d: {  	s13 =	sadd.s32 s3, s13  }
0x26e: {  	[tilespmem:s21], [sflag:$0x1] =	stream.linear.gather [hbm4b:s13+s2], $0x80, $0x38;
	[tilespmem:$0x4200] =	vst v63  }
0x26f: {  	s23 =	sld [smem:$0x7FA];
	s22 =	spop (v2sf)  }
0x270: {  	s13 =	sand.u32 $0x1FFFFFF0, s22  }
0x271: {  	s25 =	sld [smem:$0x7FB];
	s24 =	spop (v2sf);
	s13 =	sadd.s32 s3, s13  }
0x272: {  	[tilespmem:s23], [sflag:$0x1] =	stream.linear.gather [hbm4b:s13+s2], $0x80, $0x38;
	[tilespmem:$0x4200] =	vst v63  }
0x273: {  	s13 =	sand.u32 $0x1FFFFFF0, s24  }
0x274: {  	s28 =	sld [smem:$0x7FC];
	s26 =	spop (v2sf);
	s13 =	sadd.s32 s3, s13  }
0x275: {  	[tilespmem:s25], [sflag:$0x1] =	stream.linear.gather [hbm4b:s13+s2], $0x80, $0x38;
	[tilespmem:$0x4200] =	vst v63  }
0x276: {  	s13 =	sand.u32 $0x1FFFFFF0, s26  }
0x277: {  	s30 =	sld [smem:$0x7FD];
	s29 =	spop (v2sf);
	s13 =	sadd.s32 s3, s13  }
0x278: {  	[tilespmem:s28], [sflag:$0x1] =	stream.linear.gather [hbm4b:s13+s2], $0x80, $0x38;
	[tilespmem:$0x4200] =	vst v63  }
0x279: {  	s13 =	sand.u32 $0x1FFFFFF0, s29  }
0x27a: {  	s13 =	sadd.s32 s3, s13  }
0x27b: {  	[tilespmem:s30], [sflag:$0x1] =	stream.linear.gather [hbm4b:s13+s2], $0x80, $0x38;
	[tilespmem:$0x4200] =	vst v63  }
0x27c: {  	_ =	swait.ge [sflag:s8], $0x80  }
0x27d: {  	[sflag:s8] =	ssyncset.done $0x0  }
0x27e: {  	[sflag:s8] =	ssyncadd.s32 $0xFFFFFF80  }
0x27f: {  	_ =	swait.ge [sflag:s8], $0x80  }
0x280: {  	[sflag:s8] =	ssyncset.done $0x0  }
0x281: {  	[sflag:s8] =	ssyncadd.s32 $0xFFFFFF80  }
0x282: {  	_ =	swait.ge [sflag:s8], $0x80  }
0x283: {  	[sflag:s8] =	ssyncset.done $0x0  }
0x284: {  	[sflag:s8] =	ssyncadd.s32 $0xFFFFFF80  }
0x285: {  	_ =	swait.ge [sflag:s8], $0x80  }
0x286: {  	[sflag:s8] =	ssyncset.done $0x0  }
0x287: {  	[sflag:s8] =	ssyncadd.s32 $0xFFFFFF80  }
0x288: {  	_ =	swait.ge [sflag:s8], $0x80  }
0x289: {  	[sflag:s8] =	ssyncset.done $0x0  }
0x28a: {  	[sflag:s8] =	ssyncadd.s32 $0xFFFFFF80  }
0x28b: {  	_ =	swait.ge [sflag:s8], $0x80  }
0x28c: {  	[sflag:s8] =	ssyncset.done $0x0  }
0x28d: {  	[sflag:s8] =	ssyncadd.s32 $0xFFFFFF80  }
0x28e: {  	_ =	swait.ge [sflag:s8], $0x80  }
0x28f: {  	[sflag:s8] =	ssyncset.done $0x0  }
0x290: {  	[sflag:s8] =	ssyncadd.s32 $0xFFFFFF80  }
0x291: {  	_ =	swait.ge [sflag:s8], $0x80  }
0x292: {  	[sflag:s8] =	ssyncset.done $0x0  }
0x293: {  	[sflag:s8] =	ssyncadd.s32 $0xFFFFFF80  }
0x294: {  	_ =	swait.ge [sflag:s8], $0x80  }
0x295: {  	[sflag:s8] =	ssyncset.done $0x0  }
0x296: {  	[sflag:s8] =	ssyncadd.s32 $0xFFFFFF80  }
0x297: {  	_ =	swait.ge [sflag:s8], $0x80  }
0x298: {  	[sflag:s8] =	ssyncset.done $0x0  }
0x299: {  	[sflag:s8] =	ssyncadd.s32 $0xFFFFFF80  }
0x29a: {  	_ =	swait.ge [sflag:s8], $0x80  }
0x29b: {  	[sflag:s8] =	ssyncset.done $0x0  }
0x29c: {  	[sflag:s8] =	ssyncadd.s32 $0xFFFFFF80  }
0x29d: {  	_ =	swait.ge [sflag:s8], $0x80  }
0x29e: {  	[sflag:s8] =	ssyncset.done $0x0  }
0x29f: {  	[sflag:s8] =	ssyncadd.s32 $0xFFFFFF80  }
0x2a0: {  	_ =	swait.ge [sflag:s8], $0x80  }
0x2a1: {  	[sflag:s8] =	ssyncset.done $0x0  }
0x2a2: {  	[sflag:s8] =	ssyncadd.s32 $0xFFFFFF80  }
0x2a3: {  	_ =	swait.ge [sflag:s8], $0x80  }
0x2a4: {  	[sflag:s8] =	ssyncset.done $0x0  }
0x2a5: {  	[sflag:s8] =	ssyncadd.s32 $0xFFFFFF80  }
0x2a6: {  	_ =	swait.ge [sflag:s8], $0x80  }
0x2a7: {  	[sflag:s8] =	ssyncset.done $0x0  }
0x2a8: {  	[sflag:s8] =	ssyncadd.s32 $0xFFFFFF80  }
0x2a9: {  	_ =	swait.ge [sflag:s8], $0x80  }
0x2aa: {  	[sflag:s8] =	ssyncset.done $0x0  }
0x2ab: {  	[sflag:s8] =	ssyncadd.s32 $0xFFFFFF80  }
0x2ac: {  	_ =	swait.ge [sflag:s8], $0x80  }
0x2ad: {  	[sflag:s8] =	ssyncset.done $0x0  }
0x2ae: {  	[sflag:s8] =	ssyncadd.s32 $0xFFFFFF80  }
0x2af: {  	_ =	swait.ge [sflag:s8], $0x80  }
0x2b0: {  	[sflag:s8] =	ssyncset.done $0x0  }
0x2b1: {  	[sflag:s8] =	ssyncadd.s32 $0xFFFFFF80  }
0x2b2: {  	_ =	swait.ge [sflag:s8], $0x80  }
0x2b3: {  	[sflag:s8] =	ssyncset.done $0x0  }
0x2b4: {  	[sflag:s8] =	ssyncadd.s32 $0xFFFFFF80  }
0x2b5: {  	_ =	swait.ge [sflag:s8], $0x80  }
0x2b6: {  	[sflag:s8] =	ssyncset.done $0x0  }
0x2b7: {  	[sflag:s8] =	ssyncadd.s32 $0xFFFFFF80  }
0x2b8: {  	_ =	swait.ge [sflag:s8], $0x80  }
0x2b9: {  	[sflag:s8] =	ssyncset.done $0x0  }
0x2ba: {  	[sflag:s8] =	ssyncadd.s32 $0xFFFFFF80  }
0x2bb: {  	_ =	swait.ge [sflag:s8], $0x80  }
0x2bc: {  	[sflag:s8] =	ssyncset.done $0x0  }
0x2bd: {  	[sflag:s8] =	ssyncadd.s32 $0xFFFFFF80  }
0x2be: {  	_ =	swait.ge [sflag:s8], $0x80  }
0x2bf: {  	[sflag:s8] =	ssyncset.done $0x0  }
0x2c0: {  	[sflag:s8] =	ssyncadd.s32 $0xFFFFFF80  }
0x2c1: {  	_ =	swait.ge [sflag:s8], $0x80  }
0x2c2: {  	[sflag:s8] =	ssyncset.done $0x0  }
0x2c3: {  	[sflag:s8] =	ssyncadd.s32 $0xFFFFFF80  }
0x2c4: {  	_ =	swait.ge [sflag:s8], $0x80  }
0x2c5: {  	[sflag:s8] =	ssyncset.done $0x0  }
0x2c6: {  	[sflag:s8] =	ssyncadd.s32 $0xFFFFFF80  }
0x2c7: {  	_ =	swait.ge [sflag:s8], $0x80  }
0x2c8: {  	[sflag:s8] =	ssyncset.done $0x0  }
0x2c9: {  	[sflag:s8] =	ssyncadd.s32 $0xFFFFFF80  }
0x2ca: {  	_ =	swait.ge [sflag:s8], $0x80  }
0x2cb: {  	[sflag:s8] =	ssyncset.done $0x0  }
0x2cc: {  	[sflag:s8] =	ssyncadd.s32 $0xFFFFFF80  }
0x2cd: {  	_ =	swait.ge [sflag:s8], $0x80  }
0x2ce: {  	[sflag:s8] =	ssyncset.done $0x0  }
0x2cf: {  	[sflag:s8] =	ssyncadd.s32 $0xFFFFFF80  }
0x2d0: {  	_ =	swait.ge [sflag:s8], $0x80  }
0x2d1: {  	[sflag:s8] =	ssyncset.done $0x0  }
0x2d2: {  	[sflag:s8] =	ssyncadd.s32 $0xFFFFFF80  }
0x2d3: {  	_ =	swait.ge [sflag:s8], $0x80  }
0x2d4: {  	[sflag:s8] =	ssyncset.done $0x0  }
0x2d5: {  	[sflag:s8] =	ssyncadd.s32 $0xFFFFFF80  }
0x2d6: {  	_ =	swait.ge [sflag:s8], $0x80  }
0x2d7: {  	[sflag:s8] =	ssyncset.done $0x0  }
0x2d8: {  	[sflag:s8] =	ssyncadd.s32 $0xFFFFFF80  }
0x2d9: {  	_ =	swait.ge [sflag:s8], $0x80  }
0x2da: {  	[sflag:s8] =	ssyncset.done $0x0  }
0x2db: {  	[sflag:s8] =	ssyncadd.s32 $0xFFFFFF80  }
0x2dc: {  	_ =	swait.ge [sflag:s8], $0x80  }
0x2dd: {  	[sflag:s8] =	ssyncset.done $0x0  }
0x2de: {  	[sflag:s8] =	ssyncadd.s32 $0xFFFFFF80  }
0x2df: {  	_ =	swait.ge [sflag:s8], $0x80  }
0x2e0: {  	[sflag:s8] =	ssyncset.done $0x0  }
0x2e1: {  	[sflag:s8] =	ssyncadd.s32 $0xFFFFFF80  }
0x2e2: {  	_ =	swait.ge [sflag:s8], $0x80  }
0x2e3: {  	[sflag:s8] =	ssyncset.done $0x0  }
0x2e4: {  	[sflag:s8] =	ssyncadd.s32 $0xFFFFFF80  }
0x2e5: {  	_ =	swait.ge [sflag:s8], $0x80  }
0x2e6: {  	[sflag:s8] =	ssyncset.done $0x0  }
0x2e7: {  	[sflag:s8] =	ssyncadd.s32 $0xFFFFFF80  }
0x2e8: {  	_ =	swait.ge [sflag:s8], $0x80  }
0x2e9: {  	[sflag:s8] =	ssyncset.done $0x0  }
0x2ea: {  	[sflag:s8] =	ssyncadd.s32 $0xFFFFFF80  }
0x2eb: {  	_ =	swait.ge [sflag:s8], $0x80  }
0x2ec: {  	[sflag:s8] =	ssyncset.done $0x0  }
0x2ed: {  	[sflag:s8] =	ssyncadd.s32 $0xFFFFFF80  }
0x2ee: {  	_ =	swait.ge [sflag:s8], $0x80  }
0x2ef: {  	[sflag:s8] =	ssyncset.done $0x0  }
0x2f0: {  	[sflag:s8] =	ssyncadd.s32 $0xFFFFFF80  }
0x2f1: {  	_ =	swait.ge [sflag:s8], $0x80  }
0x2f2: {  	[sflag:s8] =	ssyncset.done $0x0  }
0x2f3: {  	[sflag:s8] =	ssyncadd.s32 $0xFFFFFF80  }
0x2f4: {  	_ =	swait.ge [sflag:s8], $0x80  }
0x2f5: {  	[sflag:s8] =	ssyncset.done $0x0  }
0x2f6: {  	[sflag:s8] =	ssyncadd.s32 $0xFFFFFF80  }
0x2f7: {  	_ =	swait.ge [sflag:s8], $0x80  }
0x2f8: {  	[sflag:s8] =	ssyncset.done $0x0  }
0x2f9: {  	[sflag:s8] =	ssyncadd.s32 $0xFFFFFF80  }
0x2fa: {  	_ =	swait.ge [sflag:s8], $0x80  }
0x2fb: {  	[sflag:s8] =	ssyncset.done $0x0  }
0x2fc: {  	[sflag:s8] =	ssyncadd.s32 $0xFFFFFF80  }
0x2fd: {  	_ =	swait.ge [sflag:s8], $0x80  }
0x2fe: {  	[sflag:s8] =	ssyncset.done $0x0  }
0x2ff: {  	[sflag:s8] =	ssyncadd.s32 $0xFFFFFF80  }
0x300: {  	_ =	swait.ge [sflag:s8], $0x80  }
0x301: {  	[sflag:s8] =	ssyncset.done $0x0  }
0x302: {  	[sflag:s8] =	ssyncadd.s32 $0xFFFFFF80  }
0x303: {  	_ =	swait.ge [sflag:s8], $0x80  }
0x304: {  	[sflag:s8] =	ssyncset.done $0x0  }
0x305: {  	[sflag:s8] =	ssyncadd.s32 $0xFFFFFF80  }
0x306: {  	_ =	swait.ge [sflag:s8], $0x80  }
0x307: {  	[sflag:s8] =	ssyncset.done $0x0  }
0x308: {  	[sflag:s8] =	ssyncadd.s32 $0xFFFFFF80  }
0x309: {  	_ =	swait.ge [sflag:s8], $0x80  }
0x30a: {  	[sflag:s8] =	ssyncset.done $0x0  }
0x30b: {  	[sflag:s8] =	ssyncadd.s32 $0xFFFFFF80  }
0x30c: {  	_ =	swait.ge [sflag:s8], $0x80  }
0x30d: {  	[sflag:s8] =	ssyncset.done $0x0  }
0x30e: {  	[sflag:s8] =	ssyncadd.s32 $0xFFFFFF80  }
0x30f: {  	_ =	swait.ge [sflag:s8], $0x80  }
0x310: {  	[sflag:s8] =	ssyncset.done $0x0  }
0x311: {  	[sflag:s8] =	ssyncadd.s32 $0xFFFFFF80  }
0x312: {  	_ =	swait.ge [sflag:s8], $0x80  }
0x313: {  	[sflag:s8] =	ssyncset.done $0x0  }
0x314: {  	[sflag:s8] =	ssyncadd.s32 $0xFFFFFF80  }
0x315: {  	_ =	swait.ge [sflag:s8], $0x80  }
0x316: {  	[sflag:s8] =	ssyncset.done $0x0  }
0x317: {  	[sflag:s8] =	ssyncadd.s32 $0xFFFFFF80  }
0x318: {  	_ =	swait.ge [sflag:s8], $0x80  }
0x319: {  	[sflag:s8] =	ssyncset.done $0x0  }
0x31a: {  	[sflag:s8] =	ssyncadd.s32 $0xFFFFFF80  }
0x31b: {  	_ =	swait.ge [sflag:s8], $0x80  }
0x31c: {  	[sflag:s8] =	ssyncset.done $0x0  }
0x31d: {  	[sflag:s8] =	ssyncadd.s32 $0xFFFFFF80  }
0x31e: {  	_ =	swait.ge [sflag:s8], $0x80  }
0x31f: {  	[sflag:s8] =	ssyncset.done $0x0  }
0x320: {  	[sflag:s8] =	ssyncadd.s32 $0xFFFFFF80  }
0x321: {  	_ =	swait.ge [sflag:s8], $0x80  }
0x322: {  	[sflag:s8] =	ssyncset.done $0x0  }
0x323: {  	[sflag:s8] =	ssyncadd.s32 $0xFFFFFF80  }
0x324: {  	_ =	swait.ge [sflag:s8], $0x80  }
0x325: {  	[sflag:s8] =	ssyncset.done $0x0  }
0x326: {  	[sflag:s8] =	ssyncadd.s32 $0xFFFFFF80  }
0x327: {  	_ =	swait.ge [sflag:s8], $0x80  }
0x328: {  	[sflag:s8] =	ssyncset.done $0x0  }
0x329: {  	[sflag:s8] =	ssyncadd.s32 $0xFFFFFF80  }
0x32a: {  	_ =	swait.ge [sflag:s8], $0x80  }
0x32b: {  	[sflag:s8] =	ssyncset.done $0x0  }
0x32c: {  	[sflag:s8] =	ssyncadd.s32 $0xFFFFFF80  }
0x32d: {  	_ =	swait.ge [sflag:s8], $0x80  }
0x32e: {  	[sflag:s8] =	ssyncset.done $0x0  }
0x32f: {  	[sflag:s8] =	ssyncadd.s32 $0xFFFFFF80  }
0x330: {  	_ =	swait.ge [sflag:s8], $0x80  }
0x331: {  	[sflag:s8] =	ssyncset.done $0x0  }
0x332: {  	[sflag:s8] =	ssyncadd.s32 $0xFFFFFF80  }
0x333: {  	_ =	swait.ge [sflag:s8], $0x80  }
0x334: {  	[sflag:s8] =	ssyncset.done $0x0  }
0x335: {  	[sflag:s8] =	ssyncadd.s32 $0xFFFFFF80  }
0x336: {  	_ =	swait.ge [sflag:s8], $0x80  }
0x337: {  	[sflag:s8] =	ssyncset.done $0x0  }
0x338: {  	[sflag:s8] =	ssyncadd.s32 $0xFFFFFF80  }
0x339: {  	_ =	swait.ge [sflag:s8], $0x80  }
0x33a: {  	[sflag:s8] =	ssyncset.done $0x0  }
0x33b: {  	[sflag:s8] =	ssyncadd.s32 $0xFFFFFF80  }
0x33c: {  	_ =	swait.ge [sflag:s8], $0x80  }
0x33d: {  	[sflag:s8] =	ssyncset.done $0x0  }
0x33e: {  	[sflag:s8] =	ssyncadd.s32 $0xFFFFFF80  }
0x33f: {  	_ =	swait.ge [sflag:s8], $0x80  }
0x340: {  	[sflag:s8] =	ssyncset.done $0x0  }
0x341: {  	[sflag:s8] =	ssyncadd.s32 $0xFFFFFF80  }
0x342: {  	_ =	swait.ge [sflag:s8], $0x80  }
0x343: {  	[sflag:s8] =	ssyncset.done $0x0  }
0x344: {  	[sflag:s8] =	ssyncadd.s32 $0xFFFFFF80  }
0x345: {  	_ =	swait.ge [sflag:s8], $0x80  }
0x346: {  	[sflag:s8] =	ssyncset.done $0x0  }
0x347: {  	[sflag:s8] =	ssyncadd.s32 $0xFFFFFF80  }
0x348: {  	_ =	swait.ge [sflag:s8], $0x80  }
0x349: {  	[sflag:s8] =	ssyncset.done $0x0  }
0x34a: {  	[sflag:s8] =	ssyncadd.s32 $0xFFFFFF80  }
0x34b: {  	_ =	swait.ge [sflag:s8], $0x80  }
0x34c: {  	[sflag:s8] =	ssyncset.done $0x0  }
0x34d: {  	[sflag:s8] =	ssyncadd.s32 $0xFFFFFF80  }
0x34e: {  	_ =	swait.ge [sflag:s8], $0x80  }
0x34f: {  	[sflag:s8] =	ssyncset.done $0x0  }
0x350: {  	[sflag:s8] =	ssyncadd.s32 $0xFFFFFF80  }
0x351: {  	_ =	swait.ge [sflag:s8], $0x80  }
0x352: {  	[sflag:s8] =	ssyncset.done $0x0  }
0x353: {  	[sflag:s8] =	ssyncadd.s32 $0xFFFFFF80  }
0x354: {  	_ =	swait.ge [sflag:s8], $0x80  }
0x355: {  	[sflag:s8] =	ssyncset.done $0x0  }
0x356: {  	[sflag:s8] =	ssyncadd.s32 $0xFFFFFF80  }
0x357: {  	_ =	swait.ge [sflag:s8], $0x80  }
0x358: {  	[sflag:s8] =	ssyncset.done $0x0  }
0x359: {  	[sflag:s8] =	ssyncadd.s32 $0xFFFFFF80  }
0x35a: {  	_ =	swait.ge [sflag:s8], $0x80  }
0x35b: {  	[sflag:s8] =	ssyncset.done $0x0  }
0x35c: {  	[sflag:s8] =	ssyncadd.s32 $0xFFFFFF80  }
0x35d: {  	_ =	swait.ge [sflag:s8], $0x80  }
0x35e: {  	[sflag:s8] =	ssyncset.done $0x0  }
0x35f: {  	[sflag:s8] =	ssyncadd.s32 $0xFFFFFF80  }
0x360: {  	_ =	swait.ge [sflag:s8], $0x80  }
0x361: {  	[sflag:s8] =	ssyncset.done $0x0  }
0x362: {  	[sflag:s8] =	ssyncadd.s32 $0xFFFFFF80  }
0x363: {  	_ =	swait.ge [sflag:s8], $0x80  }
0x364: {  	[sflag:s8] =	ssyncset.done $0x0  }
0x365: {  	[sflag:s8] =	ssyncadd.s32 $0xFFFFFF80  }
0x366: {  	_ =	swait.ge [sflag:s8], $0x80  }
0x367: {  	[sflag:s8] =	ssyncset.done $0x0  }
0x368: {  	[sflag:s8] =	ssyncadd.s32 $0xFFFFFF80  }
0x369: {  	_ =	swait.ge [sflag:s8], $0x80  }
0x36a: {  	[sflag:s8] =	ssyncset.done $0x0  }
0x36b: {  	[sflag:s8] =	ssyncadd.s32 $0xFFFFFF80  }
0x36c: {  	_ =	swait.ge [sflag:s8], $0x80  }
0x36d: {  	[sflag:s8] =	ssyncset.done $0x0  }
0x36e: {  	[sflag:s8] =	ssyncadd.s32 $0xFFFFFF80  }
0x36f: {  	_ =	swait.ge [sflag:s8], $0x80  }
0x370: {  	[sflag:s8] =	ssyncset.done $0x0  }
0x371: {  	[sflag:s8] =	ssyncadd.s32 $0xFFFFFF80  }
0x372: {  	_ =	swait.ge [sflag:s8], $0x80  }
0x373: {  	[sflag:s8] =	ssyncset.done $0x0  }
0x374: {  	[sflag:s8] =	ssyncadd.s32 $0xFFFFFF80  }
0x375: {  	_ =	swait.ge [sflag:s8], $0x80  }
0x376: {  	[sflag:s8] =	ssyncset.done $0x0  }
0x377: {  	[sflag:s8] =	ssyncadd.s32 $0xFFFFFF80  }
0x378: {  	_ =	swait.ge [sflag:s8], $0x80  }
0x379: {  	[sflag:s8] =	ssyncset.done $0x0  }
0x37a: {  	[sflag:s8] =	ssyncadd.s32 $0xFFFFFF80  }
0x37b: {  	_ =	swait.ge [sflag:s8], $0x80  }
0x37c: {  	[sflag:s8] =	ssyncset.done $0x0  }
0x37d: {  	[sflag:s8] =	ssyncadd.s32 $0xFFFFFF80  }
0x37e: {  	_ =	swait.ge [sflag:s8], $0x80  }
0x37f: {  	[sflag:s8] =	ssyncset.done $0x0  }
0x380: {  	[sflag:s8] =	ssyncadd.s32 $0xFFFFFF80  }
0x381: {  	_ =	swait.ge [sflag:s8], $0x80  }
0x382: {  	[sflag:s8] =	ssyncset.done $0x0  }
0x383: {  	[sflag:s8] =	ssyncadd.s32 $0xFFFFFF80  }
0x384: {  	_ =	swait.ge [sflag:s8], $0x80  }
0x385: {  	[sflag:s8] =	ssyncset.done $0x0  }
0x386: {  	[sflag:s8] =	ssyncadd.s32 $0xFFFFFF80  }
0x387: {  	_ =	swait.ge [sflag:s8], $0x80  }
0x388: {  	[sflag:s8] =	ssyncset.done $0x0  }
0x389: {  	[sflag:s8] =	ssyncadd.s32 $0xFFFFFF80  }
0x38a: {  	_ =	swait.ge [sflag:s8], $0x80  }
0x38b: {  	[sflag:s8] =	ssyncset.done $0x0  }
0x38c: {  	[sflag:s8] =	ssyncadd.s32 $0xFFFFFF80  }
0x38d: {  	_ =	swait.ge [sflag:s8], $0x80  }
0x38e: {  	[sflag:s8] =	ssyncset.done $0x0  }
0x38f: {  	[sflag:s8] =	ssyncadd.s32 $0xFFFFFF80  }
0x390: {  	_ =	swait.ge [sflag:s8], $0x80  }
0x391: {  	[sflag:s8] =	ssyncset.done $0x0  }
0x392: {  	[sflag:s8] =	ssyncadd.s32 $0xFFFFFF80  }
0x393: {  	_ =	swait.ge [sflag:s8], $0x80  }
0x394: {  	[sflag:s8] =	ssyncset.done $0x0  }
0x395: {  	[sflag:s8] =	ssyncadd.s32 $0xFFFFFF80  }
0x396: {  	_ =	swait.ge [sflag:s8], $0x80  }
0x397: {  	[sflag:s8] =	ssyncset.done $0x0  }
0x398: {  	[sflag:s8] =	ssyncadd.s32 $0xFFFFFF80  }
0x399: {  	_ =	swait.ge [sflag:s8], $0x80  }
0x39a: {  	[sflag:s8] =	ssyncset.done $0x0  }
0x39b: {  	[sflag:s8] =	ssyncadd.s32 $0xFFFFFF80  }
0x39c: {  	_ =	swait.ge [sflag:s8], $0x80  }
0x39d: {  	[sflag:s8] =	ssyncset.done $0x0  }
0x39e: {  	[sflag:s8] =	ssyncadd.s32 $0xFFFFFF80  }
0x39f: {  	_ =	swait.ge [sflag:s8], $0x80  }
0x3a0: {  	[sflag:s8] =	ssyncset.done $0x0  }
0x3a1: {  	[sflag:s8] =	ssyncadd.s32 $0xFFFFFF80  }
0x3a2: {  	_ =	swait.ge [sflag:s8], $0x80  }
0x3a3: {  	[sflag:s8] =	ssyncset.done $0x0  }
0x3a4: {  	[sflag:s8] =	ssyncadd.s32 $0xFFFFFF80  }
0x3a5: {  	_ =	swait.ge [sflag:s8], $0x80  }
0x3a6: {  	[sflag:s8] =	ssyncset.done $0x0  }
0x3a7: {  	[sflag:s8] =	ssyncadd.s32 $0xFFFFFF80  }
0x3a8: {  	_ =	swait.ge [sflag:s8], $0x80  }
0x3a9: {  	[sflag:s8] =	ssyncset.done $0x0  }
0x3aa: {  	[sflag:s8] =	ssyncadd.s32 $0xFFFFFF80  }
0x3ab: {  	_ =	swait.ge [sflag:s8], $0x80  }
0x3ac: {  	[sflag:s8] =	ssyncset.done $0x0  }
0x3ad: {  	[sflag:s8] =	ssyncadd.s32 $0xFFFFFF80  }
0x3ae: {  	_ =	swait.ge [sflag:s8], $0x80  }
0x3af: {  	[sflag:s8] =	ssyncset.done $0x0  }
0x3b0: {  	[sflag:s8] =	ssyncadd.s32 $0xFFFFFF80  }
0x3b1: {  	_ =	swait.ge [sflag:s8], $0x80  }
0x3b2: {  	[sflag:s8] =	ssyncset.done $0x0  }
0x3b3: {  	[sflag:s8] =	ssyncadd.s32 $0xFFFFFF80  }
0x3b4: {  	_ =	swait.ge [sflag:s8], $0x80  }
0x3b5: {  	[sflag:s8] =	ssyncset.done $0x0  }
0x3b6: {  	[sflag:s8] =	ssyncadd.s32 $0xFFFFFF80  }
0x3b7: {  	_ =	swait.ge [sflag:s8], $0x80  }
0x3b8: {  	[sflag:s8] =	ssyncset.done $0x0  }
0x3b9: {  	[sflag:s8] =	ssyncadd.s32 $0xFFFFFF80  }
0x3ba: {  	_ =	swait.ge [sflag:s8], $0x80  }
0x3bb: {  	[sflag:s8] =	ssyncset.done $0x0  }
0x3bc: {  	[sflag:s8] =	ssyncadd.s32 $0xFFFFFF80  }
0x3bd: {  	_ =	swait.ge [sflag:s8], $0x80  }
0x3be: {  	[sflag:s8] =	ssyncset.done $0x0  }
0x3bf: {  	[sflag:s8] =	ssyncadd.s32 $0xFFFFFF80  }
0x3c0: {  	_ =	swait.ge [sflag:s8], $0x80  }
0x3c1: {  	[sflag:s8] =	ssyncset.done $0x0  }
0x3c2: {  	[sflag:s8] =	ssyncadd.s32 $0xFFFFFF80  }
0x3c3: {  	_ =	swait.ge [sflag:s8], $0x80  }
0x3c4: {  	[sflag:s8] =	ssyncset.done $0x0  }
0x3c5: {  	[sflag:s8] =	ssyncadd.s32 $0xFFFFFF80  }
0x3c6: {  	_ =	swait.ge [sflag:s8], $0x80  }
0x3c7: {  	[sflag:s8] =	ssyncset.done $0x0  }
0x3c8: {  	[sflag:s8] =	ssyncadd.s32 $0xFFFFFF80  }
0x3c9: {  	_ =	swait.ge [sflag:s8], $0x80  }
0x3ca: {  	[sflag:s8] =	ssyncset.done $0x0  }
0x3cb: {  	[sflag:s8] =	ssyncadd.s32 $0xFFFFFF80  }
0x3cc: {  	_ =	swait.ge [sflag:s8], $0x80  }
0x3cd: {  	[sflag:s8] =	ssyncset.done $0x0  }
0x3ce: {  	[sflag:s8] =	ssyncadd.s32 $0xFFFFFF80  }
0x3cf: {  	_ =	swait.ge [sflag:s8], $0x80  }
0x3d0: {  	[sflag:s8] =	ssyncset.done $0x0  }
0x3d1: {  	[sflag:s8] =	ssyncadd.s32 $0xFFFFFF80  }
0x3d2: {  	_ =	swait.ge [sflag:s8], $0x80  }
0x3d3: {  	[sflag:s8] =	ssyncset.done $0x0  }
0x3d4: {  	[sflag:s8] =	ssyncadd.s32 $0xFFFFFF80  }
0x3d5: {  	_ =	swait.ge [sflag:s8], $0x80  }
0x3d6: {  	[sflag:s8] =	ssyncset.done $0x0  }
0x3d7: {  	[sflag:s8] =	ssyncadd.s32 $0xFFFFFF80  }
0x3d8: {  	_ =	swait.ge [sflag:s8], $0x80  }
0x3d9: {  	[sflag:s8] =	ssyncset.done $0x0  }
0x3da: {  	[sflag:s8] =	ssyncadd.s32 $0xFFFFFF80  }
0x3db: {  	_ =	swait.ge [sflag:s8], $0x80  }
0x3dc: {  	[sflag:s8] =	ssyncset.done $0x0  }
0x3dd: {  	[sflag:s8] =	ssyncadd.s32 $0xFFFFFF80  }
0x3de: {  	_ =	swait.ge [sflag:s8], $0x80  }
0x3df: {  	[sflag:s8] =	ssyncset.done $0x0  }
0x3e0: {  	[sflag:s8] =	ssyncadd.s32 $0xFFFFFF80  }
0x3e1: {  	_ =	swait.ge [sflag:s8], $0x80  }
0x3e2: {  	[sflag:s8] =	ssyncset.done $0x0  }
0x3e3: {  	[sflag:s8] =	ssyncadd.s32 $0xFFFFFF80  }
0x3e4: {  	_ =	swait.ge [sflag:s8], $0x80  }
0x3e5: {  	[sflag:s8] =	ssyncset.done $0x0  }
0x3e6: {  	[sflag:s8] =	ssyncadd.s32 $0xFFFFFF80  }
0x3e7: {  	_ =	swait.ge [sflag:s8], $0x80  }
0x3e8: {  	[sflag:s8] =	ssyncset.done $0x0  }
0x3e9: {  	[sflag:s8] =	ssyncadd.s32 $0xFFFFFF80  }
0x3ea: {  	_ =	swait.ge [sflag:s8], $0x80  }
0x3eb: {  	[sflag:s8] =	ssyncset.done $0x0  }
0x3ec: {  	[sflag:s8] =	ssyncadd.s32 $0xFFFFFF80  }
0x3ed: {  	_ =	swait.ge [sflag:s8], $0x80  }
0x3ee: {  	[sflag:s8] =	ssyncset.done $0x0  }
0x3ef: {  	[sflag:s8] =	ssyncadd.s32 $0xFFFFFF80  }
0x3f0: {  	_ =	swait.ge [sflag:s8], $0x80  }
0x3f1: {  	[sflag:s8] =	ssyncset.done $0x0  }
0x3f2: {  	[sflag:s8] =	ssyncadd.s32 $0xFFFFFF80  }
0x3f3: {  	_ =	swait.ge [sflag:s8], $0x80  }
0x3f4: {  	[sflag:s8] =	ssyncset.done $0x0  }
0x3f5: {  	[sflag:s8] =	ssyncadd.s32 $0xFFFFFF80  }
0x3f6: {  	_ =	swait.ge [sflag:s8], $0x80  }
0x3f7: {  	[sflag:s8] =	ssyncset.done $0x0  }
0x3f8: {  	[sflag:s8] =	ssyncadd.s32 $0xFFFFFF80  }
0x3f9: {  	_ =	swait.ge [sflag:s8], $0x80  }
0x3fa: {  	p0 =	sne.s32 s12, $0x1800;
	s31 =	rddreg [dreg:$0x3];
	[sflag:s8] =	ssyncset.done $0x0  }
.Ltmp0:
0x3fb: {  	[sflag:s8] =	ssyncadd.s32 $0xFFFFFF80;
	s13 =	sadd.s32 s12, s31;
	(pc) =	sbr.rel @p0 .LBB2_2-.Ltmp0, $4  }
0x3fc: {  	[hbm4b:s13+s2] =	stream.linear.scatter [tilespmem:s7], [sflag:$0x2], $0x4000, $0x38;
	[tilespmem:$0x4200] =	vst v63  }
0x3fd: {  	_ =	swait.ge [sflag:s9], $0x4000  }
0x3fe: {  	[sflag:s9] =	ssyncset.done $0x0  }
0x3ff: {  	s11 =	sadd.s32 $0x80, s11;
	s12 =	sadd.s32 $0x800, s12;
	[sflag:s9] =	ssyncadd.s32 $0xFFFFC000  }
0x400: {  	s10 =	sadd.s32 $0x1, s10  }
0x401: {  	p0 =	sne.s32 s10, s5  }
.Ltmp1:
0x402: {  	_ = 	snop;
	(pc) =	sbr.rel @p0 .LBB2_1-.Ltmp1, $1  }
0x403: {  	_ =	sdelay $0x3  }
0x404: {  	_ =	sfence.sel $0x180000  }
0x405: {  	[bflag:$0x0] =	sbarrier.arrive $0xFFFF  }
0x406: {  	p0 =	sne.s32 s1, $0x0;
	_ =	strace $0x90000047  }
0x407: {  	s0 =	sadd.s32 @!p0 $0x100000, s0;
	[bflag:$0x2] =	sbarrier.arrive $0xFFFF  }
0x408: {  	[sflag:s0] =	ssyncadd.tile.s32 @!p0 $0x1;
	_ =	shalt  }
.Lfunc_end2:
_tile_overlayer_lowered:
.L_overlay_start_2:
0x409: {  	(tag) =	ssettag $0x2  }
0x40a: {  	s0 =	rddreg [dreg:$0x0];
	s2 =	stileid.u32  }
0x40b: {  	s1 =	rddreg [dreg:$0x1];
	p0 =	sne.s32 s2, $0x0  }
0x40c: {  	s3 =	rddreg [dreg:$0x2];
	[bflag:$0x3] =	sbarrier.arrive $0xFFFF;
	s2 =	simm.s32 @!p0 $0x1C03  }
0x40d: {  	[timem:s3], [sflag:s2] =	dma.local @!p0 [hbm:s0], s1  }
0x40e: {  	s0 =	simm.s32 @!p0 $0x3  }
0x40f: {  	_ =	swait.ge @!p0 [sflag:s0], s1  }
0x410: {  	s1 =	ssub.s32 @!p0 $0x0, s1;
	[sflag:s0] =	ssyncset.done @!p0 $0x0  }
0x411: {  	[sflag:s0] =	ssyncadd.s32 @!p0 s1  }
0x412: {  	[bflag:$0x3] =	sbarrier.arrive $0xFFFF  }
0x413: {  	_ =	shalt  }

</sc_bundles>
